<compile_context>
chip_gen: v7x
topology: tpu7x:2x2x1
jax: 0.10.2.dev20260603
libtpu: 0.0.44.dev20260713+nightly
codegen_flags: <defaults>
</compile_context>

<pallas_src>
import functools

import jax
import jax.numpy as jnp
from jax import lax
from jax.experimental import pallas as pl
from jax.experimental.pallas import tpu as pltpu
from jax.experimental.pallas import tpu_sc as plsc

_NUM_FIELDS = 26
_VOCAB = 100000
_EMBED = 32
_BATCH = 16384

_INFO = plsc.get_sparse_core_info()
_NC = _INFO.num_cores
_NS = _INFO.num_subcores
_NW = _NC * _NS


@functools.partial(
    pl.kernel,
    mesh=plsc.VectorSubcoreMesh(core_axis_name="c", subcore_axis_name="s"),
    out_type=tuple(
        jax.ShapeDtypeStruct((_EMBED, _BATCH), jnp.float32)
        for _ in range(_NUM_FIELDS)
    ),
    scratch_types=[
        pltpu.VMEM((2, _BATCH), jnp.int32),
        pltpu.VMEM((2, _BATCH), jnp.float32),
        pltpu.SemaphoreType.DMA,
        pltpu.SemaphoreType.DMA,
        pltpu.SemaphoreType.DMA,
    ],
    compiler_params=pltpu.CompilerParams(
        use_tc_tiling_on_sc=False, needs_layout_passes=False
    ),
)
def _embed_all(table_t_hbm, x_t_hbm, *refs):
    outs = refs[:_NUM_FIELDS]
    idx_v, val_v, isem, gsem, osem = refs[_NUM_FIELDS:]
    e = lax.axis_index("s") * _NC + lax.axis_index("c")

    pltpu.async_copy(x_t_hbm.at[0], idx_v.at[0], isem).wait()
    pltpu.async_copy(x_t_hbm.at[1], idx_v.at[1], isem)
    pltpu.async_copy(table_t_hbm.at[e].at[idx_v.at[0]], val_v.at[0], gsem)
    for f in range(_NUM_FIELDS):
        b = f % 2
        nb = (f + 1) % 2
        pltpu.make_async_copy(table_t_hbm.at[0].at[idx_v.at[b]],
                              val_v.at[b], gsem).wait()
        if f + 1 < _NUM_FIELDS:
            pltpu.make_async_copy(x_t_hbm.at[0], idx_v.at[0], isem).wait()
            if f >= 1:
                pltpu.make_async_copy(val_v.at[0], outs[0].at[e], osem).wait()
            pltpu.async_copy(
                table_t_hbm.at[(f + 1) * _EMBED + e].at[idx_v.at[nb]],
                val_v.at[nb], gsem)
            if f + 2 < _NUM_FIELDS:
                pltpu.async_copy(x_t_hbm.at[f + 2], idx_v.at[b], isem)
        pltpu.async_copy(val_v.at[b], outs[f].at[e], osem)
    pltpu.make_async_copy(val_v.at[0], outs[0].at[e], osem).wait()
    pltpu.make_async_copy(val_v.at[0], outs[0].at[e], osem).wait()


def kernel(tables, x):
    table_t = tables.transpose(0, 2, 1).reshape(_NUM_FIELDS * _EMBED, _VOCAB)
    x_t = x.T
    outs_t = _embed_all(table_t, x_t)
    return tuple(o.T for o in outs_t)

# --- scband reference (transcript-rebuilt; emitter-appended) ---
"""Pipeline reference for scband-features-embedding-65876208386539 (READ-ONLY COPY).

The authoritative reference and input builder live on the scoring server;
editing this copy changes nothing except your own understanding.
"""

import jax, jax.numpy as jnp
import numpy as np

NUM_FIELDS = 26
VOCAB = 100000
EMBED = 32
BATCH = 16384


def setup_inputs(seed: int = 0) -> dict:
    key = jax.random.key(seed)
    k1, k2 = jax.random.split(key)
    # xavier_uniform init per torch.nn.init.xavier_uniform_ on each [VOCAB, EMBED] table
    bound = float(np.sqrt(6.0 / (VOCAB + EMBED)))
    tables = jax.random.uniform(
        k1, (NUM_FIELDS, VOCAB, EMBED), minval=-bound, maxval=bound, dtype=jnp.float32
    )
    x = jax.random.randint(k2, (BATCH, NUM_FIELDS), 0, VOCAB, dtype=jnp.int32)
    return {"tables": tables, "x": x}


def reference(tables, x):
    # FeaturesEmbedding.forward with use_emb_bag=False, use_qr_emb=False:
    # embed_x = [emb_i(x[:, i]) for each field i]  -> list of [BATCH, EMBED]
    embed_x = tuple(jnp.take(tables[i], x[:, i], axis=0) for i in range(NUM_FIELDS))
    return embed_x

if __name__ == "__main__":
    import jax
    _d = setup_inputs()
    print(jax.jit(kernel)(*tuple(_d.values())))

</pallas_src>

<mosaic_0001>
#map = affine_map<(d0, d1) -> (0, 0)>
module attributes {stable_mosaic.version = 14 : i64} {
  func.func @_embed_all(%arg0: i32, %arg1: i32, %arg2: memref<832x100000xf32, #tpu.memory_space<hbm>>, %arg3: memref<26x16384xi32, #tpu.memory_space<hbm>>, %arg4: memref<32x16384xf32, #tpu.memory_space<hbm>>, %arg5: memref<32x16384xf32, #tpu.memory_space<hbm>>, %arg6: memref<32x16384xf32, #tpu.memory_space<hbm>>, %arg7: memref<32x16384xf32, #tpu.memory_space<hbm>>, %arg8: memref<32x16384xf32, #tpu.memory_space<hbm>>, %arg9: memref<32x16384xf32, #tpu.memory_space<hbm>>, %arg10: memref<32x16384xf32, #tpu.memory_space<hbm>>, %arg11: memref<32x16384xf32, #tpu.memory_space<hbm>>, %arg12: memref<32x16384xf32, #tpu.memory_space<hbm>>, %arg13: memref<32x16384xf32, #tpu.memory_space<hbm>>, %arg14: memref<32x16384xf32, #tpu.memory_space<hbm>>, %arg15: memref<32x16384xf32, #tpu.memory_space<hbm>>, %arg16: memref<32x16384xf32, #tpu.memory_space<hbm>>, %arg17: memref<32x16384xf32, #tpu.memory_space<hbm>>, %arg18: memref<32x16384xf32, #tpu.memory_space<hbm>>, %arg19: memref<32x16384xf32, #tpu.memory_space<hbm>>, %arg20: memref<32x16384xf32, #tpu.memory_space<hbm>>, %arg21: memref<32x16384xf32, #tpu.memory_space<hbm>>, %arg22: memref<32x16384xf32, #tpu.memory_space<hbm>>, %arg23: memref<32x16384xf32, #tpu.memory_space<hbm>>, %arg24: memref<32x16384xf32, #tpu.memory_space<hbm>>, %arg25: memref<32x16384xf32, #tpu.memory_space<hbm>>, %arg26: memref<32x16384xf32, #tpu.memory_space<hbm>>, %arg27: memref<32x16384xf32, #tpu.memory_space<hbm>>, %arg28: memref<32x16384xf32, #tpu.memory_space<hbm>>, %arg29: memref<32x16384xf32, #tpu.memory_space<hbm>>, %arg30: memref<2x16384xi32, #tpu.memory_space<vmem>>, %arg31: memref<2x16384xf32, #tpu.memory_space<vmem>>, %arg32: memref<!tpu.dma_semaphore, #tpu.memory_space<semaphore_mem>>, %arg33: memref<!tpu.dma_semaphore, #tpu.memory_space<semaphore_mem>>, %arg34: memref<!tpu.dma_semaphore, #tpu.memory_space<semaphore_mem>>) attributes {dimension_semantics = [#tpu.dimension_semantics<core_parallel>, #tpu.dimension_semantics<subcore_parallel>], iteration_bounds = array<i64: 2, 16>, scalar_prefetch = 0 : i64, scratch_operands = 5 : i64, tpu.core_type = #tpu.core_type<sc_vector_subcore>, window_params = [{transform_indices = #map}, {transform_indices = #map}, {transform_indices = #map}, {transform_indices = #map}, {transform_indices = #map}, {transform_indices = #map}, {transform_indices = #map}, {transform_indices = #map}, {transform_indices = #map}, {transform_indices = #map}, {transform_indices = #map}, {transform_indices = #map}, {transform_indices = #map}, {transform_indices = #map}, {transform_indices = #map}, {transform_indices = #map}, {transform_indices = #map}, {transform_indices = #map}, {transform_indices = #map}, {transform_indices = #map}, {transform_indices = #map}, {transform_indices = #map}, {transform_indices = #map}, {transform_indices = #map}, {transform_indices = #map}, {transform_indices = #map}, {transform_indices = #map}, {transform_indices = #map}]} {
    %mul3A = arith.constant 2 : i32
    %mul3A_0 = arith.muli %arg1, %mul3A : i32
    %add3A = arith.addi %mul3A_0, %arg0 : i32
    %dma_start3A = arith.constant 0 : i32
    %dma_start3A_1 = arith.constant 0 : i32
    %dma_start3A_2 = arith.constant 0 : i32
    %dma_start3A_3 = tpu.memref_slice %arg30[%dma_start3A_1, %dma_start3A_2] : memref<2x16384xi32, #tpu.memory_space<vmem>> -> memref<1x16384xi32, #tpu.memory_space<vmem>>
    %dma_start3A_4 = tpu.memref_squeeze %dma_start3A_3 : memref<1x16384xi32, #tpu.memory_space<vmem>> -> memref<16384xi32, #tpu.memory_space<vmem>>
    %dma_start3A_5 = arith.constant 0 : i32
    %dma_start3A_6 = tpu.memref_slice %arg3[%dma_start3A, %dma_start3A_5] : memref<26x16384xi32, #tpu.memory_space<hbm>> -> memref<1x16384xi32, #tpu.memory_space<hbm>>
    %dma_start3A_7 = tpu.memref_squeeze %dma_start3A_6 : memref<1x16384xi32, #tpu.memory_space<hbm>> -> memref<16384xi32, #tpu.memory_space<hbm>>
    %dma_start3A_8 = arith.constant 0 : i32
    %dma_start3A_9 = tpu.memref_slice %arg30[%dma_start3A_1, %dma_start3A_8] : memref<2x16384xi32, #tpu.memory_space<vmem>> -> memref<1x16384xi32, #tpu.memory_space<vmem>>
    %dma_start3A_10 = tpu.memref_squeeze %dma_start3A_9 : memref<1x16384xi32, #tpu.memory_space<vmem>> -> memref<16384xi32, #tpu.memory_space<vmem>>
    %dma_start3A_11 = arith.constant 0 : i32
    %dma_start3A_12 = tpu.memref_slice %arg3[%dma_start3A, %dma_start3A_11] : memref<26x16384xi32, #tpu.memory_space<hbm>> -> memref<1x16384xi32, #tpu.memory_space<hbm>>
    %dma_start3A_13 = tpu.memref_squeeze %dma_start3A_12 : memref<1x16384xi32, #tpu.memory_space<hbm>> -> memref<16384xi32, #tpu.memory_space<hbm>>
    tpu.enqueue_dma source(%dma_start3A_13 : memref<16384xi32, #tpu.memory_space<hbm>>) target(%dma_start3A_10 : memref<16384xi32, #tpu.memory_space<vmem>>) target_semaphore(%arg32 : memref<!tpu.dma_semaphore, #tpu.memory_space<semaphore_mem>>)
    %dma_wait3A = arith.constant 0 : i32
    %dma_wait3A_14 = arith.constant 0 : i32
    %dma_wait3A_15 = arith.constant 0 : i32
    %dma_wait3A_16 = tpu.memref_slice %arg30[%dma_wait3A_14, %dma_wait3A_15] : memref<2x16384xi32, #tpu.memory_space<vmem>> -> memref<1x16384xi32, #tpu.memory_space<vmem>>
    %dma_wait3A_17 = tpu.memref_squeeze %dma_wait3A_16 : memref<1x16384xi32, #tpu.memory_space<vmem>> -> memref<16384xi32, #tpu.memory_space<vmem>>
    %dma_wait3A_18 = arith.constant 0 : i32
    %dma_wait3A_19 = tpu.memref_slice %arg3[%dma_wait3A, %dma_wait3A_18] : memref<26x16384xi32, #tpu.memory_space<hbm>> -> memref<1x16384xi32, #tpu.memory_space<hbm>>
    %dma_wait3A_20 = tpu.memref_squeeze %dma_wait3A_19 : memref<1x16384xi32, #tpu.memory_space<hbm>> -> memref<16384xi32, #tpu.memory_space<hbm>>
    %dma_wait3A_21 = arith.constant 0 : i32
    %dma_wait3A_22 = tpu.memref_slice %arg30[%dma_wait3A_14, %dma_wait3A_21] : memref<2x16384xi32, #tpu.memory_space<vmem>> -> memref<1x16384xi32, #tpu.memory_space<vmem>>
    %dma_wait3A_23 = tpu.memref_squeeze %dma_wait3A_22 : memref<1x16384xi32, #tpu.memory_space<vmem>> -> memref<16384xi32, #tpu.memory_space<vmem>>
    %dma_wait3A_24 = arith.constant 0 : i32
    %dma_wait3A_25 = tpu.memref_slice %arg3[%dma_wait3A, %dma_wait3A_24] : memref<26x16384xi32, #tpu.memory_space<hbm>> -> memref<1x16384xi32, #tpu.memory_space<hbm>>
    %dma_wait3A_26 = tpu.memref_squeeze %dma_wait3A_25 : memref<1x16384xi32, #tpu.memory_space<hbm>> -> memref<16384xi32, #tpu.memory_space<hbm>>
    tpu.wait_dma2 semaphore(%arg32 : memref<!tpu.dma_semaphore, #tpu.memory_space<semaphore_mem>>) src(%dma_wait3A_26 : memref<16384xi32, #tpu.memory_space<hbm>>) dst(%dma_wait3A_23 : memref<16384xi32, #tpu.memory_space<vmem>>)
    %dma_start3A_27 = arith.constant 1 : i32
    %dma_start3A_28 = arith.constant 1 : i32
    %dma_start3A_29 = arith.constant 0 : i32
    %dma_start3A_30 = tpu.memref_slice %arg30[%dma_start3A_28, %dma_start3A_29] : memref<2x16384xi32, #tpu.memory_space<vmem>> -> memref<1x16384xi32, #tpu.memory_space<vmem>>
    %dma_start3A_31 = tpu.memref_squeeze %dma_start3A_30 : memref<1x16384xi32, #tpu.memory_space<vmem>> -> memref<16384xi32, #tpu.memory_space<vmem>>
    %dma_start3A_32 = arith.constant 0 : i32
    %dma_start3A_33 = tpu.memref_slice %arg3[%dma_start3A_27, %dma_start3A_32] : memref<26x16384xi32, #tpu.memory_space<hbm>> -> memref<1x16384xi32, #tpu.memory_space<hbm>>
    %dma_start3A_34 = tpu.memref_squeeze %dma_start3A_33 : memref<1x16384xi32, #tpu.memory_space<hbm>> -> memref<16384xi32, #tpu.memory_space<hbm>>
    %dma_start3A_35 = arith.constant 0 : i32
    %dma_start3A_36 = tpu.memref_slice %arg30[%dma_start3A_28, %dma_start3A_35] : memref<2x16384xi32, #tpu.memory_space<vmem>> -> memref<1x16384xi32, #tpu.memory_space<vmem>>
    %dma_start3A_37 = tpu.memref_squeeze %dma_start3A_36 : memref<1x16384xi32, #tpu.memory_space<vmem>> -> memref<16384xi32, #tpu.memory_space<vmem>>
    %dma_start3A_38 = arith.constant 0 : i32
    %dma_start3A_39 = tpu.memref_slice %arg3[%dma_start3A_27, %dma_start3A_38] : memref<26x16384xi32, #tpu.memory_space<hbm>> -> memref<1x16384xi32, #tpu.memory_space<hbm>>
    %dma_start3A_40 = tpu.memref_squeeze %dma_start3A_39 : memref<1x16384xi32, #tpu.memory_space<hbm>> -> memref<16384xi32, #tpu.memory_space<hbm>>
    tpu.enqueue_dma source(%dma_start3A_40 : memref<16384xi32, #tpu.memory_space<hbm>>) target(%dma_start3A_37 : memref<16384xi32, #tpu.memory_space<vmem>>) target_semaphore(%arg32 : memref<!tpu.dma_semaphore, #tpu.memory_space<semaphore_mem>>)
    %dma_start3A_41 = arith.constant 0 : i32
    %dma_start3A_42 = arith.constant 0 : i32
    %dma_start3A_43 = arith.constant 0 : i32
    %dma_start3A_44 = tpu.memref_slice %arg31[%dma_start3A_42, %dma_start3A_43] : memref<2x16384xf32, #tpu.memory_space<vmem>> -> memref<1x16384xf32, #tpu.memory_space<vmem>>
    %dma_start3A_45 = tpu.memref_squeeze %dma_start3A_44 : memref<1x16384xf32, #tpu.memory_space<vmem>> -> memref<16384xf32, #tpu.memory_space<vmem>>
    %dma_start3A_46 = arith.constant 0 : i32
    %dma_start3A_47 = tpu.memref_slice %arg30[%dma_start3A_41, %dma_start3A_46] : memref<2x16384xi32, #tpu.memory_space<vmem>> -> memref<1x16384xi32, #tpu.memory_space<vmem>>
    %dma_start3A_48 = tpu.memref_squeeze %dma_start3A_47 : memref<1x16384xi32, #tpu.memory_space<vmem>> -> memref<16384xi32, #tpu.memory_space<vmem>>
    %dma_start3A_49 = arith.constant 0 : i32
    %dma_start3A_50 = tpu.memref_slice %arg2[%add3A, %dma_start3A_49] : memref<832x100000xf32, #tpu.memory_space<hbm>> -> memref<1x100000xf32, #tpu.memory_space<hbm>>
    %dma_start3A_51 = tpu.memref_squeeze %dma_start3A_50 : memref<1x100000xf32, #tpu.memory_space<hbm>> -> memref<100000xf32, #tpu.memory_space<hbm>>
    %dma_start3A_52 = arith.constant 0 : i32
    %dma_start3A_53 = tpu.memref_slice %dma_start3A_51[%dma_start3A_52] : memref<100000xf32, #tpu.memory_space<hbm>> -> memref<100000xf32, #tpu.memory_space<hbm>>
    tpu.enqueue_indirect_dma source(%dma_start3A_53 : memref<100000xf32, #tpu.memory_space<hbm>>) target(%dma_start3A_45 : memref<16384xf32, #tpu.memory_space<vmem>>) offsets(%dma_start3A_48 : memref<16384xi32, #tpu.memory_space<vmem>>) semaphore(%arg33 : memref<!tpu.dma_semaphore, #tpu.memory_space<semaphore_mem>>)
    %dma_wait3A_54 = arith.constant 0 : i32
    %dma_wait3A_55 = arith.constant 0 : i32
    %dma_wait3A_56 = arith.constant 0 : i32
    %dma_wait3A_57 = arith.constant 0 : i32
    %dma_wait3A_58 = tpu.memref_slice %arg31[%dma_wait3A_56, %dma_wait3A_57] : memref<2x16384xf32, #tpu.memory_space<vmem>> -> memref<1x16384xf32, #tpu.memory_space<vmem>>
    %dma_wait3A_59 = tpu.memref_squeeze %dma_wait3A_58 : memref<1x16384xf32, #tpu.memory_space<vmem>> -> memref<16384xf32, #tpu.memory_space<vmem>>
    %dma_wait3A_60 = arith.constant 0 : i32
    %dma_wait3A_61 = tpu.memref_slice %arg30[%dma_wait3A_55, %dma_wait3A_60] : memref<2x16384xi32, #tpu.memory_space<vmem>> -> memref<1x16384xi32, #tpu.memory_space<vmem>>
    %dma_wait3A_62 = tpu.memref_squeeze %dma_wait3A_61 : memref<1x16384xi32, #tpu.memory_space<vmem>> -> memref<16384xi32, #tpu.memory_space<vmem>>
    %dma_wait3A_63 = arith.constant 0 : i32
    %dma_wait3A_64 = tpu.memref_slice %arg2[%dma_wait3A_54, %dma_wait3A_63] : memref<832x100000xf32, #tpu.memory_space<hbm>> -> memref<1x100000xf32, #tpu.memory_space<hbm>>
    %dma_wait3A_65 = tpu.memref_squeeze %dma_wait3A_64 : memref<1x100000xf32, #tpu.memory_space<hbm>> -> memref<100000xf32, #tpu.memory_space<hbm>>
    %dma_wait3A_66 = arith.constant 0 : i32
    %dma_wait3A_67 = tpu.memref_slice %dma_wait3A_65[%dma_wait3A_66] : memref<100000xf32, #tpu.memory_space<hbm>> -> memref<100000xf32, #tpu.memory_space<hbm>>
    tpu.wait_indirect_dma semaphore(%arg33 : memref<!tpu.dma_semaphore, #tpu.memory_space<semaphore_mem>>) src(%dma_wait3A_67 : memref<100000xf32, #tpu.memory_space<hbm>>) dst(%dma_wait3A_59 : memref<16384xf32, #tpu.memory_space<vmem>>)
    %dma_wait3A_68 = arith.constant 0 : i32
    %dma_wait3A_69 = arith.constant 0 : i32
    %dma_wait3A_70 = arith.constant 0 : i32
    %dma_wait3A_71 = tpu.memref_slice %arg30[%dma_wait3A_69, %dma_wait3A_70] : memref<2x16384xi32, #tpu.memory_space<vmem>> -> memref<1x16384xi32, #tpu.memory_space<vmem>>
    %dma_wait3A_72 = tpu.memref_squeeze %dma_wait3A_71 : memref<1x16384xi32, #tpu.memory_space<vmem>> -> memref<16384xi32, #tpu.memory_space<vmem>>
    %dma_wait3A_73 = arith.constant 0 : i32
    %dma_wait3A_74 = tpu.memref_slice %arg3[%dma_wait3A_68, %dma_wait3A_73] : memref<26x16384xi32, #tpu.memory_space<hbm>> -> memref<1x16384xi32, #tpu.memory_space<hbm>>
    %dma_wait3A_75 = tpu.memref_squeeze %dma_wait3A_74 : memref<1x16384xi32, #tpu.memory_space<hbm>> -> memref<16384xi32, #tpu.memory_space<hbm>>
    %dma_wait3A_76 = arith.constant 0 : i32
    %dma_wait3A_77 = tpu.memref_slice %arg30[%dma_wait3A_69, %dma_wait3A_76] : memref<2x16384xi32, #tpu.memory_space<vmem>> -> memref<1x16384xi32, #tpu.memory_space<vmem>>
    %dma_wait3A_78 = tpu.memref_squeeze %dma_wait3A_77 : memref<1x16384xi32, #tpu.memory_space<vmem>> -> memref<16384xi32, #tpu.memory_space<vmem>>
    %dma_wait3A_79 = arith.constant 0 : i32
    %dma_wait3A_80 = tpu.memref_slice %arg3[%dma_wait3A_68, %dma_wait3A_79] : memref<26x16384xi32, #tpu.memory_space<hbm>> -> memref<1x16384xi32, #tpu.memory_space<hbm>>
    %dma_wait3A_81 = tpu.memref_squeeze %dma_wait3A_80 : memref<1x16384xi32, #tpu.memory_space<hbm>> -> memref<16384xi32, #tpu.memory_space<hbm>>
    tpu.wait_dma2 semaphore(%arg32 : memref<!tpu.dma_semaphore, #tpu.memory_space<semaphore_mem>>) src(%dma_wait3A_81 : memref<16384xi32, #tpu.memory_space<hbm>>) dst(%dma_wait3A_78 : memref<16384xi32, #tpu.memory_space<vmem>>)
    %add3A_82 = arith.constant 32 : i32
    %add3A_83 = arith.addi %add3A_82, %add3A : i32
    %dma_start3A_84 = arith.constant 1 : i32
    %dma_start3A_85 = arith.constant 1 : i32
    %dma_start3A_86 = arith.constant 0 : i32
    %dma_start3A_87 = tpu.memref_slice %arg31[%dma_start3A_85, %dma_start3A_86] : memref<2x16384xf32, #tpu.memory_space<vmem>> -> memref<1x16384xf32, #tpu.memory_space<vmem>>
    %dma_start3A_88 = tpu.memref_squeeze %dma_start3A_87 : memref<1x16384xf32, #tpu.memory_space<vmem>> -> memref<16384xf32, #tpu.memory_space<vmem>>
    %dma_start3A_89 = arith.constant 0 : i32
    %dma_start3A_90 = tpu.memref_slice %arg30[%dma_start3A_84, %dma_start3A_89] : memref<2x16384xi32, #tpu.memory_space<vmem>> -> memref<1x16384xi32, #tpu.memory_space<vmem>>
    %dma_start3A_91 = tpu.memref_squeeze %dma_start3A_90 : memref<1x16384xi32, #tpu.memory_space<vmem>> -> memref<16384xi32, #tpu.memory_space<vmem>>
    %dma_start3A_92 = arith.constant 0 : i32
    %dma_start3A_93 = tpu.memref_slice %arg2[%add3A_83, %dma_start3A_92] : memref<832x100000xf32, #tpu.memory_space<hbm>> -> memref<1x100000xf32, #tpu.memory_space<hbm>>
    %dma_start3A_94 = tpu.memref_squeeze %dma_start3A_93 : memref<1x100000xf32, #tpu.memory_space<hbm>> -> memref<100000xf32, #tpu.memory_space<hbm>>
    %dma_start3A_95 = arith.constant 0 : i32
    %dma_start3A_96 = tpu.memref_slice %dma_start3A_94[%dma_start3A_95] : memref<100000xf32, #tpu.memory_space<hbm>> -> memref<100000xf32, #tpu.memory_space<hbm>>
    tpu.enqueue_indirect_dma source(%dma_start3A_96 : memref<100000xf32, #tpu.memory_space<hbm>>) target(%dma_start3A_88 : memref<16384xf32, #tpu.memory_space<vmem>>) offsets(%dma_start3A_91 : memref<16384xi32, #tpu.memory_space<vmem>>) semaphore(%arg33 : memref<!tpu.dma_semaphore, #tpu.memory_space<semaphore_mem>>)
    %dma_start3A_97 = arith.constant 2 : i32
    %dma_start3A_98 = arith.constant 0 : i32
    %dma_start3A_99 = arith.constant 0 : i32
    %dma_start3A_100 = tpu.memref_slice %arg30[%dma_start3A_98, %dma_start3A_99] : memref<2x16384xi32, #tpu.memory_space<vmem>> -> memref<1x16384xi32, #tpu.memory_space<vmem>>
    %dma_start3A_101 = tpu.memref_squeeze %dma_start3A_100 : memref<1x16384xi32, #tpu.memory_space<vmem>> -> memref<16384xi32, #tpu.memory_space<vmem>>
    %dma_start3A_102 = arith.constant 0 : i32
    %dma_start3A_103 = tpu.memref_slice %arg3[%dma_start3A_97, %dma_start3A_102] : memref<26x16384xi32, #tpu.memory_space<hbm>> -> memref<1x16384xi32, #tpu.memory_space<hbm>>
    %dma_start3A_104 = tpu.memref_squeeze %dma_start3A_103 : memref<1x16384xi32, #tpu.memory_space<hbm>> -> memref<16384xi32, #tpu.memory_space<hbm>>
    %dma_start3A_105 = arith.constant 0 : i32
    %dma_start3A_106 = tpu.memref_slice %arg30[%dma_start3A_98, %dma_start3A_105] : memref<2x16384xi32, #tpu.memory_space<vmem>> -> memref<1x16384xi32, #tpu.memory_space<vmem>>
    %dma_start3A_107 = tpu.memref_squeeze %dma_start3A_106 : memref<1x16384xi32, #tpu.memory_space<vmem>> -> memref<16384xi32, #tpu.memory_space<vmem>>
    %dma_start3A_108 = arith.constant 0 : i32
    %dma_start3A_109 = tpu.memref_slice %arg3[%dma_start3A_97, %dma_start3A_108] : memref<26x16384xi32, #tpu.memory_space<hbm>> -> memref<1x16384xi32, #tpu.memory_space<hbm>>
    %dma_start3A_110 = tpu.memref_squeeze %dma_start3A_109 : memref<1x16384xi32, #tpu.memory_space<hbm>> -> memref<16384xi32, #tpu.memory_space<hbm>>
    tpu.enqueue_dma source(%dma_start3A_110 : memref<16384xi32, #tpu.memory_space<hbm>>) target(%dma_start3A_107 : memref<16384xi32, #tpu.memory_space<vmem>>) target_semaphore(%arg32 : memref<!tpu.dma_semaphore, #tpu.memory_space<semaphore_mem>>)
    %dma_start3A_111 = arith.constant 0 : i32
    %dma_start3A_112 = arith.constant 0 : i32
    %dma_start3A_113 = tpu.memref_slice %arg31[%dma_start3A_111, %dma_start3A_112] : memref<2x16384xf32, #tpu.memory_space<vmem>> -> memref<1x16384xf32, #tpu.memory_space<vmem>>
    %dma_start3A_114 = tpu.memref_squeeze %dma_start3A_113 : memref<1x16384xf32, #tpu.memory_space<vmem>> -> memref<16384xf32, #tpu.memory_space<vmem>>
    %dma_start3A_115 = arith.constant 0 : i32
    %dma_start3A_116 = tpu.memref_slice %arg4[%add3A, %dma_start3A_115] : memref<32x16384xf32, #tpu.memory_space<hbm>> -> memref<1x16384xf32, #tpu.memory_space<hbm>>
    %dma_start3A_117 = tpu.memref_squeeze %dma_start3A_116 : memref<1x16384xf32, #tpu.memory_space<hbm>> -> memref<16384xf32, #tpu.memory_space<hbm>>
    %dma_start3A_118 = arith.constant 0 : i32
    %dma_start3A_119 = tpu.memref_slice %arg4[%add3A, %dma_start3A_118] : memref<32x16384xf32, #tpu.memory_space<hbm>> -> memref<1x16384xf32, #tpu.memory_space<hbm>>
    %dma_start3A_120 = tpu.memref_squeeze %dma_start3A_119 : memref<1x16384xf32, #tpu.memory_space<hbm>> -> memref<16384xf32, #tpu.memory_space<hbm>>
    %dma_start3A_121 = arith.constant 0 : i32
    %dma_start3A_122 = tpu.memref_slice %arg31[%dma_start3A_111, %dma_start3A_121] : memref<2x16384xf32, #tpu.memory_space<vmem>> -> memref<1x16384xf32, #tpu.memory_space<vmem>>
    %dma_start3A_123 = tpu.memref_squeeze %dma_start3A_122 : memref<1x16384xf32, #tpu.memory_space<vmem>> -> memref<16384xf32, #tpu.memory_space<vmem>>
    tpu.enqueue_dma source(%dma_start3A_123 : memref<16384xf32, #tpu.memory_space<vmem>>) target(%dma_start3A_120 : memref<16384xf32, #tpu.memory_space<hbm>>) target_semaphore(%arg34 : memref<!tpu.dma_semaphore, #tpu.memory_space<semaphore_mem>>)
    %dma_wait3A_124 = arith.constant 0 : i32
    %dma_wait3A_125 = arith.constant 1 : i32
    %dma_wait3A_126 = arith.constant 1 : i32
    %dma_wait3A_127 = arith.constant 0 : i32
    %dma_wait3A_128 = tpu.memref_slice %arg31[%dma_wait3A_126, %dma_wait3A_127] : memref<2x16384xf32, #tpu.memory_space<vmem>> -> memref<1x16384xf32, #tpu.memory_space<vmem>>
    %dma_wait3A_129 = tpu.memref_squeeze %dma_wait3A_128 : memref<1x16384xf32, #tpu.memory_space<vmem>> -> memref<16384xf32, #tpu.memory_space<vmem>>
    %dma_wait3A_130 = arith.constant 0 : i32
    %dma_wait3A_131 = tpu.memref_slice %arg30[%dma_wait3A_125, %dma_wait3A_130] : memref<2x16384xi32, #tpu.memory_space<vmem>> -> memref<1x16384xi32, #tpu.memory_space<vmem>>
    %dma_wait3A_132 = tpu.memref_squeeze %dma_wait3A_131 : memref<1x16384xi32, #tpu.memory_space<vmem>> -> memref<16384xi32, #tpu.memory_space<vmem>>
    %dma_wait3A_133 = arith.constant 0 : i32
    %dma_wait3A_134 = tpu.memref_slice %arg2[%dma_wait3A_124, %dma_wait3A_133] : memref<832x100000xf32, #tpu.memory_space<hbm>> -> memref<1x100000xf32, #tpu.memory_space<hbm>>
    %dma_wait3A_135 = tpu.memref_squeeze %dma_wait3A_134 : memref<1x100000xf32, #tpu.memory_space<hbm>> -> memref<100000xf32, #tpu.memory_space<hbm>>
    %dma_wait3A_136 = arith.constant 0 : i32
    %dma_wait3A_137 = tpu.memref_slice %dma_wait3A_135[%dma_wait3A_136] : memref<100000xf32, #tpu.memory_space<hbm>> -> memref<100000xf32, #tpu.memory_space<hbm>>
    tpu.wait_indirect_dma semaphore(%arg33 : memref<!tpu.dma_semaphore, #tpu.memory_space<semaphore_mem>>) src(%dma_wait3A_137 : memref<100000xf32, #tpu.memory_space<hbm>>) dst(%dma_wait3A_129 : memref<16384xf32, #tpu.memory_space<vmem>>)
    %dma_wait3A_138 = arith.constant 0 : i32
    %dma_wait3A_139 = arith.constant 0 : i32
    %dma_wait3A_140 = arith.constant 0 : i32
    %dma_wait3A_141 = tpu.memref_slice %arg30[%dma_wait3A_139, %dma_wait3A_140] : memref<2x16384xi32, #tpu.memory_space<vmem>> -> memref<1x16384xi32, #tpu.memory_space<vmem>>
    %dma_wait3A_142 = tpu.memref_squeeze %dma_wait3A_141 : memref<1x16384xi32, #tpu.memory_space<vmem>> -> memref<16384xi32, #tpu.memory_space<vmem>>
    %dma_wait3A_143 = arith.constant 0 : i32
    %dma_wait3A_144 = tpu.memref_slice %arg3[%dma_wait3A_138, %dma_wait3A_143] : memref<26x16384xi32, #tpu.memory_space<hbm>> -> memref<1x16384xi32, #tpu.memory_space<hbm>>
    %dma_wait3A_145 = tpu.memref_squeeze %dma_wait3A_144 : memref<1x16384xi32, #tpu.memory_space<hbm>> -> memref<16384xi32, #tpu.memory_space<hbm>>
    %dma_wait3A_146 = arith.constant 0 : i32
    %dma_wait3A_147 = tpu.memref_slice %arg30[%dma_wait3A_139, %dma_wait3A_146] : memref<2x16384xi32, #tpu.memory_space<vmem>> -> memref<1x16384xi32, #tpu.memory_space<vmem>>
    %dma_wait3A_148 = tpu.memref_squeeze %dma_wait3A_147 : memref<1x16384xi32, #tpu.memory_space<vmem>> -> memref<16384xi32, #tpu.memory_space<vmem>>
    %dma_wait3A_149 = arith.constant 0 : i32
    %dma_wait3A_150 = tpu.memref_slice %arg3[%dma_wait3A_138, %dma_wait3A_149] : memref<26x16384xi32, #tpu.memory_space<hbm>> -> memref<1x16384xi32, #tpu.memory_space<hbm>>
    %dma_wait3A_151 = tpu.memref_squeeze %dma_wait3A_150 : memref<1x16384xi32, #tpu.memory_space<hbm>> -> memref<16384xi32, #tpu.memory_space<hbm>>
    tpu.wait_dma2 semaphore(%arg32 : memref<!tpu.dma_semaphore, #tpu.memory_space<semaphore_mem>>) src(%dma_wait3A_151 : memref<16384xi32, #tpu.memory_space<hbm>>) dst(%dma_wait3A_148 : memref<16384xi32, #tpu.memory_space<vmem>>)
    %dma_wait3A_152 = arith.constant 0 : i32
    %dma_wait3A_153 = arith.constant 0 : i32
    %dma_wait3A_154 = tpu.memref_slice %arg31[%dma_wait3A_152, %dma_wait3A_153] : memref<2x16384xf32, #tpu.memory_space<vmem>> -> memref<1x16384xf32, #tpu.memory_space<vmem>>
    %dma_wait3A_155 = tpu.memref_squeeze %dma_wait3A_154 : memref<1x16384xf32, #tpu.memory_space<vmem>> -> memref<16384xf32, #tpu.memory_space<vmem>>
    %dma_wait3A_156 = arith.constant 0 : i32
    %dma_wait3A_157 = tpu.memref_slice %arg4[%add3A, %dma_wait3A_156] : memref<32x16384xf32, #tpu.memory_space<hbm>> -> memref<1x16384xf32, #tpu.memory_space<hbm>>
    %dma_wait3A_158 = tpu.memref_squeeze %dma_wait3A_157 : memref<1x16384xf32, #tpu.memory_space<hbm>> -> memref<16384xf32, #tpu.memory_space<hbm>>
    %dma_wait3A_159 = arith.constant 0 : i32
    %dma_wait3A_160 = tpu.memref_slice %arg4[%add3A, %dma_wait3A_159] : memref<32x16384xf32, #tpu.memory_space<hbm>> -> memref<1x16384xf32, #tpu.memory_space<hbm>>
    %dma_wait3A_161 = tpu.memref_squeeze %dma_wait3A_160 : memref<1x16384xf32, #tpu.memory_space<hbm>> -> memref<16384xf32, #tpu.memory_space<hbm>>
    %dma_wait3A_162 = arith.constant 0 : i32
    %dma_wait3A_163 = tpu.memref_slice %arg31[%dma_wait3A_152, %dma_wait3A_162] : memref<2x16384xf32, #tpu.memory_space<vmem>> -> memref<1x16384xf32, #tpu.memory_space<vmem>>
    %dma_wait3A_164 = tpu.memref_squeeze %dma_wait3A_163 : memref<1x16384xf32, #tpu.memory_space<vmem>> -> memref<16384xf32, #tpu.memory_space<vmem>>
    tpu.wait_dma2 semaphore(%arg34 : memref<!tpu.dma_semaphore, #tpu.memory_space<semaphore_mem>>) src(%dma_wait3A_164 : memref<16384xf32, #tpu.memory_space<vmem>>) dst(%dma_wait3A_161 : memref<16384xf32, #tpu.memory_space<hbm>>)
    %add3A_165 = arith.constant 64 : i32
    %add3A_166 = arith.addi %add3A_165, %add3A : i32
    %dma_start3A_167 = arith.constant 0 : i32
    %dma_start3A_168 = arith.constant 0 : i32
    %dma_start3A_169 = arith.constant 0 : i32
    %dma_start3A_170 = tpu.memref_slice %arg31[%dma_start3A_168, %dma_start3A_169] : memref<2x16384xf32, #tpu.memory_space<vmem>> -> memref<1x16384xf32, #tpu.memory_space<vmem>>
    %dma_start3A_171 = tpu.memref_squeeze %dma_start3A_170 : memref<1x16384xf32, #tpu.memory_space<vmem>> -> memref<16384xf32, #tpu.memory_space<vmem>>
    %dma_start3A_172 = arith.constant 0 : i32
    %dma_start3A_173 = tpu.memref_slice %arg30[%dma_start3A_167, %dma_start3A_172] : memref<2x16384xi32, #tpu.memory_space<vmem>> -> memref<1x16384xi32, #tpu.memory_space<vmem>>
    %dma_start3A_174 = tpu.memref_squeeze %dma_start3A_173 : memref<1x16384xi32, #tpu.memory_space<vmem>> -> memref<16384xi32, #tpu.memory_space<vmem>>
    %dma_start3A_175 = arith.constant 0 : i32
    %dma_start3A_176 = tpu.memref_slice %arg2[%add3A_166, %dma_start3A_175] : memref<832x100000xf32, #tpu.memory_space<hbm>> -> memref<1x100000xf32, #tpu.memory_space<hbm>>
    %dma_start3A_177 = tpu.memref_squeeze %dma_start3A_176 : memref<1x100000xf32, #tpu.memory_space<hbm>> -> memref<100000xf32, #tpu.memory_space<hbm>>
    %dma_start3A_178 = arith.constant 0 : i32
    %dma_start3A_179 = tpu.memref_slice %dma_start3A_177[%dma_start3A_178] : memref<100000xf32, #tpu.memory_space<hbm>> -> memref<100000xf32, #tpu.memory_space<hbm>>
    tpu.enqueue_indirect_dma source(%dma_start3A_179 : memref<100000xf32, #tpu.memory_space<hbm>>) target(%dma_start3A_171 : memref<16384xf32, #tpu.memory_space<vmem>>) offsets(%dma_start3A_174 : memref<16384xi32, #tpu.memory_space<vmem>>) semaphore(%arg33 : memref<!tpu.dma_semaphore, #tpu.memory_space<semaphore_mem>>)
    %dma_start3A_180 = arith.constant 3 : i32
    %dma_start3A_181 = arith.constant 1 : i32
    %dma_start3A_182 = arith.constant 0 : i32
    %dma_start3A_183 = tpu.memref_slice %arg30[%dma_start3A_181, %dma_start3A_182] : memref<2x16384xi32, #tpu.memory_space<vmem>> -> memref<1x16384xi32, #tpu.memory_space<vmem>>
    %dma_start3A_184 = tpu.memref_squeeze %dma_start3A_183 : memref<1x16384xi32, #tpu.memory_space<vmem>> -> memref<16384xi32, #tpu.memory_space<vmem>>
    %dma_start3A_185 = arith.constant 0 : i32
    %dma_start3A_186 = tpu.memref_slice %arg3[%dma_start3A_180, %dma_start3A_185] : memref<26x16384xi32, #tpu.memory_space<hbm>> -> memref<1x16384xi32, #tpu.memory_space<hbm>>
    %dma_start3A_187 = tpu.memref_squeeze %dma_start3A_186 : memref<1x16384xi32, #tpu.memory_space<hbm>> -> memref<16384xi32, #tpu.memory_space<hbm>>
    %dma_start3A_188 = arith.constant 0 : i32
    %dma_start3A_189 = tpu.memref_slice %arg30[%dma_start3A_181, %dma_start3A_188] : memref<2x16384xi32, #tpu.memory_space<vmem>> -> memref<1x16384xi32, #tpu.memory_space<vmem>>
    %dma_start3A_190 = tpu.memref_squeeze %dma_start3A_189 : memref<1x16384xi32, #tpu.memory_space<vmem>> -> memref<16384xi32, #tpu.memory_space<vmem>>
    %dma_start3A_191 = arith.constant 0 : i32
    %dma_start3A_192 = tpu.memref_slice %arg3[%dma_start3A_180, %dma_start3A_191] : memref<26x16384xi32, #tpu.memory_space<hbm>> -> memref<1x16384xi32, #tpu.memory_space<hbm>>
    %dma_start3A_193 = tpu.memref_squeeze %dma_start3A_192 : memref<1x16384xi32, #tpu.memory_space<hbm>> -> memref<16384xi32, #tpu.memory_space<hbm>>
    tpu.enqueue_dma source(%dma_start3A_193 : memref<16384xi32, #tpu.memory_space<hbm>>) target(%dma_start3A_190 : memref<16384xi32, #tpu.memory_space<vmem>>) target_semaphore(%arg32 : memref<!tpu.dma_semaphore, #tpu.memory_space<semaphore_mem>>)
    %dma_start3A_194 = arith.constant 1 : i32
    %dma_start3A_195 = arith.constant 0 : i32
    %dma_start3A_196 = tpu.memref_slice %arg31[%dma_start3A_194, %dma_start3A_195] : memref<2x16384xf32, #tpu.memory_space<vmem>> -> memref<1x16384xf32, #tpu.memory_space<vmem>>
    %dma_start3A_197 = tpu.memref_squeeze %dma_start3A_196 : memref<1x16384xf32, #tpu.memory_space<vmem>> -> memref<16384xf32, #tpu.memory_space<vmem>>
    %dma_start3A_198 = arith.constant 0 : i32
    %dma_start3A_199 = tpu.memref_slice %arg5[%add3A, %dma_start3A_198] : memref<32x16384xf32, #tpu.memory_space<hbm>> -> memref<1x16384xf32, #tpu.memory_space<hbm>>
    %dma_start3A_200 = tpu.memref_squeeze %dma_start3A_199 : memref<1x16384xf32, #tpu.memory_space<hbm>> -> memref<16384xf32, #tpu.memory_space<hbm>>
    %dma_start3A_201 = arith.constant 0 : i32
    %dma_start3A_202 = tpu.memref_slice %arg5[%add3A, %dma_start3A_201] : memref<32x16384xf32, #tpu.memory_space<hbm>> -> memref<1x16384xf32, #tpu.memory_space<hbm>>
    %dma_start3A_203 = tpu.memref_squeeze %dma_start3A_202 : memref<1x16384xf32, #tpu.memory_space<hbm>> -> memref<16384xf32, #tpu.memory_space<hbm>>
    %dma_start3A_204 = arith.constant 0 : i32
    %dma_start3A_205 = tpu.memref_slice %arg31[%dma_start3A_194, %dma_start3A_204] : memref<2x16384xf32, #tpu.memory_space<vmem>> -> memref<1x16384xf32, #tpu.memory_space<vmem>>
    %dma_start3A_206 = tpu.memref_squeeze %dma_start3A_205 : memref<1x16384xf32, #tpu.memory_space<vmem>> -> memref<16384xf32, #tpu.memory_space<vmem>>
    tpu.enqueue_dma source(%dma_start3A_206 : memref<16384xf32, #tpu.memory_space<vmem>>) target(%dma_start3A_203 : memref<16384xf32, #tpu.memory_space<hbm>>) target_semaphore(%arg34 : memref<!tpu.dma_semaphore, #tpu.memory_space<semaphore_mem>>)
    %dma_wait3A_207 = arith.constant 0 : i32
    %dma_wait3A_208 = arith.constant 0 : i32
    %dma_wait3A_209 = arith.constant 0 : i32
    %dma_wait3A_210 = arith.constant 0 : i32
    %dma_wait3A_211 = tpu.memref_slice %arg31[%dma_wait3A_209, %dma_wait3A_210] : memref<2x16384xf32, #tpu.memory_space<vmem>> -> memref<1x16384xf32, #tpu.memory_space<vmem>>
    %dma_wait3A_212 = tpu.memref_squeeze %dma_wait3A_211 : memref<1x16384xf32, #tpu.memory_space<vmem>> -> memref<16384xf32, #tpu.memory_space<vmem>>
    %dma_wait3A_213 = arith.constant 0 : i32
    %dma_wait3A_214 = tpu.memref_slice %arg30[%dma_wait3A_208, %dma_wait3A_213] : memref<2x16384xi32, #tpu.memory_space<vmem>> -> memref<1x16384xi32, #tpu.memory_space<vmem>>
    %dma_wait3A_215 = tpu.memref_squeeze %dma_wait3A_214 : memref<1x16384xi32, #tpu.memory_space<vmem>> -> memref<16384xi32, #tpu.memory_space<vmem>>
    %dma_wait3A_216 = arith.constant 0 : i32
    %dma_wait3A_217 = tpu.memref_slice %arg2[%dma_wait3A_207, %dma_wait3A_216] : memref<832x100000xf32, #tpu.memory_space<hbm>> -> memref<1x100000xf32, #tpu.memory_space<hbm>>
    %dma_wait3A_218 = tpu.memref_squeeze %dma_wait3A_217 : memref<1x100000xf32, #tpu.memory_space<hbm>> -> memref<100000xf32, #tpu.memory_space<hbm>>
    %dma_wait3A_219 = arith.constant 0 : i32
    %dma_wait3A_220 = tpu.memref_slice %dma_wait3A_218[%dma_wait3A_219] : memref<100000xf32, #tpu.memory_space<hbm>> -> memref<100000xf32, #tpu.memory_space<hbm>>
    tpu.wait_indirect_dma semaphore(%arg33 : memref<!tpu.dma_semaphore, #tpu.memory_space<semaphore_mem>>) src(%dma_wait3A_220 : memref<100000xf32, #tpu.memory_space<hbm>>) dst(%dma_wait3A_212 : memref<16384xf32, #tpu.memory_space<vmem>>)
    %dma_wait3A_221 = arith.constant 0 : i32
    %dma_wait3A_222 = arith.constant 0 : i32
    %dma_wait3A_223 = arith.constant 0 : i32
    %dma_wait3A_224 = tpu.memref_slice %arg30[%dma_wait3A_222, %dma_wait3A_223] : memref<2x16384xi32, #tpu.memory_space<vmem>> -> memref<1x16384xi32, #tpu.memory_space<vmem>>
    %dma_wait3A_225 = tpu.memref_squeeze %dma_wait3A_224 : memref<1x16384xi32, #tpu.memory_space<vmem>> -> memref<16384xi32, #tpu.memory_space<vmem>>
    %dma_wait3A_226 = arith.constant 0 : i32
    %dma_wait3A_227 = tpu.memref_slice %arg3[%dma_wait3A_221, %dma_wait3A_226] : memref<26x16384xi32, #tpu.memory_space<hbm>> -> memref<1x16384xi32, #tpu.memory_space<hbm>>
    %dma_wait3A_228 = tpu.memref_squeeze %dma_wait3A_227 : memref<1x16384xi32, #tpu.memory_space<hbm>> -> memref<16384xi32, #tpu.memory_space<hbm>>
    %dma_wait3A_229 = arith.constant 0 : i32
    %dma_wait3A_230 = tpu.memref_slice %arg30[%dma_wait3A_222, %dma_wait3A_229] : memref<2x16384xi32, #tpu.memory_space<vmem>> -> memref<1x16384xi32, #tpu.memory_space<vmem>>
    %dma_wait3A_231 = tpu.memref_squeeze %dma_wait3A_230 : memref<1x16384xi32, #tpu.memory_space<vmem>> -> memref<16384xi32, #tpu.memory_space<vmem>>
    %dma_wait3A_232 = arith.constant 0 : i32
    %dma_wait3A_233 = tpu.memref_slice %arg3[%dma_wait3A_221, %dma_wait3A_232] : memref<26x16384xi32, #tpu.memory_space<hbm>> -> memref<1x16384xi32, #tpu.memory_space<hbm>>
    %dma_wait3A_234 = tpu.memref_squeeze %dma_wait3A_233 : memref<1x16384xi32, #tpu.memory_space<hbm>> -> memref<16384xi32, #tpu.memory_space<hbm>>
    tpu.wait_dma2 semaphore(%arg32 : memref<!tpu.dma_semaphore, #tpu.memory_space<semaphore_mem>>) src(%dma_wait3A_234 : memref<16384xi32, #tpu.memory_space<hbm>>) dst(%dma_wait3A_231 : memref<16384xi32, #tpu.memory_space<vmem>>)
    %dma_wait3A_235 = arith.constant 0 : i32
    %dma_wait3A_236 = arith.constant 0 : i32
    %dma_wait3A_237 = tpu.memref_slice %arg31[%dma_wait3A_235, %dma_wait3A_236] : memref<2x16384xf32, #tpu.memory_space<vmem>> -> memref<1x16384xf32, #tpu.memory_space<vmem>>
    %dma_wait3A_238 = tpu.memref_squeeze %dma_wait3A_237 : memref<1x16384xf32, #tpu.memory_space<vmem>> -> memref<16384xf32, #tpu.memory_space<vmem>>
    %dma_wait3A_239 = arith.constant 0 : i32
    %dma_wait3A_240 = tpu.memref_slice %arg4[%add3A, %dma_wait3A_239] : memref<32x16384xf32, #tpu.memory_space<hbm>> -> memref<1x16384xf32, #tpu.memory_space<hbm>>
    %dma_wait3A_241 = tpu.memref_squeeze %dma_wait3A_240 : memref<1x16384xf32, #tpu.memory_space<hbm>> -> memref<16384xf32, #tpu.memory_space<hbm>>
    %dma_wait3A_242 = arith.constant 0 : i32
    %dma_wait3A_243 = tpu.memref_slice %arg4[%add3A, %dma_wait3A_242] : memref<32x16384xf32, #tpu.memory_space<hbm>> -> memref<1x16384xf32, #tpu.memory_space<hbm>>
    %dma_wait3A_244 = tpu.memref_squeeze %dma_wait3A_243 : memref<1x16384xf32, #tpu.memory_space<hbm>> -> memref<16384xf32, #tpu.memory_space<hbm>>
    %dma_wait3A_245 = arith.constant 0 : i32
    %dma_wait3A_246 = tpu.memref_slice %arg31[%dma_wait3A_235, %dma_wait3A_245] : memref<2x16384xf32, #tpu.memory_space<vmem>> -> memref<1x16384xf32, #tpu.memory_space<vmem>>
    %dma_wait3A_247 = tpu.memref_squeeze %dma_wait3A_246 : memref<1x16384xf32, #tpu.memory_space<vmem>> -> memref<16384xf32, #tpu.memory_space<vmem>>
    tpu.wait_dma2 semaphore(%arg34 : memref<!tpu.dma_semaphore, #tpu.memory_space<semaphore_mem>>) src(%dma_wait3A_247 : memref<16384xf32, #tpu.memory_space<vmem>>) dst(%dma_wait3A_244 : memref<16384xf32, #tpu.memory_space<hbm>>)
    %add3A_248 = arith.constant 96 : i32
    %add3A_249 = arith.addi %add3A_248, %add3A : i32
    %dma_start3A_250 = arith.constant 1 : i32
    %dma_start3A_251 = arith.constant 1 : i32
    %dma_start3A_252 = arith.constant 0 : i32
    %dma_start3A_253 = tpu.memref_slice %arg31[%dma_start3A_251, %dma_start3A_252] : memref<2x16384xf32, #tpu.memory_space<vmem>> -> memref<1x16384xf32, #tpu.memory_space<vmem>>
    %dma_start3A_254 = tpu.memref_squeeze %dma_start3A_253 : memref<1x16384xf32, #tpu.memory_space<vmem>> -> memref<16384xf32, #tpu.memory_space<vmem>>
    %dma_start3A_255 = arith.constant 0 : i32
    %dma_start3A_256 = tpu.memref_slice %arg30[%dma_start3A_250, %dma_start3A_255] : memref<2x16384xi32, #tpu.memory_space<vmem>> -> memref<1x16384xi32, #tpu.memory_space<vmem>>
    %dma_start3A_257 = tpu.memref_squeeze %dma_start3A_256 : memref<1x16384xi32, #tpu.memory_space<vmem>> -> memref<16384xi32, #tpu.memory_space<vmem>>
    %dma_start3A_258 = arith.constant 0 : i32
    %dma_start3A_259 = tpu.memref_slice %arg2[%add3A_249, %dma_start3A_258] : memref<832x100000xf32, #tpu.memory_space<hbm>> -> memref<1x100000xf32, #tpu.memory_space<hbm>>
    %dma_start3A_260 = tpu.memref_squeeze %dma_start3A_259 : memref<1x100000xf32, #tpu.memory_space<hbm>> -> memref<100000xf32, #tpu.memory_space<hbm>>
    %dma_start3A_261 = arith.constant 0 : i32
    %dma_start3A_262 = tpu.memref_slice %dma_start3A_260[%dma_start3A_261] : memref<100000xf32, #tpu.memory_space<hbm>> -> memref<100000xf32, #tpu.memory_space<hbm>>
    tpu.enqueue_indirect_dma source(%dma_start3A_262 : memref<100000xf32, #tpu.memory_space<hbm>>) target(%dma_start3A_254 : memref<16384xf32, #tpu.memory_space<vmem>>) offsets(%dma_start3A_257 : memref<16384xi32, #tpu.memory_space<vmem>>) semaphore(%arg33 : memref<!tpu.dma_semaphore, #tpu.memory_space<semaphore_mem>>)
    %dma_start3A_263 = arith.constant 4 : i32
    %dma_start3A_264 = arith.constant 0 : i32
    %dma_start3A_265 = arith.constant 0 : i32
    %dma_start3A_266 = tpu.memref_slice %arg30[%dma_start3A_264, %dma_start3A_265] : memref<2x16384xi32, #tpu.memory_space<vmem>> -> memref<1x16384xi32, #tpu.memory_space<vmem>>
    %dma_start3A_267 = tpu.memref_squeeze %dma_start3A_266 : memref<1x16384xi32, #tpu.memory_space<vmem>> -> memref<16384xi32, #tpu.memory_space<vmem>>
    %dma_start3A_268 = arith.constant 0 : i32
    %dma_start3A_269 = tpu.memref_slice %arg3[%dma_start3A_263, %dma_start3A_268] : memref<26x16384xi32, #tpu.memory_space<hbm>> -> memref<1x16384xi32, #tpu.memory_space<hbm>>
    %dma_start3A_270 = tpu.memref_squeeze %dma_start3A_269 : memref<1x16384xi32, #tpu.memory_space<hbm>> -> memref<16384xi32, #tpu.memory_space<hbm>>
    %dma_start3A_271 = arith.constant 0 : i32
    %dma_start3A_272 = tpu.memref_slice %arg30[%dma_start3A_264, %dma_start3A_271] : memref<2x16384xi32, #tpu.memory_space<vmem>> -> memref<1x16384xi32, #tpu.memory_space<vmem>>
    %dma_start3A_273 = tpu.memref_squeeze %dma_start3A_272 : memref<1x16384xi32, #tpu.memory_space<vmem>> -> memref<16384xi32, #tpu.memory_space<vmem>>
    %dma_start3A_274 = arith.constant 0 : i32
    %dma_start3A_275 = tpu.memref_slice %arg3[%dma_start3A_263, %dma_start3A_274] : memref<26x16384xi32, #tpu.memory_space<hbm>> -> memref<1x16384xi32, #tpu.memory_space<hbm>>
    %dma_start3A_276 = tpu.memref_squeeze %dma_start3A_275 : memref<1x16384xi32, #tpu.memory_space<hbm>> -> memref<16384xi32, #tpu.memory_space<hbm>>
    tpu.enqueue_dma source(%dma_start3A_276 : memref<16384xi32, #tpu.memory_space<hbm>>) target(%dma_start3A_273 : memref<16384xi32, #tpu.memory_space<vmem>>) target_semaphore(%arg32 : memref<!tpu.dma_semaphore, #tpu.memory_space<semaphore_mem>>)
    %dma_start3A_277 = arith.constant 0 : i32
    %dma_start3A_278 = arith.constant 0 : i32
    %dma_start3A_279 = tpu.memref_slice %arg31[%dma_start3A_277, %dma_start3A_278] : memref<2x16384xf32, #tpu.memory_space<vmem>> -> memref<1x16384xf32, #tpu.memory_space<vmem>>
    %dma_start3A_280 = tpu.memref_squeeze %dma_start3A_279 : memref<1x16384xf32, #tpu.memory_space<vmem>> -> memref<16384xf32, #tpu.memory_space<vmem>>
    %dma_start3A_281 = arith.constant 0 : i32
    %dma_start3A_282 = tpu.memref_slice %arg6[%add3A, %dma_start3A_281] : memref<32x16384xf32, #tpu.memory_space<hbm>> -> memref<1x16384xf32, #tpu.memory_space<hbm>>
    %dma_start3A_283 = tpu.memref_squeeze %dma_start3A_282 : memref<1x16384xf32, #tpu.memory_space<hbm>> -> memref<16384xf32, #tpu.memory_space<hbm>>
    %dma_start3A_284 = arith.constant 0 : i32
    %dma_start3A_285 = tpu.memref_slice %arg6[%add3A, %dma_start3A_284] : memref<32x16384xf32, #tpu.memory_space<hbm>> -> memref<1x16384xf32, #tpu.memory_space<hbm>>
    %dma_start3A_286 = tpu.memref_squeeze %dma_start3A_285 : memref<1x16384xf32, #tpu.memory_space<hbm>> -> memref<16384xf32, #tpu.memory_space<hbm>>
    %dma_start3A_287 = arith.constant 0 : i32
    %dma_start3A_288 = tpu.memref_slice %arg31[%dma_start3A_277, %dma_start3A_287] : memref<2x16384xf32, #tpu.memory_space<vmem>> -> memref<1x16384xf32, #tpu.memory_space<vmem>>
    %dma_start3A_289 = tpu.memref_squeeze %dma_start3A_288 : memref<1x16384xf32, #tpu.memory_space<vmem>> -> memref<16384xf32, #tpu.memory_space<vmem>>
    tpu.enqueue_dma source(%dma_start3A_289 : memref<16384xf32, #tpu.memory_space<vmem>>) target(%dma_start3A_286 : memref<16384xf32, #tpu.memory_space<hbm>>) target_semaphore(%arg34 : memref<!tpu.dma_semaphore, #tpu.memory_space<semaphore_mem>>)
    %dma_wait3A_290 = arith.constant 0 : i32
    %dma_wait3A_291 = arith.constant 1 : i32
    %dma_wait3A_292 = arith.constant 1 : i32
    %dma_wait3A_293 = arith.constant 0 : i32
    %dma_wait3A_294 = tpu.memref_slice %arg31[%dma_wait3A_292, %dma_wait3A_293] : memref<2x16384xf32, #tpu.memory_space<vmem>> -> memref<1x16384xf32, #tpu.memory_space<vmem>>
    %dma_wait3A_295 = tpu.memref_squeeze %dma_wait3A_294 : memref<1x16384xf32, #tpu.memory_space<vmem>> -> memref<16384xf32, #tpu.memory_space<vmem>>
    %dma_wait3A_296 = arith.constant 0 : i32
    %dma_wait3A_297 = tpu.memref_slice %arg30[%dma_wait3A_291, %dma_wait3A_296] : memref<2x16384xi32, #tpu.memory_space<vmem>> -> memref<1x16384xi32, #tpu.memory_space<vmem>>
    %dma_wait3A_298 = tpu.memref_squeeze %dma_wait3A_297 : memref<1x16384xi32, #tpu.memory_space<vmem>> -> memref<16384xi32, #tpu.memory_space<vmem>>
    %dma_wait3A_299 = arith.constant 0 : i32
    %dma_wait3A_300 = tpu.memref_slice %arg2[%dma_wait3A_290, %dma_wait3A_299] : memref<832x100000xf32, #tpu.memory_space<hbm>> -> memref<1x100000xf32, #tpu.memory_space<hbm>>
    %dma_wait3A_301 = tpu.memref_squeeze %dma_wait3A_300 : memref<1x100000xf32, #tpu.memory_space<hbm>> -> memref<100000xf32, #tpu.memory_space<hbm>>
    %dma_wait3A_302 = arith.constant 0 : i32
    %dma_wait3A_303 = tpu.memref_slice %dma_wait3A_301[%dma_wait3A_302] : memref<100000xf32, #tpu.memory_space<hbm>> -> memref<100000xf32, #tpu.memory_space<hbm>>
    tpu.wait_indirect_dma semaphore(%arg33 : memref<!tpu.dma_semaphore, #tpu.memory_space<semaphore_mem>>) src(%dma_wait3A_303 : memref<100000xf32, #tpu.memory_space<hbm>>) dst(%dma_wait3A_295 : memref<16384xf32, #tpu.memory_space<vmem>>)
    %dma_wait3A_304 = arith.constant 0 : i32
    %dma_wait3A_305 = arith.constant 0 : i32
    %dma_wait3A_306 = arith.constant 0 : i32
    %dma_wait3A_307 = tpu.memref_slice %arg30[%dma_wait3A_305, %dma_wait3A_306] : memref<2x16384xi32, #tpu.memory_space<vmem>> -> memref<1x16384xi32, #tpu.memory_space<vmem>>
    %dma_wait3A_308 = tpu.memref_squeeze %dma_wait3A_307 : memref<1x16384xi32, #tpu.memory_space<vmem>> -> memref<16384xi32, #tpu.memory_space<vmem>>
    %dma_wait3A_309 = arith.constant 0 : i32
    %dma_wait3A_310 = tpu.memref_slice %arg3[%dma_wait3A_304, %dma_wait3A_309] : memref<26x16384xi32, #tpu.memory_space<hbm>> -> memref<1x16384xi32, #tpu.memory_space<hbm>>
    %dma_wait3A_311 = tpu.memref_squeeze %dma_wait3A_310 : memref<1x16384xi32, #tpu.memory_space<hbm>> -> memref<16384xi32, #tpu.memory_space<hbm>>
    %dma_wait3A_312 = arith.constant 0 : i32
    %dma_wait3A_313 = tpu.memref_slice %arg30[%dma_wait3A_305, %dma_wait3A_312] : memref<2x16384xi32, #tpu.memory_space<vmem>> -> memref<1x16384xi32, #tpu.memory_space<vmem>>
    %dma_wait3A_314 = tpu.memref_squeeze %dma_wait3A_313 : memref<1x16384xi32, #tpu.memory_space<vmem>> -> memref<16384xi32, #tpu.memory_space<vmem>>
    %dma_wait3A_315 = arith.constant 0 : i32
    %dma_wait3A_316 = tpu.memref_slice %arg3[%dma_wait3A_304, %dma_wait3A_315] : memref<26x16384xi32, #tpu.memory_space<hbm>> -> memref<1x16384xi32, #tpu.memory_space<hbm>>
    %dma_wait3A_317 = tpu.memref_squeeze %dma_wait3A_316 : memref<1x16384xi32, #tpu.memory_space<hbm>> -> memref<16384xi32, #tpu.memory_space<hbm>>
    tpu.wait_dma2 semaphore(%arg32 : memref<!tpu.dma_semaphore, #tpu.memory_space<semaphore_mem>>) src(%dma_wait3A_317 : memref<16384xi32, #tpu.memory_space<hbm>>) dst(%dma_wait3A_314 : memref<16384xi32, #tpu.memory_space<vmem>>)
    %dma_wait3A_318 = arith.constant 0 : i32
    %dma_wait3A_319 = arith.constant 0 : i32
    %dma_wait3A_320 = tpu.memref_slice %arg31[%dma_wait3A_318, %dma_wait3A_319] : memref<2x16384xf32, #tpu.memory_space<vmem>> -> memref<1x16384xf32, #tpu.memory_space<vmem>>
    %dma_wait3A_321 = tpu.memref_squeeze %dma_wait3A_320 : memref<1x16384xf32, #tpu.memory_space<vmem>> -> memref<16384xf32, #tpu.memory_space<vmem>>
    %dma_wait3A_322 = arith.constant 0 : i32
    %dma_wait3A_323 = tpu.memref_slice %arg4[%add3A, %dma_wait3A_322] : memref<32x16384xf32, #tpu.memory_space<hbm>> -> memref<1x16384xf32, #tpu.memory_space<hbm>>
    %dma_wait3A_324 = tpu.memref_squeeze %dma_wait3A_323 : memref<1x16384xf32, #tpu.memory_space<hbm>> -> memref<16384xf32, #tpu.memory_space<hbm>>
    %dma_wait3A_325 = arith.constant 0 : i32
    %dma_wait3A_326 = tpu.memref_slice %arg4[%add3A, %dma_wait3A_325] : memref<32x16384xf32, #tpu.memory_space<hbm>> -> memref<1x16384xf32, #tpu.memory_space<hbm>>
    %dma_wait3A_327 = tpu.memref_squeeze %dma_wait3A_326 : memref<1x16384xf32, #tpu.memory_space<hbm>> -> memref<16384xf32, #tpu.memory_space<hbm>>
    %dma_wait3A_328 = arith.constant 0 : i32
    %dma_wait3A_329 = tpu.memref_slice %arg31[%dma_wait3A_318, %dma_wait3A_328] : memref<2x16384xf32, #tpu.memory_space<vmem>> -> memref<1x16384xf32, #tpu.memory_space<vmem>>
    %dma_wait3A_330 = tpu.memref_squeeze %dma_wait3A_329 : memref<1x16384xf32, #tpu.memory_space<vmem>> -> memref<16384xf32, #tpu.memory_space<vmem>>
    tpu.wait_dma2 semaphore(%arg34 : memref<!tpu.dma_semaphore, #tpu.memory_space<semaphore_mem>>) src(%dma_wait3A_330 : memref<16384xf32, #tpu.memory_space<vmem>>) dst(%dma_wait3A_327 : memref<16384xf32, #tpu.memory_space<hbm>>)
    %add3A_331 = arith.constant 128 : i32
    %add3A_332 = arith.addi %add3A_331, %add3A : i32
    %dma_start3A_333 = arith.constant 0 : i32
    %dma_start3A_334 = arith.constant 0 : i32
    %dma_start3A_335 = arith.constant 0 : i32
    %dma_start3A_336 = tpu.memref_slice %arg31[%dma_start3A_334, %dma_start3A_335] : memref<2x16384xf32, #tpu.memory_space<vmem>> -> memref<1x16384xf32, #tpu.memory_space<vmem>>
    %dma_start3A_337 = tpu.memref_squeeze %dma_start3A_336 : memref<1x16384xf32, #tpu.memory_space<vmem>> -> memref<16384xf32, #tpu.memory_space<vmem>>
    %dma_start3A_338 = arith.constant 0 : i32
    %dma_start3A_339 = tpu.memref_slice %arg30[%dma_start3A_333, %dma_start3A_338] : memref<2x16384xi32, #tpu.memory_space<vmem>> -> memref<1x16384xi32, #tpu.memory_space<vmem>>
    %dma_start3A_340 = tpu.memref_squeeze %dma_start3A_339 : memref<1x16384xi32, #tpu.memory_space<vmem>> -> memref<16384xi32, #tpu.memory_space<vmem>>
    %dma_start3A_341 = arith.constant 0 : i32
    %dma_start3A_342 = tpu.memref_slice %arg2[%add3A_332, %dma_start3A_341] : memref<832x100000xf32, #tpu.memory_space<hbm>> -> memref<1x100000xf32, #tpu.memory_space<hbm>>
    %dma_start3A_343 = tpu.memref_squeeze %dma_start3A_342 : memref<1x100000xf32, #tpu.memory_space<hbm>> -> memref<100000xf32, #tpu.memory_space<hbm>>
    %dma_start3A_344 = arith.constant 0 : i32
    %dma_start3A_345 = tpu.memref_slice %dma_start3A_343[%dma_start3A_344] : memref<100000xf32, #tpu.memory_space<hbm>> -> memref<100000xf32, #tpu.memory_space<hbm>>
    tpu.enqueue_indirect_dma source(%dma_start3A_345 : memref<100000xf32, #tpu.memory_space<hbm>>) target(%dma_start3A_337 : memref<16384xf32, #tpu.memory_space<vmem>>) offsets(%dma_start3A_340 : memref<16384xi32, #tpu.memory_space<vmem>>) semaphore(%arg33 : memref<!tpu.dma_semaphore, #tpu.memory_space<semaphore_mem>>)
    %dma_start3A_346 = arith.constant 5 : i32
    %dma_start3A_347 = arith.constant 1 : i32
    %dma_start3A_348 = arith.constant 0 : i32
    %dma_start3A_349 = tpu.memref_slice %arg30[%dma_start3A_347, %dma_start3A_348] : memref<2x16384xi32, #tpu.memory_space<vmem>> -> memref<1x16384xi32, #tpu.memory_space<vmem>>
    %dma_start3A_350 = tpu.memref_squeeze %dma_start3A_349 : memref<1x16384xi32, #tpu.memory_space<vmem>> -> memref<16384xi32, #tpu.memory_space<vmem>>
    %dma_start3A_351 = arith.constant 0 : i32
    %dma_start3A_352 = tpu.memref_slice %arg3[%dma_start3A_346, %dma_start3A_351] : memref<26x16384xi32, #tpu.memory_space<hbm>> -> memref<1x16384xi32, #tpu.memory_space<hbm>>
    %dma_start3A_353 = tpu.memref_squeeze %dma_start3A_352 : memref<1x16384xi32, #tpu.memory_space<hbm>> -> memref<16384xi32, #tpu.memory_space<hbm>>
    %dma_start3A_354 = arith.constant 0 : i32
    %dma_start3A_355 = tpu.memref_slice %arg30[%dma_start3A_347, %dma_start3A_354] : memref<2x16384xi32, #tpu.memory_space<vmem>> -> memref<1x16384xi32, #tpu.memory_space<vmem>>
    %dma_start3A_356 = tpu.memref_squeeze %dma_start3A_355 : memref<1x16384xi32, #tpu.memory_space<vmem>> -> memref<16384xi32, #tpu.memory_space<vmem>>
    %dma_start3A_357 = arith.constant 0 : i32
    %dma_start3A_358 = tpu.memref_slice %arg3[%dma_start3A_346, %dma_start3A_357] : memref<26x16384xi32, #tpu.memory_space<hbm>> -> memref<1x16384xi32, #tpu.memory_space<hbm>>
    %dma_start3A_359 = tpu.memref_squeeze %dma_start3A_358 : memref<1x16384xi32, #tpu.memory_space<hbm>> -> memref<16384xi32, #tpu.memory_space<hbm>>
    tpu.enqueue_dma source(%dma_start3A_359 : memref<16384xi32, #tpu.memory_space<hbm>>) target(%dma_start3A_356 : memref<16384xi32, #tpu.memory_space<vmem>>) target_semaphore(%arg32 : memref<!tpu.dma_semaphore, #tpu.memory_space<semaphore_mem>>)
    %dma_start3A_360 = arith.constant 1 : i32
    %dma_start3A_361 = arith.constant 0 : i32
    %dma_start3A_362 = tpu.memref_slice %arg31[%dma_start3A_360, %dma_start3A_361] : memref<2x16384xf32, #tpu.memory_space<vmem>> -> memref<1x16384xf32, #tpu.memory_space<vmem>>
    %dma_start3A_363 = tpu.memref_squeeze %dma_start3A_362 : memref<1x16384xf32, #tpu.memory_space<vmem>> -> memref<16384xf32, #tpu.memory_space<vmem>>
    %dma_start3A_364 = arith.constant 0 : i32
    %dma_start3A_365 = tpu.memref_slice %arg7[%add3A, %dma_start3A_364] : memref<32x16384xf32, #tpu.memory_space<hbm>> -> memref<1x16384xf32, #tpu.memory_space<hbm>>
    %dma_start3A_366 = tpu.memref_squeeze %dma_start3A_365 : memref<1x16384xf32, #tpu.memory_space<hbm>> -> memref<16384xf32, #tpu.memory_space<hbm>>
    %dma_start3A_367 = arith.constant 0 : i32
    %dma_start3A_368 = tpu.memref_slice %arg7[%add3A, %dma_start3A_367] : memref<32x16384xf32, #tpu.memory_space<hbm>> -> memref<1x16384xf32, #tpu.memory_space<hbm>>
    %dma_start3A_369 = tpu.memref_squeeze %dma_start3A_368 : memref<1x16384xf32, #tpu.memory_space<hbm>> -> memref<16384xf32, #tpu.memory_space<hbm>>
    %dma_start3A_370 = arith.constant 0 : i32
    %dma_start3A_371 = tpu.memref_slice %arg31[%dma_start3A_360, %dma_start3A_370] : memref<2x16384xf32, #tpu.memory_space<vmem>> -> memref<1x16384xf32, #tpu.memory_space<vmem>>
    %dma_start3A_372 = tpu.memref_squeeze %dma_start3A_371 : memref<1x16384xf32, #tpu.memory_space<vmem>> -> memref<16384xf32, #tpu.memory_space<vmem>>
    tpu.enqueue_dma source(%dma_start3A_372 : memref<16384xf32, #tpu.memory_space<vmem>>) target(%dma_start3A_369 : memref<16384xf32, #tpu.memory_space<hbm>>) target_semaphore(%arg34 : memref<!tpu.dma_semaphore, #tpu.memory_space<semaphore_mem>>)
    %dma_wait3A_373 = arith.constant 0 : i32
    %dma_wait3A_374 = arith.constant 0 : i32
    %dma_wait3A_375 = arith.constant 0 : i32
    %dma_wait3A_376 = arith.constant 0 : i32
    %dma_wait3A_377 = tpu.memref_slice %arg31[%dma_wait3A_375, %dma_wait3A_376] : memref<2x16384xf32, #tpu.memory_space<vmem>> -> memref<1x16384xf32, #tpu.memory_space<vmem>>
    %dma_wait3A_378 = tpu.memref_squeeze %dma_wait3A_377 : memref<1x16384xf32, #tpu.memory_space<vmem>> -> memref<16384xf32, #tpu.memory_space<vmem>>
    %dma_wait3A_379 = arith.constant 0 : i32
    %dma_wait3A_380 = tpu.memref_slice %arg30[%dma_wait3A_374, %dma_wait3A_379] : memref<2x16384xi32, #tpu.memory_space<vmem>> -> memref<1x16384xi32, #tpu.memory_space<vmem>>
    %dma_wait3A_381 = tpu.memref_squeeze %dma_wait3A_380 : memref<1x16384xi32, #tpu.memory_space<vmem>> -> memref<16384xi32, #tpu.memory_space<vmem>>
    %dma_wait3A_382 = arith.constant 0 : i32
    %dma_wait3A_383 = tpu.memref_slice %arg2[%dma_wait3A_373, %dma_wait3A_382] : memref<832x100000xf32, #tpu.memory_space<hbm>> -> memref<1x100000xf32, #tpu.memory_space<hbm>>
    %dma_wait3A_384 = tpu.memref_squeeze %dma_wait3A_383 : memref<1x100000xf32, #tpu.memory_space<hbm>> -> memref<100000xf32, #tpu.memory_space<hbm>>
    %dma_wait3A_385 = arith.constant 0 : i32
    %dma_wait3A_386 = tpu.memref_slice %dma_wait3A_384[%dma_wait3A_385] : memref<100000xf32, #tpu.memory_space<hbm>> -> memref<100000xf32, #tpu.memory_space<hbm>>
    tpu.wait_indirect_dma semaphore(%arg33 : memref<!tpu.dma_semaphore, #tpu.memory_space<semaphore_mem>>) src(%dma_wait3A_386 : memref<100000xf32, #tpu.memory_space<hbm>>) dst(%dma_wait3A_378 : memref<16384xf32, #tpu.memory_space<vmem>>)
    %dma_wait3A_387 = arith.constant 0 : i32
    %dma_wait3A_388 = arith.constant 0 : i32
    %dma_wait3A_389 = arith.constant 0 : i32
    %dma_wait3A_390 = tpu.memref_slice %arg30[%dma_wait3A_388, %dma_wait3A_389] : memref<2x16384xi32, #tpu.memory_space<vmem>> -> memref<1x16384xi32, #tpu.memory_space<vmem>>
    %dma_wait3A_391 = tpu.memref_squeeze %dma_wait3A_390 : memref<1x16384xi32, #tpu.memory_space<vmem>> -> memref<16384xi32, #tpu.memory_space<vmem>>
    %dma_wait3A_392 = arith.constant 0 : i32
    %dma_wait3A_393 = tpu.memref_slice %arg3[%dma_wait3A_387, %dma_wait3A_392] : memref<26x16384xi32, #tpu.memory_space<hbm>> -> memref<1x16384xi32, #tpu.memory_space<hbm>>
    %dma_wait3A_394 = tpu.memref_squeeze %dma_wait3A_393 : memref<1x16384xi32, #tpu.memory_space<hbm>> -> memref<16384xi32, #tpu.memory_space<hbm>>
    %dma_wait3A_395 = arith.constant 0 : i32
    %dma_wait3A_396 = tpu.memref_slice %arg30[%dma_wait3A_388, %dma_wait3A_395] : memref<2x16384xi32, #tpu.memory_space<vmem>> -> memref<1x16384xi32, #tpu.memory_space<vmem>>
    %dma_wait3A_397 = tpu.memref_squeeze %dma_wait3A_396 : memref<1x16384xi32, #tpu.memory_space<vmem>> -> memref<16384xi32, #tpu.memory_space<vmem>>
    %dma_wait3A_398 = arith.constant 0 : i32
    %dma_wait3A_399 = tpu.memref_slice %arg3[%dma_wait3A_387, %dma_wait3A_398] : memref<26x16384xi32, #tpu.memory_space<hbm>> -> memref<1x16384xi32, #tpu.memory_space<hbm>>
    %dma_wait3A_400 = tpu.memref_squeeze %dma_wait3A_399 : memref<1x16384xi32, #tpu.memory_space<hbm>> -> memref<16384xi32, #tpu.memory_space<hbm>>
    tpu.wait_dma2 semaphore(%arg32 : memref<!tpu.dma_semaphore, #tpu.memory_space<semaphore_mem>>) src(%dma_wait3A_400 : memref<16384xi32, #tpu.memory_space<hbm>>) dst(%dma_wait3A_397 : memref<16384xi32, #tpu.memory_space<vmem>>)
    %dma_wait3A_401 = arith.constant 0 : i32
    %dma_wait3A_402 = arith.constant 0 : i32
    %dma_wait3A_403 = tpu.memref_slice %arg31[%dma_wait3A_401, %dma_wait3A_402] : memref<2x16384xf32, #tpu.memory_space<vmem>> -> memref<1x16384xf32, #tpu.memory_space<vmem>>
    %dma_wait3A_404 = tpu.memref_squeeze %dma_wait3A_403 : memref<1x16384xf32, #tpu.memory_space<vmem>> -> memref<16384xf32, #tpu.memory_space<vmem>>
    %dma_wait3A_405 = arith.constant 0 : i32
    %dma_wait3A_406 = tpu.memref_slice %arg4[%add3A, %dma_wait3A_405] : memref<32x16384xf32, #tpu.memory_space<hbm>> -> memref<1x16384xf32, #tpu.memory_space<hbm>>
    %dma_wait3A_407 = tpu.memref_squeeze %dma_wait3A_406 : memref<1x16384xf32, #tpu.memory_space<hbm>> -> memref<16384xf32, #tpu.memory_space<hbm>>
    %dma_wait3A_408 = arith.constant 0 : i32
    %dma_wait3A_409 = tpu.memref_slice %arg4[%add3A, %dma_wait3A_408] : memref<32x16384xf32, #tpu.memory_space<hbm>> -> memref<1x16384xf32, #tpu.memory_space<hbm>>
    %dma_wait3A_410 = tpu.memref_squeeze %dma_wait3A_409 : memref<1x16384xf32, #tpu.memory_space<hbm>> -> memref<16384xf32, #tpu.memory_space<hbm>>
    %dma_wait3A_411 = arith.constant 0 : i32
    %dma_wait3A_412 = tpu.memref_slice %arg31[%dma_wait3A_401, %dma_wait3A_411] : memref<2x16384xf32, #tpu.memory_space<vmem>> -> memref<1x16384xf32, #tpu.memory_space<vmem>>
    %dma_wait3A_413 = tpu.memref_squeeze %dma_wait3A_412 : memref<1x16384xf32, #tpu.memory_space<vmem>> -> memref<16384xf32, #tpu.memory_space<vmem>>
    tpu.wait_dma2 semaphore(%arg34 : memref<!tpu.dma_semaphore, #tpu.memory_space<semaphore_mem>>) src(%dma_wait3A_413 : memref<16384xf32, #tpu.memory_space<vmem>>) dst(%dma_wait3A_410 : memref<16384xf32, #tpu.memory_space<hbm>>)
    %add3A_414 = arith.constant 160 : i32
    %add3A_415 = arith.addi %add3A_414, %add3A : i32
    %dma_start3A_416 = arith.constant 1 : i32
    %dma_start3A_417 = arith.constant 1 : i32
    %dma_start3A_418 = arith.constant 0 : i32
    %dma_start3A_419 = tpu.memref_slice %arg31[%dma_start3A_417, %dma_start3A_418] : memref<2x16384xf32, #tpu.memory_space<vmem>> -> memref<1x16384xf32, #tpu.memory_space<vmem>>
    %dma_start3A_420 = tpu.memref_squeeze %dma_start3A_419 : memref<1x16384xf32, #tpu.memory_space<vmem>> -> memref<16384xf32, #tpu.memory_space<vmem>>
    %dma_start3A_421 = arith.constant 0 : i32
    %dma_start3A_422 = tpu.memref_slice %arg30[%dma_start3A_416, %dma_start3A_421] : memref<2x16384xi32, #tpu.memory_space<vmem>> -> memref<1x16384xi32, #tpu.memory_space<vmem>>
    %dma_start3A_423 = tpu.memref_squeeze %dma_start3A_422 : memref<1x16384xi32, #tpu.memory_space<vmem>> -> memref<16384xi32, #tpu.memory_space<vmem>>
    %dma_start3A_424 = arith.constant 0 : i32
    %dma_start3A_425 = tpu.memref_slice %arg2[%add3A_415, %dma_start3A_424] : memref<832x100000xf32, #tpu.memory_space<hbm>> -> memref<1x100000xf32, #tpu.memory_space<hbm>>
    %dma_start3A_426 = tpu.memref_squeeze %dma_start3A_425 : memref<1x100000xf32, #tpu.memory_space<hbm>> -> memref<100000xf32, #tpu.memory_space<hbm>>
    %dma_start3A_427 = arith.constant 0 : i32
    %dma_start3A_428 = tpu.memref_slice %dma_start3A_426[%dma_start3A_427] : memref<100000xf32, #tpu.memory_space<hbm>> -> memref<100000xf32, #tpu.memory_space<hbm>>
    tpu.enqueue_indirect_dma source(%dma_start3A_428 : memref<100000xf32, #tpu.memory_space<hbm>>) target(%dma_start3A_420 : memref<16384xf32, #tpu.memory_space<vmem>>) offsets(%dma_start3A_423 : memref<16384xi32, #tpu.memory_space<vmem>>) semaphore(%arg33 : memref<!tpu.dma_semaphore, #tpu.memory_space<semaphore_mem>>)
    %dma_start3A_429 = arith.constant 6 : i32
    %dma_start3A_430 = arith.constant 0 : i32
    %dma_start3A_431 = arith.constant 0 : i32
    %dma_start3A_432 = tpu.memref_slice %arg30[%dma_start3A_430, %dma_start3A_431] : memref<2x16384xi32, #tpu.memory_space<vmem>> -> memref<1x16384xi32, #tpu.memory_space<vmem>>
    %dma_start3A_433 = tpu.memref_squeeze %dma_start3A_432 : memref<1x16384xi32, #tpu.memory_space<vmem>> -> memref<16384xi32, #tpu.memory_space<vmem>>
    %dma_start3A_434 = arith.constant 0 : i32
    %dma_start3A_435 = tpu.memref_slice %arg3[%dma_start3A_429, %dma_start3A_434] : memref<26x16384xi32, #tpu.memory_space<hbm>> -> memref<1x16384xi32, #tpu.memory_space<hbm>>
    %dma_start3A_436 = tpu.memref_squeeze %dma_start3A_435 : memref<1x16384xi32, #tpu.memory_space<hbm>> -> memref<16384xi32, #tpu.memory_space<hbm>>
    %dma_start3A_437 = arith.constant 0 : i32
    %dma_start3A_438 = tpu.memref_slice %arg30[%dma_start3A_430, %dma_start3A_437] : memref<2x16384xi32, #tpu.memory_space<vmem>> -> memref<1x16384xi32, #tpu.memory_space<vmem>>
    %dma_start3A_439 = tpu.memref_squeeze %dma_start3A_438 : memref<1x16384xi32, #tpu.memory_space<vmem>> -> memref<16384xi32, #tpu.memory_space<vmem>>
    %dma_start3A_440 = arith.constant 0 : i32
    %dma_start3A_441 = tpu.memref_slice %arg3[%dma_start3A_429, %dma_start3A_440] : memref<26x16384xi32, #tpu.memory_space<hbm>> -> memref<1x16384xi32, #tpu.memory_space<hbm>>
    %dma_start3A_442 = tpu.memref_squeeze %dma_start3A_441 : memref<1x16384xi32, #tpu.memory_space<hbm>> -> memref<16384xi32, #tpu.memory_space<hbm>>
    tpu.enqueue_dma source(%dma_start3A_442 : memref<16384xi32, #tpu.memory_space<hbm>>) target(%dma_start3A_439 : memref<16384xi32, #tpu.memory_space<vmem>>) target_semaphore(%arg32 : memref<!tpu.dma_semaphore, #tpu.memory_space<semaphore_mem>>)
    %dma_start3A_443 = arith.constant 0 : i32
    %dma_start3A_444 = arith.constant 0 : i32
    %dma_start3A_445 = tpu.memref_slice %arg31[%dma_start3A_443, %dma_start3A_444] : memref<2x16384xf32, #tpu.memory_space<vmem>> -> memref<1x16384xf32, #tpu.memory_space<vmem>>
    %dma_start3A_446 = tpu.memref_squeeze %dma_start3A_445 : memref<1x16384xf32, #tpu.memory_space<vmem>> -> memref<16384xf32, #tpu.memory_space<vmem>>
    %dma_start3A_447 = arith.constant 0 : i32
    %dma_start3A_448 = tpu.memref_slice %arg8[%add3A, %dma_start3A_447] : memref<32x16384xf32, #tpu.memory_space<hbm>> -> memref<1x16384xf32, #tpu.memory_space<hbm>>
    %dma_start3A_449 = tpu.memref_squeeze %dma_start3A_448 : memref<1x16384xf32, #tpu.memory_space<hbm>> -> memref<16384xf32, #tpu.memory_space<hbm>>
    %dma_start3A_450 = arith.constant 0 : i32
    %dma_start3A_451 = tpu.memref_slice %arg8[%add3A, %dma_start3A_450] : memref<32x16384xf32, #tpu.memory_space<hbm>> -> memref<1x16384xf32, #tpu.memory_space<hbm>>
    %dma_start3A_452 = tpu.memref_squeeze %dma_start3A_451 : memref<1x16384xf32, #tpu.memory_space<hbm>> -> memref<16384xf32, #tpu.memory_space<hbm>>
    %dma_start3A_453 = arith.constant 0 : i32
    %dma_start3A_454 = tpu.memref_slice %arg31[%dma_start3A_443, %dma_start3A_453] : memref<2x16384xf32, #tpu.memory_space<vmem>> -> memref<1x16384xf32, #tpu.memory_space<vmem>>
    %dma_start3A_455 = tpu.memref_squeeze %dma_start3A_454 : memref<1x16384xf32, #tpu.memory_space<vmem>> -> memref<16384xf32, #tpu.memory_space<vmem>>
    tpu.enqueue_dma source(%dma_start3A_455 : memref<16384xf32, #tpu.memory_space<vmem>>) target(%dma_start3A_452 : memref<16384xf32, #tpu.memory_space<hbm>>) target_semaphore(%arg34 : memref<!tpu.dma_semaphore, #tpu.memory_space<semaphore_mem>>)
    %dma_wait3A_456 = arith.constant 0 : i32
    %dma_wait3A_457 = arith.constant 1 : i32
    %dma_wait3A_458 = arith.constant 1 : i32
    %dma_wait3A_459 = arith.constant 0 : i32
    %dma_wait3A_460 = tpu.memref_slice %arg31[%dma_wait3A_458, %dma_wait3A_459] : memref<2x16384xf32, #tpu.memory_space<vmem>> -> memref<1x16384xf32, #tpu.memory_space<vmem>>
    %dma_wait3A_461 = tpu.memref_squeeze %dma_wait3A_460 : memref<1x16384xf32, #tpu.memory_space<vmem>> -> memref<16384xf32, #tpu.memory_space<vmem>>
    %dma_wait3A_462 = arith.constant 0 : i32
    %dma_wait3A_463 = tpu.memref_slice %arg30[%dma_wait3A_457, %dma_wait3A_462] : memref<2x16384xi32, #tpu.memory_space<vmem>> -> memref<1x16384xi32, #tpu.memory_space<vmem>>
    %dma_wait3A_464 = tpu.memref_squeeze %dma_wait3A_463 : memref<1x16384xi32, #tpu.memory_space<vmem>> -> memref<16384xi32, #tpu.memory_space<vmem>>
    %dma_wait3A_465 = arith.constant 0 : i32
    %dma_wait3A_466 = tpu.memref_slice %arg2[%dma_wait3A_456, %dma_wait3A_465] : memref<832x100000xf32, #tpu.memory_space<hbm>> -> memref<1x100000xf32, #tpu.memory_space<hbm>>
    %dma_wait3A_467 = tpu.memref_squeeze %dma_wait3A_466 : memref<1x100000xf32, #tpu.memory_space<hbm>> -> memref<100000xf32, #tpu.memory_space<hbm>>
    %dma_wait3A_468 = arith.constant 0 : i32
    %dma_wait3A_469 = tpu.memref_slice %dma_wait3A_467[%dma_wait3A_468] : memref<100000xf32, #tpu.memory_space<hbm>> -> memref<100000xf32, #tpu.memory_space<hbm>>
    tpu.wait_indirect_dma semaphore(%arg33 : memref<!tpu.dma_semaphore, #tpu.memory_space<semaphore_mem>>) src(%dma_wait3A_469 : memref<100000xf32, #tpu.memory_space<hbm>>) dst(%dma_wait3A_461 : memref<16384xf32, #tpu.memory_space<vmem>>)
    %dma_wait3A_470 = arith.constant 0 : i32
    %dma_wait3A_471 = arith.constant 0 : i32
    %dma_wait3A_472 = arith.constant 0 : i32
    %dma_wait3A_473 = tpu.memref_slice %arg30[%dma_wait3A_471, %dma_wait3A_472] : memref<2x16384xi32, #tpu.memory_space<vmem>> -> memref<1x16384xi32, #tpu.memory_space<vmem>>
    %dma_wait3A_474 = tpu.memref_squeeze %dma_wait3A_473 : memref<1x16384xi32, #tpu.memory_space<vmem>> -> memref<16384xi32, #tpu.memory_space<vmem>>
    %dma_wait3A_475 = arith.constant 0 : i32
    %dma_wait3A_476 = tpu.memref_slice %arg3[%dma_wait3A_470, %dma_wait3A_475] : memref<26x16384xi32, #tpu.memory_space<hbm>> -> memref<1x16384xi32, #tpu.memory_space<hbm>>
    %dma_wait3A_477 = tpu.memref_squeeze %dma_wait3A_476 : memref<1x16384xi32, #tpu.memory_space<hbm>> -> memref<16384xi32, #tpu.memory_space<hbm>>
    %dma_wait3A_478 = arith.constant 0 : i32
    %dma_wait3A_479 = tpu.memref_slice %arg30[%dma_wait3A_471, %dma_wait3A_478] : memref<2x16384xi32, #tpu.memory_space<vmem>> -> memref<1x16384xi32, #tpu.memory_space<vmem>>
    %dma_wait3A_480 = tpu.memref_squeeze %dma_wait3A_479 : memref<1x16384xi32, #tpu.memory_space<vmem>> -> memref<16384xi32, #tpu.memory_space<vmem>>
    %dma_wait3A_481 = arith.constant 0 : i32
    %dma_wait3A_482 = tpu.memref_slice %arg3[%dma_wait3A_470, %dma_wait3A_481] : memref<26x16384xi32, #tpu.memory_space<hbm>> -> memref<1x16384xi32, #tpu.memory_space<hbm>>
    %dma_wait3A_483 = tpu.memref_squeeze %dma_wait3A_482 : memref<1x16384xi32, #tpu.memory_space<hbm>> -> memref<16384xi32, #tpu.memory_space<hbm>>
    tpu.wait_dma2 semaphore(%arg32 : memref<!tpu.dma_semaphore, #tpu.memory_space<semaphore_mem>>) src(%dma_wait3A_483 : memref<16384xi32, #tpu.memory_space<hbm>>) dst(%dma_wait3A_480 : memref<16384xi32, #tpu.memory_space<vmem>>)
    %dma_wait3A_484 = arith.constant 0 : i32
    %dma_wait3A_485 = arith.constant 0 : i32
    %dma_wait3A_486 = tpu.memref_slice %arg31[%dma_wait3A_484, %dma_wait3A_485] : memref<2x16384xf32, #tpu.memory_space<vmem>> -> memref<1x16384xf32, #tpu.memory_space<vmem>>
    %dma_wait3A_487 = tpu.memref_squeeze %dma_wait3A_486 : memref<1x16384xf32, #tpu.memory_space<vmem>> -> memref<16384xf32, #tpu.memory_space<vmem>>
    %dma_wait3A_488 = arith.constant 0 : i32
    %dma_wait3A_489 = tpu.memref_slice %arg4[%add3A, %dma_wait3A_488] : memref<32x16384xf32, #tpu.memory_space<hbm>> -> memref<1x16384xf32, #tpu.memory_space<hbm>>
    %dma_wait3A_490 = tpu.memref_squeeze %dma_wait3A_489 : memref<1x16384xf32, #tpu.memory_space<hbm>> -> memref<16384xf32, #tpu.memory_space<hbm>>
    %dma_wait3A_491 = arith.constant 0 : i32
    %dma_wait3A_492 = tpu.memref_slice %arg4[%add3A, %dma_wait3A_491] : memref<32x16384xf32, #tpu.memory_space<hbm>> -> memref<1x16384xf32, #tpu.memory_space<hbm>>
    %dma_wait3A_493 = tpu.memref_squeeze %dma_wait3A_492 : memref<1x16384xf32, #tpu.memory_space<hbm>> -> memref<16384xf32, #tpu.memory_space<hbm>>
    %dma_wait3A_494 = arith.constant 0 : i32
    %dma_wait3A_495 = tpu.memref_slice %arg31[%dma_wait3A_484, %dma_wait3A_494] : memref<2x16384xf32, #tpu.memory_space<vmem>> -> memref<1x16384xf32, #tpu.memory_space<vmem>>
    %dma_wait3A_496 = tpu.memref_squeeze %dma_wait3A_495 : memref<1x16384xf32, #tpu.memory_space<vmem>> -> memref<16384xf32, #tpu.memory_space<vmem>>
    tpu.wait_dma2 semaphore(%arg34 : memref<!tpu.dma_semaphore, #tpu.memory_space<semaphore_mem>>) src(%dma_wait3A_496 : memref<16384xf32, #tpu.memory_space<vmem>>) dst(%dma_wait3A_493 : memref<16384xf32, #tpu.memory_space<hbm>>)
    %add3A_497 = arith.constant 192 : i32
    %add3A_498 = arith.addi %add3A_497, %add3A : i32
    %dma_start3A_499 = arith.constant 0 : i32
    %dma_start3A_500 = arith.constant 0 : i32
    %dma_start3A_501 = arith.constant 0 : i32
    %dma_start3A_502 = tpu.memref_slice %arg31[%dma_start3A_500, %dma_start3A_501] : memref<2x16384xf32, #tpu.memory_space<vmem>> -> memref<1x16384xf32, #tpu.memory_space<vmem>>
    %dma_start3A_503 = tpu.memref_squeeze %dma_start3A_502 : memref<1x16384xf32, #tpu.memory_space<vmem>> -> memref<16384xf32, #tpu.memory_space<vmem>>
    %dma_start3A_504 = arith.constant 0 : i32
    %dma_start3A_505 = tpu.memref_slice %arg30[%dma_start3A_499, %dma_start3A_504] : memref<2x16384xi32, #tpu.memory_space<vmem>> -> memref<1x16384xi32, #tpu.memory_space<vmem>>
    %dma_start3A_506 = tpu.memref_squeeze %dma_start3A_505 : memref<1x16384xi32, #tpu.memory_space<vmem>> -> memref<16384xi32, #tpu.memory_space<vmem>>
    %dma_start3A_507 = arith.constant 0 : i32
    %dma_start3A_508 = tpu.memref_slice %arg2[%add3A_498, %dma_start3A_507] : memref<832x100000xf32, #tpu.memory_space<hbm>> -> memref<1x100000xf32, #tpu.memory_space<hbm>>
    %dma_start3A_509 = tpu.memref_squeeze %dma_start3A_508 : memref<1x100000xf32, #tpu.memory_space<hbm>> -> memref<100000xf32, #tpu.memory_space<hbm>>
    %dma_start3A_510 = arith.constant 0 : i32
    %dma_start3A_511 = tpu.memref_slice %dma_start3A_509[%dma_start3A_510] : memref<100000xf32, #tpu.memory_space<hbm>> -> memref<100000xf32, #tpu.memory_space<hbm>>
    tpu.enqueue_indirect_dma source(%dma_start3A_511 : memref<100000xf32, #tpu.memory_space<hbm>>) target(%dma_start3A_503 : memref<16384xf32, #tpu.memory_space<vmem>>) offsets(%dma_start3A_506 : memref<16384xi32, #tpu.memory_space<vmem>>) semaphore(%arg33 : memref<!tpu.dma_semaphore, #tpu.memory_space<semaphore_mem>>)
    %dma_start3A_512 = arith.constant 7 : i32
    %dma_start3A_513 = arith.constant 1 : i32
    %dma_start3A_514 = arith.constant 0 : i32
    %dma_start3A_515 = tpu.memref_slice %arg30[%dma_start3A_513, %dma_start3A_514] : memref<2x16384xi32, #tpu.memory_space<vmem>> -> memref<1x16384xi32, #tpu.memory_space<vmem>>
    %dma_start3A_516 = tpu.memref_squeeze %dma_start3A_515 : memref<1x16384xi32, #tpu.memory_space<vmem>> -> memref<16384xi32, #tpu.memory_space<vmem>>
    %dma_start3A_517 = arith.constant 0 : i32
    %dma_start3A_518 = tpu.memref_slice %arg3[%dma_start3A_512, %dma_start3A_517] : memref<26x16384xi32, #tpu.memory_space<hbm>> -> memref<1x16384xi32, #tpu.memory_space<hbm>>
    %dma_start3A_519 = tpu.memref_squeeze %dma_start3A_518 : memref<1x16384xi32, #tpu.memory_space<hbm>> -> memref<16384xi32, #tpu.memory_space<hbm>>
    %dma_start3A_520 = arith.constant 0 : i32
    %dma_start3A_521 = tpu.memref_slice %arg30[%dma_start3A_513, %dma_start3A_520] : memref<2x16384xi32, #tpu.memory_space<vmem>> -> memref<1x16384xi32, #tpu.memory_space<vmem>>
    %dma_start3A_522 = tpu.memref_squeeze %dma_start3A_521 : memref<1x16384xi32, #tpu.memory_space<vmem>> -> memref<16384xi32, #tpu.memory_space<vmem>>
    %dma_start3A_523 = arith.constant 0 : i32
    %dma_start3A_524 = tpu.memref_slice %arg3[%dma_start3A_512, %dma_start3A_523] : memref<26x16384xi32, #tpu.memory_space<hbm>> -> memref<1x16384xi32, #tpu.memory_space<hbm>>
    %dma_start3A_525 = tpu.memref_squeeze %dma_start3A_524 : memref<1x16384xi32, #tpu.memory_space<hbm>> -> memref<16384xi32, #tpu.memory_space<hbm>>
    tpu.enqueue_dma source(%dma_start3A_525 : memref<16384xi32, #tpu.memory_space<hbm>>) target(%dma_start3A_522 : memref<16384xi32, #tpu.memory_space<vmem>>) target_semaphore(%arg32 : memref<!tpu.dma_semaphore, #tpu.memory_space<semaphore_mem>>)
    %dma_start3A_526 = arith.constant 1 : i32
    %dma_start3A_527 = arith.constant 0 : i32
    %dma_start3A_528 = tpu.memref_slice %arg31[%dma_start3A_526, %dma_start3A_527] : memref<2x16384xf32, #tpu.memory_space<vmem>> -> memref<1x16384xf32, #tpu.memory_space<vmem>>
    %dma_start3A_529 = tpu.memref_squeeze %dma_start3A_528 : memref<1x16384xf32, #tpu.memory_space<vmem>> -> memref<16384xf32, #tpu.memory_space<vmem>>
    %dma_start3A_530 = arith.constant 0 : i32
    %dma_start3A_531 = tpu.memref_slice %arg9[%add3A, %dma_start3A_530] : memref<32x16384xf32, #tpu.memory_space<hbm>> -> memref<1x16384xf32, #tpu.memory_space<hbm>>
    %dma_start3A_532 = tpu.memref_squeeze %dma_start3A_531 : memref<1x16384xf32, #tpu.memory_space<hbm>> -> memref<16384xf32, #tpu.memory_space<hbm>>
    %dma_start3A_533 = arith.constant 0 : i32
    %dma_start3A_534 = tpu.memref_slice %arg9[%add3A, %dma_start3A_533] : memref<32x16384xf32, #tpu.memory_space<hbm>> -> memref<1x16384xf32, #tpu.memory_space<hbm>>
    %dma_start3A_535 = tpu.memref_squeeze %dma_start3A_534 : memref<1x16384xf32, #tpu.memory_space<hbm>> -> memref<16384xf32, #tpu.memory_space<hbm>>
    %dma_start3A_536 = arith.constant 0 : i32
    %dma_start3A_537 = tpu.memref_slice %arg31[%dma_start3A_526, %dma_start3A_536] : memref<2x16384xf32, #tpu.memory_space<vmem>> -> memref<1x16384xf32, #tpu.memory_space<vmem>>
    %dma_start3A_538 = tpu.memref_squeeze %dma_start3A_537 : memref<1x16384xf32, #tpu.memory_space<vmem>> -> memref<16384xf32, #tpu.memory_space<vmem>>
    tpu.enqueue_dma source(%dma_start3A_538 : memref<16384xf32, #tpu.memory_space<vmem>>) target(%dma_start3A_535 : memref<16384xf32, #tpu.memory_space<hbm>>) target_semaphore(%arg34 : memref<!tpu.dma_semaphore, #tpu.memory_space<semaphore_mem>>)
    %dma_wait3A_539 = arith.constant 0 : i32
    %dma_wait3A_540 = arith.constant 0 : i32
    %dma_wait3A_541 = arith.constant 0 : i32
    %dma_wait3A_542 = arith.constant 0 : i32
    %dma_wait3A_543 = tpu.memref_slice %arg31[%dma_wait3A_541, %dma_wait3A_542] : memref<2x16384xf32, #tpu.memory_space<vmem>> -> memref<1x16384xf32, #tpu.memory_space<vmem>>
    %dma_wait3A_544 = tpu.memref_squeeze %dma_wait3A_543 : memref<1x16384xf32, #tpu.memory_space<vmem>> -> memref<16384xf32, #tpu.memory_space<vmem>>
    %dma_wait3A_545 = arith.constant 0 : i32
    %dma_wait3A_546 = tpu.memref_slice %arg30[%dma_wait3A_540, %dma_wait3A_545] : memref<2x16384xi32, #tpu.memory_space<vmem>> -> memref<1x16384xi32, #tpu.memory_space<vmem>>
    %dma_wait3A_547 = tpu.memref_squeeze %dma_wait3A_546 : memref<1x16384xi32, #tpu.memory_space<vmem>> -> memref<16384xi32, #tpu.memory_space<vmem>>
    %dma_wait3A_548 = arith.constant 0 : i32
    %dma_wait3A_549 = tpu.memref_slice %arg2[%dma_wait3A_539, %dma_wait3A_548] : memref<832x100000xf32, #tpu.memory_space<hbm>> -> memref<1x100000xf32, #tpu.memory_space<hbm>>
    %dma_wait3A_550 = tpu.memref_squeeze %dma_wait3A_549 : memref<1x100000xf32, #tpu.memory_space<hbm>> -> memref<100000xf32, #tpu.memory_space<hbm>>
    %dma_wait3A_551 = arith.constant 0 : i32
    %dma_wait3A_552 = tpu.memref_slice %dma_wait3A_550[%dma_wait3A_551] : memref<100000xf32, #tpu.memory_space<hbm>> -> memref<100000xf32, #tpu.memory_space<hbm>>
    tpu.wait_indirect_dma semaphore(%arg33 : memref<!tpu.dma_semaphore, #tpu.memory_space<semaphore_mem>>) src(%dma_wait3A_552 : memref<100000xf32, #tpu.memory_space<hbm>>) dst(%dma_wait3A_544 : memref<16384xf32, #tpu.memory_space<vmem>>)
    %dma_wait3A_553 = arith.constant 0 : i32
    %dma_wait3A_554 = arith.constant 0 : i32
    %dma_wait3A_555 = arith.constant 0 : i32
    %dma_wait3A_556 = tpu.memref_slice %arg30[%dma_wait3A_554, %dma_wait3A_555] : memref<2x16384xi32, #tpu.memory_space<vmem>> -> memref<1x16384xi32, #tpu.memory_space<vmem>>
    %dma_wait3A_557 = tpu.memref_squeeze %dma_wait3A_556 : memref<1x16384xi32, #tpu.memory_space<vmem>> -> memref<16384xi32, #tpu.memory_space<vmem>>
    %dma_wait3A_558 = arith.constant 0 : i32
    %dma_wait3A_559 = tpu.memref_slice %arg3[%dma_wait3A_553, %dma_wait3A_558] : memref<26x16384xi32, #tpu.memory_space<hbm>> -> memref<1x16384xi32, #tpu.memory_space<hbm>>
    %dma_wait3A_560 = tpu.memref_squeeze %dma_wait3A_559 : memref<1x16384xi32, #tpu.memory_space<hbm>> -> memref<16384xi32, #tpu.memory_space<hbm>>
    %dma_wait3A_561 = arith.constant 0 : i32
    %dma_wait3A_562 = tpu.memref_slice %arg30[%dma_wait3A_554, %dma_wait3A_561] : memref<2x16384xi32, #tpu.memory_space<vmem>> -> memref<1x16384xi32, #tpu.memory_space<vmem>>
    %dma_wait3A_563 = tpu.memref_squeeze %dma_wait3A_562 : memref<1x16384xi32, #tpu.memory_space<vmem>> -> memref<16384xi32, #tpu.memory_space<vmem>>
    %dma_wait3A_564 = arith.constant 0 : i32
    %dma_wait3A_565 = tpu.memref_slice %arg3[%dma_wait3A_553, %dma_wait3A_564] : memref<26x16384xi32, #tpu.memory_space<hbm>> -> memref<1x16384xi32, #tpu.memory_space<hbm>>
    %dma_wait3A_566 = tpu.memref_squeeze %dma_wait3A_565 : memref<1x16384xi32, #tpu.memory_space<hbm>> -> memref<16384xi32, #tpu.memory_space<hbm>>
    tpu.wait_dma2 semaphore(%arg32 : memref<!tpu.dma_semaphore, #tpu.memory_space<semaphore_mem>>) src(%dma_wait3A_566 : memref<16384xi32, #tpu.memory_space<hbm>>) dst(%dma_wait3A_563 : memref<16384xi32, #tpu.memory_space<vmem>>)
    %dma_wait3A_567 = arith.constant 0 : i32
    %dma_wait3A_568 = arith.constant 0 : i32
    %dma_wait3A_569 = tpu.memref_slice %arg31[%dma_wait3A_567, %dma_wait3A_568] : memref<2x16384xf32, #tpu.memory_space<vmem>> -> memref<1x16384xf32, #tpu.memory_space<vmem>>
    %dma_wait3A_570 = tpu.memref_squeeze %dma_wait3A_569 : memref<1x16384xf32, #tpu.memory_space<vmem>> -> memref<16384xf32, #tpu.memory_space<vmem>>
    %dma_wait3A_571 = arith.constant 0 : i32
    %dma_wait3A_572 = tpu.memref_slice %arg4[%add3A, %dma_wait3A_571] : memref<32x16384xf32, #tpu.memory_space<hbm>> -> memref<1x16384xf32, #tpu.memory_space<hbm>>
    %dma_wait3A_573 = tpu.memref_squeeze %dma_wait3A_572 : memref<1x16384xf32, #tpu.memory_space<hbm>> -> memref<16384xf32, #tpu.memory_space<hbm>>
    %dma_wait3A_574 = arith.constant 0 : i32
    %dma_wait3A_575 = tpu.memref_slice %arg4[%add3A, %dma_wait3A_574] : memref<32x16384xf32, #tpu.memory_space<hbm>> -> memref<1x16384xf32, #tpu.memory_space<hbm>>
    %dma_wait3A_576 = tpu.memref_squeeze %dma_wait3A_575 : memref<1x16384xf32, #tpu.memory_space<hbm>> -> memref<16384xf32, #tpu.memory_space<hbm>>
    %dma_wait3A_577 = arith.constant 0 : i32
    %dma_wait3A_578 = tpu.memref_slice %arg31[%dma_wait3A_567, %dma_wait3A_577] : memref<2x16384xf32, #tpu.memory_space<vmem>> -> memref<1x16384xf32, #tpu.memory_space<vmem>>
    %dma_wait3A_579 = tpu.memref_squeeze %dma_wait3A_578 : memref<1x16384xf32, #tpu.memory_space<vmem>> -> memref<16384xf32, #tpu.memory_space<vmem>>
    tpu.wait_dma2 semaphore(%arg34 : memref<!tpu.dma_semaphore, #tpu.memory_space<semaphore_mem>>) src(%dma_wait3A_579 : memref<16384xf32, #tpu.memory_space<vmem>>) dst(%dma_wait3A_576 : memref<16384xf32, #tpu.memory_space<hbm>>)
    %add3A_580 = arith.constant 224 : i32
    %add3A_581 = arith.addi %add3A_580, %add3A : i32
    %dma_start3A_582 = arith.constant 1 : i32
    %dma_start3A_583 = arith.constant 1 : i32
    %dma_start3A_584 = arith.constant 0 : i32
    %dma_start3A_585 = tpu.memref_slice %arg31[%dma_start3A_583, %dma_start3A_584] : memref<2x16384xf32, #tpu.memory_space<vmem>> -> memref<1x16384xf32, #tpu.memory_space<vmem>>
    %dma_start3A_586 = tpu.memref_squeeze %dma_start3A_585 : memref<1x16384xf32, #tpu.memory_space<vmem>> -> memref<16384xf32, #tpu.memory_space<vmem>>
    %dma_start3A_587 = arith.constant 0 : i32
    %dma_start3A_588 = tpu.memref_slice %arg30[%dma_start3A_582, %dma_start3A_587] : memref<2x16384xi32, #tpu.memory_space<vmem>> -> memref<1x16384xi32, #tpu.memory_space<vmem>>
    %dma_start3A_589 = tpu.memref_squeeze %dma_start3A_588 : memref<1x16384xi32, #tpu.memory_space<vmem>> -> memref<16384xi32, #tpu.memory_space<vmem>>
    %dma_start3A_590 = arith.constant 0 : i32
    %dma_start3A_591 = tpu.memref_slice %arg2[%add3A_581, %dma_start3A_590] : memref<832x100000xf32, #tpu.memory_space<hbm>> -> memref<1x100000xf32, #tpu.memory_space<hbm>>
    %dma_start3A_592 = tpu.memref_squeeze %dma_start3A_591 : memref<1x100000xf32, #tpu.memory_space<hbm>> -> memref<100000xf32, #tpu.memory_space<hbm>>
    %dma_start3A_593 = arith.constant 0 : i32
    %dma_start3A_594 = tpu.memref_slice %dma_start3A_592[%dma_start3A_593] : memref<100000xf32, #tpu.memory_space<hbm>> -> memref<100000xf32, #tpu.memory_space<hbm>>
    tpu.enqueue_indirect_dma source(%dma_start3A_594 : memref<100000xf32, #tpu.memory_space<hbm>>) target(%dma_start3A_586 : memref<16384xf32, #tpu.memory_space<vmem>>) offsets(%dma_start3A_589 : memref<16384xi32, #tpu.memory_space<vmem>>) semaphore(%arg33 : memref<!tpu.dma_semaphore, #tpu.memory_space<semaphore_mem>>)
    %dma_start3A_595 = arith.constant 8 : i32
    %dma_start3A_596 = arith.constant 0 : i32
    %dma_start3A_597 = arith.constant 0 : i32
    %dma_start3A_598 = tpu.memref_slice %arg30[%dma_start3A_596, %dma_start3A_597] : memref<2x16384xi32, #tpu.memory_space<vmem>> -> memref<1x16384xi32, #tpu.memory_space<vmem>>
    %dma_start3A_599 = tpu.memref_squeeze %dma_start3A_598 : memref<1x16384xi32, #tpu.memory_space<vmem>> -> memref<16384xi32, #tpu.memory_space<vmem>>
    %dma_start3A_600 = arith.constant 0 : i32
    %dma_start3A_601 = tpu.memref_slice %arg3[%dma_start3A_595, %dma_start3A_600] : memref<26x16384xi32, #tpu.memory_space<hbm>> -> memref<1x16384xi32, #tpu.memory_space<hbm>>
    %dma_start3A_602 = tpu.memref_squeeze %dma_start3A_601 : memref<1x16384xi32, #tpu.memory_space<hbm>> -> memref<16384xi32, #tpu.memory_space<hbm>>
    %dma_start3A_603 = arith.constant 0 : i32
    %dma_start3A_604 = tpu.memref_slice %arg30[%dma_start3A_596, %dma_start3A_603] : memref<2x16384xi32, #tpu.memory_space<vmem>> -> memref<1x16384xi32, #tpu.memory_space<vmem>>
    %dma_start3A_605 = tpu.memref_squeeze %dma_start3A_604 : memref<1x16384xi32, #tpu.memory_space<vmem>> -> memref<16384xi32, #tpu.memory_space<vmem>>
    %dma_start3A_606 = arith.constant 0 : i32
    %dma_start3A_607 = tpu.memref_slice %arg3[%dma_start3A_595, %dma_start3A_606] : memref<26x16384xi32, #tpu.memory_space<hbm>> -> memref<1x16384xi32, #tpu.memory_space<hbm>>
    %dma_start3A_608 = tpu.memref_squeeze %dma_start3A_607 : memref<1x16384xi32, #tpu.memory_space<hbm>> -> memref<16384xi32, #tpu.memory_space<hbm>>
    tpu.enqueue_dma source(%dma_start3A_608 : memref<16384xi32, #tpu.memory_space<hbm>>) target(%dma_start3A_605 : memref<16384xi32, #tpu.memory_space<vmem>>) target_semaphore(%arg32 : memref<!tpu.dma_semaphore, #tpu.memory_space<semaphore_mem>>)
    %dma_start3A_609 = arith.constant 0 : i32
    %dma_start3A_610 = arith.constant 0 : i32
    %dma_start3A_611 = tpu.memref_slice %arg31[%dma_start3A_609, %dma_start3A_610] : memref<2x16384xf32, #tpu.memory_space<vmem>> -> memref<1x16384xf32, #tpu.memory_space<vmem>>
    %dma_start3A_612 = tpu.memref_squeeze %dma_start3A_611 : memref<1x16384xf32, #tpu.memory_space<vmem>> -> memref<16384xf32, #tpu.memory_space<vmem>>
    %dma_start3A_613 = arith.constant 0 : i32
    %dma_start3A_614 = tpu.memref_slice %arg10[%add3A, %dma_start3A_613] : memref<32x16384xf32, #tpu.memory_space<hbm>> -> memref<1x16384xf32, #tpu.memory_space<hbm>>
    %dma_start3A_615 = tpu.memref_squeeze %dma_start3A_614 : memref<1x16384xf32, #tpu.memory_space<hbm>> -> memref<16384xf32, #tpu.memory_space<hbm>>
    %dma_start3A_616 = arith.constant 0 : i32
    %dma_start3A_617 = tpu.memref_slice %arg10[%add3A, %dma_start3A_616] : memref<32x16384xf32, #tpu.memory_space<hbm>> -> memref<1x16384xf32, #tpu.memory_space<hbm>>
    %dma_start3A_618 = tpu.memref_squeeze %dma_start3A_617 : memref<1x16384xf32, #tpu.memory_space<hbm>> -> memref<16384xf32, #tpu.memory_space<hbm>>
    %dma_start3A_619 = arith.constant 0 : i32
    %dma_start3A_620 = tpu.memref_slice %arg31[%dma_start3A_609, %dma_start3A_619] : memref<2x16384xf32, #tpu.memory_space<vmem>> -> memref<1x16384xf32, #tpu.memory_space<vmem>>
    %dma_start3A_621 = tpu.memref_squeeze %dma_start3A_620 : memref<1x16384xf32, #tpu.memory_space<vmem>> -> memref<16384xf32, #tpu.memory_space<vmem>>
    tpu.enqueue_dma source(%dma_start3A_621 : memref<16384xf32, #tpu.memory_space<vmem>>) target(%dma_start3A_618 : memref<16384xf32, #tpu.memory_space<hbm>>) target_semaphore(%arg34 : memref<!tpu.dma_semaphore, #tpu.memory_space<semaphore_mem>>)
    %dma_wait3A_622 = arith.constant 0 : i32
    %dma_wait3A_623 = arith.constant 1 : i32
    %dma_wait3A_624 = arith.constant 1 : i32
    %dma_wait3A_625 = arith.constant 0 : i32
    %dma_wait3A_626 = tpu.memref_slice %arg31[%dma_wait3A_624, %dma_wait3A_625] : memref<2x16384xf32, #tpu.memory_space<vmem>> -> memref<1x16384xf32, #tpu.memory_space<vmem>>
    %dma_wait3A_627 = tpu.memref_squeeze %dma_wait3A_626 : memref<1x16384xf32, #tpu.memory_space<vmem>> -> memref<16384xf32, #tpu.memory_space<vmem>>
    %dma_wait3A_628 = arith.constant 0 : i32
    %dma_wait3A_629 = tpu.memref_slice %arg30[%dma_wait3A_623, %dma_wait3A_628] : memref<2x16384xi32, #tpu.memory_space<vmem>> -> memref<1x16384xi32, #tpu.memory_space<vmem>>
    %dma_wait3A_630 = tpu.memref_squeeze %dma_wait3A_629 : memref<1x16384xi32, #tpu.memory_space<vmem>> -> memref<16384xi32, #tpu.memory_space<vmem>>
    %dma_wait3A_631 = arith.constant 0 : i32
    %dma_wait3A_632 = tpu.memref_slice %arg2[%dma_wait3A_622, %dma_wait3A_631] : memref<832x100000xf32, #tpu.memory_space<hbm>> -> memref<1x100000xf32, #tpu.memory_space<hbm>>
    %dma_wait3A_633 = tpu.memref_squeeze %dma_wait3A_632 : memref<1x100000xf32, #tpu.memory_space<hbm>> -> memref<100000xf32, #tpu.memory_space<hbm>>
    %dma_wait3A_634 = arith.constant 0 : i32
    %dma_wait3A_635 = tpu.memref_slice %dma_wait3A_633[%dma_wait3A_634] : memref<100000xf32, #tpu.memory_space<hbm>> -> memref<100000xf32, #tpu.memory_space<hbm>>
    tpu.wait_indirect_dma semaphore(%arg33 : memref<!tpu.dma_semaphore, #tpu.memory_space<semaphore_mem>>) src(%dma_wait3A_635 : memref<100000xf32, #tpu.memory_space<hbm>>) dst(%dma_wait3A_627 : memref<16384xf32, #tpu.memory_space<vmem>>)
    %dma_wait3A_636 = arith.constant 0 : i32
    %dma_wait3A_637 = arith.constant 0 : i32
    %dma_wait3A_638 = arith.constant 0 : i32
    %dma_wait3A_639 = tpu.memref_slice %arg30[%dma_wait3A_637, %dma_wait3A_638] : memref<2x16384xi32, #tpu.memory_space<vmem>> -> memref<1x16384xi32, #tpu.memory_space<vmem>>
    %dma_wait3A_640 = tpu.memref_squeeze %dma_wait3A_639 : memref<1x16384xi32, #tpu.memory_space<vmem>> -> memref<16384xi32, #tpu.memory_space<vmem>>
    %dma_wait3A_641 = arith.constant 0 : i32
    %dma_wait3A_642 = tpu.memref_slice %arg3[%dma_wait3A_636, %dma_wait3A_641] : memref<26x16384xi32, #tpu.memory_space<hbm>> -> memref<1x16384xi32, #tpu.memory_space<hbm>>
    %dma_wait3A_643 = tpu.memref_squeeze %dma_wait3A_642 : memref<1x16384xi32, #tpu.memory_space<hbm>> -> memref<16384xi32, #tpu.memory_space<hbm>>
    %dma_wait3A_644 = arith.constant 0 : i32
    %dma_wait3A_645 = tpu.memref_slice %arg30[%dma_wait3A_637, %dma_wait3A_644] : memref<2x16384xi32, #tpu.memory_space<vmem>> -> memref<1x16384xi32, #tpu.memory_space<vmem>>
    %dma_wait3A_646 = tpu.memref_squeeze %dma_wait3A_645 : memref<1x16384xi32, #tpu.memory_space<vmem>> -> memref<16384xi32, #tpu.memory_space<vmem>>
    %dma_wait3A_647 = arith.constant 0 : i32
    %dma_wait3A_648 = tpu.memref_slice %arg3[%dma_wait3A_636, %dma_wait3A_647] : memref<26x16384xi32, #tpu.memory_space<hbm>> -> memref<1x16384xi32, #tpu.memory_space<hbm>>
    %dma_wait3A_649 = tpu.memref_squeeze %dma_wait3A_648 : memref<1x16384xi32, #tpu.memory_space<hbm>> -> memref<16384xi32, #tpu.memory_space<hbm>>
    tpu.wait_dma2 semaphore(%arg32 : memref<!tpu.dma_semaphore, #tpu.memory_space<semaphore_mem>>) src(%dma_wait3A_649 : memref<16384xi32, #tpu.memory_space<hbm>>) dst(%dma_wait3A_646 : memref<16384xi32, #tpu.memory_space<vmem>>)
    %dma_wait3A_650 = arith.constant 0 : i32
    %dma_wait3A_651 = arith.constant 0 : i32
    %dma_wait3A_652 = tpu.memref_slice %arg31[%dma_wait3A_650, %dma_wait3A_651] : memref<2x16384xf32, #tpu.memory_space<vmem>> -> memref<1x16384xf32, #tpu.memory_space<vmem>>
    %dma_wait3A_653 = tpu.memref_squeeze %dma_wait3A_652 : memref<1x16384xf32, #tpu.memory_space<vmem>> -> memref<16384xf32, #tpu.memory_space<vmem>>
    %dma_wait3A_654 = arith.constant 0 : i32
    %dma_wait3A_655 = tpu.memref_slice %arg4[%add3A, %dma_wait3A_654] : memref<32x16384xf32, #tpu.memory_space<hbm>> -> memref<1x16384xf32, #tpu.memory_space<hbm>>
    %dma_wait3A_656 = tpu.memref_squeeze %dma_wait3A_655 : memref<1x16384xf32, #tpu.memory_space<hbm>> -> memref<16384xf32, #tpu.memory_space<hbm>>
    %dma_wait3A_657 = arith.constant 0 : i32
    %dma_wait3A_658 = tpu.memref_slice %arg4[%add3A, %dma_wait3A_657] : memref<32x16384xf32, #tpu.memory_space<hbm>> -> memref<1x16384xf32, #tpu.memory_space<hbm>>
    %dma_wait3A_659 = tpu.memref_squeeze %dma_wait3A_658 : memref<1x16384xf32, #tpu.memory_space<hbm>> -> memref<16384xf32, #tpu.memory_space<hbm>>
    %dma_wait3A_660 = arith.constant 0 : i32
    %dma_wait3A_661 = tpu.memref_slice %arg31[%dma_wait3A_650, %dma_wait3A_660] : memref<2x16384xf32, #tpu.memory_space<vmem>> -> memref<1x16384xf32, #tpu.memory_space<vmem>>
    %dma_wait3A_662 = tpu.memref_squeeze %dma_wait3A_661 : memref<1x16384xf32, #tpu.memory_space<vmem>> -> memref<16384xf32, #tpu.memory_space<vmem>>
    tpu.wait_dma2 semaphore(%arg34 : memref<!tpu.dma_semaphore, #tpu.memory_space<semaphore_mem>>) src(%dma_wait3A_662 : memref<16384xf32, #tpu.memory_space<vmem>>) dst(%dma_wait3A_659 : memref<16384xf32, #tpu.memory_space<hbm>>)
    %add3A_663 = arith.constant 256 : i32
    %add3A_664 = arith.addi %add3A_663, %add3A : i32
    %dma_start3A_665 = arith.constant 0 : i32
    %dma_start3A_666 = arith.constant 0 : i32
    %dma_start3A_667 = arith.constant 0 : i32
    %dma_start3A_668 = tpu.memref_slice %arg31[%dma_start3A_666, %dma_start3A_667] : memref<2x16384xf32, #tpu.memory_space<vmem>> -> memref<1x16384xf32, #tpu.memory_space<vmem>>
    %dma_start3A_669 = tpu.memref_squeeze %dma_start3A_668 : memref<1x16384xf32, #tpu.memory_space<vmem>> -> memref<16384xf32, #tpu.memory_space<vmem>>
    %dma_start3A_670 = arith.constant 0 : i32
    %dma_start3A_671 = tpu.memref_slice %arg30[%dma_start3A_665, %dma_start3A_670] : memref<2x16384xi32, #tpu.memory_space<vmem>> -> memref<1x16384xi32, #tpu.memory_space<vmem>>
    %dma_start3A_672 = tpu.memref_squeeze %dma_start3A_671 : memref<1x16384xi32, #tpu.memory_space<vmem>> -> memref<16384xi32, #tpu.memory_space<vmem>>
    %dma_start3A_673 = arith.constant 0 : i32
    %dma_start3A_674 = tpu.memref_slice %arg2[%add3A_664, %dma_start3A_673] : memref<832x100000xf32, #tpu.memory_space<hbm>> -> memref<1x100000xf32, #tpu.memory_space<hbm>>
    %dma_start3A_675 = tpu.memref_squeeze %dma_start3A_674 : memref<1x100000xf32, #tpu.memory_space<hbm>> -> memref<100000xf32, #tpu.memory_space<hbm>>
    %dma_start3A_676 = arith.constant 0 : i32
    %dma_start3A_677 = tpu.memref_slice %dma_start3A_675[%dma_start3A_676] : memref<100000xf32, #tpu.memory_space<hbm>> -> memref<100000xf32, #tpu.memory_space<hbm>>
    tpu.enqueue_indirect_dma source(%dma_start3A_677 : memref<100000xf32, #tpu.memory_space<hbm>>) target(%dma_start3A_669 : memref<16384xf32, #tpu.memory_space<vmem>>) offsets(%dma_start3A_672 : memref<16384xi32, #tpu.memory_space<vmem>>) semaphore(%arg33 : memref<!tpu.dma_semaphore, #tpu.memory_space<semaphore_mem>>)
    %dma_start3A_678 = arith.constant 9 : i32
    %dma_start3A_679 = arith.constant 1 : i32
    %dma_start3A_680 = arith.constant 0 : i32
    %dma_start3A_681 = tpu.memref_slice %arg30[%dma_start3A_679, %dma_start3A_680] : memref<2x16384xi32, #tpu.memory_space<vmem>> -> memref<1x16384xi32, #tpu.memory_space<vmem>>
    %dma_start3A_682 = tpu.memref_squeeze %dma_start3A_681 : memref<1x16384xi32, #tpu.memory_space<vmem>> -> memref<16384xi32, #tpu.memory_space<vmem>>
    %dma_start3A_683 = arith.constant 0 : i32
    %dma_start3A_684 = tpu.memref_slice %arg3[%dma_start3A_678, %dma_start3A_683] : memref<26x16384xi32, #tpu.memory_space<hbm>> -> memref<1x16384xi32, #tpu.memory_space<hbm>>
    %dma_start3A_685 = tpu.memref_squeeze %dma_start3A_684 : memref<1x16384xi32, #tpu.memory_space<hbm>> -> memref<16384xi32, #tpu.memory_space<hbm>>
    %dma_start3A_686 = arith.constant 0 : i32
    %dma_start3A_687 = tpu.memref_slice %arg30[%dma_start3A_679, %dma_start3A_686] : memref<2x16384xi32, #tpu.memory_space<vmem>> -> memref<1x16384xi32, #tpu.memory_space<vmem>>
    %dma_start3A_688 = tpu.memref_squeeze %dma_start3A_687 : memref<1x16384xi32, #tpu.memory_space<vmem>> -> memref<16384xi32, #tpu.memory_space<vmem>>
    %dma_start3A_689 = arith.constant 0 : i32
    %dma_start3A_690 = tpu.memref_slice %arg3[%dma_start3A_678, %dma_start3A_689] : memref<26x16384xi32, #tpu.memory_space<hbm>> -> memref<1x16384xi32, #tpu.memory_space<hbm>>
    %dma_start3A_691 = tpu.memref_squeeze %dma_start3A_690 : memref<1x16384xi32, #tpu.memory_space<hbm>> -> memref<16384xi32, #tpu.memory_space<hbm>>
    tpu.enqueue_dma source(%dma_start3A_691 : memref<16384xi32, #tpu.memory_space<hbm>>) target(%dma_start3A_688 : memref<16384xi32, #tpu.memory_space<vmem>>) target_semaphore(%arg32 : memref<!tpu.dma_semaphore, #tpu.memory_space<semaphore_mem>>)
    %dma_start3A_692 = arith.constant 1 : i32
    %dma_start3A_693 = arith.constant 0 : i32
    %dma_start3A_694 = tpu.memref_slice %arg31[%dma_start3A_692, %dma_start3A_693] : memref<2x16384xf32, #tpu.memory_space<vmem>> -> memref<1x16384xf32, #tpu.memory_space<vmem>>
    %dma_start3A_695 = tpu.memref_squeeze %dma_start3A_694 : memref<1x16384xf32, #tpu.memory_space<vmem>> -> memref<16384xf32, #tpu.memory_space<vmem>>
    %dma_start3A_696 = arith.constant 0 : i32
    %dma_start3A_697 = tpu.memref_slice %arg11[%add3A, %dma_start3A_696] : memref<32x16384xf32, #tpu.memory_space<hbm>> -> memref<1x16384xf32, #tpu.memory_space<hbm>>
    %dma_start3A_698 = tpu.memref_squeeze %dma_start3A_697 : memref<1x16384xf32, #tpu.memory_space<hbm>> -> memref<16384xf32, #tpu.memory_space<hbm>>
    %dma_start3A_699 = arith.constant 0 : i32
    %dma_start3A_700 = tpu.memref_slice %arg11[%add3A, %dma_start3A_699] : memref<32x16384xf32, #tpu.memory_space<hbm>> -> memref<1x16384xf32, #tpu.memory_space<hbm>>
    %dma_start3A_701 = tpu.memref_squeeze %dma_start3A_700 : memref<1x16384xf32, #tpu.memory_space<hbm>> -> memref<16384xf32, #tpu.memory_space<hbm>>
    %dma_start3A_702 = arith.constant 0 : i32
    %dma_start3A_703 = tpu.memref_slice %arg31[%dma_start3A_692, %dma_start3A_702] : memref<2x16384xf32, #tpu.memory_space<vmem>> -> memref<1x16384xf32, #tpu.memory_space<vmem>>
    %dma_start3A_704 = tpu.memref_squeeze %dma_start3A_703 : memref<1x16384xf32, #tpu.memory_space<vmem>> -> memref<16384xf32, #tpu.memory_space<vmem>>
    tpu.enqueue_dma source(%dma_start3A_704 : memref<16384xf32, #tpu.memory_space<vmem>>) target(%dma_start3A_701 : memref<16384xf32, #tpu.memory_space<hbm>>) target_semaphore(%arg34 : memref<!tpu.dma_semaphore, #tpu.memory_space<semaphore_mem>>)
    %dma_wait3A_705 = arith.constant 0 : i32
    %dma_wait3A_706 = arith.constant 0 : i32
    %dma_wait3A_707 = arith.constant 0 : i32
    %dma_wait3A_708 = arith.constant 0 : i32
    %dma_wait3A_709 = tpu.memref_slice %arg31[%dma_wait3A_707, %dma_wait3A_708] : memref<2x16384xf32, #tpu.memory_space<vmem>> -> memref<1x16384xf32, #tpu.memory_space<vmem>>
    %dma_wait3A_710 = tpu.memref_squeeze %dma_wait3A_709 : memref<1x16384xf32, #tpu.memory_space<vmem>> -> memref<16384xf32, #tpu.memory_space<vmem>>
    %dma_wait3A_711 = arith.constant 0 : i32
    %dma_wait3A_712 = tpu.memref_slice %arg30[%dma_wait3A_706, %dma_wait3A_711] : memref<2x16384xi32, #tpu.memory_space<vmem>> -> memref<1x16384xi32, #tpu.memory_space<vmem>>
    %dma_wait3A_713 = tpu.memref_squeeze %dma_wait3A_712 : memref<1x16384xi32, #tpu.memory_space<vmem>> -> memref<16384xi32, #tpu.memory_space<vmem>>
    %dma_wait3A_714 = arith.constant 0 : i32
    %dma_wait3A_715 = tpu.memref_slice %arg2[%dma_wait3A_705, %dma_wait3A_714] : memref<832x100000xf32, #tpu.memory_space<hbm>> -> memref<1x100000xf32, #tpu.memory_space<hbm>>
    %dma_wait3A_716 = tpu.memref_squeeze %dma_wait3A_715 : memref<1x100000xf32, #tpu.memory_space<hbm>> -> memref<100000xf32, #tpu.memory_space<hbm>>
    %dma_wait3A_717 = arith.constant 0 : i32
    %dma_wait3A_718 = tpu.memref_slice %dma_wait3A_716[%dma_wait3A_717] : memref<100000xf32, #tpu.memory_space<hbm>> -> memref<100000xf32, #tpu.memory_space<hbm>>
    tpu.wait_indirect_dma semaphore(%arg33 : memref<!tpu.dma_semaphore, #tpu.memory_space<semaphore_mem>>) src(%dma_wait3A_718 : memref<100000xf32, #tpu.memory_space<hbm>>) dst(%dma_wait3A_710 : memref<16384xf32, #tpu.memory_space<vmem>>)
    %dma_wait3A_719 = arith.constant 0 : i32
    %dma_wait3A_720 = arith.constant 0 : i32
    %dma_wait3A_721 = arith.constant 0 : i32
    %dma_wait3A_722 = tpu.memref_slice %arg30[%dma_wait3A_720, %dma_wait3A_721] : memref<2x16384xi32, #tpu.memory_space<vmem>> -> memref<1x16384xi32, #tpu.memory_space<vmem>>
    %dma_wait3A_723 = tpu.memref_squeeze %dma_wait3A_722 : memref<1x16384xi32, #tpu.memory_space<vmem>> -> memref<16384xi32, #tpu.memory_space<vmem>>
    %dma_wait3A_724 = arith.constant 0 : i32
    %dma_wait3A_725 = tpu.memref_slice %arg3[%dma_wait3A_719, %dma_wait3A_724] : memref<26x16384xi32, #tpu.memory_space<hbm>> -> memref<1x16384xi32, #tpu.memory_space<hbm>>
    %dma_wait3A_726 = tpu.memref_squeeze %dma_wait3A_725 : memref<1x16384xi32, #tpu.memory_space<hbm>> -> memref<16384xi32, #tpu.memory_space<hbm>>
    %dma_wait3A_727 = arith.constant 0 : i32
    %dma_wait3A_728 = tpu.memref_slice %arg30[%dma_wait3A_720, %dma_wait3A_727] : memref<2x16384xi32, #tpu.memory_space<vmem>> -> memref<1x16384xi32, #tpu.memory_space<vmem>>
    %dma_wait3A_729 = tpu.memref_squeeze %dma_wait3A_728 : memref<1x16384xi32, #tpu.memory_space<vmem>> -> memref<16384xi32, #tpu.memory_space<vmem>>
    %dma_wait3A_730 = arith.constant 0 : i32
    %dma_wait3A_731 = tpu.memref_slice %arg3[%dma_wait3A_719, %dma_wait3A_730] : memref<26x16384xi32, #tpu.memory_space<hbm>> -> memref<1x16384xi32, #tpu.memory_space<hbm>>
    %dma_wait3A_732 = tpu.memref_squeeze %dma_wait3A_731 : memref<1x16384xi32, #tpu.memory_space<hbm>> -> memref<16384xi32, #tpu.memory_space<hbm>>
    tpu.wait_dma2 semaphore(%arg32 : memref<!tpu.dma_semaphore, #tpu.memory_space<semaphore_mem>>) src(%dma_wait3A_732 : memref<16384xi32, #tpu.memory_space<hbm>>) dst(%dma_wait3A_729 : memref<16384xi32, #tpu.memory_space<vmem>>)
    %dma_wait3A_733 = arith.constant 0 : i32
    %dma_wait3A_734 = arith.constant 0 : i32
    %dma_wait3A_735 = tpu.memref_slice %arg31[%dma_wait3A_733, %dma_wait3A_734] : memref<2x16384xf32, #tpu.memory_space<vmem>> -> memref<1x16384xf32, #tpu.memory_space<vmem>>
    %dma_wait3A_736 = tpu.memref_squeeze %dma_wait3A_735 : memref<1x16384xf32, #tpu.memory_space<vmem>> -> memref<16384xf32, #tpu.memory_space<vmem>>
    %dma_wait3A_737 = arith.constant 0 : i32
    %dma_wait3A_738 = tpu.memref_slice %arg4[%add3A, %dma_wait3A_737] : memref<32x16384xf32, #tpu.memory_space<hbm>> -> memref<1x16384xf32, #tpu.memory_space<hbm>>
    %dma_wait3A_739 = tpu.memref_squeeze %dma_wait3A_738 : memref<1x16384xf32, #tpu.memory_space<hbm>> -> memref<16384xf32, #tpu.memory_space<hbm>>
    %dma_wait3A_740 = arith.constant 0 : i32
    %dma_wait3A_741 = tpu.memref_slice %arg4[%add3A, %dma_wait3A_740] : memref<32x16384xf32, #tpu.memory_space<hbm>> -> memref<1x16384xf32, #tpu.memory_space<hbm>>
    %dma_wait3A_742 = tpu.memref_squeeze %dma_wait3A_741 : memref<1x16384xf32, #tpu.memory_space<hbm>> -> memref<16384xf32, #tpu.memory_space<hbm>>
    %dma_wait3A_743 = arith.constant 0 : i32
    %dma_wait3A_744 = tpu.memref_slice %arg31[%dma_wait3A_733, %dma_wait3A_743] : memref<2x16384xf32, #tpu.memory_space<vmem>> -> memref<1x16384xf32, #tpu.memory_space<vmem>>
    %dma_wait3A_745 = tpu.memref_squeeze %dma_wait3A_744 : memref<1x16384xf32, #tpu.memory_space<vmem>> -> memref<16384xf32, #tpu.memory_space<vmem>>
    tpu.wait_dma2 semaphore(%arg34 : memref<!tpu.dma_semaphore, #tpu.memory_space<semaphore_mem>>) src(%dma_wait3A_745 : memref<16384xf32, #tpu.memory_space<vmem>>) dst(%dma_wait3A_742 : memref<16384xf32, #tpu.memory_space<hbm>>)
    %add3A_746 = arith.constant 288 : i32
    %add3A_747 = arith.addi %add3A_746, %add3A : i32
    %dma_start3A_748 = arith.constant 1 : i32
    %dma_start3A_749 = arith.constant 1 : i32
    %dma_start3A_750 = arith.constant 0 : i32
    %dma_start3A_751 = tpu.memref_slice %arg31[%dma_start3A_749, %dma_start3A_750] : memref<2x16384xf32, #tpu.memory_space<vmem>> -> memref<1x16384xf32, #tpu.memory_space<vmem>>
    %dma_start3A_752 = tpu.memref_squeeze %dma_start3A_751 : memref<1x16384xf32, #tpu.memory_space<vmem>> -> memref<16384xf32, #tpu.memory_space<vmem>>
    %dma_start3A_753 = arith.constant 0 : i32
    %dma_start3A_754 = tpu.memref_slice %arg30[%dma_start3A_748, %dma_start3A_753] : memref<2x16384xi32, #tpu.memory_space<vmem>> -> memref<1x16384xi32, #tpu.memory_space<vmem>>
    %dma_start3A_755 = tpu.memref_squeeze %dma_start3A_754 : memref<1x16384xi32, #tpu.memory_space<vmem>> -> memref<16384xi32, #tpu.memory_space<vmem>>
    %dma_start3A_756 = arith.constant 0 : i32
    %dma_start3A_757 = tpu.memref_slice %arg2[%add3A_747, %dma_start3A_756] : memref<832x100000xf32, #tpu.memory_space<hbm>> -> memref<1x100000xf32, #tpu.memory_space<hbm>>
    %dma_start3A_758 = tpu.memref_squeeze %dma_start3A_757 : memref<1x100000xf32, #tpu.memory_space<hbm>> -> memref<100000xf32, #tpu.memory_space<hbm>>
    %dma_start3A_759 = arith.constant 0 : i32
    %dma_start3A_760 = tpu.memref_slice %dma_start3A_758[%dma_start3A_759] : memref<100000xf32, #tpu.memory_space<hbm>> -> memref<100000xf32, #tpu.memory_space<hbm>>
    tpu.enqueue_indirect_dma source(%dma_start3A_760 : memref<100000xf32, #tpu.memory_space<hbm>>) target(%dma_start3A_752 : memref<16384xf32, #tpu.memory_space<vmem>>) offsets(%dma_start3A_755 : memref<16384xi32, #tpu.memory_space<vmem>>) semaphore(%arg33 : memref<!tpu.dma_semaphore, #tpu.memory_space<semaphore_mem>>)
    %dma_start3A_761 = arith.constant 10 : i32
    %dma_start3A_762 = arith.constant 0 : i32
    %dma_start3A_763 = arith.constant 0 : i32
    %dma_start3A_764 = tpu.memref_slice %arg30[%dma_start3A_762, %dma_start3A_763] : memref<2x16384xi32, #tpu.memory_space<vmem>> -> memref<1x16384xi32, #tpu.memory_space<vmem>>
    %dma_start3A_765 = tpu.memref_squeeze %dma_start3A_764 : memref<1x16384xi32, #tpu.memory_space<vmem>> -> memref<16384xi32, #tpu.memory_space<vmem>>
    %dma_start3A_766 = arith.constant 0 : i32
    %dma_start3A_767 = tpu.memref_slice %arg3[%dma_start3A_761, %dma_start3A_766] : memref<26x16384xi32, #tpu.memory_space<hbm>> -> memref<1x16384xi32, #tpu.memory_space<hbm>>
    %dma_start3A_768 = tpu.memref_squeeze %dma_start3A_767 : memref<1x16384xi32, #tpu.memory_space<hbm>> -> memref<16384xi32, #tpu.memory_space<hbm>>
    %dma_start3A_769 = arith.constant 0 : i32
    %dma_start3A_770 = tpu.memref_slice %arg30[%dma_start3A_762, %dma_start3A_769] : memref<2x16384xi32, #tpu.memory_space<vmem>> -> memref<1x16384xi32, #tpu.memory_space<vmem>>
    %dma_start3A_771 = tpu.memref_squeeze %dma_start3A_770 : memref<1x16384xi32, #tpu.memory_space<vmem>> -> memref<16384xi32, #tpu.memory_space<vmem>>
    %dma_start3A_772 = arith.constant 0 : i32
    %dma_start3A_773 = tpu.memref_slice %arg3[%dma_start3A_761, %dma_start3A_772] : memref<26x16384xi32, #tpu.memory_space<hbm>> -> memref<1x16384xi32, #tpu.memory_space<hbm>>
    %dma_start3A_774 = tpu.memref_squeeze %dma_start3A_773 : memref<1x16384xi32, #tpu.memory_space<hbm>> -> memref<16384xi32, #tpu.memory_space<hbm>>
    tpu.enqueue_dma source(%dma_start3A_774 : memref<16384xi32, #tpu.memory_space<hbm>>) target(%dma_start3A_771 : memref<16384xi32, #tpu.memory_space<vmem>>) target_semaphore(%arg32 : memref<!tpu.dma_semaphore, #tpu.memory_space<semaphore_mem>>)
    %dma_start3A_775 = arith.constant 0 : i32
    %dma_start3A_776 = arith.constant 0 : i32
    %dma_start3A_777 = tpu.memref_slice %arg31[%dma_start3A_775, %dma_start3A_776] : memref<2x16384xf32, #tpu.memory_space<vmem>> -> memref<1x16384xf32, #tpu.memory_space<vmem>>
    %dma_start3A_778 = tpu.memref_squeeze %dma_start3A_777 : memref<1x16384xf32, #tpu.memory_space<vmem>> -> memref<16384xf32, #tpu.memory_space<vmem>>
    %dma_start3A_779 = arith.constant 0 : i32
    %dma_start3A_780 = tpu.memref_slice %arg12[%add3A, %dma_start3A_779] : memref<32x16384xf32, #tpu.memory_space<hbm>> -> memref<1x16384xf32, #tpu.memory_space<hbm>>
    %dma_start3A_781 = tpu.memref_squeeze %dma_start3A_780 : memref<1x16384xf32, #tpu.memory_space<hbm>> -> memref<16384xf32, #tpu.memory_space<hbm>>
    %dma_start3A_782 = arith.constant 0 : i32
    %dma_start3A_783 = tpu.memref_slice %arg12[%add3A, %dma_start3A_782] : memref<32x16384xf32, #tpu.memory_space<hbm>> -> memref<1x16384xf32, #tpu.memory_space<hbm>>
    %dma_start3A_784 = tpu.memref_squeeze %dma_start3A_783 : memref<1x16384xf32, #tpu.memory_space<hbm>> -> memref<16384xf32, #tpu.memory_space<hbm>>
    %dma_start3A_785 = arith.constant 0 : i32
    %dma_start3A_786 = tpu.memref_slice %arg31[%dma_start3A_775, %dma_start3A_785] : memref<2x16384xf32, #tpu.memory_space<vmem>> -> memref<1x16384xf32, #tpu.memory_space<vmem>>
    %dma_start3A_787 = tpu.memref_squeeze %dma_start3A_786 : memref<1x16384xf32, #tpu.memory_space<vmem>> -> memref<16384xf32, #tpu.memory_space<vmem>>
    tpu.enqueue_dma source(%dma_start3A_787 : memref<16384xf32, #tpu.memory_space<vmem>>) target(%dma_start3A_784 : memref<16384xf32, #tpu.memory_space<hbm>>) target_semaphore(%arg34 : memref<!tpu.dma_semaphore, #tpu.memory_space<semaphore_mem>>)
    %dma_wait3A_788 = arith.constant 0 : i32
    %dma_wait3A_789 = arith.constant 1 : i32
    %dma_wait3A_790 = arith.constant 1 : i32
    %dma_wait3A_791 = arith.constant 0 : i32
    %dma_wait3A_792 = tpu.memref_slice %arg31[%dma_wait3A_790, %dma_wait3A_791] : memref<2x16384xf32, #tpu.memory_space<vmem>> -> memref<1x16384xf32, #tpu.memory_space<vmem>>
    %dma_wait3A_793 = tpu.memref_squeeze %dma_wait3A_792 : memref<1x16384xf32, #tpu.memory_space<vmem>> -> memref<16384xf32, #tpu.memory_space<vmem>>
    %dma_wait3A_794 = arith.constant 0 : i32
    %dma_wait3A_795 = tpu.memref_slice %arg30[%dma_wait3A_789, %dma_wait3A_794] : memref<2x16384xi32, #tpu.memory_space<vmem>> -> memref<1x16384xi32, #tpu.memory_space<vmem>>
    %dma_wait3A_796 = tpu.memref_squeeze %dma_wait3A_795 : memref<1x16384xi32, #tpu.memory_space<vmem>> -> memref<16384xi32, #tpu.memory_space<vmem>>
    %dma_wait3A_797 = arith.constant 0 : i32
    %dma_wait3A_798 = tpu.memref_slice %arg2[%dma_wait3A_788, %dma_wait3A_797] : memref<832x100000xf32, #tpu.memory_space<hbm>> -> memref<1x100000xf32, #tpu.memory_space<hbm>>
    %dma_wait3A_799 = tpu.memref_squeeze %dma_wait3A_798 : memref<1x100000xf32, #tpu.memory_space<hbm>> -> memref<100000xf32, #tpu.memory_space<hbm>>
    %dma_wait3A_800 = arith.constant 0 : i32
    %dma_wait3A_801 = tpu.memref_slice %dma_wait3A_799[%dma_wait3A_800] : memref<100000xf32, #tpu.memory_space<hbm>> -> memref<100000xf32, #tpu.memory_space<hbm>>
    tpu.wait_indirect_dma semaphore(%arg33 : memref<!tpu.dma_semaphore, #tpu.memory_space<semaphore_mem>>) src(%dma_wait3A_801 : memref<100000xf32, #tpu.memory_space<hbm>>) dst(%dma_wait3A_793 : memref<16384xf32, #tpu.memory_space<vmem>>)
    %dma_wait3A_802 = arith.constant 0 : i32
    %dma_wait3A_803 = arith.constant 0 : i32
    %dma_wait3A_804 = arith.constant 0 : i32
    %dma_wait3A_805 = tpu.memref_slice %arg30[%dma_wait3A_803, %dma_wait3A_804] : memref<2x16384xi32, #tpu.memory_space<vmem>> -> memref<1x16384xi32, #tpu.memory_space<vmem>>
    %dma_wait3A_806 = tpu.memref_squeeze %dma_wait3A_805 : memref<1x16384xi32, #tpu.memory_space<vmem>> -> memref<16384xi32, #tpu.memory_space<vmem>>
    %dma_wait3A_807 = arith.constant 0 : i32
    %dma_wait3A_808 = tpu.memref_slice %arg3[%dma_wait3A_802, %dma_wait3A_807] : memref<26x16384xi32, #tpu.memory_space<hbm>> -> memref<1x16384xi32, #tpu.memory_space<hbm>>
    %dma_wait3A_809 = tpu.memref_squeeze %dma_wait3A_808 : memref<1x16384xi32, #tpu.memory_space<hbm>> -> memref<16384xi32, #tpu.memory_space<hbm>>
    %dma_wait3A_810 = arith.constant 0 : i32
    %dma_wait3A_811 = tpu.memref_slice %arg30[%dma_wait3A_803, %dma_wait3A_810] : memref<2x16384xi32, #tpu.memory_space<vmem>> -> memref<1x16384xi32, #tpu.memory_space<vmem>>
    %dma_wait3A_812 = tpu.memref_squeeze %dma_wait3A_811 : memref<1x16384xi32, #tpu.memory_space<vmem>> -> memref<16384xi32, #tpu.memory_space<vmem>>
    %dma_wait3A_813 = arith.constant 0 : i32
    %dma_wait3A_814 = tpu.memref_slice %arg3[%dma_wait3A_802, %dma_wait3A_813] : memref<26x16384xi32, #tpu.memory_space<hbm>> -> memref<1x16384xi32, #tpu.memory_space<hbm>>
    %dma_wait3A_815 = tpu.memref_squeeze %dma_wait3A_814 : memref<1x16384xi32, #tpu.memory_space<hbm>> -> memref<16384xi32, #tpu.memory_space<hbm>>
    tpu.wait_dma2 semaphore(%arg32 : memref<!tpu.dma_semaphore, #tpu.memory_space<semaphore_mem>>) src(%dma_wait3A_815 : memref<16384xi32, #tpu.memory_space<hbm>>) dst(%dma_wait3A_812 : memref<16384xi32, #tpu.memory_space<vmem>>)
    %dma_wait3A_816 = arith.constant 0 : i32
    %dma_wait3A_817 = arith.constant 0 : i32
    %dma_wait3A_818 = tpu.memref_slice %arg31[%dma_wait3A_816, %dma_wait3A_817] : memref<2x16384xf32, #tpu.memory_space<vmem>> -> memref<1x16384xf32, #tpu.memory_space<vmem>>
    %dma_wait3A_819 = tpu.memref_squeeze %dma_wait3A_818 : memref<1x16384xf32, #tpu.memory_space<vmem>> -> memref<16384xf32, #tpu.memory_space<vmem>>
    %dma_wait3A_820 = arith.constant 0 : i32
    %dma_wait3A_821 = tpu.memref_slice %arg4[%add3A, %dma_wait3A_820] : memref<32x16384xf32, #tpu.memory_space<hbm>> -> memref<1x16384xf32, #tpu.memory_space<hbm>>
    %dma_wait3A_822 = tpu.memref_squeeze %dma_wait3A_821 : memref<1x16384xf32, #tpu.memory_space<hbm>> -> memref<16384xf32, #tpu.memory_space<hbm>>
    %dma_wait3A_823 = arith.constant 0 : i32
    %dma_wait3A_824 = tpu.memref_slice %arg4[%add3A, %dma_wait3A_823] : memref<32x16384xf32, #tpu.memory_space<hbm>> -> memref<1x16384xf32, #tpu.memory_space<hbm>>
    %dma_wait3A_825 = tpu.memref_squeeze %dma_wait3A_824 : memref<1x16384xf32, #tpu.memory_space<hbm>> -> memref<16384xf32, #tpu.memory_space<hbm>>
    %dma_wait3A_826 = arith.constant 0 : i32
    %dma_wait3A_827 = tpu.memref_slice %arg31[%dma_wait3A_816, %dma_wait3A_826] : memref<2x16384xf32, #tpu.memory_space<vmem>> -> memref<1x16384xf32, #tpu.memory_space<vmem>>
    %dma_wait3A_828 = tpu.memref_squeeze %dma_wait3A_827 : memref<1x16384xf32, #tpu.memory_space<vmem>> -> memref<16384xf32, #tpu.memory_space<vmem>>
    tpu.wait_dma2 semaphore(%arg34 : memref<!tpu.dma_semaphore, #tpu.memory_space<semaphore_mem>>) src(%dma_wait3A_828 : memref<16384xf32, #tpu.memory_space<vmem>>) dst(%dma_wait3A_825 : memref<16384xf32, #tpu.memory_space<hbm>>)
    %add3A_829 = arith.constant 320 : i32
    %add3A_830 = arith.addi %add3A_829, %add3A : i32
    %dma_start3A_831 = arith.constant 0 : i32
    %dma_start3A_832 = arith.constant 0 : i32
    %dma_start3A_833 = arith.constant 0 : i32
    %dma_start3A_834 = tpu.memref_slice %arg31[%dma_start3A_832, %dma_start3A_833] : memref<2x16384xf32, #tpu.memory_space<vmem>> -> memref<1x16384xf32, #tpu.memory_space<vmem>>
    %dma_start3A_835 = tpu.memref_squeeze %dma_start3A_834 : memref<1x16384xf32, #tpu.memory_space<vmem>> -> memref<16384xf32, #tpu.memory_space<vmem>>
    %dma_start3A_836 = arith.constant 0 : i32
    %dma_start3A_837 = tpu.memref_slice %arg30[%dma_start3A_831, %dma_start3A_836] : memref<2x16384xi32, #tpu.memory_space<vmem>> -> memref<1x16384xi32, #tpu.memory_space<vmem>>
    %dma_start3A_838 = tpu.memref_squeeze %dma_start3A_837 : memref<1x16384xi32, #tpu.memory_space<vmem>> -> memref<16384xi32, #tpu.memory_space<vmem>>
    %dma_start3A_839 = arith.constant 0 : i32
    %dma_start3A_840 = tpu.memref_slice %arg2[%add3A_830, %dma_start3A_839] : memref<832x100000xf32, #tpu.memory_space<hbm>> -> memref<1x100000xf32, #tpu.memory_space<hbm>>
    %dma_start3A_841 = tpu.memref_squeeze %dma_start3A_840 : memref<1x100000xf32, #tpu.memory_space<hbm>> -> memref<100000xf32, #tpu.memory_space<hbm>>
    %dma_start3A_842 = arith.constant 0 : i32
    %dma_start3A_843 = tpu.memref_slice %dma_start3A_841[%dma_start3A_842] : memref<100000xf32, #tpu.memory_space<hbm>> -> memref<100000xf32, #tpu.memory_space<hbm>>
    tpu.enqueue_indirect_dma source(%dma_start3A_843 : memref<100000xf32, #tpu.memory_space<hbm>>) target(%dma_start3A_835 : memref<16384xf32, #tpu.memory_space<vmem>>) offsets(%dma_start3A_838 : memref<16384xi32, #tpu.memory_space<vmem>>) semaphore(%arg33 : memref<!tpu.dma_semaphore, #tpu.memory_space<semaphore_mem>>)
    %dma_start3A_844 = arith.constant 11 : i32
    %dma_start3A_845 = arith.constant 1 : i32
    %dma_start3A_846 = arith.constant 0 : i32
    %dma_start3A_847 = tpu.memref_slice %arg30[%dma_start3A_845, %dma_start3A_846] : memref<2x16384xi32, #tpu.memory_space<vmem>> -> memref<1x16384xi32, #tpu.memory_space<vmem>>
    %dma_start3A_848 = tpu.memref_squeeze %dma_start3A_847 : memref<1x16384xi32, #tpu.memory_space<vmem>> -> memref<16384xi32, #tpu.memory_space<vmem>>
    %dma_start3A_849 = arith.constant 0 : i32
    %dma_start3A_850 = tpu.memref_slice %arg3[%dma_start3A_844, %dma_start3A_849] : memref<26x16384xi32, #tpu.memory_space<hbm>> -> memref<1x16384xi32, #tpu.memory_space<hbm>>
    %dma_start3A_851 = tpu.memref_squeeze %dma_start3A_850 : memref<1x16384xi32, #tpu.memory_space<hbm>> -> memref<16384xi32, #tpu.memory_space<hbm>>
    %dma_start3A_852 = arith.constant 0 : i32
    %dma_start3A_853 = tpu.memref_slice %arg30[%dma_start3A_845, %dma_start3A_852] : memref<2x16384xi32, #tpu.memory_space<vmem>> -> memref<1x16384xi32, #tpu.memory_space<vmem>>
    %dma_start3A_854 = tpu.memref_squeeze %dma_start3A_853 : memref<1x16384xi32, #tpu.memory_space<vmem>> -> memref<16384xi32, #tpu.memory_space<vmem>>
    %dma_start3A_855 = arith.constant 0 : i32
    %dma_start3A_856 = tpu.memref_slice %arg3[%dma_start3A_844, %dma_start3A_855] : memref<26x16384xi32, #tpu.memory_space<hbm>> -> memref<1x16384xi32, #tpu.memory_space<hbm>>
    %dma_start3A_857 = tpu.memref_squeeze %dma_start3A_856 : memref<1x16384xi32, #tpu.memory_space<hbm>> -> memref<16384xi32, #tpu.memory_space<hbm>>
    tpu.enqueue_dma source(%dma_start3A_857 : memref<16384xi32, #tpu.memory_space<hbm>>) target(%dma_start3A_854 : memref<16384xi32, #tpu.memory_space<vmem>>) target_semaphore(%arg32 : memref<!tpu.dma_semaphore, #tpu.memory_space<semaphore_mem>>)
    %dma_start3A_858 = arith.constant 1 : i32
    %dma_start3A_859 = arith.constant 0 : i32
    %dma_start3A_860 = tpu.memref_slice %arg31[%dma_start3A_858, %dma_start3A_859] : memref<2x16384xf32, #tpu.memory_space<vmem>> -> memref<1x16384xf32, #tpu.memory_space<vmem>>
    %dma_start3A_861 = tpu.memref_squeeze %dma_start3A_860 : memref<1x16384xf32, #tpu.memory_space<vmem>> -> memref<16384xf32, #tpu.memory_space<vmem>>
    %dma_start3A_862 = arith.constant 0 : i32
    %dma_start3A_863 = tpu.memref_slice %arg13[%add3A, %dma_start3A_862] : memref<32x16384xf32, #tpu.memory_space<hbm>> -> memref<1x16384xf32, #tpu.memory_space<hbm>>
    %dma_start3A_864 = tpu.memref_squeeze %dma_start3A_863 : memref<1x16384xf32, #tpu.memory_space<hbm>> -> memref<16384xf32, #tpu.memory_space<hbm>>
    %dma_start3A_865 = arith.constant 0 : i32
    %dma_start3A_866 = tpu.memref_slice %arg13[%add3A, %dma_start3A_865] : memref<32x16384xf32, #tpu.memory_space<hbm>> -> memref<1x16384xf32, #tpu.memory_space<hbm>>
    %dma_start3A_867 = tpu.memref_squeeze %dma_start3A_866 : memref<1x16384xf32, #tpu.memory_space<hbm>> -> memref<16384xf32, #tpu.memory_space<hbm>>
    %dma_start3A_868 = arith.constant 0 : i32
    %dma_start3A_869 = tpu.memref_slice %arg31[%dma_start3A_858, %dma_start3A_868] : memref<2x16384xf32, #tpu.memory_space<vmem>> -> memref<1x16384xf32, #tpu.memory_space<vmem>>
    %dma_start3A_870 = tpu.memref_squeeze %dma_start3A_869 : memref<1x16384xf32, #tpu.memory_space<vmem>> -> memref<16384xf32, #tpu.memory_space<vmem>>
    tpu.enqueue_dma source(%dma_start3A_870 : memref<16384xf32, #tpu.memory_space<vmem>>) target(%dma_start3A_867 : memref<16384xf32, #tpu.memory_space<hbm>>) target_semaphore(%arg34 : memref<!tpu.dma_semaphore, #tpu.memory_space<semaphore_mem>>)
    %dma_wait3A_871 = arith.constant 0 : i32
    %dma_wait3A_872 = arith.constant 0 : i32
    %dma_wait3A_873 = arith.constant 0 : i32
    %dma_wait3A_874 = arith.constant 0 : i32
    %dma_wait3A_875 = tpu.memref_slice %arg31[%dma_wait3A_873, %dma_wait3A_874] : memref<2x16384xf32, #tpu.memory_space<vmem>> -> memref<1x16384xf32, #tpu.memory_space<vmem>>
    %dma_wait3A_876 = tpu.memref_squeeze %dma_wait3A_875 : memref<1x16384xf32, #tpu.memory_space<vmem>> -> memref<16384xf32, #tpu.memory_space<vmem>>
    %dma_wait3A_877 = arith.constant 0 : i32
    %dma_wait3A_878 = tpu.memref_slice %arg30[%dma_wait3A_872, %dma_wait3A_877] : memref<2x16384xi32, #tpu.memory_space<vmem>> -> memref<1x16384xi32, #tpu.memory_space<vmem>>
    %dma_wait3A_879 = tpu.memref_squeeze %dma_wait3A_878 : memref<1x16384xi32, #tpu.memory_space<vmem>> -> memref<16384xi32, #tpu.memory_space<vmem>>
    %dma_wait3A_880 = arith.constant 0 : i32
    %dma_wait3A_881 = tpu.memref_slice %arg2[%dma_wait3A_871, %dma_wait3A_880] : memref<832x100000xf32, #tpu.memory_space<hbm>> -> memref<1x100000xf32, #tpu.memory_space<hbm>>
    %dma_wait3A_882 = tpu.memref_squeeze %dma_wait3A_881 : memref<1x100000xf32, #tpu.memory_space<hbm>> -> memref<100000xf32, #tpu.memory_space<hbm>>
    %dma_wait3A_883 = arith.constant 0 : i32
    %dma_wait3A_884 = tpu.memref_slice %dma_wait3A_882[%dma_wait3A_883] : memref<100000xf32, #tpu.memory_space<hbm>> -> memref<100000xf32, #tpu.memory_space<hbm>>
    tpu.wait_indirect_dma semaphore(%arg33 : memref<!tpu.dma_semaphore, #tpu.memory_space<semaphore_mem>>) src(%dma_wait3A_884 : memref<100000xf32, #tpu.memory_space<hbm>>) dst(%dma_wait3A_876 : memref<16384xf32, #tpu.memory_space<vmem>>)
    %dma_wait3A_885 = arith.constant 0 : i32
    %dma_wait3A_886 = arith.constant 0 : i32
    %dma_wait3A_887 = arith.constant 0 : i32
    %dma_wait3A_888 = tpu.memref_slice %arg30[%dma_wait3A_886, %dma_wait3A_887] : memref<2x16384xi32, #tpu.memory_space<vmem>> -> memref<1x16384xi32, #tpu.memory_space<vmem>>
    %dma_wait3A_889 = tpu.memref_squeeze %dma_wait3A_888 : memref<1x16384xi32, #tpu.memory_space<vmem>> -> memref<16384xi32, #tpu.memory_space<vmem>>
    %dma_wait3A_890 = arith.constant 0 : i32
    %dma_wait3A_891 = tpu.memref_slice %arg3[%dma_wait3A_885, %dma_wait3A_890] : memref<26x16384xi32, #tpu.memory_space<hbm>> -> memref<1x16384xi32, #tpu.memory_space<hbm>>
    %dma_wait3A_892 = tpu.memref_squeeze %dma_wait3A_891 : memref<1x16384xi32, #tpu.memory_space<hbm>> -> memref<16384xi32, #tpu.memory_space<hbm>>
    %dma_wait3A_893 = arith.constant 0 : i32
    %dma_wait3A_894 = tpu.memref_slice %arg30[%dma_wait3A_886, %dma_wait3A_893] : memref<2x16384xi32, #tpu.memory_space<vmem>> -> memref<1x16384xi32, #tpu.memory_space<vmem>>
    %dma_wait3A_895 = tpu.memref_squeeze %dma_wait3A_894 : memref<1x16384xi32, #tpu.memory_space<vmem>> -> memref<16384xi32, #tpu.memory_space<vmem>>
    %dma_wait3A_896 = arith.constant 0 : i32
    %dma_wait3A_897 = tpu.memref_slice %arg3[%dma_wait3A_885, %dma_wait3A_896] : memref<26x16384xi32, #tpu.memory_space<hbm>> -> memref<1x16384xi32, #tpu.memory_space<hbm>>
    %dma_wait3A_898 = tpu.memref_squeeze %dma_wait3A_897 : memref<1x16384xi32, #tpu.memory_space<hbm>> -> memref<16384xi32, #tpu.memory_space<hbm>>
    tpu.wait_dma2 semaphore(%arg32 : memref<!tpu.dma_semaphore, #tpu.memory_space<semaphore_mem>>) src(%dma_wait3A_898 : memref<16384xi32, #tpu.memory_space<hbm>>) dst(%dma_wait3A_895 : memref<16384xi32, #tpu.memory_space<vmem>>)
    %dma_wait3A_899 = arith.constant 0 : i32
    %dma_wait3A_900 = arith.constant 0 : i32
    %dma_wait3A_901 = tpu.memref_slice %arg31[%dma_wait3A_899, %dma_wait3A_900] : memref<2x16384xf32, #tpu.memory_space<vmem>> -> memref<1x16384xf32, #tpu.memory_space<vmem>>
    %dma_wait3A_902 = tpu.memref_squeeze %dma_wait3A_901 : memref<1x16384xf32, #tpu.memory_space<vmem>> -> memref<16384xf32, #tpu.memory_space<vmem>>
    %dma_wait3A_903 = arith.constant 0 : i32
    %dma_wait3A_904 = tpu.memref_slice %arg4[%add3A, %dma_wait3A_903] : memref<32x16384xf32, #tpu.memory_space<hbm>> -> memref<1x16384xf32, #tpu.memory_space<hbm>>
    %dma_wait3A_905 = tpu.memref_squeeze %dma_wait3A_904 : memref<1x16384xf32, #tpu.memory_space<hbm>> -> memref<16384xf32, #tpu.memory_space<hbm>>
    %dma_wait3A_906 = arith.constant 0 : i32
    %dma_wait3A_907 = tpu.memref_slice %arg4[%add3A, %dma_wait3A_906] : memref<32x16384xf32, #tpu.memory_space<hbm>> -> memref<1x16384xf32, #tpu.memory_space<hbm>>
    %dma_wait3A_908 = tpu.memref_squeeze %dma_wait3A_907 : memref<1x16384xf32, #tpu.memory_space<hbm>> -> memref<16384xf32, #tpu.memory_space<hbm>>
    %dma_wait3A_909 = arith.constant 0 : i32
    %dma_wait3A_910 = tpu.memref_slice %arg31[%dma_wait3A_899, %dma_wait3A_909] : memref<2x16384xf32, #tpu.memory_space<vmem>> -> memref<1x16384xf32, #tpu.memory_space<vmem>>
    %dma_wait3A_911 = tpu.memref_squeeze %dma_wait3A_910 : memref<1x16384xf32, #tpu.memory_space<vmem>> -> memref<16384xf32, #tpu.memory_space<vmem>>
    tpu.wait_dma2 semaphore(%arg34 : memref<!tpu.dma_semaphore, #tpu.memory_space<semaphore_mem>>) src(%dma_wait3A_911 : memref<16384xf32, #tpu.memory_space<vmem>>) dst(%dma_wait3A_908 : memref<16384xf32, #tpu.memory_space<hbm>>)
    %add3A_912 = arith.constant 352 : i32
    %add3A_913 = arith.addi %add3A_912, %add3A : i32
    %dma_start3A_914 = arith.constant 1 : i32
    %dma_start3A_915 = arith.constant 1 : i32
    %dma_start3A_916 = arith.constant 0 : i32
    %dma_start3A_917 = tpu.memref_slice %arg31[%dma_start3A_915, %dma_start3A_916] : memref<2x16384xf32, #tpu.memory_space<vmem>> -> memref<1x16384xf32, #tpu.memory_space<vmem>>
    %dma_start3A_918 = tpu.memref_squeeze %dma_start3A_917 : memref<1x16384xf32, #tpu.memory_space<vmem>> -> memref<16384xf32, #tpu.memory_space<vmem>>
    %dma_start3A_919 = arith.constant 0 : i32
    %dma_start3A_920 = tpu.memref_slice %arg30[%dma_start3A_914, %dma_start3A_919] : memref<2x16384xi32, #tpu.memory_space<vmem>> -> memref<1x16384xi32, #tpu.memory_space<vmem>>
    %dma_start3A_921 = tpu.memref_squeeze %dma_start3A_920 : memref<1x16384xi32, #tpu.memory_space<vmem>> -> memref<16384xi32, #tpu.memory_space<vmem>>
    %dma_start3A_922 = arith.constant 0 : i32
    %dma_start3A_923 = tpu.memref_slice %arg2[%add3A_913, %dma_start3A_922] : memref<832x100000xf32, #tpu.memory_space<hbm>> -> memref<1x100000xf32, #tpu.memory_space<hbm>>
    %dma_start3A_924 = tpu.memref_squeeze %dma_start3A_923 : memref<1x100000xf32, #tpu.memory_space<hbm>> -> memref<100000xf32, #tpu.memory_space<hbm>>
    %dma_start3A_925 = arith.constant 0 : i32
    %dma_start3A_926 = tpu.memref_slice %dma_start3A_924[%dma_start3A_925] : memref<100000xf32, #tpu.memory_space<hbm>> -> memref<100000xf32, #tpu.memory_space<hbm>>
    tpu.enqueue_indirect_dma source(%dma_start3A_926 : memref<100000xf32, #tpu.memory_space<hbm>>) target(%dma_start3A_918 : memref<16384xf32, #tpu.memory_space<vmem>>) offsets(%dma_start3A_921 : memref<16384xi32, #tpu.memory_space<vmem>>) semaphore(%arg33 : memref<!tpu.dma_semaphore, #tpu.memory_space<semaphore_mem>>)
    %dma_start3A_927 = arith.constant 12 : i32
    %dma_start3A_928 = arith.constant 0 : i32
    %dma_start3A_929 = arith.constant 0 : i32
    %dma_start3A_930 = tpu.memref_slice %arg30[%dma_start3A_928, %dma_start3A_929] : memref<2x16384xi32, #tpu.memory_space<vmem>> -> memref<1x16384xi32, #tpu.memory_space<vmem>>
    %dma_start3A_931 = tpu.memref_squeeze %dma_start3A_930 : memref<1x16384xi32, #tpu.memory_space<vmem>> -> memref<16384xi32, #tpu.memory_space<vmem>>
    %dma_start3A_932 = arith.constant 0 : i32
    %dma_start3A_933 = tpu.memref_slice %arg3[%dma_start3A_927, %dma_start3A_932] : memref<26x16384xi32, #tpu.memory_space<hbm>> -> memref<1x16384xi32, #tpu.memory_space<hbm>>
    %dma_start3A_934 = tpu.memref_squeeze %dma_start3A_933 : memref<1x16384xi32, #tpu.memory_space<hbm>> -> memref<16384xi32, #tpu.memory_space<hbm>>
    %dma_start3A_935 = arith.constant 0 : i32
    %dma_start3A_936 = tpu.memref_slice %arg30[%dma_start3A_928, %dma_start3A_935] : memref<2x16384xi32, #tpu.memory_space<vmem>> -> memref<1x16384xi32, #tpu.memory_space<vmem>>
    %dma_start3A_937 = tpu.memref_squeeze %dma_start3A_936 : memref<1x16384xi32, #tpu.memory_space<vmem>> -> memref<16384xi32, #tpu.memory_space<vmem>>
    %dma_start3A_938 = arith.constant 0 : i32
    %dma_start3A_939 = tpu.memref_slice %arg3[%dma_start3A_927, %dma_start3A_938] : memref<26x16384xi32, #tpu.memory_space<hbm>> -> memref<1x16384xi32, #tpu.memory_space<hbm>>
    %dma_start3A_940 = tpu.memref_squeeze %dma_start3A_939 : memref<1x16384xi32, #tpu.memory_space<hbm>> -> memref<16384xi32, #tpu.memory_space<hbm>>
    tpu.enqueue_dma source(%dma_start3A_940 : memref<16384xi32, #tpu.memory_space<hbm>>) target(%dma_start3A_937 : memref<16384xi32, #tpu.memory_space<vmem>>) target_semaphore(%arg32 : memref<!tpu.dma_semaphore, #tpu.memory_space<semaphore_mem>>)
    %dma_start3A_941 = arith.constant 0 : i32
    %dma_start3A_942 = arith.constant 0 : i32
    %dma_start3A_943 = tpu.memref_slice %arg31[%dma_start3A_941, %dma_start3A_942] : memref<2x16384xf32, #tpu.memory_space<vmem>> -> memref<1x16384xf32, #tpu.memory_space<vmem>>
    %dma_start3A_944 = tpu.memref_squeeze %dma_start3A_943 : memref<1x16384xf32, #tpu.memory_space<vmem>> -> memref<16384xf32, #tpu.memory_space<vmem>>
    %dma_start3A_945 = arith.constant 0 : i32
    %dma_start3A_946 = tpu.memref_slice %arg14[%add3A, %dma_start3A_945] : memref<32x16384xf32, #tpu.memory_space<hbm>> -> memref<1x16384xf32, #tpu.memory_space<hbm>>
    %dma_start3A_947 = tpu.memref_squeeze %dma_start3A_946 : memref<1x16384xf32, #tpu.memory_space<hbm>> -> memref<16384xf32, #tpu.memory_space<hbm>>
    %dma_start3A_948 = arith.constant 0 : i32
    %dma_start3A_949 = tpu.memref_slice %arg14[%add3A, %dma_start3A_948] : memref<32x16384xf32, #tpu.memory_space<hbm>> -> memref<1x16384xf32, #tpu.memory_space<hbm>>
    %dma_start3A_950 = tpu.memref_squeeze %dma_start3A_949 : memref<1x16384xf32, #tpu.memory_space<hbm>> -> memref<16384xf32, #tpu.memory_space<hbm>>
    %dma_start3A_951 = arith.constant 0 : i32
    %dma_start3A_952 = tpu.memref_slice %arg31[%dma_start3A_941, %dma_start3A_951] : memref<2x16384xf32, #tpu.memory_space<vmem>> -> memref<1x16384xf32, #tpu.memory_space<vmem>>
    %dma_start3A_953 = tpu.memref_squeeze %dma_start3A_952 : memref<1x16384xf32, #tpu.memory_space<vmem>> -> memref<16384xf32, #tpu.memory_space<vmem>>
    tpu.enqueue_dma source(%dma_start3A_953 : memref<16384xf32, #tpu.memory_space<vmem>>) target(%dma_start3A_950 : memref<16384xf32, #tpu.memory_space<hbm>>) target_semaphore(%arg34 : memref<!tpu.dma_semaphore, #tpu.memory_space<semaphore_mem>>)
    %dma_wait3A_954 = arith.constant 0 : i32
    %dma_wait3A_955 = arith.constant 1 : i32
    %dma_wait3A_956 = arith.constant 1 : i32
    %dma_wait3A_957 = arith.constant 0 : i32
    %dma_wait3A_958 = tpu.memref_slice %arg31[%dma_wait3A_956, %dma_wait3A_957] : memref<2x16384xf32, #tpu.memory_space<vmem>> -> memref<1x16384xf32, #tpu.memory_space<vmem>>
    %dma_wait3A_959 = tpu.memref_squeeze %dma_wait3A_958 : memref<1x16384xf32, #tpu.memory_space<vmem>> -> memref<16384xf32, #tpu.memory_space<vmem>>
    %dma_wait3A_960 = arith.constant 0 : i32
    %dma_wait3A_961 = tpu.memref_slice %arg30[%dma_wait3A_955, %dma_wait3A_960] : memref<2x16384xi32, #tpu.memory_space<vmem>> -> memref<1x16384xi32, #tpu.memory_space<vmem>>
    %dma_wait3A_962 = tpu.memref_squeeze %dma_wait3A_961 : memref<1x16384xi32, #tpu.memory_space<vmem>> -> memref<16384xi32, #tpu.memory_space<vmem>>
    %dma_wait3A_963 = arith.constant 0 : i32
    %dma_wait3A_964 = tpu.memref_slice %arg2[%dma_wait3A_954, %dma_wait3A_963] : memref<832x100000xf32, #tpu.memory_space<hbm>> -> memref<1x100000xf32, #tpu.memory_space<hbm>>
    %dma_wait3A_965 = tpu.memref_squeeze %dma_wait3A_964 : memref<1x100000xf32, #tpu.memory_space<hbm>> -> memref<100000xf32, #tpu.memory_space<hbm>>
    %dma_wait3A_966 = arith.constant 0 : i32
    %dma_wait3A_967 = tpu.memref_slice %dma_wait3A_965[%dma_wait3A_966] : memref<100000xf32, #tpu.memory_space<hbm>> -> memref<100000xf32, #tpu.memory_space<hbm>>
    tpu.wait_indirect_dma semaphore(%arg33 : memref<!tpu.dma_semaphore, #tpu.memory_space<semaphore_mem>>) src(%dma_wait3A_967 : memref<100000xf32, #tpu.memory_space<hbm>>) dst(%dma_wait3A_959 : memref<16384xf32, #tpu.memory_space<vmem>>)
    %dma_wait3A_968 = arith.constant 0 : i32
    %dma_wait3A_969 = arith.constant 0 : i32
    %dma_wait3A_970 = arith.constant 0 : i32
    %dma_wait3A_971 = tpu.memref_slice %arg30[%dma_wait3A_969, %dma_wait3A_970] : memref<2x16384xi32, #tpu.memory_space<vmem>> -> memref<1x16384xi32, #tpu.memory_space<vmem>>
    %dma_wait3A_972 = tpu.memref_squeeze %dma_wait3A_971 : memref<1x16384xi32, #tpu.memory_space<vmem>> -> memref<16384xi32, #tpu.memory_space<vmem>>
    %dma_wait3A_973 = arith.constant 0 : i32
    %dma_wait3A_974 = tpu.memref_slice %arg3[%dma_wait3A_968, %dma_wait3A_973] : memref<26x16384xi32, #tpu.memory_space<hbm>> -> memref<1x16384xi32, #tpu.memory_space<hbm>>
    %dma_wait3A_975 = tpu.memref_squeeze %dma_wait3A_974 : memref<1x16384xi32, #tpu.memory_space<hbm>> -> memref<16384xi32, #tpu.memory_space<hbm>>
    %dma_wait3A_976 = arith.constant 0 : i32
    %dma_wait3A_977 = tpu.memref_slice %arg30[%dma_wait3A_969, %dma_wait3A_976] : memref<2x16384xi32, #tpu.memory_space<vmem>> -> memref<1x16384xi32, #tpu.memory_space<vmem>>
    %dma_wait3A_978 = tpu.memref_squeeze %dma_wait3A_977 : memref<1x16384xi32, #tpu.memory_space<vmem>> -> memref<16384xi32, #tpu.memory_space<vmem>>
    %dma_wait3A_979 = arith.constant 0 : i32
    %dma_wait3A_980 = tpu.memref_slice %arg3[%dma_wait3A_968, %dma_wait3A_979] : memref<26x16384xi32, #tpu.memory_space<hbm>> -> memref<1x16384xi32, #tpu.memory_space<hbm>>
    %dma_wait3A_981 = tpu.memref_squeeze %dma_wait3A_980 : memref<1x16384xi32, #tpu.memory_space<hbm>> -> memref<16384xi32, #tpu.memory_space<hbm>>
    tpu.wait_dma2 semaphore(%arg32 : memref<!tpu.dma_semaphore, #tpu.memory_space<semaphore_mem>>) src(%dma_wait3A_981 : memref<16384xi32, #tpu.memory_space<hbm>>) dst(%dma_wait3A_978 : memref<16384xi32, #tpu.memory_space<vmem>>)
    %dma_wait3A_982 = arith.constant 0 : i32
    %dma_wait3A_983 = arith.constant 0 : i32
    %dma_wait3A_984 = tpu.memref_slice %arg31[%dma_wait3A_982, %dma_wait3A_983] : memref<2x16384xf32, #tpu.memory_space<vmem>> -> memref<1x16384xf32, #tpu.memory_space<vmem>>
    %dma_wait3A_985 = tpu.memref_squeeze %dma_wait3A_984 : memref<1x16384xf32, #tpu.memory_space<vmem>> -> memref<16384xf32, #tpu.memory_space<vmem>>
    %dma_wait3A_986 = arith.constant 0 : i32
    %dma_wait3A_987 = tpu.memref_slice %arg4[%add3A, %dma_wait3A_986] : memref<32x16384xf32, #tpu.memory_space<hbm>> -> memref<1x16384xf32, #tpu.memory_space<hbm>>
    %dma_wait3A_988 = tpu.memref_squeeze %dma_wait3A_987 : memref<1x16384xf32, #tpu.memory_space<hbm>> -> memref<16384xf32, #tpu.memory_space<hbm>>
    %dma_wait3A_989 = arith.constant 0 : i32
    %dma_wait3A_990 = tpu.memref_slice %arg4[%add3A, %dma_wait3A_989] : memref<32x16384xf32, #tpu.memory_space<hbm>> -> memref<1x16384xf32, #tpu.memory_space<hbm>>
    %dma_wait3A_991 = tpu.memref_squeeze %dma_wait3A_990 : memref<1x16384xf32, #tpu.memory_space<hbm>> -> memref<16384xf32, #tpu.memory_space<hbm>>
    %dma_wait3A_992 = arith.constant 0 : i32
    %dma_wait3A_993 = tpu.memref_slice %arg31[%dma_wait3A_982, %dma_wait3A_992] : memref<2x16384xf32, #tpu.memory_space<vmem>> -> memref<1x16384xf32, #tpu.memory_space<vmem>>
    %dma_wait3A_994 = tpu.memref_squeeze %dma_wait3A_993 : memref<1x16384xf32, #tpu.memory_space<vmem>> -> memref<16384xf32, #tpu.memory_space<vmem>>
    tpu.wait_dma2 semaphore(%arg34 : memref<!tpu.dma_semaphore, #tpu.memory_space<semaphore_mem>>) src(%dma_wait3A_994 : memref<16384xf32, #tpu.memory_space<vmem>>) dst(%dma_wait3A_991 : memref<16384xf32, #tpu.memory_space<hbm>>)
    %add3A_995 = arith.constant 384 : i32
    %add3A_996 = arith.addi %add3A_995, %add3A : i32
    %dma_start3A_997 = arith.constant 0 : i32
    %dma_start3A_998 = arith.constant 0 : i32
    %dma_start3A_999 = arith.constant 0 : i32
    %dma_start3A_1000 = tpu.memref_slice %arg31[%dma_start3A_998, %dma_start3A_999] : memref<2x16384xf32, #tpu.memory_space<vmem>> -> memref<1x16384xf32, #tpu.memory_space<vmem>>
    %dma_start3A_1001 = tpu.memref_squeeze %dma_start3A_1000 : memref<1x16384xf32, #tpu.memory_space<vmem>> -> memref<16384xf32, #tpu.memory_space<vmem>>
    %dma_start3A_1002 = arith.constant 0 : i32
    %dma_start3A_1003 = tpu.memref_slice %arg30[%dma_start3A_997, %dma_start3A_1002] : memref<2x16384xi32, #tpu.memory_space<vmem>> -> memref<1x16384xi32, #tpu.memory_space<vmem>>
    %dma_start3A_1004 = tpu.memref_squeeze %dma_start3A_1003 : memref<1x16384xi32, #tpu.memory_space<vmem>> -> memref<16384xi32, #tpu.memory_space<vmem>>
    %dma_start3A_1005 = arith.constant 0 : i32
    %dma_start3A_1006 = tpu.memref_slice %arg2[%add3A_996, %dma_start3A_1005] : memref<832x100000xf32, #tpu.memory_space<hbm>> -> memref<1x100000xf32, #tpu.memory_space<hbm>>
    %dma_start3A_1007 = tpu.memref_squeeze %dma_start3A_1006 : memref<1x100000xf32, #tpu.memory_space<hbm>> -> memref<100000xf32, #tpu.memory_space<hbm>>
    %dma_start3A_1008 = arith.constant 0 : i32
    %dma_start3A_1009 = tpu.memref_slice %dma_start3A_1007[%dma_start3A_1008] : memref<100000xf32, #tpu.memory_space<hbm>> -> memref<100000xf32, #tpu.memory_space<hbm>>
    tpu.enqueue_indirect_dma source(%dma_start3A_1009 : memref<100000xf32, #tpu.memory_space<hbm>>) target(%dma_start3A_1001 : memref<16384xf32, #tpu.memory_space<vmem>>) offsets(%dma_start3A_1004 : memref<16384xi32, #tpu.memory_space<vmem>>) semaphore(%arg33 : memref<!tpu.dma_semaphore, #tpu.memory_space<semaphore_mem>>)
    %dma_start3A_1010 = arith.constant 13 : i32
    %dma_start3A_1011 = arith.constant 1 : i32
    %dma_start3A_1012 = arith.constant 0 : i32
    %dma_start3A_1013 = tpu.memref_slice %arg30[%dma_start3A_1011, %dma_start3A_1012] : memref<2x16384xi32, #tpu.memory_space<vmem>> -> memref<1x16384xi32, #tpu.memory_space<vmem>>
    %dma_start3A_1014 = tpu.memref_squeeze %dma_start3A_1013 : memref<1x16384xi32, #tpu.memory_space<vmem>> -> memref<16384xi32, #tpu.memory_space<vmem>>
    %dma_start3A_1015 = arith.constant 0 : i32
    %dma_start3A_1016 = tpu.memref_slice %arg3[%dma_start3A_1010, %dma_start3A_1015] : memref<26x16384xi32, #tpu.memory_space<hbm>> -> memref<1x16384xi32, #tpu.memory_space<hbm>>
    %dma_start3A_1017 = tpu.memref_squeeze %dma_start3A_1016 : memref<1x16384xi32, #tpu.memory_space<hbm>> -> memref<16384xi32, #tpu.memory_space<hbm>>
    %dma_start3A_1018 = arith.constant 0 : i32
    %dma_start3A_1019 = tpu.memref_slice %arg30[%dma_start3A_1011, %dma_start3A_1018] : memref<2x16384xi32, #tpu.memory_space<vmem>> -> memref<1x16384xi32, #tpu.memory_space<vmem>>
    %dma_start3A_1020 = tpu.memref_squeeze %dma_start3A_1019 : memref<1x16384xi32, #tpu.memory_space<vmem>> -> memref<16384xi32, #tpu.memory_space<vmem>>
    %dma_start3A_1021 = arith.constant 0 : i32
    %dma_start3A_1022 = tpu.memref_slice %arg3[%dma_start3A_1010, %dma_start3A_1021] : memref<26x16384xi32, #tpu.memory_space<hbm>> -> memref<1x16384xi32, #tpu.memory_space<hbm>>
    %dma_start3A_1023 = tpu.memref_squeeze %dma_start3A_1022 : memref<1x16384xi32, #tpu.memory_space<hbm>> -> memref<16384xi32, #tpu.memory_space<hbm>>
    tpu.enqueue_dma source(%dma_start3A_1023 : memref<16384xi32, #tpu.memory_space<hbm>>) target(%dma_start3A_1020 : memref<16384xi32, #tpu.memory_space<vmem>>) target_semaphore(%arg32 : memref<!tpu.dma_semaphore, #tpu.memory_space<semaphore_mem>>)
    %dma_start3A_1024 = arith.constant 1 : i32
    %dma_start3A_1025 = arith.constant 0 : i32
    %dma_start3A_1026 = tpu.memref_slice %arg31[%dma_start3A_1024, %dma_start3A_1025] : memref<2x16384xf32, #tpu.memory_space<vmem>> -> memref<1x16384xf32, #tpu.memory_space<vmem>>
    %dma_start3A_1027 = tpu.memref_squeeze %dma_start3A_1026 : memref<1x16384xf32, #tpu.memory_space<vmem>> -> memref<16384xf32, #tpu.memory_space<vmem>>
    %dma_start3A_1028 = arith.constant 0 : i32
    %dma_start3A_1029 = tpu.memref_slice %arg15[%add3A, %dma_start3A_1028] : memref<32x16384xf32, #tpu.memory_space<hbm>> -> memref<1x16384xf32, #tpu.memory_space<hbm>>
    %dma_start3A_1030 = tpu.memref_squeeze %dma_start3A_1029 : memref<1x16384xf32, #tpu.memory_space<hbm>> -> memref<16384xf32, #tpu.memory_space<hbm>>
    %dma_start3A_1031 = arith.constant 0 : i32
    %dma_start3A_1032 = tpu.memref_slice %arg15[%add3A, %dma_start3A_1031] : memref<32x16384xf32, #tpu.memory_space<hbm>> -> memref<1x16384xf32, #tpu.memory_space<hbm>>
    %dma_start3A_1033 = tpu.memref_squeeze %dma_start3A_1032 : memref<1x16384xf32, #tpu.memory_space<hbm>> -> memref<16384xf32, #tpu.memory_space<hbm>>
    %dma_start3A_1034 = arith.constant 0 : i32
    %dma_start3A_1035 = tpu.memref_slice %arg31[%dma_start3A_1024, %dma_start3A_1034] : memref<2x16384xf32, #tpu.memory_space<vmem>> -> memref<1x16384xf32, #tpu.memory_space<vmem>>
    %dma_start3A_1036 = tpu.memref_squeeze %dma_start3A_1035 : memref<1x16384xf32, #tpu.memory_space<vmem>> -> memref<16384xf32, #tpu.memory_space<vmem>>
    tpu.enqueue_dma source(%dma_start3A_1036 : memref<16384xf32, #tpu.memory_space<vmem>>) target(%dma_start3A_1033 : memref<16384xf32, #tpu.memory_space<hbm>>) target_semaphore(%arg34 : memref<!tpu.dma_semaphore, #tpu.memory_space<semaphore_mem>>)
    %dma_wait3A_1037 = arith.constant 0 : i32
    %dma_wait3A_1038 = arith.constant 0 : i32
    %dma_wait3A_1039 = arith.constant 0 : i32
    %dma_wait3A_1040 = arith.constant 0 : i32
    %dma_wait3A_1041 = tpu.memref_slice %arg31[%dma_wait3A_1039, %dma_wait3A_1040] : memref<2x16384xf32, #tpu.memory_space<vmem>> -> memref<1x16384xf32, #tpu.memory_space<vmem>>
    %dma_wait3A_1042 = tpu.memref_squeeze %dma_wait3A_1041 : memref<1x16384xf32, #tpu.memory_space<vmem>> -> memref<16384xf32, #tpu.memory_space<vmem>>
    %dma_wait3A_1043 = arith.constant 0 : i32
    %dma_wait3A_1044 = tpu.memref_slice %arg30[%dma_wait3A_1038, %dma_wait3A_1043] : memref<2x16384xi32, #tpu.memory_space<vmem>> -> memref<1x16384xi32, #tpu.memory_space<vmem>>
    %dma_wait3A_1045 = tpu.memref_squeeze %dma_wait3A_1044 : memref<1x16384xi32, #tpu.memory_space<vmem>> -> memref<16384xi32, #tpu.memory_space<vmem>>
    %dma_wait3A_1046 = arith.constant 0 : i32
    %dma_wait3A_1047 = tpu.memref_slice %arg2[%dma_wait3A_1037, %dma_wait3A_1046] : memref<832x100000xf32, #tpu.memory_space<hbm>> -> memref<1x100000xf32, #tpu.memory_space<hbm>>
    %dma_wait3A_1048 = tpu.memref_squeeze %dma_wait3A_1047 : memref<1x100000xf32, #tpu.memory_space<hbm>> -> memref<100000xf32, #tpu.memory_space<hbm>>
    %dma_wait3A_1049 = arith.constant 0 : i32
    %dma_wait3A_1050 = tpu.memref_slice %dma_wait3A_1048[%dma_wait3A_1049] : memref<100000xf32, #tpu.memory_space<hbm>> -> memref<100000xf32, #tpu.memory_space<hbm>>
    tpu.wait_indirect_dma semaphore(%arg33 : memref<!tpu.dma_semaphore, #tpu.memory_space<semaphore_mem>>) src(%dma_wait3A_1050 : memref<100000xf32, #tpu.memory_space<hbm>>) dst(%dma_wait3A_1042 : memref<16384xf32, #tpu.memory_space<vmem>>)
    %dma_wait3A_1051 = arith.constant 0 : i32
    %dma_wait3A_1052 = arith.constant 0 : i32
    %dma_wait3A_1053 = arith.constant 0 : i32
    %dma_wait3A_1054 = tpu.memref_slice %arg30[%dma_wait3A_1052, %dma_wait3A_1053] : memref<2x16384xi32, #tpu.memory_space<vmem>> -> memref<1x16384xi32, #tpu.memory_space<vmem>>
    %dma_wait3A_1055 = tpu.memref_squeeze %dma_wait3A_1054 : memref<1x16384xi32, #tpu.memory_space<vmem>> -> memref<16384xi32, #tpu.memory_space<vmem>>
    %dma_wait3A_1056 = arith.constant 0 : i32
    %dma_wait3A_1057 = tpu.memref_slice %arg3[%dma_wait3A_1051, %dma_wait3A_1056] : memref<26x16384xi32, #tpu.memory_space<hbm>> -> memref<1x16384xi32, #tpu.memory_space<hbm>>
    %dma_wait3A_1058 = tpu.memref_squeeze %dma_wait3A_1057 : memref<1x16384xi32, #tpu.memory_space<hbm>> -> memref<16384xi32, #tpu.memory_space<hbm>>
    %dma_wait3A_1059 = arith.constant 0 : i32
    %dma_wait3A_1060 = tpu.memref_slice %arg30[%dma_wait3A_1052, %dma_wait3A_1059] : memref<2x16384xi32, #tpu.memory_space<vmem>> -> memref<1x16384xi32, #tpu.memory_space<vmem>>
    %dma_wait3A_1061 = tpu.memref_squeeze %dma_wait3A_1060 : memref<1x16384xi32, #tpu.memory_space<vmem>> -> memref<16384xi32, #tpu.memory_space<vmem>>
    %dma_wait3A_1062 = arith.constant 0 : i32
    %dma_wait3A_1063 = tpu.memref_slice %arg3[%dma_wait3A_1051, %dma_wait3A_1062] : memref<26x16384xi32, #tpu.memory_space<hbm>> -> memref<1x16384xi32, #tpu.memory_space<hbm>>
    %dma_wait3A_1064 = tpu.memref_squeeze %dma_wait3A_1063 : memref<1x16384xi32, #tpu.memory_space<hbm>> -> memref<16384xi32, #tpu.memory_space<hbm>>
    tpu.wait_dma2 semaphore(%arg32 : memref<!tpu.dma_semaphore, #tpu.memory_space<semaphore_mem>>) src(%dma_wait3A_1064 : memref<16384xi32, #tpu.memory_space<hbm>>) dst(%dma_wait3A_1061 : memref<16384xi32, #tpu.memory_space<vmem>>)
    %dma_wait3A_1065 = arith.constant 0 : i32
    %dma_wait3A_1066 = arith.constant 0 : i32
    %dma_wait3A_1067 = tpu.memref_slice %arg31[%dma_wait3A_1065, %dma_wait3A_1066] : memref<2x16384xf32, #tpu.memory_space<vmem>> -> memref<1x16384xf32, #tpu.memory_space<vmem>>
    %dma_wait3A_1068 = tpu.memref_squeeze %dma_wait3A_1067 : memref<1x16384xf32, #tpu.memory_space<vmem>> -> memref<16384xf32, #tpu.memory_space<vmem>>
    %dma_wait3A_1069 = arith.constant 0 : i32
    %dma_wait3A_1070 = tpu.memref_slice %arg4[%add3A, %dma_wait3A_1069] : memref<32x16384xf32, #tpu.memory_space<hbm>> -> memref<1x16384xf32, #tpu.memory_space<hbm>>
    %dma_wait3A_1071 = tpu.memref_squeeze %dma_wait3A_1070 : memref<1x16384xf32, #tpu.memory_space<hbm>> -> memref<16384xf32, #tpu.memory_space<hbm>>
    %dma_wait3A_1072 = arith.constant 0 : i32
    %dma_wait3A_1073 = tpu.memref_slice %arg4[%add3A, %dma_wait3A_1072] : memref<32x16384xf32, #tpu.memory_space<hbm>> -> memref<1x16384xf32, #tpu.memory_space<hbm>>
    %dma_wait3A_1074 = tpu.memref_squeeze %dma_wait3A_1073 : memref<1x16384xf32, #tpu.memory_space<hbm>> -> memref<16384xf32, #tpu.memory_space<hbm>>
    %dma_wait3A_1075 = arith.constant 0 : i32
    %dma_wait3A_1076 = tpu.memref_slice %arg31[%dma_wait3A_1065, %dma_wait3A_1075] : memref<2x16384xf32, #tpu.memory_space<vmem>> -> memref<1x16384xf32, #tpu.memory_space<vmem>>
    %dma_wait3A_1077 = tpu.memref_squeeze %dma_wait3A_1076 : memref<1x16384xf32, #tpu.memory_space<vmem>> -> memref<16384xf32, #tpu.memory_space<vmem>>
    tpu.wait_dma2 semaphore(%arg34 : memref<!tpu.dma_semaphore, #tpu.memory_space<semaphore_mem>>) src(%dma_wait3A_1077 : memref<16384xf32, #tpu.memory_space<vmem>>) dst(%dma_wait3A_1074 : memref<16384xf32, #tpu.memory_space<hbm>>)
    %add3A_1078 = arith.constant 416 : i32
    %add3A_1079 = arith.addi %add3A_1078, %add3A : i32
    %dma_start3A_1080 = arith.constant 1 : i32
    %dma_start3A_1081 = arith.constant 1 : i32
    %dma_start3A_1082 = arith.constant 0 : i32
    %dma_start3A_1083 = tpu.memref_slice %arg31[%dma_start3A_1081, %dma_start3A_1082] : memref<2x16384xf32, #tpu.memory_space<vmem>> -> memref<1x16384xf32, #tpu.memory_space<vmem>>
    %dma_start3A_1084 = tpu.memref_squeeze %dma_start3A_1083 : memref<1x16384xf32, #tpu.memory_space<vmem>> -> memref<16384xf32, #tpu.memory_space<vmem>>
    %dma_start3A_1085 = arith.constant 0 : i32
    %dma_start3A_1086 = tpu.memref_slice %arg30[%dma_start3A_1080, %dma_start3A_1085] : memref<2x16384xi32, #tpu.memory_space<vmem>> -> memref<1x16384xi32, #tpu.memory_space<vmem>>
    %dma_start3A_1087 = tpu.memref_squeeze %dma_start3A_1086 : memref<1x16384xi32, #tpu.memory_space<vmem>> -> memref<16384xi32, #tpu.memory_space<vmem>>
    %dma_start3A_1088 = arith.constant 0 : i32
    %dma_start3A_1089 = tpu.memref_slice %arg2[%add3A_1079, %dma_start3A_1088] : memref<832x100000xf32, #tpu.memory_space<hbm>> -> memref<1x100000xf32, #tpu.memory_space<hbm>>
    %dma_start3A_1090 = tpu.memref_squeeze %dma_start3A_1089 : memref<1x100000xf32, #tpu.memory_space<hbm>> -> memref<100000xf32, #tpu.memory_space<hbm>>
    %dma_start3A_1091 = arith.constant 0 : i32
    %dma_start3A_1092 = tpu.memref_slice %dma_start3A_1090[%dma_start3A_1091] : memref<100000xf32, #tpu.memory_space<hbm>> -> memref<100000xf32, #tpu.memory_space<hbm>>
    tpu.enqueue_indirect_dma source(%dma_start3A_1092 : memref<100000xf32, #tpu.memory_space<hbm>>) target(%dma_start3A_1084 : memref<16384xf32, #tpu.memory_space<vmem>>) offsets(%dma_start3A_1087 : memref<16384xi32, #tpu.memory_space<vmem>>) semaphore(%arg33 : memref<!tpu.dma_semaphore, #tpu.memory_space<semaphore_mem>>)
    %dma_start3A_1093 = arith.constant 14 : i32
    %dma_start3A_1094 = arith.constant 0 : i32
    %dma_start3A_1095 = arith.constant 0 : i32
    %dma_start3A_1096 = tpu.memref_slice %arg30[%dma_start3A_1094, %dma_start3A_1095] : memref<2x16384xi32, #tpu.memory_space<vmem>> -> memref<1x16384xi32, #tpu.memory_space<vmem>>
    %dma_start3A_1097 = tpu.memref_squeeze %dma_start3A_1096 : memref<1x16384xi32, #tpu.memory_space<vmem>> -> memref<16384xi32, #tpu.memory_space<vmem>>
    %dma_start3A_1098 = arith.constant 0 : i32
    %dma_start3A_1099 = tpu.memref_slice %arg3[%dma_start3A_1093, %dma_start3A_1098] : memref<26x16384xi32, #tpu.memory_space<hbm>> -> memref<1x16384xi32, #tpu.memory_space<hbm>>
    %dma_start3A_1100 = tpu.memref_squeeze %dma_start3A_1099 : memref<1x16384xi32, #tpu.memory_space<hbm>> -> memref<16384xi32, #tpu.memory_space<hbm>>
    %dma_start3A_1101 = arith.constant 0 : i32
    %dma_start3A_1102 = tpu.memref_slice %arg30[%dma_start3A_1094, %dma_start3A_1101] : memref<2x16384xi32, #tpu.memory_space<vmem>> -> memref<1x16384xi32, #tpu.memory_space<vmem>>
    %dma_start3A_1103 = tpu.memref_squeeze %dma_start3A_1102 : memref<1x16384xi32, #tpu.memory_space<vmem>> -> memref<16384xi32, #tpu.memory_space<vmem>>
    %dma_start3A_1104 = arith.constant 0 : i32
    %dma_start3A_1105 = tpu.memref_slice %arg3[%dma_start3A_1093, %dma_start3A_1104] : memref<26x16384xi32, #tpu.memory_space<hbm>> -> memref<1x16384xi32, #tpu.memory_space<hbm>>
    %dma_start3A_1106 = tpu.memref_squeeze %dma_start3A_1105 : memref<1x16384xi32, #tpu.memory_space<hbm>> -> memref<16384xi32, #tpu.memory_space<hbm>>
    tpu.enqueue_dma source(%dma_start3A_1106 : memref<16384xi32, #tpu.memory_space<hbm>>) target(%dma_start3A_1103 : memref<16384xi32, #tpu.memory_space<vmem>>) target_semaphore(%arg32 : memref<!tpu.dma_semaphore, #tpu.memory_space<semaphore_mem>>)
    %dma_start3A_1107 = arith.constant 0 : i32
    %dma_start3A_1108 = arith.constant 0 : i32
    %dma_start3A_1109 = tpu.memref_slice %arg31[%dma_start3A_1107, %dma_start3A_1108] : memref<2x16384xf32, #tpu.memory_space<vmem>> -> memref<1x16384xf32, #tpu.memory_space<vmem>>
    %dma_start3A_1110 = tpu.memref_squeeze %dma_start3A_1109 : memref<1x16384xf32, #tpu.memory_space<vmem>> -> memref<16384xf32, #tpu.memory_space<vmem>>
    %dma_start3A_1111 = arith.constant 0 : i32
    %dma_start3A_1112 = tpu.memref_slice %arg16[%add3A, %dma_start3A_1111] : memref<32x16384xf32, #tpu.memory_space<hbm>> -> memref<1x16384xf32, #tpu.memory_space<hbm>>
    %dma_start3A_1113 = tpu.memref_squeeze %dma_start3A_1112 : memref<1x16384xf32, #tpu.memory_space<hbm>> -> memref<16384xf32, #tpu.memory_space<hbm>>
    %dma_start3A_1114 = arith.constant 0 : i32
    %dma_start3A_1115 = tpu.memref_slice %arg16[%add3A, %dma_start3A_1114] : memref<32x16384xf32, #tpu.memory_space<hbm>> -> memref<1x16384xf32, #tpu.memory_space<hbm>>
    %dma_start3A_1116 = tpu.memref_squeeze %dma_start3A_1115 : memref<1x16384xf32, #tpu.memory_space<hbm>> -> memref<16384xf32, #tpu.memory_space<hbm>>
    %dma_start3A_1117 = arith.constant 0 : i32
    %dma_start3A_1118 = tpu.memref_slice %arg31[%dma_start3A_1107, %dma_start3A_1117] : memref<2x16384xf32, #tpu.memory_space<vmem>> -> memref<1x16384xf32, #tpu.memory_space<vmem>>
    %dma_start3A_1119 = tpu.memref_squeeze %dma_start3A_1118 : memref<1x16384xf32, #tpu.memory_space<vmem>> -> memref<16384xf32, #tpu.memory_space<vmem>>
    tpu.enqueue_dma source(%dma_start3A_1119 : memref<16384xf32, #tpu.memory_space<vmem>>) target(%dma_start3A_1116 : memref<16384xf32, #tpu.memory_space<hbm>>) target_semaphore(%arg34 : memref<!tpu.dma_semaphore, #tpu.memory_space<semaphore_mem>>)
    %dma_wait3A_1120 = arith.constant 0 : i32
    %dma_wait3A_1121 = arith.constant 1 : i32
    %dma_wait3A_1122 = arith.constant 1 : i32
    %dma_wait3A_1123 = arith.constant 0 : i32
    %dma_wait3A_1124 = tpu.memref_slice %arg31[%dma_wait3A_1122, %dma_wait3A_1123] : memref<2x16384xf32, #tpu.memory_space<vmem>> -> memref<1x16384xf32, #tpu.memory_space<vmem>>
    %dma_wait3A_1125 = tpu.memref_squeeze %dma_wait3A_1124 : memref<1x16384xf32, #tpu.memory_space<vmem>> -> memref<16384xf32, #tpu.memory_space<vmem>>
    %dma_wait3A_1126 = arith.constant 0 : i32
    %dma_wait3A_1127 = tpu.memref_slice %arg30[%dma_wait3A_1121, %dma_wait3A_1126] : memref<2x16384xi32, #tpu.memory_space<vmem>> -> memref<1x16384xi32, #tpu.memory_space<vmem>>
    %dma_wait3A_1128 = tpu.memref_squeeze %dma_wait3A_1127 : memref<1x16384xi32, #tpu.memory_space<vmem>> -> memref<16384xi32, #tpu.memory_space<vmem>>
    %dma_wait3A_1129 = arith.constant 0 : i32
    %dma_wait3A_1130 = tpu.memref_slice %arg2[%dma_wait3A_1120, %dma_wait3A_1129] : memref<832x100000xf32, #tpu.memory_space<hbm>> -> memref<1x100000xf32, #tpu.memory_space<hbm>>
    %dma_wait3A_1131 = tpu.memref_squeeze %dma_wait3A_1130 : memref<1x100000xf32, #tpu.memory_space<hbm>> -> memref<100000xf32, #tpu.memory_space<hbm>>
    %dma_wait3A_1132 = arith.constant 0 : i32
    %dma_wait3A_1133 = tpu.memref_slice %dma_wait3A_1131[%dma_wait3A_1132] : memref<100000xf32, #tpu.memory_space<hbm>> -> memref<100000xf32, #tpu.memory_space<hbm>>
    tpu.wait_indirect_dma semaphore(%arg33 : memref<!tpu.dma_semaphore, #tpu.memory_space<semaphore_mem>>) src(%dma_wait3A_1133 : memref<100000xf32, #tpu.memory_space<hbm>>) dst(%dma_wait3A_1125 : memref<16384xf32, #tpu.memory_space<vmem>>)
    %dma_wait3A_1134 = arith.constant 0 : i32
    %dma_wait3A_1135 = arith.constant 0 : i32
    %dma_wait3A_1136 = arith.constant 0 : i32
    %dma_wait3A_1137 = tpu.memref_slice %arg30[%dma_wait3A_1135, %dma_wait3A_1136] : memref<2x16384xi32, #tpu.memory_space<vmem>> -> memref<1x16384xi32, #tpu.memory_space<vmem>>
    %dma_wait3A_1138 = tpu.memref_squeeze %dma_wait3A_1137 : memref<1x16384xi32, #tpu.memory_space<vmem>> -> memref<16384xi32, #tpu.memory_space<vmem>>
    %dma_wait3A_1139 = arith.constant 0 : i32
    %dma_wait3A_1140 = tpu.memref_slice %arg3[%dma_wait3A_1134, %dma_wait3A_1139] : memref<26x16384xi32, #tpu.memory_space<hbm>> -> memref<1x16384xi32, #tpu.memory_space<hbm>>
    %dma_wait3A_1141 = tpu.memref_squeeze %dma_wait3A_1140 : memref<1x16384xi32, #tpu.memory_space<hbm>> -> memref<16384xi32, #tpu.memory_space<hbm>>
    %dma_wait3A_1142 = arith.constant 0 : i32
    %dma_wait3A_1143 = tpu.memref_slice %arg30[%dma_wait3A_1135, %dma_wait3A_1142] : memref<2x16384xi32, #tpu.memory_space<vmem>> -> memref<1x16384xi32, #tpu.memory_space<vmem>>
    %dma_wait3A_1144 = tpu.memref_squeeze %dma_wait3A_1143 : memref<1x16384xi32, #tpu.memory_space<vmem>> -> memref<16384xi32, #tpu.memory_space<vmem>>
    %dma_wait3A_1145 = arith.constant 0 : i32
    %dma_wait3A_1146 = tpu.memref_slice %arg3[%dma_wait3A_1134, %dma_wait3A_1145] : memref<26x16384xi32, #tpu.memory_space<hbm>> -> memref<1x16384xi32, #tpu.memory_space<hbm>>
    %dma_wait3A_1147 = tpu.memref_squeeze %dma_wait3A_1146 : memref<1x16384xi32, #tpu.memory_space<hbm>> -> memref<16384xi32, #tpu.memory_space<hbm>>
    tpu.wait_dma2 semaphore(%arg32 : memref<!tpu.dma_semaphore, #tpu.memory_space<semaphore_mem>>) src(%dma_wait3A_1147 : memref<16384xi32, #tpu.memory_space<hbm>>) dst(%dma_wait3A_1144 : memref<16384xi32, #tpu.memory_space<vmem>>)
    %dma_wait3A_1148 = arith.constant 0 : i32
    %dma_wait3A_1149 = arith.constant 0 : i32
    %dma_wait3A_1150 = tpu.memref_slice %arg31[%dma_wait3A_1148, %dma_wait3A_1149] : memref<2x16384xf32, #tpu.memory_space<vmem>> -> memref<1x16384xf32, #tpu.memory_space<vmem>>
    %dma_wait3A_1151 = tpu.memref_squeeze %dma_wait3A_1150 : memref<1x16384xf32, #tpu.memory_space<vmem>> -> memref<16384xf32, #tpu.memory_space<vmem>>
    %dma_wait3A_1152 = arith.constant 0 : i32
    %dma_wait3A_1153 = tpu.memref_slice %arg4[%add3A, %dma_wait3A_1152] : memref<32x16384xf32, #tpu.memory_space<hbm>> -> memref<1x16384xf32, #tpu.memory_space<hbm>>
    %dma_wait3A_1154 = tpu.memref_squeeze %dma_wait3A_1153 : memref<1x16384xf32, #tpu.memory_space<hbm>> -> memref<16384xf32, #tpu.memory_space<hbm>>
    %dma_wait3A_1155 = arith.constant 0 : i32
    %dma_wait3A_1156 = tpu.memref_slice %arg4[%add3A, %dma_wait3A_1155] : memref<32x16384xf32, #tpu.memory_space<hbm>> -> memref<1x16384xf32, #tpu.memory_space<hbm>>
    %dma_wait3A_1157 = tpu.memref_squeeze %dma_wait3A_1156 : memref<1x16384xf32, #tpu.memory_space<hbm>> -> memref<16384xf32, #tpu.memory_space<hbm>>
    %dma_wait3A_1158 = arith.constant 0 : i32
    %dma_wait3A_1159 = tpu.memref_slice %arg31[%dma_wait3A_1148, %dma_wait3A_1158] : memref<2x16384xf32, #tpu.memory_space<vmem>> -> memref<1x16384xf32, #tpu.memory_space<vmem>>
    %dma_wait3A_1160 = tpu.memref_squeeze %dma_wait3A_1159 : memref<1x16384xf32, #tpu.memory_space<vmem>> -> memref<16384xf32, #tpu.memory_space<vmem>>
    tpu.wait_dma2 semaphore(%arg34 : memref<!tpu.dma_semaphore, #tpu.memory_space<semaphore_mem>>) src(%dma_wait3A_1160 : memref<16384xf32, #tpu.memory_space<vmem>>) dst(%dma_wait3A_1157 : memref<16384xf32, #tpu.memory_space<hbm>>)
    %add3A_1161 = arith.constant 448 : i32
    %add3A_1162 = arith.addi %add3A_1161, %add3A : i32
    %dma_start3A_1163 = arith.constant 0 : i32
    %dma_start3A_1164 = arith.constant 0 : i32
    %dma_start3A_1165 = arith.constant 0 : i32
    %dma_start3A_1166 = tpu.memref_slice %arg31[%dma_start3A_1164, %dma_start3A_1165] : memref<2x16384xf32, #tpu.memory_space<vmem>> -> memref<1x16384xf32, #tpu.memory_space<vmem>>
    %dma_start3A_1167 = tpu.memref_squeeze %dma_start3A_1166 : memref<1x16384xf32, #tpu.memory_space<vmem>> -> memref<16384xf32, #tpu.memory_space<vmem>>
    %dma_start3A_1168 = arith.constant 0 : i32
    %dma_start3A_1169 = tpu.memref_slice %arg30[%dma_start3A_1163, %dma_start3A_1168] : memref<2x16384xi32, #tpu.memory_space<vmem>> -> memref<1x16384xi32, #tpu.memory_space<vmem>>
    %dma_start3A_1170 = tpu.memref_squeeze %dma_start3A_1169 : memref<1x16384xi32, #tpu.memory_space<vmem>> -> memref<16384xi32, #tpu.memory_space<vmem>>
    %dma_start3A_1171 = arith.constant 0 : i32
    %dma_start3A_1172 = tpu.memref_slice %arg2[%add3A_1162, %dma_start3A_1171] : memref<832x100000xf32, #tpu.memory_space<hbm>> -> memref<1x100000xf32, #tpu.memory_space<hbm>>
    %dma_start3A_1173 = tpu.memref_squeeze %dma_start3A_1172 : memref<1x100000xf32, #tpu.memory_space<hbm>> -> memref<100000xf32, #tpu.memory_space<hbm>>
    %dma_start3A_1174 = arith.constant 0 : i32
    %dma_start3A_1175 = tpu.memref_slice %dma_start3A_1173[%dma_start3A_1174] : memref<100000xf32, #tpu.memory_space<hbm>> -> memref<100000xf32, #tpu.memory_space<hbm>>
    tpu.enqueue_indirect_dma source(%dma_start3A_1175 : memref<100000xf32, #tpu.memory_space<hbm>>) target(%dma_start3A_1167 : memref<16384xf32, #tpu.memory_space<vmem>>) offsets(%dma_start3A_1170 : memref<16384xi32, #tpu.memory_space<vmem>>) semaphore(%arg33 : memref<!tpu.dma_semaphore, #tpu.memory_space<semaphore_mem>>)
    %dma_start3A_1176 = arith.constant 15 : i32
    %dma_start3A_1177 = arith.constant 1 : i32
    %dma_start3A_1178 = arith.constant 0 : i32
    %dma_start3A_1179 = tpu.memref_slice %arg30[%dma_start3A_1177, %dma_start3A_1178] : memref<2x16384xi32, #tpu.memory_space<vmem>> -> memref<1x16384xi32, #tpu.memory_space<vmem>>
    %dma_start3A_1180 = tpu.memref_squeeze %dma_start3A_1179 : memref<1x16384xi32, #tpu.memory_space<vmem>> -> memref<16384xi32, #tpu.memory_space<vmem>>
    %dma_start3A_1181 = arith.constant 0 : i32
    %dma_start3A_1182 = tpu.memref_slice %arg3[%dma_start3A_1176, %dma_start3A_1181] : memref<26x16384xi32, #tpu.memory_space<hbm>> -> memref<1x16384xi32, #tpu.memory_space<hbm>>
    %dma_start3A_1183 = tpu.memref_squeeze %dma_start3A_1182 : memref<1x16384xi32, #tpu.memory_space<hbm>> -> memref<16384xi32, #tpu.memory_space<hbm>>
    %dma_start3A_1184 = arith.constant 0 : i32
    %dma_start3A_1185 = tpu.memref_slice %arg30[%dma_start3A_1177, %dma_start3A_1184] : memref<2x16384xi32, #tpu.memory_space<vmem>> -> memref<1x16384xi32, #tpu.memory_space<vmem>>
    %dma_start3A_1186 = tpu.memref_squeeze %dma_start3A_1185 : memref<1x16384xi32, #tpu.memory_space<vmem>> -> memref<16384xi32, #tpu.memory_space<vmem>>
    %dma_start3A_1187 = arith.constant 0 : i32
    %dma_start3A_1188 = tpu.memref_slice %arg3[%dma_start3A_1176, %dma_start3A_1187] : memref<26x16384xi32, #tpu.memory_space<hbm>> -> memref<1x16384xi32, #tpu.memory_space<hbm>>
    %dma_start3A_1189 = tpu.memref_squeeze %dma_start3A_1188 : memref<1x16384xi32, #tpu.memory_space<hbm>> -> memref<16384xi32, #tpu.memory_space<hbm>>
    tpu.enqueue_dma source(%dma_start3A_1189 : memref<16384xi32, #tpu.memory_space<hbm>>) target(%dma_start3A_1186 : memref<16384xi32, #tpu.memory_space<vmem>>) target_semaphore(%arg32 : memref<!tpu.dma_semaphore, #tpu.memory_space<semaphore_mem>>)
    %dma_start3A_1190 = arith.constant 1 : i32
    %dma_start3A_1191 = arith.constant 0 : i32
    %dma_start3A_1192 = tpu.memref_slice %arg31[%dma_start3A_1190, %dma_start3A_1191] : memref<2x16384xf32, #tpu.memory_space<vmem>> -> memref<1x16384xf32, #tpu.memory_space<vmem>>
    %dma_start3A_1193 = tpu.memref_squeeze %dma_start3A_1192 : memref<1x16384xf32, #tpu.memory_space<vmem>> -> memref<16384xf32, #tpu.memory_space<vmem>>
    %dma_start3A_1194 = arith.constant 0 : i32
    %dma_start3A_1195 = tpu.memref_slice %arg17[%add3A, %dma_start3A_1194] : memref<32x16384xf32, #tpu.memory_space<hbm>> -> memref<1x16384xf32, #tpu.memory_space<hbm>>
    %dma_start3A_1196 = tpu.memref_squeeze %dma_start3A_1195 : memref<1x16384xf32, #tpu.memory_space<hbm>> -> memref<16384xf32, #tpu.memory_space<hbm>>
    %dma_start3A_1197 = arith.constant 0 : i32
    %dma_start3A_1198 = tpu.memref_slice %arg17[%add3A, %dma_start3A_1197] : memref<32x16384xf32, #tpu.memory_space<hbm>> -> memref<1x16384xf32, #tpu.memory_space<hbm>>
    %dma_start3A_1199 = tpu.memref_squeeze %dma_start3A_1198 : memref<1x16384xf32, #tpu.memory_space<hbm>> -> memref<16384xf32, #tpu.memory_space<hbm>>
    %dma_start3A_1200 = arith.constant 0 : i32
    %dma_start3A_1201 = tpu.memref_slice %arg31[%dma_start3A_1190, %dma_start3A_1200] : memref<2x16384xf32, #tpu.memory_space<vmem>> -> memref<1x16384xf32, #tpu.memory_space<vmem>>
    %dma_start3A_1202 = tpu.memref_squeeze %dma_start3A_1201 : memref<1x16384xf32, #tpu.memory_space<vmem>> -> memref<16384xf32, #tpu.memory_space<vmem>>
    tpu.enqueue_dma source(%dma_start3A_1202 : memref<16384xf32, #tpu.memory_space<vmem>>) target(%dma_start3A_1199 : memref<16384xf32, #tpu.memory_space<hbm>>) target_semaphore(%arg34 : memref<!tpu.dma_semaphore, #tpu.memory_space<semaphore_mem>>)
    %dma_wait3A_1203 = arith.constant 0 : i32
    %dma_wait3A_1204 = arith.constant 0 : i32
    %dma_wait3A_1205 = arith.constant 0 : i32
    %dma_wait3A_1206 = arith.constant 0 : i32
    %dma_wait3A_1207 = tpu.memref_slice %arg31[%dma_wait3A_1205, %dma_wait3A_1206] : memref<2x16384xf32, #tpu.memory_space<vmem>> -> memref<1x16384xf32, #tpu.memory_space<vmem>>
    %dma_wait3A_1208 = tpu.memref_squeeze %dma_wait3A_1207 : memref<1x16384xf32, #tpu.memory_space<vmem>> -> memref<16384xf32, #tpu.memory_space<vmem>>
    %dma_wait3A_1209 = arith.constant 0 : i32
    %dma_wait3A_1210 = tpu.memref_slice %arg30[%dma_wait3A_1204, %dma_wait3A_1209] : memref<2x16384xi32, #tpu.memory_space<vmem>> -> memref<1x16384xi32, #tpu.memory_space<vmem>>
    %dma_wait3A_1211 = tpu.memref_squeeze %dma_wait3A_1210 : memref<1x16384xi32, #tpu.memory_space<vmem>> -> memref<16384xi32, #tpu.memory_space<vmem>>
    %dma_wait3A_1212 = arith.constant 0 : i32
    %dma_wait3A_1213 = tpu.memref_slice %arg2[%dma_wait3A_1203, %dma_wait3A_1212] : memref<832x100000xf32, #tpu.memory_space<hbm>> -> memref<1x100000xf32, #tpu.memory_space<hbm>>
    %dma_wait3A_1214 = tpu.memref_squeeze %dma_wait3A_1213 : memref<1x100000xf32, #tpu.memory_space<hbm>> -> memref<100000xf32, #tpu.memory_space<hbm>>
    %dma_wait3A_1215 = arith.constant 0 : i32
    %dma_wait3A_1216 = tpu.memref_slice %dma_wait3A_1214[%dma_wait3A_1215] : memref<100000xf32, #tpu.memory_space<hbm>> -> memref<100000xf32, #tpu.memory_space<hbm>>
    tpu.wait_indirect_dma semaphore(%arg33 : memref<!tpu.dma_semaphore, #tpu.memory_space<semaphore_mem>>) src(%dma_wait3A_1216 : memref<100000xf32, #tpu.memory_space<hbm>>) dst(%dma_wait3A_1208 : memref<16384xf32, #tpu.memory_space<vmem>>)
    %dma_wait3A_1217 = arith.constant 0 : i32
    %dma_wait3A_1218 = arith.constant 0 : i32
    %dma_wait3A_1219 = arith.constant 0 : i32
    %dma_wait3A_1220 = tpu.memref_slice %arg30[%dma_wait3A_1218, %dma_wait3A_1219] : memref<2x16384xi32, #tpu.memory_space<vmem>> -> memref<1x16384xi32, #tpu.memory_space<vmem>>
    %dma_wait3A_1221 = tpu.memref_squeeze %dma_wait3A_1220 : memref<1x16384xi32, #tpu.memory_space<vmem>> -> memref<16384xi32, #tpu.memory_space<vmem>>
    %dma_wait3A_1222 = arith.constant 0 : i32
    %dma_wait3A_1223 = tpu.memref_slice %arg3[%dma_wait3A_1217, %dma_wait3A_1222] : memref<26x16384xi32, #tpu.memory_space<hbm>> -> memref<1x16384xi32, #tpu.memory_space<hbm>>
    %dma_wait3A_1224 = tpu.memref_squeeze %dma_wait3A_1223 : memref<1x16384xi32, #tpu.memory_space<hbm>> -> memref<16384xi32, #tpu.memory_space<hbm>>
    %dma_wait3A_1225 = arith.constant 0 : i32
    %dma_wait3A_1226 = tpu.memref_slice %arg30[%dma_wait3A_1218, %dma_wait3A_1225] : memref<2x16384xi32, #tpu.memory_space<vmem>> -> memref<1x16384xi32, #tpu.memory_space<vmem>>
    %dma_wait3A_1227 = tpu.memref_squeeze %dma_wait3A_1226 : memref<1x16384xi32, #tpu.memory_space<vmem>> -> memref<16384xi32, #tpu.memory_space<vmem>>
    %dma_wait3A_1228 = arith.constant 0 : i32
    %dma_wait3A_1229 = tpu.memref_slice %arg3[%dma_wait3A_1217, %dma_wait3A_1228] : memref<26x16384xi32, #tpu.memory_space<hbm>> -> memref<1x16384xi32, #tpu.memory_space<hbm>>
    %dma_wait3A_1230 = tpu.memref_squeeze %dma_wait3A_1229 : memref<1x16384xi32, #tpu.memory_space<hbm>> -> memref<16384xi32, #tpu.memory_space<hbm>>
    tpu.wait_dma2 semaphore(%arg32 : memref<!tpu.dma_semaphore, #tpu.memory_space<semaphore_mem>>) src(%dma_wait3A_1230 : memref<16384xi32, #tpu.memory_space<hbm>>) dst(%dma_wait3A_1227 : memref<16384xi32, #tpu.memory_space<vmem>>)
    %dma_wait3A_1231 = arith.constant 0 : i32
    %dma_wait3A_1232 = arith.constant 0 : i32
    %dma_wait3A_1233 = tpu.memref_slice %arg31[%dma_wait3A_1231, %dma_wait3A_1232] : memref<2x16384xf32, #tpu.memory_space<vmem>> -> memref<1x16384xf32, #tpu.memory_space<vmem>>
    %dma_wait3A_1234 = tpu.memref_squeeze %dma_wait3A_1233 : memref<1x16384xf32, #tpu.memory_space<vmem>> -> memref<16384xf32, #tpu.memory_space<vmem>>
    %dma_wait3A_1235 = arith.constant 0 : i32
    %dma_wait3A_1236 = tpu.memref_slice %arg4[%add3A, %dma_wait3A_1235] : memref<32x16384xf32, #tpu.memory_space<hbm>> -> memref<1x16384xf32, #tpu.memory_space<hbm>>
    %dma_wait3A_1237 = tpu.memref_squeeze %dma_wait3A_1236 : memref<1x16384xf32, #tpu.memory_space<hbm>> -> memref<16384xf32, #tpu.memory_space<hbm>>
    %dma_wait3A_1238 = arith.constant 0 : i32
    %dma_wait3A_1239 = tpu.memref_slice %arg4[%add3A, %dma_wait3A_1238] : memref<32x16384xf32, #tpu.memory_space<hbm>> -> memref<1x16384xf32, #tpu.memory_space<hbm>>
    %dma_wait3A_1240 = tpu.memref_squeeze %dma_wait3A_1239 : memref<1x16384xf32, #tpu.memory_space<hbm>> -> memref<16384xf32, #tpu.memory_space<hbm>>
    %dma_wait3A_1241 = arith.constant 0 : i32
    %dma_wait3A_1242 = tpu.memref_slice %arg31[%dma_wait3A_1231, %dma_wait3A_1241] : memref<2x16384xf32, #tpu.memory_space<vmem>> -> memref<1x16384xf32, #tpu.memory_space<vmem>>
    %dma_wait3A_1243 = tpu.memref_squeeze %dma_wait3A_1242 : memref<1x16384xf32, #tpu.memory_space<vmem>> -> memref<16384xf32, #tpu.memory_space<vmem>>
    tpu.wait_dma2 semaphore(%arg34 : memref<!tpu.dma_semaphore, #tpu.memory_space<semaphore_mem>>) src(%dma_wait3A_1243 : memref<16384xf32, #tpu.memory_space<vmem>>) dst(%dma_wait3A_1240 : memref<16384xf32, #tpu.memory_space<hbm>>)
    %add3A_1244 = arith.constant 480 : i32
    %add3A_1245 = arith.addi %add3A_1244, %add3A : i32
    %dma_start3A_1246 = arith.constant 1 : i32
    %dma_start3A_1247 = arith.constant 1 : i32
    %dma_start3A_1248 = arith.constant 0 : i32
    %dma_start3A_1249 = tpu.memref_slice %arg31[%dma_start3A_1247, %dma_start3A_1248] : memref<2x16384xf32, #tpu.memory_space<vmem>> -> memref<1x16384xf32, #tpu.memory_space<vmem>>
    %dma_start3A_1250 = tpu.memref_squeeze %dma_start3A_1249 : memref<1x16384xf32, #tpu.memory_space<vmem>> -> memref<16384xf32, #tpu.memory_space<vmem>>
    %dma_start3A_1251 = arith.constant 0 : i32
    %dma_start3A_1252 = tpu.memref_slice %arg30[%dma_start3A_1246, %dma_start3A_1251] : memref<2x16384xi32, #tpu.memory_space<vmem>> -> memref<1x16384xi32, #tpu.memory_space<vmem>>
    %dma_start3A_1253 = tpu.memref_squeeze %dma_start3A_1252 : memref<1x16384xi32, #tpu.memory_space<vmem>> -> memref<16384xi32, #tpu.memory_space<vmem>>
    %dma_start3A_1254 = arith.constant 0 : i32
    %dma_start3A_1255 = tpu.memref_slice %arg2[%add3A_1245, %dma_start3A_1254] : memref<832x100000xf32, #tpu.memory_space<hbm>> -> memref<1x100000xf32, #tpu.memory_space<hbm>>
    %dma_start3A_1256 = tpu.memref_squeeze %dma_start3A_1255 : memref<1x100000xf32, #tpu.memory_space<hbm>> -> memref<100000xf32, #tpu.memory_space<hbm>>
    %dma_start3A_1257 = arith.constant 0 : i32
    %dma_start3A_1258 = tpu.memref_slice %dma_start3A_1256[%dma_start3A_1257] : memref<100000xf32, #tpu.memory_space<hbm>> -> memref<100000xf32, #tpu.memory_space<hbm>>
    tpu.enqueue_indirect_dma source(%dma_start3A_1258 : memref<100000xf32, #tpu.memory_space<hbm>>) target(%dma_start3A_1250 : memref<16384xf32, #tpu.memory_space<vmem>>) offsets(%dma_start3A_1253 : memref<16384xi32, #tpu.memory_space<vmem>>) semaphore(%arg33 : memref<!tpu.dma_semaphore, #tpu.memory_space<semaphore_mem>>)
    %dma_start3A_1259 = arith.constant 16 : i32
    %dma_start3A_1260 = arith.constant 0 : i32
    %dma_start3A_1261 = arith.constant 0 : i32
    %dma_start3A_1262 = tpu.memref_slice %arg30[%dma_start3A_1260, %dma_start3A_1261] : memref<2x16384xi32, #tpu.memory_space<vmem>> -> memref<1x16384xi32, #tpu.memory_space<vmem>>
    %dma_start3A_1263 = tpu.memref_squeeze %dma_start3A_1262 : memref<1x16384xi32, #tpu.memory_space<vmem>> -> memref<16384xi32, #tpu.memory_space<vmem>>
    %dma_start3A_1264 = arith.constant 0 : i32
    %dma_start3A_1265 = tpu.memref_slice %arg3[%dma_start3A_1259, %dma_start3A_1264] : memref<26x16384xi32, #tpu.memory_space<hbm>> -> memref<1x16384xi32, #tpu.memory_space<hbm>>
    %dma_start3A_1266 = tpu.memref_squeeze %dma_start3A_1265 : memref<1x16384xi32, #tpu.memory_space<hbm>> -> memref<16384xi32, #tpu.memory_space<hbm>>
    %dma_start3A_1267 = arith.constant 0 : i32
    %dma_start3A_1268 = tpu.memref_slice %arg30[%dma_start3A_1260, %dma_start3A_1267] : memref<2x16384xi32, #tpu.memory_space<vmem>> -> memref<1x16384xi32, #tpu.memory_space<vmem>>
    %dma_start3A_1269 = tpu.memref_squeeze %dma_start3A_1268 : memref<1x16384xi32, #tpu.memory_space<vmem>> -> memref<16384xi32, #tpu.memory_space<vmem>>
    %dma_start3A_1270 = arith.constant 0 : i32
    %dma_start3A_1271 = tpu.memref_slice %arg3[%dma_start3A_1259, %dma_start3A_1270] : memref<26x16384xi32, #tpu.memory_space<hbm>> -> memref<1x16384xi32, #tpu.memory_space<hbm>>
    %dma_start3A_1272 = tpu.memref_squeeze %dma_start3A_1271 : memref<1x16384xi32, #tpu.memory_space<hbm>> -> memref<16384xi32, #tpu.memory_space<hbm>>
    tpu.enqueue_dma source(%dma_start3A_1272 : memref<16384xi32, #tpu.memory_space<hbm>>) target(%dma_start3A_1269 : memref<16384xi32, #tpu.memory_space<vmem>>) target_semaphore(%arg32 : memref<!tpu.dma_semaphore, #tpu.memory_space<semaphore_mem>>)
    %dma_start3A_1273 = arith.constant 0 : i32
    %dma_start3A_1274 = arith.constant 0 : i32
    %dma_start3A_1275 = tpu.memref_slice %arg31[%dma_start3A_1273, %dma_start3A_1274] : memref<2x16384xf32, #tpu.memory_space<vmem>> -> memref<1x16384xf32, #tpu.memory_space<vmem>>
    %dma_start3A_1276 = tpu.memref_squeeze %dma_start3A_1275 : memref<1x16384xf32, #tpu.memory_space<vmem>> -> memref<16384xf32, #tpu.memory_space<vmem>>
    %dma_start3A_1277 = arith.constant 0 : i32
    %dma_start3A_1278 = tpu.memref_slice %arg18[%add3A, %dma_start3A_1277] : memref<32x16384xf32, #tpu.memory_space<hbm>> -> memref<1x16384xf32, #tpu.memory_space<hbm>>
    %dma_start3A_1279 = tpu.memref_squeeze %dma_start3A_1278 : memref<1x16384xf32, #tpu.memory_space<hbm>> -> memref<16384xf32, #tpu.memory_space<hbm>>
    %dma_start3A_1280 = arith.constant 0 : i32
    %dma_start3A_1281 = tpu.memref_slice %arg18[%add3A, %dma_start3A_1280] : memref<32x16384xf32, #tpu.memory_space<hbm>> -> memref<1x16384xf32, #tpu.memory_space<hbm>>
    %dma_start3A_1282 = tpu.memref_squeeze %dma_start3A_1281 : memref<1x16384xf32, #tpu.memory_space<hbm>> -> memref<16384xf32, #tpu.memory_space<hbm>>
    %dma_start3A_1283 = arith.constant 0 : i32
    %dma_start3A_1284 = tpu.memref_slice %arg31[%dma_start3A_1273, %dma_start3A_1283] : memref<2x16384xf32, #tpu.memory_space<vmem>> -> memref<1x16384xf32, #tpu.memory_space<vmem>>
    %dma_start3A_1285 = tpu.memref_squeeze %dma_start3A_1284 : memref<1x16384xf32, #tpu.memory_space<vmem>> -> memref<16384xf32, #tpu.memory_space<vmem>>
    tpu.enqueue_dma source(%dma_start3A_1285 : memref<16384xf32, #tpu.memory_space<vmem>>) target(%dma_start3A_1282 : memref<16384xf32, #tpu.memory_space<hbm>>) target_semaphore(%arg34 : memref<!tpu.dma_semaphore, #tpu.memory_space<semaphore_mem>>)
    %dma_wait3A_1286 = arith.constant 0 : i32
    %dma_wait3A_1287 = arith.constant 1 : i32
    %dma_wait3A_1288 = arith.constant 1 : i32
    %dma_wait3A_1289 = arith.constant 0 : i32
    %dma_wait3A_1290 = tpu.memref_slice %arg31[%dma_wait3A_1288, %dma_wait3A_1289] : memref<2x16384xf32, #tpu.memory_space<vmem>> -> memref<1x16384xf32, #tpu.memory_space<vmem>>
    %dma_wait3A_1291 = tpu.memref_squeeze %dma_wait3A_1290 : memref<1x16384xf32, #tpu.memory_space<vmem>> -> memref<16384xf32, #tpu.memory_space<vmem>>
    %dma_wait3A_1292 = arith.constant 0 : i32
    %dma_wait3A_1293 = tpu.memref_slice %arg30[%dma_wait3A_1287, %dma_wait3A_1292] : memref<2x16384xi32, #tpu.memory_space<vmem>> -> memref<1x16384xi32, #tpu.memory_space<vmem>>
    %dma_wait3A_1294 = tpu.memref_squeeze %dma_wait3A_1293 : memref<1x16384xi32, #tpu.memory_space<vmem>> -> memref<16384xi32, #tpu.memory_space<vmem>>
    %dma_wait3A_1295 = arith.constant 0 : i32
    %dma_wait3A_1296 = tpu.memref_slice %arg2[%dma_wait3A_1286, %dma_wait3A_1295] : memref<832x100000xf32, #tpu.memory_space<hbm>> -> memref<1x100000xf32, #tpu.memory_space<hbm>>
    %dma_wait3A_1297 = tpu.memref_squeeze %dma_wait3A_1296 : memref<1x100000xf32, #tpu.memory_space<hbm>> -> memref<100000xf32, #tpu.memory_space<hbm>>
    %dma_wait3A_1298 = arith.constant 0 : i32
    %dma_wait3A_1299 = tpu.memref_slice %dma_wait3A_1297[%dma_wait3A_1298] : memref<100000xf32, #tpu.memory_space<hbm>> -> memref<100000xf32, #tpu.memory_space<hbm>>
    tpu.wait_indirect_dma semaphore(%arg33 : memref<!tpu.dma_semaphore, #tpu.memory_space<semaphore_mem>>) src(%dma_wait3A_1299 : memref<100000xf32, #tpu.memory_space<hbm>>) dst(%dma_wait3A_1291 : memref<16384xf32, #tpu.memory_space<vmem>>)
    %dma_wait3A_1300 = arith.constant 0 : i32
    %dma_wait3A_1301 = arith.constant 0 : i32
    %dma_wait3A_1302 = arith.constant 0 : i32
    %dma_wait3A_1303 = tpu.memref_slice %arg30[%dma_wait3A_1301, %dma_wait3A_1302] : memref<2x16384xi32, #tpu.memory_space<vmem>> -> memref<1x16384xi32, #tpu.memory_space<vmem>>
    %dma_wait3A_1304 = tpu.memref_squeeze %dma_wait3A_1303 : memref<1x16384xi32, #tpu.memory_space<vmem>> -> memref<16384xi32, #tpu.memory_space<vmem>>
    %dma_wait3A_1305 = arith.constant 0 : i32
    %dma_wait3A_1306 = tpu.memref_slice %arg3[%dma_wait3A_1300, %dma_wait3A_1305] : memref<26x16384xi32, #tpu.memory_space<hbm>> -> memref<1x16384xi32, #tpu.memory_space<hbm>>
    %dma_wait3A_1307 = tpu.memref_squeeze %dma_wait3A_1306 : memref<1x16384xi32, #tpu.memory_space<hbm>> -> memref<16384xi32, #tpu.memory_space<hbm>>
    %dma_wait3A_1308 = arith.constant 0 : i32
    %dma_wait3A_1309 = tpu.memref_slice %arg30[%dma_wait3A_1301, %dma_wait3A_1308] : memref<2x16384xi32, #tpu.memory_space<vmem>> -> memref<1x16384xi32, #tpu.memory_space<vmem>>
    %dma_wait3A_1310 = tpu.memref_squeeze %dma_wait3A_1309 : memref<1x16384xi32, #tpu.memory_space<vmem>> -> memref<16384xi32, #tpu.memory_space<vmem>>
    %dma_wait3A_1311 = arith.constant 0 : i32
    %dma_wait3A_1312 = tpu.memref_slice %arg3[%dma_wait3A_1300, %dma_wait3A_1311] : memref<26x16384xi32, #tpu.memory_space<hbm>> -> memref<1x16384xi32, #tpu.memory_space<hbm>>
    %dma_wait3A_1313 = tpu.memref_squeeze %dma_wait3A_1312 : memref<1x16384xi32, #tpu.memory_space<hbm>> -> memref<16384xi32, #tpu.memory_space<hbm>>
    tpu.wait_dma2 semaphore(%arg32 : memref<!tpu.dma_semaphore, #tpu.memory_space<semaphore_mem>>) src(%dma_wait3A_1313 : memref<16384xi32, #tpu.memory_space<hbm>>) dst(%dma_wait3A_1310 : memref<16384xi32, #tpu.memory_space<vmem>>)
    %dma_wait3A_1314 = arith.constant 0 : i32
    %dma_wait3A_1315 = arith.constant 0 : i32
    %dma_wait3A_1316 = tpu.memref_slice %arg31[%dma_wait3A_1314, %dma_wait3A_1315] : memref<2x16384xf32, #tpu.memory_space<vmem>> -> memref<1x16384xf32, #tpu.memory_space<vmem>>
    %dma_wait3A_1317 = tpu.memref_squeeze %dma_wait3A_1316 : memref<1x16384xf32, #tpu.memory_space<vmem>> -> memref<16384xf32, #tpu.memory_space<vmem>>
    %dma_wait3A_1318 = arith.constant 0 : i32
    %dma_wait3A_1319 = tpu.memref_slice %arg4[%add3A, %dma_wait3A_1318] : memref<32x16384xf32, #tpu.memory_space<hbm>> -> memref<1x16384xf32, #tpu.memory_space<hbm>>
    %dma_wait3A_1320 = tpu.memref_squeeze %dma_wait3A_1319 : memref<1x16384xf32, #tpu.memory_space<hbm>> -> memref<16384xf32, #tpu.memory_space<hbm>>
    %dma_wait3A_1321 = arith.constant 0 : i32
    %dma_wait3A_1322 = tpu.memref_slice %arg4[%add3A, %dma_wait3A_1321] : memref<32x16384xf32, #tpu.memory_space<hbm>> -> memref<1x16384xf32, #tpu.memory_space<hbm>>
    %dma_wait3A_1323 = tpu.memref_squeeze %dma_wait3A_1322 : memref<1x16384xf32, #tpu.memory_space<hbm>> -> memref<16384xf32, #tpu.memory_space<hbm>>
    %dma_wait3A_1324 = arith.constant 0 : i32
    %dma_wait3A_1325 = tpu.memref_slice %arg31[%dma_wait3A_1314, %dma_wait3A_1324] : memref<2x16384xf32, #tpu.memory_space<vmem>> -> memref<1x16384xf32, #tpu.memory_space<vmem>>
    %dma_wait3A_1326 = tpu.memref_squeeze %dma_wait3A_1325 : memref<1x16384xf32, #tpu.memory_space<vmem>> -> memref<16384xf32, #tpu.memory_space<vmem>>
    tpu.wait_dma2 semaphore(%arg34 : memref<!tpu.dma_semaphore, #tpu.memory_space<semaphore_mem>>) src(%dma_wait3A_1326 : memref<16384xf32, #tpu.memory_space<vmem>>) dst(%dma_wait3A_1323 : memref<16384xf32, #tpu.memory_space<hbm>>)
    %add3A_1327 = arith.constant 512 : i32
    %add3A_1328 = arith.addi %add3A_1327, %add3A : i32
    %dma_start3A_1329 = arith.constant 0 : i32
    %dma_start3A_1330 = arith.constant 0 : i32
    %dma_start3A_1331 = arith.constant 0 : i32
    %dma_start3A_1332 = tpu.memref_slice %arg31[%dma_start3A_1330, %dma_start3A_1331] : memref<2x16384xf32, #tpu.memory_space<vmem>> -> memref<1x16384xf32, #tpu.memory_space<vmem>>
    %dma_start3A_1333 = tpu.memref_squeeze %dma_start3A_1332 : memref<1x16384xf32, #tpu.memory_space<vmem>> -> memref<16384xf32, #tpu.memory_space<vmem>>
    %dma_start3A_1334 = arith.constant 0 : i32
    %dma_start3A_1335 = tpu.memref_slice %arg30[%dma_start3A_1329, %dma_start3A_1334] : memref<2x16384xi32, #tpu.memory_space<vmem>> -> memref<1x16384xi32, #tpu.memory_space<vmem>>
    %dma_start3A_1336 = tpu.memref_squeeze %dma_start3A_1335 : memref<1x16384xi32, #tpu.memory_space<vmem>> -> memref<16384xi32, #tpu.memory_space<vmem>>
    %dma_start3A_1337 = arith.constant 0 : i32
    %dma_start3A_1338 = tpu.memref_slice %arg2[%add3A_1328, %dma_start3A_1337] : memref<832x100000xf32, #tpu.memory_space<hbm>> -> memref<1x100000xf32, #tpu.memory_space<hbm>>
    %dma_start3A_1339 = tpu.memref_squeeze %dma_start3A_1338 : memref<1x100000xf32, #tpu.memory_space<hbm>> -> memref<100000xf32, #tpu.memory_space<hbm>>
    %dma_start3A_1340 = arith.constant 0 : i32
    %dma_start3A_1341 = tpu.memref_slice %dma_start3A_1339[%dma_start3A_1340] : memref<100000xf32, #tpu.memory_space<hbm>> -> memref<100000xf32, #tpu.memory_space<hbm>>
    tpu.enqueue_indirect_dma source(%dma_start3A_1341 : memref<100000xf32, #tpu.memory_space<hbm>>) target(%dma_start3A_1333 : memref<16384xf32, #tpu.memory_space<vmem>>) offsets(%dma_start3A_1336 : memref<16384xi32, #tpu.memory_space<vmem>>) semaphore(%arg33 : memref<!tpu.dma_semaphore, #tpu.memory_space<semaphore_mem>>)
    %dma_start3A_1342 = arith.constant 17 : i32
    %dma_start3A_1343 = arith.constant 1 : i32
    %dma_start3A_1344 = arith.constant 0 : i32
    %dma_start3A_1345 = tpu.memref_slice %arg30[%dma_start3A_1343, %dma_start3A_1344] : memref<2x16384xi32, #tpu.memory_space<vmem>> -> memref<1x16384xi32, #tpu.memory_space<vmem>>
    %dma_start3A_1346 = tpu.memref_squeeze %dma_start3A_1345 : memref<1x16384xi32, #tpu.memory_space<vmem>> -> memref<16384xi32, #tpu.memory_space<vmem>>
    %dma_start3A_1347 = arith.constant 0 : i32
    %dma_start3A_1348 = tpu.memref_slice %arg3[%dma_start3A_1342, %dma_start3A_1347] : memref<26x16384xi32, #tpu.memory_space<hbm>> -> memref<1x16384xi32, #tpu.memory_space<hbm>>
    %dma_start3A_1349 = tpu.memref_squeeze %dma_start3A_1348 : memref<1x16384xi32, #tpu.memory_space<hbm>> -> memref<16384xi32, #tpu.memory_space<hbm>>
    %dma_start3A_1350 = arith.constant 0 : i32
    %dma_start3A_1351 = tpu.memref_slice %arg30[%dma_start3A_1343, %dma_start3A_1350] : memref<2x16384xi32, #tpu.memory_space<vmem>> -> memref<1x16384xi32, #tpu.memory_space<vmem>>
    %dma_start3A_1352 = tpu.memref_squeeze %dma_start3A_1351 : memref<1x16384xi32, #tpu.memory_space<vmem>> -> memref<16384xi32, #tpu.memory_space<vmem>>
    %dma_start3A_1353 = arith.constant 0 : i32
    %dma_start3A_1354 = tpu.memref_slice %arg3[%dma_start3A_1342, %dma_start3A_1353] : memref<26x16384xi32, #tpu.memory_space<hbm>> -> memref<1x16384xi32, #tpu.memory_space<hbm>>
    %dma_start3A_1355 = tpu.memref_squeeze %dma_start3A_1354 : memref<1x16384xi32, #tpu.memory_space<hbm>> -> memref<16384xi32, #tpu.memory_space<hbm>>
    tpu.enqueue_dma source(%dma_start3A_1355 : memref<16384xi32, #tpu.memory_space<hbm>>) target(%dma_start3A_1352 : memref<16384xi32, #tpu.memory_space<vmem>>) target_semaphore(%arg32 : memref<!tpu.dma_semaphore, #tpu.memory_space<semaphore_mem>>)
    %dma_start3A_1356 = arith.constant 1 : i32
    %dma_start3A_1357 = arith.constant 0 : i32
    %dma_start3A_1358 = tpu.memref_slice %arg31[%dma_start3A_1356, %dma_start3A_1357] : memref<2x16384xf32, #tpu.memory_space<vmem>> -> memref<1x16384xf32, #tpu.memory_space<vmem>>
    %dma_start3A_1359 = tpu.memref_squeeze %dma_start3A_1358 : memref<1x16384xf32, #tpu.memory_space<vmem>> -> memref<16384xf32, #tpu.memory_space<vmem>>
    %dma_start3A_1360 = arith.constant 0 : i32
    %dma_start3A_1361 = tpu.memref_slice %arg19[%add3A, %dma_start3A_1360] : memref<32x16384xf32, #tpu.memory_space<hbm>> -> memref<1x16384xf32, #tpu.memory_space<hbm>>
    %dma_start3A_1362 = tpu.memref_squeeze %dma_start3A_1361 : memref<1x16384xf32, #tpu.memory_space<hbm>> -> memref<16384xf32, #tpu.memory_space<hbm>>
    %dma_start3A_1363 = arith.constant 0 : i32
    %dma_start3A_1364 = tpu.memref_slice %arg19[%add3A, %dma_start3A_1363] : memref<32x16384xf32, #tpu.memory_space<hbm>> -> memref<1x16384xf32, #tpu.memory_space<hbm>>
    %dma_start3A_1365 = tpu.memref_squeeze %dma_start3A_1364 : memref<1x16384xf32, #tpu.memory_space<hbm>> -> memref<16384xf32, #tpu.memory_space<hbm>>
    %dma_start3A_1366 = arith.constant 0 : i32
    %dma_start3A_1367 = tpu.memref_slice %arg31[%dma_start3A_1356, %dma_start3A_1366] : memref<2x16384xf32, #tpu.memory_space<vmem>> -> memref<1x16384xf32, #tpu.memory_space<vmem>>
    %dma_start3A_1368 = tpu.memref_squeeze %dma_start3A_1367 : memref<1x16384xf32, #tpu.memory_space<vmem>> -> memref<16384xf32, #tpu.memory_space<vmem>>
    tpu.enqueue_dma source(%dma_start3A_1368 : memref<16384xf32, #tpu.memory_space<vmem>>) target(%dma_start3A_1365 : memref<16384xf32, #tpu.memory_space<hbm>>) target_semaphore(%arg34 : memref<!tpu.dma_semaphore, #tpu.memory_space<semaphore_mem>>)
    %dma_wait3A_1369 = arith.constant 0 : i32
    %dma_wait3A_1370 = arith.constant 0 : i32
    %dma_wait3A_1371 = arith.constant 0 : i32
    %dma_wait3A_1372 = arith.constant 0 : i32
    %dma_wait3A_1373 = tpu.memref_slice %arg31[%dma_wait3A_1371, %dma_wait3A_1372] : memref<2x16384xf32, #tpu.memory_space<vmem>> -> memref<1x16384xf32, #tpu.memory_space<vmem>>
    %dma_wait3A_1374 = tpu.memref_squeeze %dma_wait3A_1373 : memref<1x16384xf32, #tpu.memory_space<vmem>> -> memref<16384xf32, #tpu.memory_space<vmem>>
    %dma_wait3A_1375 = arith.constant 0 : i32
    %dma_wait3A_1376 = tpu.memref_slice %arg30[%dma_wait3A_1370, %dma_wait3A_1375] : memref<2x16384xi32, #tpu.memory_space<vmem>> -> memref<1x16384xi32, #tpu.memory_space<vmem>>
    %dma_wait3A_1377 = tpu.memref_squeeze %dma_wait3A_1376 : memref<1x16384xi32, #tpu.memory_space<vmem>> -> memref<16384xi32, #tpu.memory_space<vmem>>
    %dma_wait3A_1378 = arith.constant 0 : i32
    %dma_wait3A_1379 = tpu.memref_slice %arg2[%dma_wait3A_1369, %dma_wait3A_1378] : memref<832x100000xf32, #tpu.memory_space<hbm>> -> memref<1x100000xf32, #tpu.memory_space<hbm>>
    %dma_wait3A_1380 = tpu.memref_squeeze %dma_wait3A_1379 : memref<1x100000xf32, #tpu.memory_space<hbm>> -> memref<100000xf32, #tpu.memory_space<hbm>>
    %dma_wait3A_1381 = arith.constant 0 : i32
    %dma_wait3A_1382 = tpu.memref_slice %dma_wait3A_1380[%dma_wait3A_1381] : memref<100000xf32, #tpu.memory_space<hbm>> -> memref<100000xf32, #tpu.memory_space<hbm>>
    tpu.wait_indirect_dma semaphore(%arg33 : memref<!tpu.dma_semaphore, #tpu.memory_space<semaphore_mem>>) src(%dma_wait3A_1382 : memref<100000xf32, #tpu.memory_space<hbm>>) dst(%dma_wait3A_1374 : memref<16384xf32, #tpu.memory_space<vmem>>)
    %dma_wait3A_1383 = arith.constant 0 : i32
    %dma_wait3A_1384 = arith.constant 0 : i32
    %dma_wait3A_1385 = arith.constant 0 : i32
    %dma_wait3A_1386 = tpu.memref_slice %arg30[%dma_wait3A_1384, %dma_wait3A_1385] : memref<2x16384xi32, #tpu.memory_space<vmem>> -> memref<1x16384xi32, #tpu.memory_space<vmem>>
    %dma_wait3A_1387 = tpu.memref_squeeze %dma_wait3A_1386 : memref<1x16384xi32, #tpu.memory_space<vmem>> -> memref<16384xi32, #tpu.memory_space<vmem>>
    %dma_wait3A_1388 = arith.constant 0 : i32
    %dma_wait3A_1389 = tpu.memref_slice %arg3[%dma_wait3A_1383, %dma_wait3A_1388] : memref<26x16384xi32, #tpu.memory_space<hbm>> -> memref<1x16384xi32, #tpu.memory_space<hbm>>
    %dma_wait3A_1390 = tpu.memref_squeeze %dma_wait3A_1389 : memref<1x16384xi32, #tpu.memory_space<hbm>> -> memref<16384xi32, #tpu.memory_space<hbm>>
    %dma_wait3A_1391 = arith.constant 0 : i32
    %dma_wait3A_1392 = tpu.memref_slice %arg30[%dma_wait3A_1384, %dma_wait3A_1391] : memref<2x16384xi32, #tpu.memory_space<vmem>> -> memref<1x16384xi32, #tpu.memory_space<vmem>>
    %dma_wait3A_1393 = tpu.memref_squeeze %dma_wait3A_1392 : memref<1x16384xi32, #tpu.memory_space<vmem>> -> memref<16384xi32, #tpu.memory_space<vmem>>
    %dma_wait3A_1394 = arith.constant 0 : i32
    %dma_wait3A_1395 = tpu.memref_slice %arg3[%dma_wait3A_1383, %dma_wait3A_1394] : memref<26x16384xi32, #tpu.memory_space<hbm>> -> memref<1x16384xi32, #tpu.memory_space<hbm>>
    %dma_wait3A_1396 = tpu.memref_squeeze %dma_wait3A_1395 : memref<1x16384xi32, #tpu.memory_space<hbm>> -> memref<16384xi32, #tpu.memory_space<hbm>>
    tpu.wait_dma2 semaphore(%arg32 : memref<!tpu.dma_semaphore, #tpu.memory_space<semaphore_mem>>) src(%dma_wait3A_1396 : memref<16384xi32, #tpu.memory_space<hbm>>) dst(%dma_wait3A_1393 : memref<16384xi32, #tpu.memory_space<vmem>>)
    %dma_wait3A_1397 = arith.constant 0 : i32
    %dma_wait3A_1398 = arith.constant 0 : i32
    %dma_wait3A_1399 = tpu.memref_slice %arg31[%dma_wait3A_1397, %dma_wait3A_1398] : memref<2x16384xf32, #tpu.memory_space<vmem>> -> memref<1x16384xf32, #tpu.memory_space<vmem>>
    %dma_wait3A_1400 = tpu.memref_squeeze %dma_wait3A_1399 : memref<1x16384xf32, #tpu.memory_space<vmem>> -> memref<16384xf32, #tpu.memory_space<vmem>>
    %dma_wait3A_1401 = arith.constant 0 : i32
    %dma_wait3A_1402 = tpu.memref_slice %arg4[%add3A, %dma_wait3A_1401] : memref<32x16384xf32, #tpu.memory_space<hbm>> -> memref<1x16384xf32, #tpu.memory_space<hbm>>
    %dma_wait3A_1403 = tpu.memref_squeeze %dma_wait3A_1402 : memref<1x16384xf32, #tpu.memory_space<hbm>> -> memref<16384xf32, #tpu.memory_space<hbm>>
    %dma_wait3A_1404 = arith.constant 0 : i32
    %dma_wait3A_1405 = tpu.memref_slice %arg4[%add3A, %dma_wait3A_1404] : memref<32x16384xf32, #tpu.memory_space<hbm>> -> memref<1x16384xf32, #tpu.memory_space<hbm>>
    %dma_wait3A_1406 = tpu.memref_squeeze %dma_wait3A_1405 : memref<1x16384xf32, #tpu.memory_space<hbm>> -> memref<16384xf32, #tpu.memory_space<hbm>>
    %dma_wait3A_1407 = arith.constant 0 : i32
    %dma_wait3A_1408 = tpu.memref_slice %arg31[%dma_wait3A_1397, %dma_wait3A_1407] : memref<2x16384xf32, #tpu.memory_space<vmem>> -> memref<1x16384xf32, #tpu.memory_space<vmem>>
    %dma_wait3A_1409 = tpu.memref_squeeze %dma_wait3A_1408 : memref<1x16384xf32, #tpu.memory_space<vmem>> -> memref<16384xf32, #tpu.memory_space<vmem>>
    tpu.wait_dma2 semaphore(%arg34 : memref<!tpu.dma_semaphore, #tpu.memory_space<semaphore_mem>>) src(%dma_wait3A_1409 : memref<16384xf32, #tpu.memory_space<vmem>>) dst(%dma_wait3A_1406 : memref<16384xf32, #tpu.memory_space<hbm>>)
    %add3A_1410 = arith.constant 544 : i32
    %add3A_1411 = arith.addi %add3A_1410, %add3A : i32
    %dma_start3A_1412 = arith.constant 1 : i32
    %dma_start3A_1413 = arith.constant 1 : i32
    %dma_start3A_1414 = arith.constant 0 : i32
    %dma_start3A_1415 = tpu.memref_slice %arg31[%dma_start3A_1413, %dma_start3A_1414] : memref<2x16384xf32, #tpu.memory_space<vmem>> -> memref<1x16384xf32, #tpu.memory_space<vmem>>
    %dma_start3A_1416 = tpu.memref_squeeze %dma_start3A_1415 : memref<1x16384xf32, #tpu.memory_space<vmem>> -> memref<16384xf32, #tpu.memory_space<vmem>>
    %dma_start3A_1417 = arith.constant 0 : i32
    %dma_start3A_1418 = tpu.memref_slice %arg30[%dma_start3A_1412, %dma_start3A_1417] : memref<2x16384xi32, #tpu.memory_space<vmem>> -> memref<1x16384xi32, #tpu.memory_space<vmem>>
    %dma_start3A_1419 = tpu.memref_squeeze %dma_start3A_1418 : memref<1x16384xi32, #tpu.memory_space<vmem>> -> memref<16384xi32, #tpu.memory_space<vmem>>
    %dma_start3A_1420 = arith.constant 0 : i32
    %dma_start3A_1421 = tpu.memref_slice %arg2[%add3A_1411, %dma_start3A_1420] : memref<832x100000xf32, #tpu.memory_space<hbm>> -> memref<1x100000xf32, #tpu.memory_space<hbm>>
    %dma_start3A_1422 = tpu.memref_squeeze %dma_start3A_1421 : memref<1x100000xf32, #tpu.memory_space<hbm>> -> memref<100000xf32, #tpu.memory_space<hbm>>
    %dma_start3A_1423 = arith.constant 0 : i32
    %dma_start3A_1424 = tpu.memref_slice %dma_start3A_1422[%dma_start3A_1423] : memref<100000xf32, #tpu.memory_space<hbm>> -> memref<100000xf32, #tpu.memory_space<hbm>>
    tpu.enqueue_indirect_dma source(%dma_start3A_1424 : memref<100000xf32, #tpu.memory_space<hbm>>) target(%dma_start3A_1416 : memref<16384xf32, #tpu.memory_space<vmem>>) offsets(%dma_start3A_1419 : memref<16384xi32, #tpu.memory_space<vmem>>) semaphore(%arg33 : memref<!tpu.dma_semaphore, #tpu.memory_space<semaphore_mem>>)
    %dma_start3A_1425 = arith.constant 18 : i32
    %dma_start3A_1426 = arith.constant 0 : i32
    %dma_start3A_1427 = arith.constant 0 : i32
    %dma_start3A_1428 = tpu.memref_slice %arg30[%dma_start3A_1426, %dma_start3A_1427] : memref<2x16384xi32, #tpu.memory_space<vmem>> -> memref<1x16384xi32, #tpu.memory_space<vmem>>
    %dma_start3A_1429 = tpu.memref_squeeze %dma_start3A_1428 : memref<1x16384xi32, #tpu.memory_space<vmem>> -> memref<16384xi32, #tpu.memory_space<vmem>>
    %dma_start3A_1430 = arith.constant 0 : i32
    %dma_start3A_1431 = tpu.memref_slice %arg3[%dma_start3A_1425, %dma_start3A_1430] : memref<26x16384xi32, #tpu.memory_space<hbm>> -> memref<1x16384xi32, #tpu.memory_space<hbm>>
    %dma_start3A_1432 = tpu.memref_squeeze %dma_start3A_1431 : memref<1x16384xi32, #tpu.memory_space<hbm>> -> memref<16384xi32, #tpu.memory_space<hbm>>
    %dma_start3A_1433 = arith.constant 0 : i32
    %dma_start3A_1434 = tpu.memref_slice %arg30[%dma_start3A_1426, %dma_start3A_1433] : memref<2x16384xi32, #tpu.memory_space<vmem>> -> memref<1x16384xi32, #tpu.memory_space<vmem>>
    %dma_start3A_1435 = tpu.memref_squeeze %dma_start3A_1434 : memref<1x16384xi32, #tpu.memory_space<vmem>> -> memref<16384xi32, #tpu.memory_space<vmem>>
    %dma_start3A_1436 = arith.constant 0 : i32
    %dma_start3A_1437 = tpu.memref_slice %arg3[%dma_start3A_1425, %dma_start3A_1436] : memref<26x16384xi32, #tpu.memory_space<hbm>> -> memref<1x16384xi32, #tpu.memory_space<hbm>>
    %dma_start3A_1438 = tpu.memref_squeeze %dma_start3A_1437 : memref<1x16384xi32, #tpu.memory_space<hbm>> -> memref<16384xi32, #tpu.memory_space<hbm>>
    tpu.enqueue_dma source(%dma_start3A_1438 : memref<16384xi32, #tpu.memory_space<hbm>>) target(%dma_start3A_1435 : memref<16384xi32, #tpu.memory_space<vmem>>) target_semaphore(%arg32 : memref<!tpu.dma_semaphore, #tpu.memory_space<semaphore_mem>>)
    %dma_start3A_1439 = arith.constant 0 : i32
    %dma_start3A_1440 = arith.constant 0 : i32
    %dma_start3A_1441 = tpu.memref_slice %arg31[%dma_start3A_1439, %dma_start3A_1440] : memref<2x16384xf32, #tpu.memory_space<vmem>> -> memref<1x16384xf32, #tpu.memory_space<vmem>>
    %dma_start3A_1442 = tpu.memref_squeeze %dma_start3A_1441 : memref<1x16384xf32, #tpu.memory_space<vmem>> -> memref<16384xf32, #tpu.memory_space<vmem>>
    %dma_start3A_1443 = arith.constant 0 : i32
    %dma_start3A_1444 = tpu.memref_slice %arg20[%add3A, %dma_start3A_1443] : memref<32x16384xf32, #tpu.memory_space<hbm>> -> memref<1x16384xf32, #tpu.memory_space<hbm>>
    %dma_start3A_1445 = tpu.memref_squeeze %dma_start3A_1444 : memref<1x16384xf32, #tpu.memory_space<hbm>> -> memref<16384xf32, #tpu.memory_space<hbm>>
    %dma_start3A_1446 = arith.constant 0 : i32
    %dma_start3A_1447 = tpu.memref_slice %arg20[%add3A, %dma_start3A_1446] : memref<32x16384xf32, #tpu.memory_space<hbm>> -> memref<1x16384xf32, #tpu.memory_space<hbm>>
    %dma_start3A_1448 = tpu.memref_squeeze %dma_start3A_1447 : memref<1x16384xf32, #tpu.memory_space<hbm>> -> memref<16384xf32, #tpu.memory_space<hbm>>
    %dma_start3A_1449 = arith.constant 0 : i32
    %dma_start3A_1450 = tpu.memref_slice %arg31[%dma_start3A_1439, %dma_start3A_1449] : memref<2x16384xf32, #tpu.memory_space<vmem>> -> memref<1x16384xf32, #tpu.memory_space<vmem>>
    %dma_start3A_1451 = tpu.memref_squeeze %dma_start3A_1450 : memref<1x16384xf32, #tpu.memory_space<vmem>> -> memref<16384xf32, #tpu.memory_space<vmem>>
    tpu.enqueue_dma source(%dma_start3A_1451 : memref<16384xf32, #tpu.memory_space<vmem>>) target(%dma_start3A_1448 : memref<16384xf32, #tpu.memory_space<hbm>>) target_semaphore(%arg34 : memref<!tpu.dma_semaphore, #tpu.memory_space<semaphore_mem>>)
    %dma_wait3A_1452 = arith.constant 0 : i32
    %dma_wait3A_1453 = arith.constant 1 : i32
    %dma_wait3A_1454 = arith.constant 1 : i32
    %dma_wait3A_1455 = arith.constant 0 : i32
    %dma_wait3A_1456 = tpu.memref_slice %arg31[%dma_wait3A_1454, %dma_wait3A_1455] : memref<2x16384xf32, #tpu.memory_space<vmem>> -> memref<1x16384xf32, #tpu.memory_space<vmem>>
    %dma_wait3A_1457 = tpu.memref_squeeze %dma_wait3A_1456 : memref<1x16384xf32, #tpu.memory_space<vmem>> -> memref<16384xf32, #tpu.memory_space<vmem>>
    %dma_wait3A_1458 = arith.constant 0 : i32
    %dma_wait3A_1459 = tpu.memref_slice %arg30[%dma_wait3A_1453, %dma_wait3A_1458] : memref<2x16384xi32, #tpu.memory_space<vmem>> -> memref<1x16384xi32, #tpu.memory_space<vmem>>
    %dma_wait3A_1460 = tpu.memref_squeeze %dma_wait3A_1459 : memref<1x16384xi32, #tpu.memory_space<vmem>> -> memref<16384xi32, #tpu.memory_space<vmem>>
    %dma_wait3A_1461 = arith.constant 0 : i32
    %dma_wait3A_1462 = tpu.memref_slice %arg2[%dma_wait3A_1452, %dma_wait3A_1461] : memref<832x100000xf32, #tpu.memory_space<hbm>> -> memref<1x100000xf32, #tpu.memory_space<hbm>>
    %dma_wait3A_1463 = tpu.memref_squeeze %dma_wait3A_1462 : memref<1x100000xf32, #tpu.memory_space<hbm>> -> memref<100000xf32, #tpu.memory_space<hbm>>
    %dma_wait3A_1464 = arith.constant 0 : i32
    %dma_wait3A_1465 = tpu.memref_slice %dma_wait3A_1463[%dma_wait3A_1464] : memref<100000xf32, #tpu.memory_space<hbm>> -> memref<100000xf32, #tpu.memory_space<hbm>>
    tpu.wait_indirect_dma semaphore(%arg33 : memref<!tpu.dma_semaphore, #tpu.memory_space<semaphore_mem>>) src(%dma_wait3A_1465 : memref<100000xf32, #tpu.memory_space<hbm>>) dst(%dma_wait3A_1457 : memref<16384xf32, #tpu.memory_space<vmem>>)
    %dma_wait3A_1466 = arith.constant 0 : i32
    %dma_wait3A_1467 = arith.constant 0 : i32
    %dma_wait3A_1468 = arith.constant 0 : i32
    %dma_wait3A_1469 = tpu.memref_slice %arg30[%dma_wait3A_1467, %dma_wait3A_1468] : memref<2x16384xi32, #tpu.memory_space<vmem>> -> memref<1x16384xi32, #tpu.memory_space<vmem>>
    %dma_wait3A_1470 = tpu.memref_squeeze %dma_wait3A_1469 : memref<1x16384xi32, #tpu.memory_space<vmem>> -> memref<16384xi32, #tpu.memory_space<vmem>>
    %dma_wait3A_1471 = arith.constant 0 : i32
    %dma_wait3A_1472 = tpu.memref_slice %arg3[%dma_wait3A_1466, %dma_wait3A_1471] : memref<26x16384xi32, #tpu.memory_space<hbm>> -> memref<1x16384xi32, #tpu.memory_space<hbm>>
    %dma_wait3A_1473 = tpu.memref_squeeze %dma_wait3A_1472 : memref<1x16384xi32, #tpu.memory_space<hbm>> -> memref<16384xi32, #tpu.memory_space<hbm>>
    %dma_wait3A_1474 = arith.constant 0 : i32
    %dma_wait3A_1475 = tpu.memref_slice %arg30[%dma_wait3A_1467, %dma_wait3A_1474] : memref<2x16384xi32, #tpu.memory_space<vmem>> -> memref<1x16384xi32, #tpu.memory_space<vmem>>
    %dma_wait3A_1476 = tpu.memref_squeeze %dma_wait3A_1475 : memref<1x16384xi32, #tpu.memory_space<vmem>> -> memref<16384xi32, #tpu.memory_space<vmem>>
    %dma_wait3A_1477 = arith.constant 0 : i32
    %dma_wait3A_1478 = tpu.memref_slice %arg3[%dma_wait3A_1466, %dma_wait3A_1477] : memref<26x16384xi32, #tpu.memory_space<hbm>> -> memref<1x16384xi32, #tpu.memory_space<hbm>>
    %dma_wait3A_1479 = tpu.memref_squeeze %dma_wait3A_1478 : memref<1x16384xi32, #tpu.memory_space<hbm>> -> memref<16384xi32, #tpu.memory_space<hbm>>
    tpu.wait_dma2 semaphore(%arg32 : memref<!tpu.dma_semaphore, #tpu.memory_space<semaphore_mem>>) src(%dma_wait3A_1479 : memref<16384xi32, #tpu.memory_space<hbm>>) dst(%dma_wait3A_1476 : memref<16384xi32, #tpu.memory_space<vmem>>)
    %dma_wait3A_1480 = arith.constant 0 : i32
    %dma_wait3A_1481 = arith.constant 0 : i32
    %dma_wait3A_1482 = tpu.memref_slice %arg31[%dma_wait3A_1480, %dma_wait3A_1481] : memref<2x16384xf32, #tpu.memory_space<vmem>> -> memref<1x16384xf32, #tpu.memory_space<vmem>>
    %dma_wait3A_1483 = tpu.memref_squeeze %dma_wait3A_1482 : memref<1x16384xf32, #tpu.memory_space<vmem>> -> memref<16384xf32, #tpu.memory_space<vmem>>
    %dma_wait3A_1484 = arith.constant 0 : i32
    %dma_wait3A_1485 = tpu.memref_slice %arg4[%add3A, %dma_wait3A_1484] : memref<32x16384xf32, #tpu.memory_space<hbm>> -> memref<1x16384xf32, #tpu.memory_space<hbm>>
    %dma_wait3A_1486 = tpu.memref_squeeze %dma_wait3A_1485 : memref<1x16384xf32, #tpu.memory_space<hbm>> -> memref<16384xf32, #tpu.memory_space<hbm>>
    %dma_wait3A_1487 = arith.constant 0 : i32
    %dma_wait3A_1488 = tpu.memref_slice %arg4[%add3A, %dma_wait3A_1487] : memref<32x16384xf32, #tpu.memory_space<hbm>> -> memref<1x16384xf32, #tpu.memory_space<hbm>>
    %dma_wait3A_1489 = tpu.memref_squeeze %dma_wait3A_1488 : memref<1x16384xf32, #tpu.memory_space<hbm>> -> memref<16384xf32, #tpu.memory_space<hbm>>
    %dma_wait3A_1490 = arith.constant 0 : i32
    %dma_wait3A_1491 = tpu.memref_slice %arg31[%dma_wait3A_1480, %dma_wait3A_1490] : memref<2x16384xf32, #tpu.memory_space<vmem>> -> memref<1x16384xf32, #tpu.memory_space<vmem>>
    %dma_wait3A_1492 = tpu.memref_squeeze %dma_wait3A_1491 : memref<1x16384xf32, #tpu.memory_space<vmem>> -> memref<16384xf32, #tpu.memory_space<vmem>>
    tpu.wait_dma2 semaphore(%arg34 : memref<!tpu.dma_semaphore, #tpu.memory_space<semaphore_mem>>) src(%dma_wait3A_1492 : memref<16384xf32, #tpu.memory_space<vmem>>) dst(%dma_wait3A_1489 : memref<16384xf32, #tpu.memory_space<hbm>>)
    %add3A_1493 = arith.constant 576 : i32
    %add3A_1494 = arith.addi %add3A_1493, %add3A : i32
    %dma_start3A_1495 = arith.constant 0 : i32
    %dma_start3A_1496 = arith.constant 0 : i32
    %dma_start3A_1497 = arith.constant 0 : i32
    %dma_start3A_1498 = tpu.memref_slice %arg31[%dma_start3A_1496, %dma_start3A_1497] : memref<2x16384xf32, #tpu.memory_space<vmem>> -> memref<1x16384xf32, #tpu.memory_space<vmem>>
    %dma_start3A_1499 = tpu.memref_squeeze %dma_start3A_1498 : memref<1x16384xf32, #tpu.memory_space<vmem>> -> memref<16384xf32, #tpu.memory_space<vmem>>
    %dma_start3A_1500 = arith.constant 0 : i32
    %dma_start3A_1501 = tpu.memref_slice %arg30[%dma_start3A_1495, %dma_start3A_1500] : memref<2x16384xi32, #tpu.memory_space<vmem>> -> memref<1x16384xi32, #tpu.memory_space<vmem>>
    %dma_start3A_1502 = tpu.memref_squeeze %dma_start3A_1501 : memref<1x16384xi32, #tpu.memory_space<vmem>> -> memref<16384xi32, #tpu.memory_space<vmem>>
    %dma_start3A_1503 = arith.constant 0 : i32
    %dma_start3A_1504 = tpu.memref_slice %arg2[%add3A_1494, %dma_start3A_1503] : memref<832x100000xf32, #tpu.memory_space<hbm>> -> memref<1x100000xf32, #tpu.memory_space<hbm>>
    %dma_start3A_1505 = tpu.memref_squeeze %dma_start3A_1504 : memref<1x100000xf32, #tpu.memory_space<hbm>> -> memref<100000xf32, #tpu.memory_space<hbm>>
    %dma_start3A_1506 = arith.constant 0 : i32
    %dma_start3A_1507 = tpu.memref_slice %dma_start3A_1505[%dma_start3A_1506] : memref<100000xf32, #tpu.memory_space<hbm>> -> memref<100000xf32, #tpu.memory_space<hbm>>
    tpu.enqueue_indirect_dma source(%dma_start3A_1507 : memref<100000xf32, #tpu.memory_space<hbm>>) target(%dma_start3A_1499 : memref<16384xf32, #tpu.memory_space<vmem>>) offsets(%dma_start3A_1502 : memref<16384xi32, #tpu.memory_space<vmem>>) semaphore(%arg33 : memref<!tpu.dma_semaphore, #tpu.memory_space<semaphore_mem>>)
    %dma_start3A_1508 = arith.constant 19 : i32
    %dma_start3A_1509 = arith.constant 1 : i32
    %dma_start3A_1510 = arith.constant 0 : i32
    %dma_start3A_1511 = tpu.memref_slice %arg30[%dma_start3A_1509, %dma_start3A_1510] : memref<2x16384xi32, #tpu.memory_space<vmem>> -> memref<1x16384xi32, #tpu.memory_space<vmem>>
    %dma_start3A_1512 = tpu.memref_squeeze %dma_start3A_1511 : memref<1x16384xi32, #tpu.memory_space<vmem>> -> memref<16384xi32, #tpu.memory_space<vmem>>
    %dma_start3A_1513 = arith.constant 0 : i32
    %dma_start3A_1514 = tpu.memref_slice %arg3[%dma_start3A_1508, %dma_start3A_1513] : memref<26x16384xi32, #tpu.memory_space<hbm>> -> memref<1x16384xi32, #tpu.memory_space<hbm>>
    %dma_start3A_1515 = tpu.memref_squeeze %dma_start3A_1514 : memref<1x16384xi32, #tpu.memory_space<hbm>> -> memref<16384xi32, #tpu.memory_space<hbm>>
    %dma_start3A_1516 = arith.constant 0 : i32
    %dma_start3A_1517 = tpu.memref_slice %arg30[%dma_start3A_1509, %dma_start3A_1516] : memref<2x16384xi32, #tpu.memory_space<vmem>> -> memref<1x16384xi32, #tpu.memory_space<vmem>>
    %dma_start3A_1518 = tpu.memref_squeeze %dma_start3A_1517 : memref<1x16384xi32, #tpu.memory_space<vmem>> -> memref<16384xi32, #tpu.memory_space<vmem>>
    %dma_start3A_1519 = arith.constant 0 : i32
    %dma_start3A_1520 = tpu.memref_slice %arg3[%dma_start3A_1508, %dma_start3A_1519] : memref<26x16384xi32, #tpu.memory_space<hbm>> -> memref<1x16384xi32, #tpu.memory_space<hbm>>
    %dma_start3A_1521 = tpu.memref_squeeze %dma_start3A_1520 : memref<1x16384xi32, #tpu.memory_space<hbm>> -> memref<16384xi32, #tpu.memory_space<hbm>>
    tpu.enqueue_dma source(%dma_start3A_1521 : memref<16384xi32, #tpu.memory_space<hbm>>) target(%dma_start3A_1518 : memref<16384xi32, #tpu.memory_space<vmem>>) target_semaphore(%arg32 : memref<!tpu.dma_semaphore, #tpu.memory_space<semaphore_mem>>)
    %dma_start3A_1522 = arith.constant 1 : i32
    %dma_start3A_1523 = arith.constant 0 : i32
    %dma_start3A_1524 = tpu.memref_slice %arg31[%dma_start3A_1522, %dma_start3A_1523] : memref<2x16384xf32, #tpu.memory_space<vmem>> -> memref<1x16384xf32, #tpu.memory_space<vmem>>
    %dma_start3A_1525 = tpu.memref_squeeze %dma_start3A_1524 : memref<1x16384xf32, #tpu.memory_space<vmem>> -> memref<16384xf32, #tpu.memory_space<vmem>>
    %dma_start3A_1526 = arith.constant 0 : i32
    %dma_start3A_1527 = tpu.memref_slice %arg21[%add3A, %dma_start3A_1526] : memref<32x16384xf32, #tpu.memory_space<hbm>> -> memref<1x16384xf32, #tpu.memory_space<hbm>>
    %dma_start3A_1528 = tpu.memref_squeeze %dma_start3A_1527 : memref<1x16384xf32, #tpu.memory_space<hbm>> -> memref<16384xf32, #tpu.memory_space<hbm>>
    %dma_start3A_1529 = arith.constant 0 : i32
    %dma_start3A_1530 = tpu.memref_slice %arg21[%add3A, %dma_start3A_1529] : memref<32x16384xf32, #tpu.memory_space<hbm>> -> memref<1x16384xf32, #tpu.memory_space<hbm>>
    %dma_start3A_1531 = tpu.memref_squeeze %dma_start3A_1530 : memref<1x16384xf32, #tpu.memory_space<hbm>> -> memref<16384xf32, #tpu.memory_space<hbm>>
    %dma_start3A_1532 = arith.constant 0 : i32
    %dma_start3A_1533 = tpu.memref_slice %arg31[%dma_start3A_1522, %dma_start3A_1532] : memref<2x16384xf32, #tpu.memory_space<vmem>> -> memref<1x16384xf32, #tpu.memory_space<vmem>>
    %dma_start3A_1534 = tpu.memref_squeeze %dma_start3A_1533 : memref<1x16384xf32, #tpu.memory_space<vmem>> -> memref<16384xf32, #tpu.memory_space<vmem>>
    tpu.enqueue_dma source(%dma_start3A_1534 : memref<16384xf32, #tpu.memory_space<vmem>>) target(%dma_start3A_1531 : memref<16384xf32, #tpu.memory_space<hbm>>) target_semaphore(%arg34 : memref<!tpu.dma_semaphore, #tpu.memory_space<semaphore_mem>>)
    %dma_wait3A_1535 = arith.constant 0 : i32
    %dma_wait3A_1536 = arith.constant 0 : i32
    %dma_wait3A_1537 = arith.constant 0 : i32
    %dma_wait3A_1538 = arith.constant 0 : i32
    %dma_wait3A_1539 = tpu.memref_slice %arg31[%dma_wait3A_1537, %dma_wait3A_1538] : memref<2x16384xf32, #tpu.memory_space<vmem>> -> memref<1x16384xf32, #tpu.memory_space<vmem>>
    %dma_wait3A_1540 = tpu.memref_squeeze %dma_wait3A_1539 : memref<1x16384xf32, #tpu.memory_space<vmem>> -> memref<16384xf32, #tpu.memory_space<vmem>>
    %dma_wait3A_1541 = arith.constant 0 : i32
    %dma_wait3A_1542 = tpu.memref_slice %arg30[%dma_wait3A_1536, %dma_wait3A_1541] : memref<2x16384xi32, #tpu.memory_space<vmem>> -> memref<1x16384xi32, #tpu.memory_space<vmem>>
    %dma_wait3A_1543 = tpu.memref_squeeze %dma_wait3A_1542 : memref<1x16384xi32, #tpu.memory_space<vmem>> -> memref<16384xi32, #tpu.memory_space<vmem>>
    %dma_wait3A_1544 = arith.constant 0 : i32
    %dma_wait3A_1545 = tpu.memref_slice %arg2[%dma_wait3A_1535, %dma_wait3A_1544] : memref<832x100000xf32, #tpu.memory_space<hbm>> -> memref<1x100000xf32, #tpu.memory_space<hbm>>
    %dma_wait3A_1546 = tpu.memref_squeeze %dma_wait3A_1545 : memref<1x100000xf32, #tpu.memory_space<hbm>> -> memref<100000xf32, #tpu.memory_space<hbm>>
    %dma_wait3A_1547 = arith.constant 0 : i32
    %dma_wait3A_1548 = tpu.memref_slice %dma_wait3A_1546[%dma_wait3A_1547] : memref<100000xf32, #tpu.memory_space<hbm>> -> memref<100000xf32, #tpu.memory_space<hbm>>
    tpu.wait_indirect_dma semaphore(%arg33 : memref<!tpu.dma_semaphore, #tpu.memory_space<semaphore_mem>>) src(%dma_wait3A_1548 : memref<100000xf32, #tpu.memory_space<hbm>>) dst(%dma_wait3A_1540 : memref<16384xf32, #tpu.memory_space<vmem>>)
    %dma_wait3A_1549 = arith.constant 0 : i32
    %dma_wait3A_1550 = arith.constant 0 : i32
    %dma_wait3A_1551 = arith.constant 0 : i32
    %dma_wait3A_1552 = tpu.memref_slice %arg30[%dma_wait3A_1550, %dma_wait3A_1551] : memref<2x16384xi32, #tpu.memory_space<vmem>> -> memref<1x16384xi32, #tpu.memory_space<vmem>>
    %dma_wait3A_1553 = tpu.memref_squeeze %dma_wait3A_1552 : memref<1x16384xi32, #tpu.memory_space<vmem>> -> memref<16384xi32, #tpu.memory_space<vmem>>
    %dma_wait3A_1554 = arith.constant 0 : i32
    %dma_wait3A_1555 = tpu.memref_slice %arg3[%dma_wait3A_1549, %dma_wait3A_1554] : memref<26x16384xi32, #tpu.memory_space<hbm>> -> memref<1x16384xi32, #tpu.memory_space<hbm>>
    %dma_wait3A_1556 = tpu.memref_squeeze %dma_wait3A_1555 : memref<1x16384xi32, #tpu.memory_space<hbm>> -> memref<16384xi32, #tpu.memory_space<hbm>>
    %dma_wait3A_1557 = arith.constant 0 : i32
    %dma_wait3A_1558 = tpu.memref_slice %arg30[%dma_wait3A_1550, %dma_wait3A_1557] : memref<2x16384xi32, #tpu.memory_space<vmem>> -> memref<1x16384xi32, #tpu.memory_space<vmem>>
    %dma_wait3A_1559 = tpu.memref_squeeze %dma_wait3A_1558 : memref<1x16384xi32, #tpu.memory_space<vmem>> -> memref<16384xi32, #tpu.memory_space<vmem>>
    %dma_wait3A_1560 = arith.constant 0 : i32
    %dma_wait3A_1561 = tpu.memref_slice %arg3[%dma_wait3A_1549, %dma_wait3A_1560] : memref<26x16384xi32, #tpu.memory_space<hbm>> -> memref<1x16384xi32, #tpu.memory_space<hbm>>
    %dma_wait3A_1562 = tpu.memref_squeeze %dma_wait3A_1561 : memref<1x16384xi32, #tpu.memory_space<hbm>> -> memref<16384xi32, #tpu.memory_space<hbm>>
    tpu.wait_dma2 semaphore(%arg32 : memref<!tpu.dma_semaphore, #tpu.memory_space<semaphore_mem>>) src(%dma_wait3A_1562 : memref<16384xi32, #tpu.memory_space<hbm>>) dst(%dma_wait3A_1559 : memref<16384xi32, #tpu.memory_space<vmem>>)
    %dma_wait3A_1563 = arith.constant 0 : i32
    %dma_wait3A_1564 = arith.constant 0 : i32
    %dma_wait3A_1565 = tpu.memref_slice %arg31[%dma_wait3A_1563, %dma_wait3A_1564] : memref<2x16384xf32, #tpu.memory_space<vmem>> -> memref<1x16384xf32, #tpu.memory_space<vmem>>
    %dma_wait3A_1566 = tpu.memref_squeeze %dma_wait3A_1565 : memref<1x16384xf32, #tpu.memory_space<vmem>> -> memref<16384xf32, #tpu.memory_space<vmem>>
    %dma_wait3A_1567 = arith.constant 0 : i32
    %dma_wait3A_1568 = tpu.memref_slice %arg4[%add3A, %dma_wait3A_1567] : memref<32x16384xf32, #tpu.memory_space<hbm>> -> memref<1x16384xf32, #tpu.memory_space<hbm>>
    %dma_wait3A_1569 = tpu.memref_squeeze %dma_wait3A_1568 : memref<1x16384xf32, #tpu.memory_space<hbm>> -> memref<16384xf32, #tpu.memory_space<hbm>>
    %dma_wait3A_1570 = arith.constant 0 : i32
    %dma_wait3A_1571 = tpu.memref_slice %arg4[%add3A, %dma_wait3A_1570] : memref<32x16384xf32, #tpu.memory_space<hbm>> -> memref<1x16384xf32, #tpu.memory_space<hbm>>
    %dma_wait3A_1572 = tpu.memref_squeeze %dma_wait3A_1571 : memref<1x16384xf32, #tpu.memory_space<hbm>> -> memref<16384xf32, #tpu.memory_space<hbm>>
    %dma_wait3A_1573 = arith.constant 0 : i32
    %dma_wait3A_1574 = tpu.memref_slice %arg31[%dma_wait3A_1563, %dma_wait3A_1573] : memref<2x16384xf32, #tpu.memory_space<vmem>> -> memref<1x16384xf32, #tpu.memory_space<vmem>>
    %dma_wait3A_1575 = tpu.memref_squeeze %dma_wait3A_1574 : memref<1x16384xf32, #tpu.memory_space<vmem>> -> memref<16384xf32, #tpu.memory_space<vmem>>
    tpu.wait_dma2 semaphore(%arg34 : memref<!tpu.dma_semaphore, #tpu.memory_space<semaphore_mem>>) src(%dma_wait3A_1575 : memref<16384xf32, #tpu.memory_space<vmem>>) dst(%dma_wait3A_1572 : memref<16384xf32, #tpu.memory_space<hbm>>)
    %add3A_1576 = arith.constant 608 : i32
    %add3A_1577 = arith.addi %add3A_1576, %add3A : i32
    %dma_start3A_1578 = arith.constant 1 : i32
    %dma_start3A_1579 = arith.constant 1 : i32
    %dma_start3A_1580 = arith.constant 0 : i32
    %dma_start3A_1581 = tpu.memref_slice %arg31[%dma_start3A_1579, %dma_start3A_1580] : memref<2x16384xf32, #tpu.memory_space<vmem>> -> memref<1x16384xf32, #tpu.memory_space<vmem>>
    %dma_start3A_1582 = tpu.memref_squeeze %dma_start3A_1581 : memref<1x16384xf32, #tpu.memory_space<vmem>> -> memref<16384xf32, #tpu.memory_space<vmem>>
    %dma_start3A_1583 = arith.constant 0 : i32
    %dma_start3A_1584 = tpu.memref_slice %arg30[%dma_start3A_1578, %dma_start3A_1583] : memref<2x16384xi32, #tpu.memory_space<vmem>> -> memref<1x16384xi32, #tpu.memory_space<vmem>>
    %dma_start3A_1585 = tpu.memref_squeeze %dma_start3A_1584 : memref<1x16384xi32, #tpu.memory_space<vmem>> -> memref<16384xi32, #tpu.memory_space<vmem>>
    %dma_start3A_1586 = arith.constant 0 : i32
    %dma_start3A_1587 = tpu.memref_slice %arg2[%add3A_1577, %dma_start3A_1586] : memref<832x100000xf32, #tpu.memory_space<hbm>> -> memref<1x100000xf32, #tpu.memory_space<hbm>>
    %dma_start3A_1588 = tpu.memref_squeeze %dma_start3A_1587 : memref<1x100000xf32, #tpu.memory_space<hbm>> -> memref<100000xf32, #tpu.memory_space<hbm>>
    %dma_start3A_1589 = arith.constant 0 : i32
    %dma_start3A_1590 = tpu.memref_slice %dma_start3A_1588[%dma_start3A_1589] : memref<100000xf32, #tpu.memory_space<hbm>> -> memref<100000xf32, #tpu.memory_space<hbm>>
    tpu.enqueue_indirect_dma source(%dma_start3A_1590 : memref<100000xf32, #tpu.memory_space<hbm>>) target(%dma_start3A_1582 : memref<16384xf32, #tpu.memory_space<vmem>>) offsets(%dma_start3A_1585 : memref<16384xi32, #tpu.memory_space<vmem>>) semaphore(%arg33 : memref<!tpu.dma_semaphore, #tpu.memory_space<semaphore_mem>>)
    %dma_start3A_1591 = arith.constant 20 : i32
    %dma_start3A_1592 = arith.constant 0 : i32
    %dma_start3A_1593 = arith.constant 0 : i32
    %dma_start3A_1594 = tpu.memref_slice %arg30[%dma_start3A_1592, %dma_start3A_1593] : memref<2x16384xi32, #tpu.memory_space<vmem>> -> memref<1x16384xi32, #tpu.memory_space<vmem>>
    %dma_start3A_1595 = tpu.memref_squeeze %dma_start3A_1594 : memref<1x16384xi32, #tpu.memory_space<vmem>> -> memref<16384xi32, #tpu.memory_space<vmem>>
    %dma_start3A_1596 = arith.constant 0 : i32
    %dma_start3A_1597 = tpu.memref_slice %arg3[%dma_start3A_1591, %dma_start3A_1596] : memref<26x16384xi32, #tpu.memory_space<hbm>> -> memref<1x16384xi32, #tpu.memory_space<hbm>>
    %dma_start3A_1598 = tpu.memref_squeeze %dma_start3A_1597 : memref<1x16384xi32, #tpu.memory_space<hbm>> -> memref<16384xi32, #tpu.memory_space<hbm>>
    %dma_start3A_1599 = arith.constant 0 : i32
    %dma_start3A_1600 = tpu.memref_slice %arg30[%dma_start3A_1592, %dma_start3A_1599] : memref<2x16384xi32, #tpu.memory_space<vmem>> -> memref<1x16384xi32, #tpu.memory_space<vmem>>
    %dma_start3A_1601 = tpu.memref_squeeze %dma_start3A_1600 : memref<1x16384xi32, #tpu.memory_space<vmem>> -> memref<16384xi32, #tpu.memory_space<vmem>>
    %dma_start3A_1602 = arith.constant 0 : i32
    %dma_start3A_1603 = tpu.memref_slice %arg3[%dma_start3A_1591, %dma_start3A_1602] : memref<26x16384xi32, #tpu.memory_space<hbm>> -> memref<1x16384xi32, #tpu.memory_space<hbm>>
    %dma_start3A_1604 = tpu.memref_squeeze %dma_start3A_1603 : memref<1x16384xi32, #tpu.memory_space<hbm>> -> memref<16384xi32, #tpu.memory_space<hbm>>
    tpu.enqueue_dma source(%dma_start3A_1604 : memref<16384xi32, #tpu.memory_space<hbm>>) target(%dma_start3A_1601 : memref<16384xi32, #tpu.memory_space<vmem>>) target_semaphore(%arg32 : memref<!tpu.dma_semaphore, #tpu.memory_space<semaphore_mem>>)
    %dma_start3A_1605 = arith.constant 0 : i32
    %dma_start3A_1606 = arith.constant 0 : i32
    %dma_start3A_1607 = tpu.memref_slice %arg31[%dma_start3A_1605, %dma_start3A_1606] : memref<2x16384xf32, #tpu.memory_space<vmem>> -> memref<1x16384xf32, #tpu.memory_space<vmem>>
    %dma_start3A_1608 = tpu.memref_squeeze %dma_start3A_1607 : memref<1x16384xf32, #tpu.memory_space<vmem>> -> memref<16384xf32, #tpu.memory_space<vmem>>
    %dma_start3A_1609 = arith.constant 0 : i32
    %dma_start3A_1610 = tpu.memref_slice %arg22[%add3A, %dma_start3A_1609] : memref<32x16384xf32, #tpu.memory_space<hbm>> -> memref<1x16384xf32, #tpu.memory_space<hbm>>
    %dma_start3A_1611 = tpu.memref_squeeze %dma_start3A_1610 : memref<1x16384xf32, #tpu.memory_space<hbm>> -> memref<16384xf32, #tpu.memory_space<hbm>>
    %dma_start3A_1612 = arith.constant 0 : i32
    %dma_start3A_1613 = tpu.memref_slice %arg22[%add3A, %dma_start3A_1612] : memref<32x16384xf32, #tpu.memory_space<hbm>> -> memref<1x16384xf32, #tpu.memory_space<hbm>>
    %dma_start3A_1614 = tpu.memref_squeeze %dma_start3A_1613 : memref<1x16384xf32, #tpu.memory_space<hbm>> -> memref<16384xf32, #tpu.memory_space<hbm>>
    %dma_start3A_1615 = arith.constant 0 : i32
    %dma_start3A_1616 = tpu.memref_slice %arg31[%dma_start3A_1605, %dma_start3A_1615] : memref<2x16384xf32, #tpu.memory_space<vmem>> -> memref<1x16384xf32, #tpu.memory_space<vmem>>
    %dma_start3A_1617 = tpu.memref_squeeze %dma_start3A_1616 : memref<1x16384xf32, #tpu.memory_space<vmem>> -> memref<16384xf32, #tpu.memory_space<vmem>>
    tpu.enqueue_dma source(%dma_start3A_1617 : memref<16384xf32, #tpu.memory_space<vmem>>) target(%dma_start3A_1614 : memref<16384xf32, #tpu.memory_space<hbm>>) target_semaphore(%arg34 : memref<!tpu.dma_semaphore, #tpu.memory_space<semaphore_mem>>)
    %dma_wait3A_1618 = arith.constant 0 : i32
    %dma_wait3A_1619 = arith.constant 1 : i32
    %dma_wait3A_1620 = arith.constant 1 : i32
    %dma_wait3A_1621 = arith.constant 0 : i32
    %dma_wait3A_1622 = tpu.memref_slice %arg31[%dma_wait3A_1620, %dma_wait3A_1621] : memref<2x16384xf32, #tpu.memory_space<vmem>> -> memref<1x16384xf32, #tpu.memory_space<vmem>>
    %dma_wait3A_1623 = tpu.memref_squeeze %dma_wait3A_1622 : memref<1x16384xf32, #tpu.memory_space<vmem>> -> memref<16384xf32, #tpu.memory_space<vmem>>
    %dma_wait3A_1624 = arith.constant 0 : i32
    %dma_wait3A_1625 = tpu.memref_slice %arg30[%dma_wait3A_1619, %dma_wait3A_1624] : memref<2x16384xi32, #tpu.memory_space<vmem>> -> memref<1x16384xi32, #tpu.memory_space<vmem>>
    %dma_wait3A_1626 = tpu.memref_squeeze %dma_wait3A_1625 : memref<1x16384xi32, #tpu.memory_space<vmem>> -> memref<16384xi32, #tpu.memory_space<vmem>>
    %dma_wait3A_1627 = arith.constant 0 : i32
    %dma_wait3A_1628 = tpu.memref_slice %arg2[%dma_wait3A_1618, %dma_wait3A_1627] : memref<832x100000xf32, #tpu.memory_space<hbm>> -> memref<1x100000xf32, #tpu.memory_space<hbm>>
    %dma_wait3A_1629 = tpu.memref_squeeze %dma_wait3A_1628 : memref<1x100000xf32, #tpu.memory_space<hbm>> -> memref<100000xf32, #tpu.memory_space<hbm>>
    %dma_wait3A_1630 = arith.constant 0 : i32
    %dma_wait3A_1631 = tpu.memref_slice %dma_wait3A_1629[%dma_wait3A_1630] : memref<100000xf32, #tpu.memory_space<hbm>> -> memref<100000xf32, #tpu.memory_space<hbm>>
    tpu.wait_indirect_dma semaphore(%arg33 : memref<!tpu.dma_semaphore, #tpu.memory_space<semaphore_mem>>) src(%dma_wait3A_1631 : memref<100000xf32, #tpu.memory_space<hbm>>) dst(%dma_wait3A_1623 : memref<16384xf32, #tpu.memory_space<vmem>>)
    %dma_wait3A_1632 = arith.constant 0 : i32
    %dma_wait3A_1633 = arith.constant 0 : i32
    %dma_wait3A_1634 = arith.constant 0 : i32
    %dma_wait3A_1635 = tpu.memref_slice %arg30[%dma_wait3A_1633, %dma_wait3A_1634] : memref<2x16384xi32, #tpu.memory_space<vmem>> -> memref<1x16384xi32, #tpu.memory_space<vmem>>
    %dma_wait3A_1636 = tpu.memref_squeeze %dma_wait3A_1635 : memref<1x16384xi32, #tpu.memory_space<vmem>> -> memref<16384xi32, #tpu.memory_space<vmem>>
    %dma_wait3A_1637 = arith.constant 0 : i32
    %dma_wait3A_1638 = tpu.memref_slice %arg3[%dma_wait3A_1632, %dma_wait3A_1637] : memref<26x16384xi32, #tpu.memory_space<hbm>> -> memref<1x16384xi32, #tpu.memory_space<hbm>>
    %dma_wait3A_1639 = tpu.memref_squeeze %dma_wait3A_1638 : memref<1x16384xi32, #tpu.memory_space<hbm>> -> memref<16384xi32, #tpu.memory_space<hbm>>
    %dma_wait3A_1640 = arith.constant 0 : i32
    %dma_wait3A_1641 = tpu.memref_slice %arg30[%dma_wait3A_1633, %dma_wait3A_1640] : memref<2x16384xi32, #tpu.memory_space<vmem>> -> memref<1x16384xi32, #tpu.memory_space<vmem>>
    %dma_wait3A_1642 = tpu.memref_squeeze %dma_wait3A_1641 : memref<1x16384xi32, #tpu.memory_space<vmem>> -> memref<16384xi32, #tpu.memory_space<vmem>>
    %dma_wait3A_1643 = arith.constant 0 : i32
    %dma_wait3A_1644 = tpu.memref_slice %arg3[%dma_wait3A_1632, %dma_wait3A_1643] : memref<26x16384xi32, #tpu.memory_space<hbm>> -> memref<1x16384xi32, #tpu.memory_space<hbm>>
    %dma_wait3A_1645 = tpu.memref_squeeze %dma_wait3A_1644 : memref<1x16384xi32, #tpu.memory_space<hbm>> -> memref<16384xi32, #tpu.memory_space<hbm>>
    tpu.wait_dma2 semaphore(%arg32 : memref<!tpu.dma_semaphore, #tpu.memory_space<semaphore_mem>>) src(%dma_wait3A_1645 : memref<16384xi32, #tpu.memory_space<hbm>>) dst(%dma_wait3A_1642 : memref<16384xi32, #tpu.memory_space<vmem>>)
    %dma_wait3A_1646 = arith.constant 0 : i32
    %dma_wait3A_1647 = arith.constant 0 : i32
    %dma_wait3A_1648 = tpu.memref_slice %arg31[%dma_wait3A_1646, %dma_wait3A_1647] : memref<2x16384xf32, #tpu.memory_space<vmem>> -> memref<1x16384xf32, #tpu.memory_space<vmem>>
    %dma_wait3A_1649 = tpu.memref_squeeze %dma_wait3A_1648 : memref<1x16384xf32, #tpu.memory_space<vmem>> -> memref<16384xf32, #tpu.memory_space<vmem>>
    %dma_wait3A_1650 = arith.constant 0 : i32
    %dma_wait3A_1651 = tpu.memref_slice %arg4[%add3A, %dma_wait3A_1650] : memref<32x16384xf32, #tpu.memory_space<hbm>> -> memref<1x16384xf32, #tpu.memory_space<hbm>>
    %dma_wait3A_1652 = tpu.memref_squeeze %dma_wait3A_1651 : memref<1x16384xf32, #tpu.memory_space<hbm>> -> memref<16384xf32, #tpu.memory_space<hbm>>
    %dma_wait3A_1653 = arith.constant 0 : i32
    %dma_wait3A_1654 = tpu.memref_slice %arg4[%add3A, %dma_wait3A_1653] : memref<32x16384xf32, #tpu.memory_space<hbm>> -> memref<1x16384xf32, #tpu.memory_space<hbm>>
    %dma_wait3A_1655 = tpu.memref_squeeze %dma_wait3A_1654 : memref<1x16384xf32, #tpu.memory_space<hbm>> -> memref<16384xf32, #tpu.memory_space<hbm>>
    %dma_wait3A_1656 = arith.constant 0 : i32
    %dma_wait3A_1657 = tpu.memref_slice %arg31[%dma_wait3A_1646, %dma_wait3A_1656] : memref<2x16384xf32, #tpu.memory_space<vmem>> -> memref<1x16384xf32, #tpu.memory_space<vmem>>
    %dma_wait3A_1658 = tpu.memref_squeeze %dma_wait3A_1657 : memref<1x16384xf32, #tpu.memory_space<vmem>> -> memref<16384xf32, #tpu.memory_space<vmem>>
    tpu.wait_dma2 semaphore(%arg34 : memref<!tpu.dma_semaphore, #tpu.memory_space<semaphore_mem>>) src(%dma_wait3A_1658 : memref<16384xf32, #tpu.memory_space<vmem>>) dst(%dma_wait3A_1655 : memref<16384xf32, #tpu.memory_space<hbm>>)
    %add3A_1659 = arith.constant 640 : i32
    %add3A_1660 = arith.addi %add3A_1659, %add3A : i32
    %dma_start3A_1661 = arith.constant 0 : i32
    %dma_start3A_1662 = arith.constant 0 : i32
    %dma_start3A_1663 = arith.constant 0 : i32
    %dma_start3A_1664 = tpu.memref_slice %arg31[%dma_start3A_1662, %dma_start3A_1663] : memref<2x16384xf32, #tpu.memory_space<vmem>> -> memref<1x16384xf32, #tpu.memory_space<vmem>>
    %dma_start3A_1665 = tpu.memref_squeeze %dma_start3A_1664 : memref<1x16384xf32, #tpu.memory_space<vmem>> -> memref<16384xf32, #tpu.memory_space<vmem>>
    %dma_start3A_1666 = arith.constant 0 : i32
    %dma_start3A_1667 = tpu.memref_slice %arg30[%dma_start3A_1661, %dma_start3A_1666] : memref<2x16384xi32, #tpu.memory_space<vmem>> -> memref<1x16384xi32, #tpu.memory_space<vmem>>
    %dma_start3A_1668 = tpu.memref_squeeze %dma_start3A_1667 : memref<1x16384xi32, #tpu.memory_space<vmem>> -> memref<16384xi32, #tpu.memory_space<vmem>>
    %dma_start3A_1669 = arith.constant 0 : i32
    %dma_start3A_1670 = tpu.memref_slice %arg2[%add3A_1660, %dma_start3A_1669] : memref<832x100000xf32, #tpu.memory_space<hbm>> -> memref<1x100000xf32, #tpu.memory_space<hbm>>
    %dma_start3A_1671 = tpu.memref_squeeze %dma_start3A_1670 : memref<1x100000xf32, #tpu.memory_space<hbm>> -> memref<100000xf32, #tpu.memory_space<hbm>>
    %dma_start3A_1672 = arith.constant 0 : i32
    %dma_start3A_1673 = tpu.memref_slice %dma_start3A_1671[%dma_start3A_1672] : memref<100000xf32, #tpu.memory_space<hbm>> -> memref<100000xf32, #tpu.memory_space<hbm>>
    tpu.enqueue_indirect_dma source(%dma_start3A_1673 : memref<100000xf32, #tpu.memory_space<hbm>>) target(%dma_start3A_1665 : memref<16384xf32, #tpu.memory_space<vmem>>) offsets(%dma_start3A_1668 : memref<16384xi32, #tpu.memory_space<vmem>>) semaphore(%arg33 : memref<!tpu.dma_semaphore, #tpu.memory_space<semaphore_mem>>)
    %dma_start3A_1674 = arith.constant 21 : i32
    %dma_start3A_1675 = arith.constant 1 : i32
    %dma_start3A_1676 = arith.constant 0 : i32
    %dma_start3A_1677 = tpu.memref_slice %arg30[%dma_start3A_1675, %dma_start3A_1676] : memref<2x16384xi32, #tpu.memory_space<vmem>> -> memref<1x16384xi32, #tpu.memory_space<vmem>>
    %dma_start3A_1678 = tpu.memref_squeeze %dma_start3A_1677 : memref<1x16384xi32, #tpu.memory_space<vmem>> -> memref<16384xi32, #tpu.memory_space<vmem>>
    %dma_start3A_1679 = arith.constant 0 : i32
    %dma_start3A_1680 = tpu.memref_slice %arg3[%dma_start3A_1674, %dma_start3A_1679] : memref<26x16384xi32, #tpu.memory_space<hbm>> -> memref<1x16384xi32, #tpu.memory_space<hbm>>
    %dma_start3A_1681 = tpu.memref_squeeze %dma_start3A_1680 : memref<1x16384xi32, #tpu.memory_space<hbm>> -> memref<16384xi32, #tpu.memory_space<hbm>>
    %dma_start3A_1682 = arith.constant 0 : i32
    %dma_start3A_1683 = tpu.memref_slice %arg30[%dma_start3A_1675, %dma_start3A_1682] : memref<2x16384xi32, #tpu.memory_space<vmem>> -> memref<1x16384xi32, #tpu.memory_space<vmem>>
    %dma_start3A_1684 = tpu.memref_squeeze %dma_start3A_1683 : memref<1x16384xi32, #tpu.memory_space<vmem>> -> memref<16384xi32, #tpu.memory_space<vmem>>
    %dma_start3A_1685 = arith.constant 0 : i32
    %dma_start3A_1686 = tpu.memref_slice %arg3[%dma_start3A_1674, %dma_start3A_1685] : memref<26x16384xi32, #tpu.memory_space<hbm>> -> memref<1x16384xi32, #tpu.memory_space<hbm>>
    %dma_start3A_1687 = tpu.memref_squeeze %dma_start3A_1686 : memref<1x16384xi32, #tpu.memory_space<hbm>> -> memref<16384xi32, #tpu.memory_space<hbm>>
    tpu.enqueue_dma source(%dma_start3A_1687 : memref<16384xi32, #tpu.memory_space<hbm>>) target(%dma_start3A_1684 : memref<16384xi32, #tpu.memory_space<vmem>>) target_semaphore(%arg32 : memref<!tpu.dma_semaphore, #tpu.memory_space<semaphore_mem>>)
    %dma_start3A_1688 = arith.constant 1 : i32
    %dma_start3A_1689 = arith.constant 0 : i32
    %dma_start3A_1690 = tpu.memref_slice %arg31[%dma_start3A_1688, %dma_start3A_1689] : memref<2x16384xf32, #tpu.memory_space<vmem>> -> memref<1x16384xf32, #tpu.memory_space<vmem>>
    %dma_start3A_1691 = tpu.memref_squeeze %dma_start3A_1690 : memref<1x16384xf32, #tpu.memory_space<vmem>> -> memref<16384xf32, #tpu.memory_space<vmem>>
    %dma_start3A_1692 = arith.constant 0 : i32
    %dma_start3A_1693 = tpu.memref_slice %arg23[%add3A, %dma_start3A_1692] : memref<32x16384xf32, #tpu.memory_space<hbm>> -> memref<1x16384xf32, #tpu.memory_space<hbm>>
    %dma_start3A_1694 = tpu.memref_squeeze %dma_start3A_1693 : memref<1x16384xf32, #tpu.memory_space<hbm>> -> memref<16384xf32, #tpu.memory_space<hbm>>
    %dma_start3A_1695 = arith.constant 0 : i32
    %dma_start3A_1696 = tpu.memref_slice %arg23[%add3A, %dma_start3A_1695] : memref<32x16384xf32, #tpu.memory_space<hbm>> -> memref<1x16384xf32, #tpu.memory_space<hbm>>
    %dma_start3A_1697 = tpu.memref_squeeze %dma_start3A_1696 : memref<1x16384xf32, #tpu.memory_space<hbm>> -> memref<16384xf32, #tpu.memory_space<hbm>>
    %dma_start3A_1698 = arith.constant 0 : i32
    %dma_start3A_1699 = tpu.memref_slice %arg31[%dma_start3A_1688, %dma_start3A_1698] : memref<2x16384xf32, #tpu.memory_space<vmem>> -> memref<1x16384xf32, #tpu.memory_space<vmem>>
    %dma_start3A_1700 = tpu.memref_squeeze %dma_start3A_1699 : memref<1x16384xf32, #tpu.memory_space<vmem>> -> memref<16384xf32, #tpu.memory_space<vmem>>
    tpu.enqueue_dma source(%dma_start3A_1700 : memref<16384xf32, #tpu.memory_space<vmem>>) target(%dma_start3A_1697 : memref<16384xf32, #tpu.memory_space<hbm>>) target_semaphore(%arg34 : memref<!tpu.dma_semaphore, #tpu.memory_space<semaphore_mem>>)
    %dma_wait3A_1701 = arith.constant 0 : i32
    %dma_wait3A_1702 = arith.constant 0 : i32
    %dma_wait3A_1703 = arith.constant 0 : i32
    %dma_wait3A_1704 = arith.constant 0 : i32
    %dma_wait3A_1705 = tpu.memref_slice %arg31[%dma_wait3A_1703, %dma_wait3A_1704] : memref<2x16384xf32, #tpu.memory_space<vmem>> -> memref<1x16384xf32, #tpu.memory_space<vmem>>
    %dma_wait3A_1706 = tpu.memref_squeeze %dma_wait3A_1705 : memref<1x16384xf32, #tpu.memory_space<vmem>> -> memref<16384xf32, #tpu.memory_space<vmem>>
    %dma_wait3A_1707 = arith.constant 0 : i32
    %dma_wait3A_1708 = tpu.memref_slice %arg30[%dma_wait3A_1702, %dma_wait3A_1707] : memref<2x16384xi32, #tpu.memory_space<vmem>> -> memref<1x16384xi32, #tpu.memory_space<vmem>>
    %dma_wait3A_1709 = tpu.memref_squeeze %dma_wait3A_1708 : memref<1x16384xi32, #tpu.memory_space<vmem>> -> memref<16384xi32, #tpu.memory_space<vmem>>
    %dma_wait3A_1710 = arith.constant 0 : i32
    %dma_wait3A_1711 = tpu.memref_slice %arg2[%dma_wait3A_1701, %dma_wait3A_1710] : memref<832x100000xf32, #tpu.memory_space<hbm>> -> memref<1x100000xf32, #tpu.memory_space<hbm>>
    %dma_wait3A_1712 = tpu.memref_squeeze %dma_wait3A_1711 : memref<1x100000xf32, #tpu.memory_space<hbm>> -> memref<100000xf32, #tpu.memory_space<hbm>>
    %dma_wait3A_1713 = arith.constant 0 : i32
    %dma_wait3A_1714 = tpu.memref_slice %dma_wait3A_1712[%dma_wait3A_1713] : memref<100000xf32, #tpu.memory_space<hbm>> -> memref<100000xf32, #tpu.memory_space<hbm>>
    tpu.wait_indirect_dma semaphore(%arg33 : memref<!tpu.dma_semaphore, #tpu.memory_space<semaphore_mem>>) src(%dma_wait3A_1714 : memref<100000xf32, #tpu.memory_space<hbm>>) dst(%dma_wait3A_1706 : memref<16384xf32, #tpu.memory_space<vmem>>)
    %dma_wait3A_1715 = arith.constant 0 : i32
    %dma_wait3A_1716 = arith.constant 0 : i32
    %dma_wait3A_1717 = arith.constant 0 : i32
    %dma_wait3A_1718 = tpu.memref_slice %arg30[%dma_wait3A_1716, %dma_wait3A_1717] : memref<2x16384xi32, #tpu.memory_space<vmem>> -> memref<1x16384xi32, #tpu.memory_space<vmem>>
    %dma_wait3A_1719 = tpu.memref_squeeze %dma_wait3A_1718 : memref<1x16384xi32, #tpu.memory_space<vmem>> -> memref<16384xi32, #tpu.memory_space<vmem>>
    %dma_wait3A_1720 = arith.constant 0 : i32
    %dma_wait3A_1721 = tpu.memref_slice %arg3[%dma_wait3A_1715, %dma_wait3A_1720] : memref<26x16384xi32, #tpu.memory_space<hbm>> -> memref<1x16384xi32, #tpu.memory_space<hbm>>
    %dma_wait3A_1722 = tpu.memref_squeeze %dma_wait3A_1721 : memref<1x16384xi32, #tpu.memory_space<hbm>> -> memref<16384xi32, #tpu.memory_space<hbm>>
    %dma_wait3A_1723 = arith.constant 0 : i32
    %dma_wait3A_1724 = tpu.memref_slice %arg30[%dma_wait3A_1716, %dma_wait3A_1723] : memref<2x16384xi32, #tpu.memory_space<vmem>> -> memref<1x16384xi32, #tpu.memory_space<vmem>>
    %dma_wait3A_1725 = tpu.memref_squeeze %dma_wait3A_1724 : memref<1x16384xi32, #tpu.memory_space<vmem>> -> memref<16384xi32, #tpu.memory_space<vmem>>
    %dma_wait3A_1726 = arith.constant 0 : i32
    %dma_wait3A_1727 = tpu.memref_slice %arg3[%dma_wait3A_1715, %dma_wait3A_1726] : memref<26x16384xi32, #tpu.memory_space<hbm>> -> memref<1x16384xi32, #tpu.memory_space<hbm>>
    %dma_wait3A_1728 = tpu.memref_squeeze %dma_wait3A_1727 : memref<1x16384xi32, #tpu.memory_space<hbm>> -> memref<16384xi32, #tpu.memory_space<hbm>>
    tpu.wait_dma2 semaphore(%arg32 : memref<!tpu.dma_semaphore, #tpu.memory_space<semaphore_mem>>) src(%dma_wait3A_1728 : memref<16384xi32, #tpu.memory_space<hbm>>) dst(%dma_wait3A_1725 : memref<16384xi32, #tpu.memory_space<vmem>>)
    %dma_wait3A_1729 = arith.constant 0 : i32
    %dma_wait3A_1730 = arith.constant 0 : i32
    %dma_wait3A_1731 = tpu.memref_slice %arg31[%dma_wait3A_1729, %dma_wait3A_1730] : memref<2x16384xf32, #tpu.memory_space<vmem>> -> memref<1x16384xf32, #tpu.memory_space<vmem>>
    %dma_wait3A_1732 = tpu.memref_squeeze %dma_wait3A_1731 : memref<1x16384xf32, #tpu.memory_space<vmem>> -> memref<16384xf32, #tpu.memory_space<vmem>>
    %dma_wait3A_1733 = arith.constant 0 : i32
    %dma_wait3A_1734 = tpu.memref_slice %arg4[%add3A, %dma_wait3A_1733] : memref<32x16384xf32, #tpu.memory_space<hbm>> -> memref<1x16384xf32, #tpu.memory_space<hbm>>
    %dma_wait3A_1735 = tpu.memref_squeeze %dma_wait3A_1734 : memref<1x16384xf32, #tpu.memory_space<hbm>> -> memref<16384xf32, #tpu.memory_space<hbm>>
    %dma_wait3A_1736 = arith.constant 0 : i32
    %dma_wait3A_1737 = tpu.memref_slice %arg4[%add3A, %dma_wait3A_1736] : memref<32x16384xf32, #tpu.memory_space<hbm>> -> memref<1x16384xf32, #tpu.memory_space<hbm>>
    %dma_wait3A_1738 = tpu.memref_squeeze %dma_wait3A_1737 : memref<1x16384xf32, #tpu.memory_space<hbm>> -> memref<16384xf32, #tpu.memory_space<hbm>>
    %dma_wait3A_1739 = arith.constant 0 : i32
    %dma_wait3A_1740 = tpu.memref_slice %arg31[%dma_wait3A_1729, %dma_wait3A_1739] : memref<2x16384xf32, #tpu.memory_space<vmem>> -> memref<1x16384xf32, #tpu.memory_space<vmem>>
    %dma_wait3A_1741 = tpu.memref_squeeze %dma_wait3A_1740 : memref<1x16384xf32, #tpu.memory_space<vmem>> -> memref<16384xf32, #tpu.memory_space<vmem>>
    tpu.wait_dma2 semaphore(%arg34 : memref<!tpu.dma_semaphore, #tpu.memory_space<semaphore_mem>>) src(%dma_wait3A_1741 : memref<16384xf32, #tpu.memory_space<vmem>>) dst(%dma_wait3A_1738 : memref<16384xf32, #tpu.memory_space<hbm>>)
    %add3A_1742 = arith.constant 672 : i32
    %add3A_1743 = arith.addi %add3A_1742, %add3A : i32
    %dma_start3A_1744 = arith.constant 1 : i32
    %dma_start3A_1745 = arith.constant 1 : i32
    %dma_start3A_1746 = arith.constant 0 : i32
    %dma_start3A_1747 = tpu.memref_slice %arg31[%dma_start3A_1745, %dma_start3A_1746] : memref<2x16384xf32, #tpu.memory_space<vmem>> -> memref<1x16384xf32, #tpu.memory_space<vmem>>
    %dma_start3A_1748 = tpu.memref_squeeze %dma_start3A_1747 : memref<1x16384xf32, #tpu.memory_space<vmem>> -> memref<16384xf32, #tpu.memory_space<vmem>>
    %dma_start3A_1749 = arith.constant 0 : i32
    %dma_start3A_1750 = tpu.memref_slice %arg30[%dma_start3A_1744, %dma_start3A_1749] : memref<2x16384xi32, #tpu.memory_space<vmem>> -> memref<1x16384xi32, #tpu.memory_space<vmem>>
    %dma_start3A_1751 = tpu.memref_squeeze %dma_start3A_1750 : memref<1x16384xi32, #tpu.memory_space<vmem>> -> memref<16384xi32, #tpu.memory_space<vmem>>
    %dma_start3A_1752 = arith.constant 0 : i32
    %dma_start3A_1753 = tpu.memref_slice %arg2[%add3A_1743, %dma_start3A_1752] : memref<832x100000xf32, #tpu.memory_space<hbm>> -> memref<1x100000xf32, #tpu.memory_space<hbm>>
    %dma_start3A_1754 = tpu.memref_squeeze %dma_start3A_1753 : memref<1x100000xf32, #tpu.memory_space<hbm>> -> memref<100000xf32, #tpu.memory_space<hbm>>
    %dma_start3A_1755 = arith.constant 0 : i32
    %dma_start3A_1756 = tpu.memref_slice %dma_start3A_1754[%dma_start3A_1755] : memref<100000xf32, #tpu.memory_space<hbm>> -> memref<100000xf32, #tpu.memory_space<hbm>>
    tpu.enqueue_indirect_dma source(%dma_start3A_1756 : memref<100000xf32, #tpu.memory_space<hbm>>) target(%dma_start3A_1748 : memref<16384xf32, #tpu.memory_space<vmem>>) offsets(%dma_start3A_1751 : memref<16384xi32, #tpu.memory_space<vmem>>) semaphore(%arg33 : memref<!tpu.dma_semaphore, #tpu.memory_space<semaphore_mem>>)
    %dma_start3A_1757 = arith.constant 22 : i32
    %dma_start3A_1758 = arith.constant 0 : i32
    %dma_start3A_1759 = arith.constant 0 : i32
    %dma_start3A_1760 = tpu.memref_slice %arg30[%dma_start3A_1758, %dma_start3A_1759] : memref<2x16384xi32, #tpu.memory_space<vmem>> -> memref<1x16384xi32, #tpu.memory_space<vmem>>
    %dma_start3A_1761 = tpu.memref_squeeze %dma_start3A_1760 : memref<1x16384xi32, #tpu.memory_space<vmem>> -> memref<16384xi32, #tpu.memory_space<vmem>>
    %dma_start3A_1762 = arith.constant 0 : i32
    %dma_start3A_1763 = tpu.memref_slice %arg3[%dma_start3A_1757, %dma_start3A_1762] : memref<26x16384xi32, #tpu.memory_space<hbm>> -> memref<1x16384xi32, #tpu.memory_space<hbm>>
    %dma_start3A_1764 = tpu.memref_squeeze %dma_start3A_1763 : memref<1x16384xi32, #tpu.memory_space<hbm>> -> memref<16384xi32, #tpu.memory_space<hbm>>
    %dma_start3A_1765 = arith.constant 0 : i32
    %dma_start3A_1766 = tpu.memref_slice %arg30[%dma_start3A_1758, %dma_start3A_1765] : memref<2x16384xi32, #tpu.memory_space<vmem>> -> memref<1x16384xi32, #tpu.memory_space<vmem>>
    %dma_start3A_1767 = tpu.memref_squeeze %dma_start3A_1766 : memref<1x16384xi32, #tpu.memory_space<vmem>> -> memref<16384xi32, #tpu.memory_space<vmem>>
    %dma_start3A_1768 = arith.constant 0 : i32
    %dma_start3A_1769 = tpu.memref_slice %arg3[%dma_start3A_1757, %dma_start3A_1768] : memref<26x16384xi32, #tpu.memory_space<hbm>> -> memref<1x16384xi32, #tpu.memory_space<hbm>>
    %dma_start3A_1770 = tpu.memref_squeeze %dma_start3A_1769 : memref<1x16384xi32, #tpu.memory_space<hbm>> -> memref<16384xi32, #tpu.memory_space<hbm>>
    tpu.enqueue_dma source(%dma_start3A_1770 : memref<16384xi32, #tpu.memory_space<hbm>>) target(%dma_start3A_1767 : memref<16384xi32, #tpu.memory_space<vmem>>) target_semaphore(%arg32 : memref<!tpu.dma_semaphore, #tpu.memory_space<semaphore_mem>>)
    %dma_start3A_1771 = arith.constant 0 : i32
    %dma_start3A_1772 = arith.constant 0 : i32
    %dma_start3A_1773 = tpu.memref_slice %arg31[%dma_start3A_1771, %dma_start3A_1772] : memref<2x16384xf32, #tpu.memory_space<vmem>> -> memref<1x16384xf32, #tpu.memory_space<vmem>>
    %dma_start3A_1774 = tpu.memref_squeeze %dma_start3A_1773 : memref<1x16384xf32, #tpu.memory_space<vmem>> -> memref<16384xf32, #tpu.memory_space<vmem>>
    %dma_start3A_1775 = arith.constant 0 : i32
    %dma_start3A_1776 = tpu.memref_slice %arg24[%add3A, %dma_start3A_1775] : memref<32x16384xf32, #tpu.memory_space<hbm>> -> memref<1x16384xf32, #tpu.memory_space<hbm>>
    %dma_start3A_1777 = tpu.memref_squeeze %dma_start3A_1776 : memref<1x16384xf32, #tpu.memory_space<hbm>> -> memref<16384xf32, #tpu.memory_space<hbm>>
    %dma_start3A_1778 = arith.constant 0 : i32
    %dma_start3A_1779 = tpu.memref_slice %arg24[%add3A, %dma_start3A_1778] : memref<32x16384xf32, #tpu.memory_space<hbm>> -> memref<1x16384xf32, #tpu.memory_space<hbm>>
    %dma_start3A_1780 = tpu.memref_squeeze %dma_start3A_1779 : memref<1x16384xf32, #tpu.memory_space<hbm>> -> memref<16384xf32, #tpu.memory_space<hbm>>
    %dma_start3A_1781 = arith.constant 0 : i32
    %dma_start3A_1782 = tpu.memref_slice %arg31[%dma_start3A_1771, %dma_start3A_1781] : memref<2x16384xf32, #tpu.memory_space<vmem>> -> memref<1x16384xf32, #tpu.memory_space<vmem>>
    %dma_start3A_1783 = tpu.memref_squeeze %dma_start3A_1782 : memref<1x16384xf32, #tpu.memory_space<vmem>> -> memref<16384xf32, #tpu.memory_space<vmem>>
    tpu.enqueue_dma source(%dma_start3A_1783 : memref<16384xf32, #tpu.memory_space<vmem>>) target(%dma_start3A_1780 : memref<16384xf32, #tpu.memory_space<hbm>>) target_semaphore(%arg34 : memref<!tpu.dma_semaphore, #tpu.memory_space<semaphore_mem>>)
    %dma_wait3A_1784 = arith.constant 0 : i32
    %dma_wait3A_1785 = arith.constant 1 : i32
    %dma_wait3A_1786 = arith.constant 1 : i32
    %dma_wait3A_1787 = arith.constant 0 : i32
    %dma_wait3A_1788 = tpu.memref_slice %arg31[%dma_wait3A_1786, %dma_wait3A_1787] : memref<2x16384xf32, #tpu.memory_space<vmem>> -> memref<1x16384xf32, #tpu.memory_space<vmem>>
    %dma_wait3A_1789 = tpu.memref_squeeze %dma_wait3A_1788 : memref<1x16384xf32, #tpu.memory_space<vmem>> -> memref<16384xf32, #tpu.memory_space<vmem>>
    %dma_wait3A_1790 = arith.constant 0 : i32
    %dma_wait3A_1791 = tpu.memref_slice %arg30[%dma_wait3A_1785, %dma_wait3A_1790] : memref<2x16384xi32, #tpu.memory_space<vmem>> -> memref<1x16384xi32, #tpu.memory_space<vmem>>
    %dma_wait3A_1792 = tpu.memref_squeeze %dma_wait3A_1791 : memref<1x16384xi32, #tpu.memory_space<vmem>> -> memref<16384xi32, #tpu.memory_space<vmem>>
    %dma_wait3A_1793 = arith.constant 0 : i32
    %dma_wait3A_1794 = tpu.memref_slice %arg2[%dma_wait3A_1784, %dma_wait3A_1793] : memref<832x100000xf32, #tpu.memory_space<hbm>> -> memref<1x100000xf32, #tpu.memory_space<hbm>>
    %dma_wait3A_1795 = tpu.memref_squeeze %dma_wait3A_1794 : memref<1x100000xf32, #tpu.memory_space<hbm>> -> memref<100000xf32, #tpu.memory_space<hbm>>
    %dma_wait3A_1796 = arith.constant 0 : i32
    %dma_wait3A_1797 = tpu.memref_slice %dma_wait3A_1795[%dma_wait3A_1796] : memref<100000xf32, #tpu.memory_space<hbm>> -> memref<100000xf32, #tpu.memory_space<hbm>>
    tpu.wait_indirect_dma semaphore(%arg33 : memref<!tpu.dma_semaphore, #tpu.memory_space<semaphore_mem>>) src(%dma_wait3A_1797 : memref<100000xf32, #tpu.memory_space<hbm>>) dst(%dma_wait3A_1789 : memref<16384xf32, #tpu.memory_space<vmem>>)
    %dma_wait3A_1798 = arith.constant 0 : i32
    %dma_wait3A_1799 = arith.constant 0 : i32
    %dma_wait3A_1800 = arith.constant 0 : i32
    %dma_wait3A_1801 = tpu.memref_slice %arg30[%dma_wait3A_1799, %dma_wait3A_1800] : memref<2x16384xi32, #tpu.memory_space<vmem>> -> memref<1x16384xi32, #tpu.memory_space<vmem>>
    %dma_wait3A_1802 = tpu.memref_squeeze %dma_wait3A_1801 : memref<1x16384xi32, #tpu.memory_space<vmem>> -> memref<16384xi32, #tpu.memory_space<vmem>>
    %dma_wait3A_1803 = arith.constant 0 : i32
    %dma_wait3A_1804 = tpu.memref_slice %arg3[%dma_wait3A_1798, %dma_wait3A_1803] : memref<26x16384xi32, #tpu.memory_space<hbm>> -> memref<1x16384xi32, #tpu.memory_space<hbm>>
    %dma_wait3A_1805 = tpu.memref_squeeze %dma_wait3A_1804 : memref<1x16384xi32, #tpu.memory_space<hbm>> -> memref<16384xi32, #tpu.memory_space<hbm>>
    %dma_wait3A_1806 = arith.constant 0 : i32
    %dma_wait3A_1807 = tpu.memref_slice %arg30[%dma_wait3A_1799, %dma_wait3A_1806] : memref<2x16384xi32, #tpu.memory_space<vmem>> -> memref<1x16384xi32, #tpu.memory_space<vmem>>
    %dma_wait3A_1808 = tpu.memref_squeeze %dma_wait3A_1807 : memref<1x16384xi32, #tpu.memory_space<vmem>> -> memref<16384xi32, #tpu.memory_space<vmem>>
    %dma_wait3A_1809 = arith.constant 0 : i32
    %dma_wait3A_1810 = tpu.memref_slice %arg3[%dma_wait3A_1798, %dma_wait3A_1809] : memref<26x16384xi32, #tpu.memory_space<hbm>> -> memref<1x16384xi32, #tpu.memory_space<hbm>>
    %dma_wait3A_1811 = tpu.memref_squeeze %dma_wait3A_1810 : memref<1x16384xi32, #tpu.memory_space<hbm>> -> memref<16384xi32, #tpu.memory_space<hbm>>
    tpu.wait_dma2 semaphore(%arg32 : memref<!tpu.dma_semaphore, #tpu.memory_space<semaphore_mem>>) src(%dma_wait3A_1811 : memref<16384xi32, #tpu.memory_space<hbm>>) dst(%dma_wait3A_1808 : memref<16384xi32, #tpu.memory_space<vmem>>)
    %dma_wait3A_1812 = arith.constant 0 : i32
    %dma_wait3A_1813 = arith.constant 0 : i32
    %dma_wait3A_1814 = tpu.memref_slice %arg31[%dma_wait3A_1812, %dma_wait3A_1813] : memref<2x16384xf32, #tpu.memory_space<vmem>> -> memref<1x16384xf32, #tpu.memory_space<vmem>>
    %dma_wait3A_1815 = tpu.memref_squeeze %dma_wait3A_1814 : memref<1x16384xf32, #tpu.memory_space<vmem>> -> memref<16384xf32, #tpu.memory_space<vmem>>
    %dma_wait3A_1816 = arith.constant 0 : i32
    %dma_wait3A_1817 = tpu.memref_slice %arg4[%add3A, %dma_wait3A_1816] : memref<32x16384xf32, #tpu.memory_space<hbm>> -> memref<1x16384xf32, #tpu.memory_space<hbm>>
    %dma_wait3A_1818 = tpu.memref_squeeze %dma_wait3A_1817 : memref<1x16384xf32, #tpu.memory_space<hbm>> -> memref<16384xf32, #tpu.memory_space<hbm>>
    %dma_wait3A_1819 = arith.constant 0 : i32
    %dma_wait3A_1820 = tpu.memref_slice %arg4[%add3A, %dma_wait3A_1819] : memref<32x16384xf32, #tpu.memory_space<hbm>> -> memref<1x16384xf32, #tpu.memory_space<hbm>>
    %dma_wait3A_1821 = tpu.memref_squeeze %dma_wait3A_1820 : memref<1x16384xf32, #tpu.memory_space<hbm>> -> memref<16384xf32, #tpu.memory_space<hbm>>
    %dma_wait3A_1822 = arith.constant 0 : i32
    %dma_wait3A_1823 = tpu.memref_slice %arg31[%dma_wait3A_1812, %dma_wait3A_1822] : memref<2x16384xf32, #tpu.memory_space<vmem>> -> memref<1x16384xf32, #tpu.memory_space<vmem>>
    %dma_wait3A_1824 = tpu.memref_squeeze %dma_wait3A_1823 : memref<1x16384xf32, #tpu.memory_space<vmem>> -> memref<16384xf32, #tpu.memory_space<vmem>>
    tpu.wait_dma2 semaphore(%arg34 : memref<!tpu.dma_semaphore, #tpu.memory_space<semaphore_mem>>) src(%dma_wait3A_1824 : memref<16384xf32, #tpu.memory_space<vmem>>) dst(%dma_wait3A_1821 : memref<16384xf32, #tpu.memory_space<hbm>>)
    %add3A_1825 = arith.constant 704 : i32
    %add3A_1826 = arith.addi %add3A_1825, %add3A : i32
    %dma_start3A_1827 = arith.constant 0 : i32
    %dma_start3A_1828 = arith.constant 0 : i32
    %dma_start3A_1829 = arith.constant 0 : i32
    %dma_start3A_1830 = tpu.memref_slice %arg31[%dma_start3A_1828, %dma_start3A_1829] : memref<2x16384xf32, #tpu.memory_space<vmem>> -> memref<1x16384xf32, #tpu.memory_space<vmem>>
    %dma_start3A_1831 = tpu.memref_squeeze %dma_start3A_1830 : memref<1x16384xf32, #tpu.memory_space<vmem>> -> memref<16384xf32, #tpu.memory_space<vmem>>
    %dma_start3A_1832 = arith.constant 0 : i32
    %dma_start3A_1833 = tpu.memref_slice %arg30[%dma_start3A_1827, %dma_start3A_1832] : memref<2x16384xi32, #tpu.memory_space<vmem>> -> memref<1x16384xi32, #tpu.memory_space<vmem>>
    %dma_start3A_1834 = tpu.memref_squeeze %dma_start3A_1833 : memref<1x16384xi32, #tpu.memory_space<vmem>> -> memref<16384xi32, #tpu.memory_space<vmem>>
    %dma_start3A_1835 = arith.constant 0 : i32
    %dma_start3A_1836 = tpu.memref_slice %arg2[%add3A_1826, %dma_start3A_1835] : memref<832x100000xf32, #tpu.memory_space<hbm>> -> memref<1x100000xf32, #tpu.memory_space<hbm>>
    %dma_start3A_1837 = tpu.memref_squeeze %dma_start3A_1836 : memref<1x100000xf32, #tpu.memory_space<hbm>> -> memref<100000xf32, #tpu.memory_space<hbm>>
    %dma_start3A_1838 = arith.constant 0 : i32
    %dma_start3A_1839 = tpu.memref_slice %dma_start3A_1837[%dma_start3A_1838] : memref<100000xf32, #tpu.memory_space<hbm>> -> memref<100000xf32, #tpu.memory_space<hbm>>
    tpu.enqueue_indirect_dma source(%dma_start3A_1839 : memref<100000xf32, #tpu.memory_space<hbm>>) target(%dma_start3A_1831 : memref<16384xf32, #tpu.memory_space<vmem>>) offsets(%dma_start3A_1834 : memref<16384xi32, #tpu.memory_space<vmem>>) semaphore(%arg33 : memref<!tpu.dma_semaphore, #tpu.memory_space<semaphore_mem>>)
    %dma_start3A_1840 = arith.constant 23 : i32
    %dma_start3A_1841 = arith.constant 1 : i32
    %dma_start3A_1842 = arith.constant 0 : i32
    %dma_start3A_1843 = tpu.memref_slice %arg30[%dma_start3A_1841, %dma_start3A_1842] : memref<2x16384xi32, #tpu.memory_space<vmem>> -> memref<1x16384xi32, #tpu.memory_space<vmem>>
    %dma_start3A_1844 = tpu.memref_squeeze %dma_start3A_1843 : memref<1x16384xi32, #tpu.memory_space<vmem>> -> memref<16384xi32, #tpu.memory_space<vmem>>
    %dma_start3A_1845 = arith.constant 0 : i32
    %dma_start3A_1846 = tpu.memref_slice %arg3[%dma_start3A_1840, %dma_start3A_1845] : memref<26x16384xi32, #tpu.memory_space<hbm>> -> memref<1x16384xi32, #tpu.memory_space<hbm>>
    %dma_start3A_1847 = tpu.memref_squeeze %dma_start3A_1846 : memref<1x16384xi32, #tpu.memory_space<hbm>> -> memref<16384xi32, #tpu.memory_space<hbm>>
    %dma_start3A_1848 = arith.constant 0 : i32
    %dma_start3A_1849 = tpu.memref_slice %arg30[%dma_start3A_1841, %dma_start3A_1848] : memref<2x16384xi32, #tpu.memory_space<vmem>> -> memref<1x16384xi32, #tpu.memory_space<vmem>>
    %dma_start3A_1850 = tpu.memref_squeeze %dma_start3A_1849 : memref<1x16384xi32, #tpu.memory_space<vmem>> -> memref<16384xi32, #tpu.memory_space<vmem>>
    %dma_start3A_1851 = arith.constant 0 : i32
    %dma_start3A_1852 = tpu.memref_slice %arg3[%dma_start3A_1840, %dma_start3A_1851] : memref<26x16384xi32, #tpu.memory_space<hbm>> -> memref<1x16384xi32, #tpu.memory_space<hbm>>
    %dma_start3A_1853 = tpu.memref_squeeze %dma_start3A_1852 : memref<1x16384xi32, #tpu.memory_space<hbm>> -> memref<16384xi32, #tpu.memory_space<hbm>>
    tpu.enqueue_dma source(%dma_start3A_1853 : memref<16384xi32, #tpu.memory_space<hbm>>) target(%dma_start3A_1850 : memref<16384xi32, #tpu.memory_space<vmem>>) target_semaphore(%arg32 : memref<!tpu.dma_semaphore, #tpu.memory_space<semaphore_mem>>)
    %dma_start3A_1854 = arith.constant 1 : i32
    %dma_start3A_1855 = arith.constant 0 : i32
    %dma_start3A_1856 = tpu.memref_slice %arg31[%dma_start3A_1854, %dma_start3A_1855] : memref<2x16384xf32, #tpu.memory_space<vmem>> -> memref<1x16384xf32, #tpu.memory_space<vmem>>
    %dma_start3A_1857 = tpu.memref_squeeze %dma_start3A_1856 : memref<1x16384xf32, #tpu.memory_space<vmem>> -> memref<16384xf32, #tpu.memory_space<vmem>>
    %dma_start3A_1858 = arith.constant 0 : i32
    %dma_start3A_1859 = tpu.memref_slice %arg25[%add3A, %dma_start3A_1858] : memref<32x16384xf32, #tpu.memory_space<hbm>> -> memref<1x16384xf32, #tpu.memory_space<hbm>>
    %dma_start3A_1860 = tpu.memref_squeeze %dma_start3A_1859 : memref<1x16384xf32, #tpu.memory_space<hbm>> -> memref<16384xf32, #tpu.memory_space<hbm>>
    %dma_start3A_1861 = arith.constant 0 : i32
    %dma_start3A_1862 = tpu.memref_slice %arg25[%add3A, %dma_start3A_1861] : memref<32x16384xf32, #tpu.memory_space<hbm>> -> memref<1x16384xf32, #tpu.memory_space<hbm>>
    %dma_start3A_1863 = tpu.memref_squeeze %dma_start3A_1862 : memref<1x16384xf32, #tpu.memory_space<hbm>> -> memref<16384xf32, #tpu.memory_space<hbm>>
    %dma_start3A_1864 = arith.constant 0 : i32
    %dma_start3A_1865 = tpu.memref_slice %arg31[%dma_start3A_1854, %dma_start3A_1864] : memref<2x16384xf32, #tpu.memory_space<vmem>> -> memref<1x16384xf32, #tpu.memory_space<vmem>>
    %dma_start3A_1866 = tpu.memref_squeeze %dma_start3A_1865 : memref<1x16384xf32, #tpu.memory_space<vmem>> -> memref<16384xf32, #tpu.memory_space<vmem>>
    tpu.enqueue_dma source(%dma_start3A_1866 : memref<16384xf32, #tpu.memory_space<vmem>>) target(%dma_start3A_1863 : memref<16384xf32, #tpu.memory_space<hbm>>) target_semaphore(%arg34 : memref<!tpu.dma_semaphore, #tpu.memory_space<semaphore_mem>>)
    %dma_wait3A_1867 = arith.constant 0 : i32
    %dma_wait3A_1868 = arith.constant 0 : i32
    %dma_wait3A_1869 = arith.constant 0 : i32
    %dma_wait3A_1870 = arith.constant 0 : i32
    %dma_wait3A_1871 = tpu.memref_slice %arg31[%dma_wait3A_1869, %dma_wait3A_1870] : memref<2x16384xf32, #tpu.memory_space<vmem>> -> memref<1x16384xf32, #tpu.memory_space<vmem>>
    %dma_wait3A_1872 = tpu.memref_squeeze %dma_wait3A_1871 : memref<1x16384xf32, #tpu.memory_space<vmem>> -> memref<16384xf32, #tpu.memory_space<vmem>>
    %dma_wait3A_1873 = arith.constant 0 : i32
    %dma_wait3A_1874 = tpu.memref_slice %arg30[%dma_wait3A_1868, %dma_wait3A_1873] : memref<2x16384xi32, #tpu.memory_space<vmem>> -> memref<1x16384xi32, #tpu.memory_space<vmem>>
    %dma_wait3A_1875 = tpu.memref_squeeze %dma_wait3A_1874 : memref<1x16384xi32, #tpu.memory_space<vmem>> -> memref<16384xi32, #tpu.memory_space<vmem>>
    %dma_wait3A_1876 = arith.constant 0 : i32
    %dma_wait3A_1877 = tpu.memref_slice %arg2[%dma_wait3A_1867, %dma_wait3A_1876] : memref<832x100000xf32, #tpu.memory_space<hbm>> -> memref<1x100000xf32, #tpu.memory_space<hbm>>
    %dma_wait3A_1878 = tpu.memref_squeeze %dma_wait3A_1877 : memref<1x100000xf32, #tpu.memory_space<hbm>> -> memref<100000xf32, #tpu.memory_space<hbm>>
    %dma_wait3A_1879 = arith.constant 0 : i32
    %dma_wait3A_1880 = tpu.memref_slice %dma_wait3A_1878[%dma_wait3A_1879] : memref<100000xf32, #tpu.memory_space<hbm>> -> memref<100000xf32, #tpu.memory_space<hbm>>
    tpu.wait_indirect_dma semaphore(%arg33 : memref<!tpu.dma_semaphore, #tpu.memory_space<semaphore_mem>>) src(%dma_wait3A_1880 : memref<100000xf32, #tpu.memory_space<hbm>>) dst(%dma_wait3A_1872 : memref<16384xf32, #tpu.memory_space<vmem>>)
    %dma_wait3A_1881 = arith.constant 0 : i32
    %dma_wait3A_1882 = arith.constant 0 : i32
    %dma_wait3A_1883 = arith.constant 0 : i32
    %dma_wait3A_1884 = tpu.memref_slice %arg30[%dma_wait3A_1882, %dma_wait3A_1883] : memref<2x16384xi32, #tpu.memory_space<vmem>> -> memref<1x16384xi32, #tpu.memory_space<vmem>>
    %dma_wait3A_1885 = tpu.memref_squeeze %dma_wait3A_1884 : memref<1x16384xi32, #tpu.memory_space<vmem>> -> memref<16384xi32, #tpu.memory_space<vmem>>
    %dma_wait3A_1886 = arith.constant 0 : i32
    %dma_wait3A_1887 = tpu.memref_slice %arg3[%dma_wait3A_1881, %dma_wait3A_1886] : memref<26x16384xi32, #tpu.memory_space<hbm>> -> memref<1x16384xi32, #tpu.memory_space<hbm>>
    %dma_wait3A_1888 = tpu.memref_squeeze %dma_wait3A_1887 : memref<1x16384xi32, #tpu.memory_space<hbm>> -> memref<16384xi32, #tpu.memory_space<hbm>>
    %dma_wait3A_1889 = arith.constant 0 : i32
    %dma_wait3A_1890 = tpu.memref_slice %arg30[%dma_wait3A_1882, %dma_wait3A_1889] : memref<2x16384xi32, #tpu.memory_space<vmem>> -> memref<1x16384xi32, #tpu.memory_space<vmem>>
    %dma_wait3A_1891 = tpu.memref_squeeze %dma_wait3A_1890 : memref<1x16384xi32, #tpu.memory_space<vmem>> -> memref<16384xi32, #tpu.memory_space<vmem>>
    %dma_wait3A_1892 = arith.constant 0 : i32
    %dma_wait3A_1893 = tpu.memref_slice %arg3[%dma_wait3A_1881, %dma_wait3A_1892] : memref<26x16384xi32, #tpu.memory_space<hbm>> -> memref<1x16384xi32, #tpu.memory_space<hbm>>
    %dma_wait3A_1894 = tpu.memref_squeeze %dma_wait3A_1893 : memref<1x16384xi32, #tpu.memory_space<hbm>> -> memref<16384xi32, #tpu.memory_space<hbm>>
    tpu.wait_dma2 semaphore(%arg32 : memref<!tpu.dma_semaphore, #tpu.memory_space<semaphore_mem>>) src(%dma_wait3A_1894 : memref<16384xi32, #tpu.memory_space<hbm>>) dst(%dma_wait3A_1891 : memref<16384xi32, #tpu.memory_space<vmem>>)
    %dma_wait3A_1895 = arith.constant 0 : i32
    %dma_wait3A_1896 = arith.constant 0 : i32
    %dma_wait3A_1897 = tpu.memref_slice %arg31[%dma_wait3A_1895, %dma_wait3A_1896] : memref<2x16384xf32, #tpu.memory_space<vmem>> -> memref<1x16384xf32, #tpu.memory_space<vmem>>
    %dma_wait3A_1898 = tpu.memref_squeeze %dma_wait3A_1897 : memref<1x16384xf32, #tpu.memory_space<vmem>> -> memref<16384xf32, #tpu.memory_space<vmem>>
    %dma_wait3A_1899 = arith.constant 0 : i32
    %dma_wait3A_1900 = tpu.memref_slice %arg4[%add3A, %dma_wait3A_1899] : memref<32x16384xf32, #tpu.memory_space<hbm>> -> memref<1x16384xf32, #tpu.memory_space<hbm>>
    %dma_wait3A_1901 = tpu.memref_squeeze %dma_wait3A_1900 : memref<1x16384xf32, #tpu.memory_space<hbm>> -> memref<16384xf32, #tpu.memory_space<hbm>>
    %dma_wait3A_1902 = arith.constant 0 : i32
    %dma_wait3A_1903 = tpu.memref_slice %arg4[%add3A, %dma_wait3A_1902] : memref<32x16384xf32, #tpu.memory_space<hbm>> -> memref<1x16384xf32, #tpu.memory_space<hbm>>
    %dma_wait3A_1904 = tpu.memref_squeeze %dma_wait3A_1903 : memref<1x16384xf32, #tpu.memory_space<hbm>> -> memref<16384xf32, #tpu.memory_space<hbm>>
    %dma_wait3A_1905 = arith.constant 0 : i32
    %dma_wait3A_1906 = tpu.memref_slice %arg31[%dma_wait3A_1895, %dma_wait3A_1905] : memref<2x16384xf32, #tpu.memory_space<vmem>> -> memref<1x16384xf32, #tpu.memory_space<vmem>>
    %dma_wait3A_1907 = tpu.memref_squeeze %dma_wait3A_1906 : memref<1x16384xf32, #tpu.memory_space<vmem>> -> memref<16384xf32, #tpu.memory_space<vmem>>
    tpu.wait_dma2 semaphore(%arg34 : memref<!tpu.dma_semaphore, #tpu.memory_space<semaphore_mem>>) src(%dma_wait3A_1907 : memref<16384xf32, #tpu.memory_space<vmem>>) dst(%dma_wait3A_1904 : memref<16384xf32, #tpu.memory_space<hbm>>)
    %add3A_1908 = arith.constant 736 : i32
    %add3A_1909 = arith.addi %add3A_1908, %add3A : i32
    %dma_start3A_1910 = arith.constant 1 : i32
    %dma_start3A_1911 = arith.constant 1 : i32
    %dma_start3A_1912 = arith.constant 0 : i32
    %dma_start3A_1913 = tpu.memref_slice %arg31[%dma_start3A_1911, %dma_start3A_1912] : memref<2x16384xf32, #tpu.memory_space<vmem>> -> memref<1x16384xf32, #tpu.memory_space<vmem>>
    %dma_start3A_1914 = tpu.memref_squeeze %dma_start3A_1913 : memref<1x16384xf32, #tpu.memory_space<vmem>> -> memref<16384xf32, #tpu.memory_space<vmem>>
    %dma_start3A_1915 = arith.constant 0 : i32
    %dma_start3A_1916 = tpu.memref_slice %arg30[%dma_start3A_1910, %dma_start3A_1915] : memref<2x16384xi32, #tpu.memory_space<vmem>> -> memref<1x16384xi32, #tpu.memory_space<vmem>>
    %dma_start3A_1917 = tpu.memref_squeeze %dma_start3A_1916 : memref<1x16384xi32, #tpu.memory_space<vmem>> -> memref<16384xi32, #tpu.memory_space<vmem>>
    %dma_start3A_1918 = arith.constant 0 : i32
    %dma_start3A_1919 = tpu.memref_slice %arg2[%add3A_1909, %dma_start3A_1918] : memref<832x100000xf32, #tpu.memory_space<hbm>> -> memref<1x100000xf32, #tpu.memory_space<hbm>>
    %dma_start3A_1920 = tpu.memref_squeeze %dma_start3A_1919 : memref<1x100000xf32, #tpu.memory_space<hbm>> -> memref<100000xf32, #tpu.memory_space<hbm>>
    %dma_start3A_1921 = arith.constant 0 : i32
    %dma_start3A_1922 = tpu.memref_slice %dma_start3A_1920[%dma_start3A_1921] : memref<100000xf32, #tpu.memory_space<hbm>> -> memref<100000xf32, #tpu.memory_space<hbm>>
    tpu.enqueue_indirect_dma source(%dma_start3A_1922 : memref<100000xf32, #tpu.memory_space<hbm>>) target(%dma_start3A_1914 : memref<16384xf32, #tpu.memory_space<vmem>>) offsets(%dma_start3A_1917 : memref<16384xi32, #tpu.memory_space<vmem>>) semaphore(%arg33 : memref<!tpu.dma_semaphore, #tpu.memory_space<semaphore_mem>>)
    %dma_start3A_1923 = arith.constant 24 : i32
    %dma_start3A_1924 = arith.constant 0 : i32
    %dma_start3A_1925 = arith.constant 0 : i32
    %dma_start3A_1926 = tpu.memref_slice %arg30[%dma_start3A_1924, %dma_start3A_1925] : memref<2x16384xi32, #tpu.memory_space<vmem>> -> memref<1x16384xi32, #tpu.memory_space<vmem>>
    %dma_start3A_1927 = tpu.memref_squeeze %dma_start3A_1926 : memref<1x16384xi32, #tpu.memory_space<vmem>> -> memref<16384xi32, #tpu.memory_space<vmem>>
    %dma_start3A_1928 = arith.constant 0 : i32
    %dma_start3A_1929 = tpu.memref_slice %arg3[%dma_start3A_1923, %dma_start3A_1928] : memref<26x16384xi32, #tpu.memory_space<hbm>> -> memref<1x16384xi32, #tpu.memory_space<hbm>>
    %dma_start3A_1930 = tpu.memref_squeeze %dma_start3A_1929 : memref<1x16384xi32, #tpu.memory_space<hbm>> -> memref<16384xi32, #tpu.memory_space<hbm>>
    %dma_start3A_1931 = arith.constant 0 : i32
    %dma_start3A_1932 = tpu.memref_slice %arg30[%dma_start3A_1924, %dma_start3A_1931] : memref<2x16384xi32, #tpu.memory_space<vmem>> -> memref<1x16384xi32, #tpu.memory_space<vmem>>
    %dma_start3A_1933 = tpu.memref_squeeze %dma_start3A_1932 : memref<1x16384xi32, #tpu.memory_space<vmem>> -> memref<16384xi32, #tpu.memory_space<vmem>>
    %dma_start3A_1934 = arith.constant 0 : i32
    %dma_start3A_1935 = tpu.memref_slice %arg3[%dma_start3A_1923, %dma_start3A_1934] : memref<26x16384xi32, #tpu.memory_space<hbm>> -> memref<1x16384xi32, #tpu.memory_space<hbm>>
    %dma_start3A_1936 = tpu.memref_squeeze %dma_start3A_1935 : memref<1x16384xi32, #tpu.memory_space<hbm>> -> memref<16384xi32, #tpu.memory_space<hbm>>
    tpu.enqueue_dma source(%dma_start3A_1936 : memref<16384xi32, #tpu.memory_space<hbm>>) target(%dma_start3A_1933 : memref<16384xi32, #tpu.memory_space<vmem>>) target_semaphore(%arg32 : memref<!tpu.dma_semaphore, #tpu.memory_space<semaphore_mem>>)
    %dma_start3A_1937 = arith.constant 0 : i32
    %dma_start3A_1938 = arith.constant 0 : i32
    %dma_start3A_1939 = tpu.memref_slice %arg31[%dma_start3A_1937, %dma_start3A_1938] : memref<2x16384xf32, #tpu.memory_space<vmem>> -> memref<1x16384xf32, #tpu.memory_space<vmem>>
    %dma_start3A_1940 = tpu.memref_squeeze %dma_start3A_1939 : memref<1x16384xf32, #tpu.memory_space<vmem>> -> memref<16384xf32, #tpu.memory_space<vmem>>
    %dma_start3A_1941 = arith.constant 0 : i32
    %dma_start3A_1942 = tpu.memref_slice %arg26[%add3A, %dma_start3A_1941] : memref<32x16384xf32, #tpu.memory_space<hbm>> -> memref<1x16384xf32, #tpu.memory_space<hbm>>
    %dma_start3A_1943 = tpu.memref_squeeze %dma_start3A_1942 : memref<1x16384xf32, #tpu.memory_space<hbm>> -> memref<16384xf32, #tpu.memory_space<hbm>>
    %dma_start3A_1944 = arith.constant 0 : i32
    %dma_start3A_1945 = tpu.memref_slice %arg26[%add3A, %dma_start3A_1944] : memref<32x16384xf32, #tpu.memory_space<hbm>> -> memref<1x16384xf32, #tpu.memory_space<hbm>>
    %dma_start3A_1946 = tpu.memref_squeeze %dma_start3A_1945 : memref<1x16384xf32, #tpu.memory_space<hbm>> -> memref<16384xf32, #tpu.memory_space<hbm>>
    %dma_start3A_1947 = arith.constant 0 : i32
    %dma_start3A_1948 = tpu.memref_slice %arg31[%dma_start3A_1937, %dma_start3A_1947] : memref<2x16384xf32, #tpu.memory_space<vmem>> -> memref<1x16384xf32, #tpu.memory_space<vmem>>
    %dma_start3A_1949 = tpu.memref_squeeze %dma_start3A_1948 : memref<1x16384xf32, #tpu.memory_space<vmem>> -> memref<16384xf32, #tpu.memory_space<vmem>>
    tpu.enqueue_dma source(%dma_start3A_1949 : memref<16384xf32, #tpu.memory_space<vmem>>) target(%dma_start3A_1946 : memref<16384xf32, #tpu.memory_space<hbm>>) target_semaphore(%arg34 : memref<!tpu.dma_semaphore, #tpu.memory_space<semaphore_mem>>)
    %dma_wait3A_1950 = arith.constant 0 : i32
    %dma_wait3A_1951 = arith.constant 1 : i32
    %dma_wait3A_1952 = arith.constant 1 : i32
    %dma_wait3A_1953 = arith.constant 0 : i32
    %dma_wait3A_1954 = tpu.memref_slice %arg31[%dma_wait3A_1952, %dma_wait3A_1953] : memref<2x16384xf32, #tpu.memory_space<vmem>> -> memref<1x16384xf32, #tpu.memory_space<vmem>>
    %dma_wait3A_1955 = tpu.memref_squeeze %dma_wait3A_1954 : memref<1x16384xf32, #tpu.memory_space<vmem>> -> memref<16384xf32, #tpu.memory_space<vmem>>
    %dma_wait3A_1956 = arith.constant 0 : i32
    %dma_wait3A_1957 = tpu.memref_slice %arg30[%dma_wait3A_1951, %dma_wait3A_1956] : memref<2x16384xi32, #tpu.memory_space<vmem>> -> memref<1x16384xi32, #tpu.memory_space<vmem>>
    %dma_wait3A_1958 = tpu.memref_squeeze %dma_wait3A_1957 : memref<1x16384xi32, #tpu.memory_space<vmem>> -> memref<16384xi32, #tpu.memory_space<vmem>>
    %dma_wait3A_1959 = arith.constant 0 : i32
    %dma_wait3A_1960 = tpu.memref_slice %arg2[%dma_wait3A_1950, %dma_wait3A_1959] : memref<832x100000xf32, #tpu.memory_space<hbm>> -> memref<1x100000xf32, #tpu.memory_space<hbm>>
    %dma_wait3A_1961 = tpu.memref_squeeze %dma_wait3A_1960 : memref<1x100000xf32, #tpu.memory_space<hbm>> -> memref<100000xf32, #tpu.memory_space<hbm>>
    %dma_wait3A_1962 = arith.constant 0 : i32
    %dma_wait3A_1963 = tpu.memref_slice %dma_wait3A_1961[%dma_wait3A_1962] : memref<100000xf32, #tpu.memory_space<hbm>> -> memref<100000xf32, #tpu.memory_space<hbm>>
    tpu.wait_indirect_dma semaphore(%arg33 : memref<!tpu.dma_semaphore, #tpu.memory_space<semaphore_mem>>) src(%dma_wait3A_1963 : memref<100000xf32, #tpu.memory_space<hbm>>) dst(%dma_wait3A_1955 : memref<16384xf32, #tpu.memory_space<vmem>>)
    %dma_wait3A_1964 = arith.constant 0 : i32
    %dma_wait3A_1965 = arith.constant 0 : i32
    %dma_wait3A_1966 = arith.constant 0 : i32
    %dma_wait3A_1967 = tpu.memref_slice %arg30[%dma_wait3A_1965, %dma_wait3A_1966] : memref<2x16384xi32, #tpu.memory_space<vmem>> -> memref<1x16384xi32, #tpu.memory_space<vmem>>
    %dma_wait3A_1968 = tpu.memref_squeeze %dma_wait3A_1967 : memref<1x16384xi32, #tpu.memory_space<vmem>> -> memref<16384xi32, #tpu.memory_space<vmem>>
    %dma_wait3A_1969 = arith.constant 0 : i32
    %dma_wait3A_1970 = tpu.memref_slice %arg3[%dma_wait3A_1964, %dma_wait3A_1969] : memref<26x16384xi32, #tpu.memory_space<hbm>> -> memref<1x16384xi32, #tpu.memory_space<hbm>>
    %dma_wait3A_1971 = tpu.memref_squeeze %dma_wait3A_1970 : memref<1x16384xi32, #tpu.memory_space<hbm>> -> memref<16384xi32, #tpu.memory_space<hbm>>
    %dma_wait3A_1972 = arith.constant 0 : i32
    %dma_wait3A_1973 = tpu.memref_slice %arg30[%dma_wait3A_1965, %dma_wait3A_1972] : memref<2x16384xi32, #tpu.memory_space<vmem>> -> memref<1x16384xi32, #tpu.memory_space<vmem>>
    %dma_wait3A_1974 = tpu.memref_squeeze %dma_wait3A_1973 : memref<1x16384xi32, #tpu.memory_space<vmem>> -> memref<16384xi32, #tpu.memory_space<vmem>>
    %dma_wait3A_1975 = arith.constant 0 : i32
    %dma_wait3A_1976 = tpu.memref_slice %arg3[%dma_wait3A_1964, %dma_wait3A_1975] : memref<26x16384xi32, #tpu.memory_space<hbm>> -> memref<1x16384xi32, #tpu.memory_space<hbm>>
    %dma_wait3A_1977 = tpu.memref_squeeze %dma_wait3A_1976 : memref<1x16384xi32, #tpu.memory_space<hbm>> -> memref<16384xi32, #tpu.memory_space<hbm>>
    tpu.wait_dma2 semaphore(%arg32 : memref<!tpu.dma_semaphore, #tpu.memory_space<semaphore_mem>>) src(%dma_wait3A_1977 : memref<16384xi32, #tpu.memory_space<hbm>>) dst(%dma_wait3A_1974 : memref<16384xi32, #tpu.memory_space<vmem>>)
    %dma_wait3A_1978 = arith.constant 0 : i32
    %dma_wait3A_1979 = arith.constant 0 : i32
    %dma_wait3A_1980 = tpu.memref_slice %arg31[%dma_wait3A_1978, %dma_wait3A_1979] : memref<2x16384xf32, #tpu.memory_space<vmem>> -> memref<1x16384xf32, #tpu.memory_space<vmem>>
    %dma_wait3A_1981 = tpu.memref_squeeze %dma_wait3A_1980 : memref<1x16384xf32, #tpu.memory_space<vmem>> -> memref<16384xf32, #tpu.memory_space<vmem>>
    %dma_wait3A_1982 = arith.constant 0 : i32
    %dma_wait3A_1983 = tpu.memref_slice %arg4[%add3A, %dma_wait3A_1982] : memref<32x16384xf32, #tpu.memory_space<hbm>> -> memref<1x16384xf32, #tpu.memory_space<hbm>>
    %dma_wait3A_1984 = tpu.memref_squeeze %dma_wait3A_1983 : memref<1x16384xf32, #tpu.memory_space<hbm>> -> memref<16384xf32, #tpu.memory_space<hbm>>
    %dma_wait3A_1985 = arith.constant 0 : i32
    %dma_wait3A_1986 = tpu.memref_slice %arg4[%add3A, %dma_wait3A_1985] : memref<32x16384xf32, #tpu.memory_space<hbm>> -> memref<1x16384xf32, #tpu.memory_space<hbm>>
    %dma_wait3A_1987 = tpu.memref_squeeze %dma_wait3A_1986 : memref<1x16384xf32, #tpu.memory_space<hbm>> -> memref<16384xf32, #tpu.memory_space<hbm>>
    %dma_wait3A_1988 = arith.constant 0 : i32
    %dma_wait3A_1989 = tpu.memref_slice %arg31[%dma_wait3A_1978, %dma_wait3A_1988] : memref<2x16384xf32, #tpu.memory_space<vmem>> -> memref<1x16384xf32, #tpu.memory_space<vmem>>
    %dma_wait3A_1990 = tpu.memref_squeeze %dma_wait3A_1989 : memref<1x16384xf32, #tpu.memory_space<vmem>> -> memref<16384xf32, #tpu.memory_space<vmem>>
    tpu.wait_dma2 semaphore(%arg34 : memref<!tpu.dma_semaphore, #tpu.memory_space<semaphore_mem>>) src(%dma_wait3A_1990 : memref<16384xf32, #tpu.memory_space<vmem>>) dst(%dma_wait3A_1987 : memref<16384xf32, #tpu.memory_space<hbm>>)
    %add3A_1991 = arith.constant 768 : i32
    %add3A_1992 = arith.addi %add3A_1991, %add3A : i32
    %dma_start3A_1993 = arith.constant 0 : i32
    %dma_start3A_1994 = arith.constant 0 : i32
    %dma_start3A_1995 = arith.constant 0 : i32
    %dma_start3A_1996 = tpu.memref_slice %arg31[%dma_start3A_1994, %dma_start3A_1995] : memref<2x16384xf32, #tpu.memory_space<vmem>> -> memref<1x16384xf32, #tpu.memory_space<vmem>>
    %dma_start3A_1997 = tpu.memref_squeeze %dma_start3A_1996 : memref<1x16384xf32, #tpu.memory_space<vmem>> -> memref<16384xf32, #tpu.memory_space<vmem>>
    %dma_start3A_1998 = arith.constant 0 : i32
    %dma_start3A_1999 = tpu.memref_slice %arg30[%dma_start3A_1993, %dma_start3A_1998] : memref<2x16384xi32, #tpu.memory_space<vmem>> -> memref<1x16384xi32, #tpu.memory_space<vmem>>
    %dma_start3A_2000 = tpu.memref_squeeze %dma_start3A_1999 : memref<1x16384xi32, #tpu.memory_space<vmem>> -> memref<16384xi32, #tpu.memory_space<vmem>>
    %dma_start3A_2001 = arith.constant 0 : i32
    %dma_start3A_2002 = tpu.memref_slice %arg2[%add3A_1992, %dma_start3A_2001] : memref<832x100000xf32, #tpu.memory_space<hbm>> -> memref<1x100000xf32, #tpu.memory_space<hbm>>
    %dma_start3A_2003 = tpu.memref_squeeze %dma_start3A_2002 : memref<1x100000xf32, #tpu.memory_space<hbm>> -> memref<100000xf32, #tpu.memory_space<hbm>>
    %dma_start3A_2004 = arith.constant 0 : i32
    %dma_start3A_2005 = tpu.memref_slice %dma_start3A_2003[%dma_start3A_2004] : memref<100000xf32, #tpu.memory_space<hbm>> -> memref<100000xf32, #tpu.memory_space<hbm>>
    tpu.enqueue_indirect_dma source(%dma_start3A_2005 : memref<100000xf32, #tpu.memory_space<hbm>>) target(%dma_start3A_1997 : memref<16384xf32, #tpu.memory_space<vmem>>) offsets(%dma_start3A_2000 : memref<16384xi32, #tpu.memory_space<vmem>>) semaphore(%arg33 : memref<!tpu.dma_semaphore, #tpu.memory_space<semaphore_mem>>)
    %dma_start3A_2006 = arith.constant 25 : i32
    %dma_start3A_2007 = arith.constant 1 : i32
    %dma_start3A_2008 = arith.constant 0 : i32
    %dma_start3A_2009 = tpu.memref_slice %arg30[%dma_start3A_2007, %dma_start3A_2008] : memref<2x16384xi32, #tpu.memory_space<vmem>> -> memref<1x16384xi32, #tpu.memory_space<vmem>>
    %dma_start3A_2010 = tpu.memref_squeeze %dma_start3A_2009 : memref<1x16384xi32, #tpu.memory_space<vmem>> -> memref<16384xi32, #tpu.memory_space<vmem>>
    %dma_start3A_2011 = arith.constant 0 : i32
    %dma_start3A_2012 = tpu.memref_slice %arg3[%dma_start3A_2006, %dma_start3A_2011] : memref<26x16384xi32, #tpu.memory_space<hbm>> -> memref<1x16384xi32, #tpu.memory_space<hbm>>
    %dma_start3A_2013 = tpu.memref_squeeze %dma_start3A_2012 : memref<1x16384xi32, #tpu.memory_space<hbm>> -> memref<16384xi32, #tpu.memory_space<hbm>>
    %dma_start3A_2014 = arith.constant 0 : i32
    %dma_start3A_2015 = tpu.memref_slice %arg30[%dma_start3A_2007, %dma_start3A_2014] : memref<2x16384xi32, #tpu.memory_space<vmem>> -> memref<1x16384xi32, #tpu.memory_space<vmem>>
    %dma_start3A_2016 = tpu.memref_squeeze %dma_start3A_2015 : memref<1x16384xi32, #tpu.memory_space<vmem>> -> memref<16384xi32, #tpu.memory_space<vmem>>
    %dma_start3A_2017 = arith.constant 0 : i32
    %dma_start3A_2018 = tpu.memref_slice %arg3[%dma_start3A_2006, %dma_start3A_2017] : memref<26x16384xi32, #tpu.memory_space<hbm>> -> memref<1x16384xi32, #tpu.memory_space<hbm>>
    %dma_start3A_2019 = tpu.memref_squeeze %dma_start3A_2018 : memref<1x16384xi32, #tpu.memory_space<hbm>> -> memref<16384xi32, #tpu.memory_space<hbm>>
    tpu.enqueue_dma source(%dma_start3A_2019 : memref<16384xi32, #tpu.memory_space<hbm>>) target(%dma_start3A_2016 : memref<16384xi32, #tpu.memory_space<vmem>>) target_semaphore(%arg32 : memref<!tpu.dma_semaphore, #tpu.memory_space<semaphore_mem>>)
    %dma_start3A_2020 = arith.constant 1 : i32
    %dma_start3A_2021 = arith.constant 0 : i32
    %dma_start3A_2022 = tpu.memref_slice %arg31[%dma_start3A_2020, %dma_start3A_2021] : memref<2x16384xf32, #tpu.memory_space<vmem>> -> memref<1x16384xf32, #tpu.memory_space<vmem>>
    %dma_start3A_2023 = tpu.memref_squeeze %dma_start3A_2022 : memref<1x16384xf32, #tpu.memory_space<vmem>> -> memref<16384xf32, #tpu.memory_space<vmem>>
    %dma_start3A_2024 = arith.constant 0 : i32
    %dma_start3A_2025 = tpu.memref_slice %arg27[%add3A, %dma_start3A_2024] : memref<32x16384xf32, #tpu.memory_space<hbm>> -> memref<1x16384xf32, #tpu.memory_space<hbm>>
    %dma_start3A_2026 = tpu.memref_squeeze %dma_start3A_2025 : memref<1x16384xf32, #tpu.memory_space<hbm>> -> memref<16384xf32, #tpu.memory_space<hbm>>
    %dma_start3A_2027 = arith.constant 0 : i32
    %dma_start3A_2028 = tpu.memref_slice %arg27[%add3A, %dma_start3A_2027] : memref<32x16384xf32, #tpu.memory_space<hbm>> -> memref<1x16384xf32, #tpu.memory_space<hbm>>
    %dma_start3A_2029 = tpu.memref_squeeze %dma_start3A_2028 : memref<1x16384xf32, #tpu.memory_space<hbm>> -> memref<16384xf32, #tpu.memory_space<hbm>>
    %dma_start3A_2030 = arith.constant 0 : i32
    %dma_start3A_2031 = tpu.memref_slice %arg31[%dma_start3A_2020, %dma_start3A_2030] : memref<2x16384xf32, #tpu.memory_space<vmem>> -> memref<1x16384xf32, #tpu.memory_space<vmem>>
    %dma_start3A_2032 = tpu.memref_squeeze %dma_start3A_2031 : memref<1x16384xf32, #tpu.memory_space<vmem>> -> memref<16384xf32, #tpu.memory_space<vmem>>
    tpu.enqueue_dma source(%dma_start3A_2032 : memref<16384xf32, #tpu.memory_space<vmem>>) target(%dma_start3A_2029 : memref<16384xf32, #tpu.memory_space<hbm>>) target_semaphore(%arg34 : memref<!tpu.dma_semaphore, #tpu.memory_space<semaphore_mem>>)
    %dma_wait3A_2033 = arith.constant 0 : i32
    %dma_wait3A_2034 = arith.constant 0 : i32
    %dma_wait3A_2035 = arith.constant 0 : i32
    %dma_wait3A_2036 = arith.constant 0 : i32
    %dma_wait3A_2037 = tpu.memref_slice %arg31[%dma_wait3A_2035, %dma_wait3A_2036] : memref<2x16384xf32, #tpu.memory_space<vmem>> -> memref<1x16384xf32, #tpu.memory_space<vmem>>
    %dma_wait3A_2038 = tpu.memref_squeeze %dma_wait3A_2037 : memref<1x16384xf32, #tpu.memory_space<vmem>> -> memref<16384xf32, #tpu.memory_space<vmem>>
    %dma_wait3A_2039 = arith.constant 0 : i32
    %dma_wait3A_2040 = tpu.memref_slice %arg30[%dma_wait3A_2034, %dma_wait3A_2039] : memref<2x16384xi32, #tpu.memory_space<vmem>> -> memref<1x16384xi32, #tpu.memory_space<vmem>>
    %dma_wait3A_2041 = tpu.memref_squeeze %dma_wait3A_2040 : memref<1x16384xi32, #tpu.memory_space<vmem>> -> memref<16384xi32, #tpu.memory_space<vmem>>
    %dma_wait3A_2042 = arith.constant 0 : i32
    %dma_wait3A_2043 = tpu.memref_slice %arg2[%dma_wait3A_2033, %dma_wait3A_2042] : memref<832x100000xf32, #tpu.memory_space<hbm>> -> memref<1x100000xf32, #tpu.memory_space<hbm>>
    %dma_wait3A_2044 = tpu.memref_squeeze %dma_wait3A_2043 : memref<1x100000xf32, #tpu.memory_space<hbm>> -> memref<100000xf32, #tpu.memory_space<hbm>>
    %dma_wait3A_2045 = arith.constant 0 : i32
    %dma_wait3A_2046 = tpu.memref_slice %dma_wait3A_2044[%dma_wait3A_2045] : memref<100000xf32, #tpu.memory_space<hbm>> -> memref<100000xf32, #tpu.memory_space<hbm>>
    tpu.wait_indirect_dma semaphore(%arg33 : memref<!tpu.dma_semaphore, #tpu.memory_space<semaphore_mem>>) src(%dma_wait3A_2046 : memref<100000xf32, #tpu.memory_space<hbm>>) dst(%dma_wait3A_2038 : memref<16384xf32, #tpu.memory_space<vmem>>)
    %dma_wait3A_2047 = arith.constant 0 : i32
    %dma_wait3A_2048 = arith.constant 0 : i32
    %dma_wait3A_2049 = arith.constant 0 : i32
    %dma_wait3A_2050 = tpu.memref_slice %arg30[%dma_wait3A_2048, %dma_wait3A_2049] : memref<2x16384xi32, #tpu.memory_space<vmem>> -> memref<1x16384xi32, #tpu.memory_space<vmem>>
    %dma_wait3A_2051 = tpu.memref_squeeze %dma_wait3A_2050 : memref<1x16384xi32, #tpu.memory_space<vmem>> -> memref<16384xi32, #tpu.memory_space<vmem>>
    %dma_wait3A_2052 = arith.constant 0 : i32
    %dma_wait3A_2053 = tpu.memref_slice %arg3[%dma_wait3A_2047, %dma_wait3A_2052] : memref<26x16384xi32, #tpu.memory_space<hbm>> -> memref<1x16384xi32, #tpu.memory_space<hbm>>
    %dma_wait3A_2054 = tpu.memref_squeeze %dma_wait3A_2053 : memref<1x16384xi32, #tpu.memory_space<hbm>> -> memref<16384xi32, #tpu.memory_space<hbm>>
    %dma_wait3A_2055 = arith.constant 0 : i32
    %dma_wait3A_2056 = tpu.memref_slice %arg30[%dma_wait3A_2048, %dma_wait3A_2055] : memref<2x16384xi32, #tpu.memory_space<vmem>> -> memref<1x16384xi32, #tpu.memory_space<vmem>>
    %dma_wait3A_2057 = tpu.memref_squeeze %dma_wait3A_2056 : memref<1x16384xi32, #tpu.memory_space<vmem>> -> memref<16384xi32, #tpu.memory_space<vmem>>
    %dma_wait3A_2058 = arith.constant 0 : i32
    %dma_wait3A_2059 = tpu.memref_slice %arg3[%dma_wait3A_2047, %dma_wait3A_2058] : memref<26x16384xi32, #tpu.memory_space<hbm>> -> memref<1x16384xi32, #tpu.memory_space<hbm>>
    %dma_wait3A_2060 = tpu.memref_squeeze %dma_wait3A_2059 : memref<1x16384xi32, #tpu.memory_space<hbm>> -> memref<16384xi32, #tpu.memory_space<hbm>>
    tpu.wait_dma2 semaphore(%arg32 : memref<!tpu.dma_semaphore, #tpu.memory_space<semaphore_mem>>) src(%dma_wait3A_2060 : memref<16384xi32, #tpu.memory_space<hbm>>) dst(%dma_wait3A_2057 : memref<16384xi32, #tpu.memory_space<vmem>>)
    %dma_wait3A_2061 = arith.constant 0 : i32
    %dma_wait3A_2062 = arith.constant 0 : i32
    %dma_wait3A_2063 = tpu.memref_slice %arg31[%dma_wait3A_2061, %dma_wait3A_2062] : memref<2x16384xf32, #tpu.memory_space<vmem>> -> memref<1x16384xf32, #tpu.memory_space<vmem>>
    %dma_wait3A_2064 = tpu.memref_squeeze %dma_wait3A_2063 : memref<1x16384xf32, #tpu.memory_space<vmem>> -> memref<16384xf32, #tpu.memory_space<vmem>>
    %dma_wait3A_2065 = arith.constant 0 : i32
    %dma_wait3A_2066 = tpu.memref_slice %arg4[%add3A, %dma_wait3A_2065] : memref<32x16384xf32, #tpu.memory_space<hbm>> -> memref<1x16384xf32, #tpu.memory_space<hbm>>
    %dma_wait3A_2067 = tpu.memref_squeeze %dma_wait3A_2066 : memref<1x16384xf32, #tpu.memory_space<hbm>> -> memref<16384xf32, #tpu.memory_space<hbm>>
    %dma_wait3A_2068 = arith.constant 0 : i32
    %dma_wait3A_2069 = tpu.memref_slice %arg4[%add3A, %dma_wait3A_2068] : memref<32x16384xf32, #tpu.memory_space<hbm>> -> memref<1x16384xf32, #tpu.memory_space<hbm>>
    %dma_wait3A_2070 = tpu.memref_squeeze %dma_wait3A_2069 : memref<1x16384xf32, #tpu.memory_space<hbm>> -> memref<16384xf32, #tpu.memory_space<hbm>>
    %dma_wait3A_2071 = arith.constant 0 : i32
    %dma_wait3A_2072 = tpu.memref_slice %arg31[%dma_wait3A_2061, %dma_wait3A_2071] : memref<2x16384xf32, #tpu.memory_space<vmem>> -> memref<1x16384xf32, #tpu.memory_space<vmem>>
    %dma_wait3A_2073 = tpu.memref_squeeze %dma_wait3A_2072 : memref<1x16384xf32, #tpu.memory_space<vmem>> -> memref<16384xf32, #tpu.memory_space<vmem>>
    tpu.wait_dma2 semaphore(%arg34 : memref<!tpu.dma_semaphore, #tpu.memory_space<semaphore_mem>>) src(%dma_wait3A_2073 : memref<16384xf32, #tpu.memory_space<vmem>>) dst(%dma_wait3A_2070 : memref<16384xf32, #tpu.memory_space<hbm>>)
    %add3A_2074 = arith.constant 800 : i32
    %add3A_2075 = arith.addi %add3A_2074, %add3A : i32
    %dma_start3A_2076 = arith.constant 1 : i32
    %dma_start3A_2077 = arith.constant 1 : i32
    %dma_start3A_2078 = arith.constant 0 : i32
    %dma_start3A_2079 = tpu.memref_slice %arg31[%dma_start3A_2077, %dma_start3A_2078] : memref<2x16384xf32, #tpu.memory_space<vmem>> -> memref<1x16384xf32, #tpu.memory_space<vmem>>
    %dma_start3A_2080 = tpu.memref_squeeze %dma_start3A_2079 : memref<1x16384xf32, #tpu.memory_space<vmem>> -> memref<16384xf32, #tpu.memory_space<vmem>>
    %dma_start3A_2081 = arith.constant 0 : i32
    %dma_start3A_2082 = tpu.memref_slice %arg30[%dma_start3A_2076, %dma_start3A_2081] : memref<2x16384xi32, #tpu.memory_space<vmem>> -> memref<1x16384xi32, #tpu.memory_space<vmem>>
    %dma_start3A_2083 = tpu.memref_squeeze %dma_start3A_2082 : memref<1x16384xi32, #tpu.memory_space<vmem>> -> memref<16384xi32, #tpu.memory_space<vmem>>
    %dma_start3A_2084 = arith.constant 0 : i32
    %dma_start3A_2085 = tpu.memref_slice %arg2[%add3A_2075, %dma_start3A_2084] : memref<832x100000xf32, #tpu.memory_space<hbm>> -> memref<1x100000xf32, #tpu.memory_space<hbm>>
    %dma_start3A_2086 = tpu.memref_squeeze %dma_start3A_2085 : memref<1x100000xf32, #tpu.memory_space<hbm>> -> memref<100000xf32, #tpu.memory_space<hbm>>
    %dma_start3A_2087 = arith.constant 0 : i32
    %dma_start3A_2088 = tpu.memref_slice %dma_start3A_2086[%dma_start3A_2087] : memref<100000xf32, #tpu.memory_space<hbm>> -> memref<100000xf32, #tpu.memory_space<hbm>>
    tpu.enqueue_indirect_dma source(%dma_start3A_2088 : memref<100000xf32, #tpu.memory_space<hbm>>) target(%dma_start3A_2080 : memref<16384xf32, #tpu.memory_space<vmem>>) offsets(%dma_start3A_2083 : memref<16384xi32, #tpu.memory_space<vmem>>) semaphore(%arg33 : memref<!tpu.dma_semaphore, #tpu.memory_space<semaphore_mem>>)
    %dma_start3A_2089 = arith.constant 0 : i32
    %dma_start3A_2090 = arith.constant 0 : i32
    %dma_start3A_2091 = tpu.memref_slice %arg31[%dma_start3A_2089, %dma_start3A_2090] : memref<2x16384xf32, #tpu.memory_space<vmem>> -> memref<1x16384xf32, #tpu.memory_space<vmem>>
    %dma_start3A_2092 = tpu.memref_squeeze %dma_start3A_2091 : memref<1x16384xf32, #tpu.memory_space<vmem>> -> memref<16384xf32, #tpu.memory_space<vmem>>
    %dma_start3A_2093 = arith.constant 0 : i32
    %dma_start3A_2094 = tpu.memref_slice %arg28[%add3A, %dma_start3A_2093] : memref<32x16384xf32, #tpu.memory_space<hbm>> -> memref<1x16384xf32, #tpu.memory_space<hbm>>
    %dma_start3A_2095 = tpu.memref_squeeze %dma_start3A_2094 : memref<1x16384xf32, #tpu.memory_space<hbm>> -> memref<16384xf32, #tpu.memory_space<hbm>>
    %dma_start3A_2096 = arith.constant 0 : i32
    %dma_start3A_2097 = tpu.memref_slice %arg28[%add3A, %dma_start3A_2096] : memref<32x16384xf32, #tpu.memory_space<hbm>> -> memref<1x16384xf32, #tpu.memory_space<hbm>>
    %dma_start3A_2098 = tpu.memref_squeeze %dma_start3A_2097 : memref<1x16384xf32, #tpu.memory_space<hbm>> -> memref<16384xf32, #tpu.memory_space<hbm>>
    %dma_start3A_2099 = arith.constant 0 : i32
    %dma_start3A_2100 = tpu.memref_slice %arg31[%dma_start3A_2089, %dma_start3A_2099] : memref<2x16384xf32, #tpu.memory_space<vmem>> -> memref<1x16384xf32, #tpu.memory_space<vmem>>
    %dma_start3A_2101 = tpu.memref_squeeze %dma_start3A_2100 : memref<1x16384xf32, #tpu.memory_space<vmem>> -> memref<16384xf32, #tpu.memory_space<vmem>>
    tpu.enqueue_dma source(%dma_start3A_2101 : memref<16384xf32, #tpu.memory_space<vmem>>) target(%dma_start3A_2098 : memref<16384xf32, #tpu.memory_space<hbm>>) target_semaphore(%arg34 : memref<!tpu.dma_semaphore, #tpu.memory_space<semaphore_mem>>)
    %dma_wait3A_2102 = arith.constant 0 : i32
    %dma_wait3A_2103 = arith.constant 1 : i32
    %dma_wait3A_2104 = arith.constant 1 : i32
    %dma_wait3A_2105 = arith.constant 0 : i32
    %dma_wait3A_2106 = tpu.memref_slice %arg31[%dma_wait3A_2104, %dma_wait3A_2105] : memref<2x16384xf32, #tpu.memory_space<vmem>> -> memref<1x16384xf32, #tpu.memory_space<vmem>>
    %dma_wait3A_2107 = tpu.memref_squeeze %dma_wait3A_2106 : memref<1x16384xf32, #tpu.memory_space<vmem>> -> memref<16384xf32, #tpu.memory_space<vmem>>
    %dma_wait3A_2108 = arith.constant 0 : i32
    %dma_wait3A_2109 = tpu.memref_slice %arg30[%dma_wait3A_2103, %dma_wait3A_2108] : memref<2x16384xi32, #tpu.memory_space<vmem>> -> memref<1x16384xi32, #tpu.memory_space<vmem>>
    %dma_wait3A_2110 = tpu.memref_squeeze %dma_wait3A_2109 : memref<1x16384xi32, #tpu.memory_space<vmem>> -> memref<16384xi32, #tpu.memory_space<vmem>>
    %dma_wait3A_2111 = arith.constant 0 : i32
    %dma_wait3A_2112 = tpu.memref_slice %arg2[%dma_wait3A_2102, %dma_wait3A_2111] : memref<832x100000xf32, #tpu.memory_space<hbm>> -> memref<1x100000xf32, #tpu.memory_space<hbm>>
    %dma_wait3A_2113 = tpu.memref_squeeze %dma_wait3A_2112 : memref<1x100000xf32, #tpu.memory_space<hbm>> -> memref<100000xf32, #tpu.memory_space<hbm>>
    %dma_wait3A_2114 = arith.constant 0 : i32
    %dma_wait3A_2115 = tpu.memref_slice %dma_wait3A_2113[%dma_wait3A_2114] : memref<100000xf32, #tpu.memory_space<hbm>> -> memref<100000xf32, #tpu.memory_space<hbm>>
    tpu.wait_indirect_dma semaphore(%arg33 : memref<!tpu.dma_semaphore, #tpu.memory_space<semaphore_mem>>) src(%dma_wait3A_2115 : memref<100000xf32, #tpu.memory_space<hbm>>) dst(%dma_wait3A_2107 : memref<16384xf32, #tpu.memory_space<vmem>>)
    %dma_start3A_2116 = arith.constant 1 : i32
    %dma_start3A_2117 = arith.constant 0 : i32
    %dma_start3A_2118 = tpu.memref_slice %arg31[%dma_start3A_2116, %dma_start3A_2117] : memref<2x16384xf32, #tpu.memory_space<vmem>> -> memref<1x16384xf32, #tpu.memory_space<vmem>>
    %dma_start3A_2119 = tpu.memref_squeeze %dma_start3A_2118 : memref<1x16384xf32, #tpu.memory_space<vmem>> -> memref<16384xf32, #tpu.memory_space<vmem>>
    %dma_start3A_2120 = arith.constant 0 : i32
    %dma_start3A_2121 = tpu.memref_slice %arg29[%add3A, %dma_start3A_2120] : memref<32x16384xf32, #tpu.memory_space<hbm>> -> memref<1x16384xf32, #tpu.memory_space<hbm>>
    %dma_start3A_2122 = tpu.memref_squeeze %dma_start3A_2121 : memref<1x16384xf32, #tpu.memory_space<hbm>> -> memref<16384xf32, #tpu.memory_space<hbm>>
    %dma_start3A_2123 = arith.constant 0 : i32
    %dma_start3A_2124 = tpu.memref_slice %arg29[%add3A, %dma_start3A_2123] : memref<32x16384xf32, #tpu.memory_space<hbm>> -> memref<1x16384xf32, #tpu.memory_space<hbm>>
    %dma_start3A_2125 = tpu.memref_squeeze %dma_start3A_2124 : memref<1x16384xf32, #tpu.memory_space<hbm>> -> memref<16384xf32, #tpu.memory_space<hbm>>
    %dma_start3A_2126 = arith.constant 0 : i32
    %dma_start3A_2127 = tpu.memref_slice %arg31[%dma_start3A_2116, %dma_start3A_2126] : memref<2x16384xf32, #tpu.memory_space<vmem>> -> memref<1x16384xf32, #tpu.memory_space<vmem>>
    %dma_start3A_2128 = tpu.memref_squeeze %dma_start3A_2127 : memref<1x16384xf32, #tpu.memory_space<vmem>> -> memref<16384xf32, #tpu.memory_space<vmem>>
    tpu.enqueue_dma source(%dma_start3A_2128 : memref<16384xf32, #tpu.memory_space<vmem>>) target(%dma_start3A_2125 : memref<16384xf32, #tpu.memory_space<hbm>>) target_semaphore(%arg34 : memref<!tpu.dma_semaphore, #tpu.memory_space<semaphore_mem>>)
    %dma_wait3A_2129 = arith.constant 0 : i32
    %dma_wait3A_2130 = arith.constant 0 : i32
    %dma_wait3A_2131 = tpu.memref_slice %arg31[%dma_wait3A_2129, %dma_wait3A_2130] : memref<2x16384xf32, #tpu.memory_space<vmem>> -> memref<1x16384xf32, #tpu.memory_space<vmem>>
    %dma_wait3A_2132 = tpu.memref_squeeze %dma_wait3A_2131 : memref<1x16384xf32, #tpu.memory_space<vmem>> -> memref<16384xf32, #tpu.memory_space<vmem>>
    %dma_wait3A_2133 = arith.constant 0 : i32
    %dma_wait3A_2134 = tpu.memref_slice %arg4[%add3A, %dma_wait3A_2133] : memref<32x16384xf32, #tpu.memory_space<hbm>> -> memref<1x16384xf32, #tpu.memory_space<hbm>>
    %dma_wait3A_2135 = tpu.memref_squeeze %dma_wait3A_2134 : memref<1x16384xf32, #tpu.memory_space<hbm>> -> memref<16384xf32, #tpu.memory_space<hbm>>
    %dma_wait3A_2136 = arith.constant 0 : i32
    %dma_wait3A_2137 = tpu.memref_slice %arg4[%add3A, %dma_wait3A_2136] : memref<32x16384xf32, #tpu.memory_space<hbm>> -> memref<1x16384xf32, #tpu.memory_space<hbm>>
    %dma_wait3A_2138 = tpu.memref_squeeze %dma_wait3A_2137 : memref<1x16384xf32, #tpu.memory_space<hbm>> -> memref<16384xf32, #tpu.memory_space<hbm>>
    %dma_wait3A_2139 = arith.constant 0 : i32
    %dma_wait3A_2140 = tpu.memref_slice %arg31[%dma_wait3A_2129, %dma_wait3A_2139] : memref<2x16384xf32, #tpu.memory_space<vmem>> -> memref<1x16384xf32, #tpu.memory_space<vmem>>
    %dma_wait3A_2141 = tpu.memref_squeeze %dma_wait3A_2140 : memref<1x16384xf32, #tpu.memory_space<vmem>> -> memref<16384xf32, #tpu.memory_space<vmem>>
    tpu.wait_dma2 semaphore(%arg34 : memref<!tpu.dma_semaphore, #tpu.memory_space<semaphore_mem>>) src(%dma_wait3A_2141 : memref<16384xf32, #tpu.memory_space<vmem>>) dst(%dma_wait3A_2138 : memref<16384xf32, #tpu.memory_space<hbm>>)
    %dma_wait3A_2142 = arith.constant 0 : i32
    %dma_wait3A_2143 = arith.constant 0 : i32
    %dma_wait3A_2144 = tpu.memref_slice %arg31[%dma_wait3A_2142, %dma_wait3A_2143] : memref<2x16384xf32, #tpu.memory_space<vmem>> -> memref<1x16384xf32, #tpu.memory_space<vmem>>
    %dma_wait3A_2145 = tpu.memref_squeeze %dma_wait3A_2144 : memref<1x16384xf32, #tpu.memory_space<vmem>> -> memref<16384xf32, #tpu.memory_space<vmem>>
    %dma_wait3A_2146 = arith.constant 0 : i32
    %dma_wait3A_2147 = tpu.memref_slice %arg4[%add3A, %dma_wait3A_2146] : memref<32x16384xf32, #tpu.memory_space<hbm>> -> memref<1x16384xf32, #tpu.memory_space<hbm>>
    %dma_wait3A_2148 = tpu.memref_squeeze %dma_wait3A_2147 : memref<1x16384xf32, #tpu.memory_space<hbm>> -> memref<16384xf32, #tpu.memory_space<hbm>>
    %dma_wait3A_2149 = arith.constant 0 : i32
    %dma_wait3A_2150 = tpu.memref_slice %arg4[%add3A, %dma_wait3A_2149] : memref<32x16384xf32, #tpu.memory_space<hbm>> -> memref<1x16384xf32, #tpu.memory_space<hbm>>
    %dma_wait3A_2151 = tpu.memref_squeeze %dma_wait3A_2150 : memref<1x16384xf32, #tpu.memory_space<hbm>> -> memref<16384xf32, #tpu.memory_space<hbm>>
    %dma_wait3A_2152 = arith.constant 0 : i32
    %dma_wait3A_2153 = tpu.memref_slice %arg31[%dma_wait3A_2142, %dma_wait3A_2152] : memref<2x16384xf32, #tpu.memory_space<vmem>> -> memref<1x16384xf32, #tpu.memory_space<vmem>>
    %dma_wait3A_2154 = tpu.memref_squeeze %dma_wait3A_2153 : memref<1x16384xf32, #tpu.memory_space<vmem>> -> memref<16384xf32, #tpu.memory_space<vmem>>
    tpu.wait_dma2 semaphore(%arg34 : memref<!tpu.dma_semaphore, #tpu.memory_space<semaphore_mem>>) src(%dma_wait3A_2154 : memref<16384xf32, #tpu.memory_space<vmem>>) dst(%dma_wait3A_2151 : memref<16384xf32, #tpu.memory_space<hbm>>)
    return
  }
}

</mosaic_0001>

<sc_bundles>
// kernel: kernel.3.cloned.1.call-start
scs
__scs_entry_jumppad:
0x0: {  	(pc) =	sbr.rel $0x88, $3  }
0x1: {  	(tag) =	ssettag $0x0;
	lr =	simm.s32 $0x1  }
0x2: {  	[smem:$0x3F9F] =	sst lr;
	_ =	strace $0xD0000000  }
0x3: {  	_ = 	snop  }
0x4: {  	_ = 	snop  }
0x5: {  	_ = 	snop  }
0x6: {  	_ = 	snop  }
0x7: {  	_ = 	snop  }
__scs_overlays_trampoline_lowered:
0x8: {  	[smem:$0x3FAE] =	sst s0  }
0x9: {  	[smem:$0x3FAF] =	sst s1  }
0xa: {  	[smem:$0x3FB0] =	sst s2  }
0xb: {  	[smem:$0x3FB1] =	sst s3  }
0xc: {  	[smem:$0x3FB2] =	sst s4  }
0xd: {  	[smem:$0x3FB3] =	sst s5  }
0xe: {  	[smem:$0x3FB4] =	sst s6  }
0xf: {  	[smem:$0x3FB5] =	sst s7  }
0x10: {  	[smem:$0x3FB6] =	sst s8  }
0x11: {  	[smem:$0x3FB7] =	sst s9;
	s0 =	simm.s32 @!p0 $0x0  }
0x12: {  	s1 =	sld [smem:$0x3F9D];
	s0 =	simm.s32 @p0 $0x1  }
0x13: {  	[smem:$0x3FB8] =	sst s0;
	s0 =	simm.s32 @!p1 $0x0  }
0x14: {  	s2 =	sld [smem:$0x3F9C];
	s0 =	simm.s32 @p1 $0x1  }
0x15: {  	[smem:$0x3FB9] =	sst s0;
	s0 =	simm.s32 @!p2 $0x0  }
0x16: {  	s3 =	sld [smem:$0x3FDB];
	s0 =	simm.s32 @p2 $0x1  }
0x17: {  	s4 =	simm.s32 $0x1BF5;
	[smem:$0x3FBB] =	sst s0  }
0x18: {  	s0 =	sld [smem:$0x3F9E];
	_ =	swait.ge [sflag:s4], $0x0  }
0x19: {  	s7 =	sld [smem:$0x3F9F]  }
0x1a: {  	s8 =	sadd.s32 $0xFFFFE003, lr  }
0x1b: {  	s9 =	sadd.s32 $0xFFFFFEF7, lr;
	s5 =	simm.s32 $0xFFFFFFFF;
	p2 =	slt.u32 s8, $0xFFFFF086  }
0x1c: {  	p1 =	slt.u32 s9, $0xF7A;
	s5 =	simm.s32 @!p2 $0x0  }
0x1d: {  	s5 =	simm.s32 @p1 $0x1;
	p0 =	seq.s32 s7, s2  }
0x1e: {  	s7 =	smul.u32 @!p0 $0xF7A, s2;
	p2 =	seq.s32 @!p0 s5, $0x0  }
0x1f: {  	s9 =	smul.u32 $0xF7A, s1;
	s8 =	simm.s32 @!p0 $0x1BF5;
	p2 =	por !p2, p0  }
0x20: {  	[sflag:s8] =	ssyncset.s32 @!p0 $0xFFFFF086;
	s6 =	sadd.s32 @!p0 s3, s7;
	s7 =	simm.s32 @!p0 $0x108  }
0x21: {  	s3 =	sadd.s32 s3, s9;
	s6 =	sadd.s32 @!p0 $0x88, s6;
	s7 =	simm.s32 @p2 $0x1082  }
0x22: {  	[simem:s7], [sflag:s8] =	dma.local @!p0 [hbm:s6], $0xF7A  }
0x23: {  	s9 =	sor.u32 $0xD0000000, s2;
	s6 =	simm.s32 $0x108;
	_ =	swait.ge @!p0 [sflag:s8], $0x0  }
0x24: {  	s3 =	sadd.s32 $0x88, s3;
	s6 =	simm.s32 @!p1 $0x1082;
	[sflag:s4] =	ssyncset.s32 $0xFFFFF086  }
0x25: {  	[simem:s6], [sflag:s4] =	dma.local [hbm:s3], $0xF7A  }
0x26: {  	[smem:$0x3F9F] =	sst s1;
	(tag) =	ssettag s2;
	_ =	strace s9  }
0x27: {  	s1 =	sld [smem:$0x3FAF]  }
0x28: {  	s2 =	sld [smem:$0x3FB0]  }
0x29: {  	s4 =	sld [smem:$0x3FB2]  }
0x2a: {  	p0 =	seq.s32 s5, $0x0;
	s5 =	sld [smem:$0x3FB3]  }
0x2b: {  	s6 =	sld [smem:$0x3FB4]  }
0x2c: {  	s7 =	sld [smem:$0x3FB5]  }
0x2d: {  	s3 =	simm.s32 $0x108;
	s8 =	sld [smem:$0x3FB6]  }
0x2e: {  	s3 =	simm.s32 @!p0 $0x1082;
	s9 =	sld [smem:$0x3FB7]  }
0x2f: {  	lr =	sadd.s32 s0, s3;
	s0 =	sld [smem:$0x3FAE]  }
0x30: {  	s3 =	sld [smem:$0x3FB1]  }
0x31: {  	[smem:$0x3FBA] =	sst s10  }
0x32: {  	s10 =	sld [smem:$0x3FB8];
	_ =	sdelay $0x3  }
0x33: {  	p0 =	seq.s32 s10, $0x1;
	s10 =	sld [smem:$0x3FBA];
	_ =	sdelay $0x3  }
0x34: {  	[smem:$0x3FBA] =	sst s10  }
0x35: {  	s10 =	sld [smem:$0x3FB9];
	_ =	sdelay $0x3  }
0x36: {  	p1 =	seq.s32 s10, $0x1;
	s10 =	sld [smem:$0x3FBA];
	_ =	sdelay $0x3  }
0x37: {  	[smem:$0x3FBA] =	sst s10  }
0x38: {  	s10 =	sld [smem:$0x3FBB]  }
0x39: {  	_ = 	snop;
	(pc) =	sbr.ind lr, $3  }
0x3a: {  	_ = 	snop  }
0x3b: {  	_ = 	snop  }
0x3c: {  	p2 =	seq.s32 s10, $0x1;
	s10 =	sld [smem:$0x3FBA]  }
0x3d: {  	_ =	shalt  }
0x3e: {  	_ =	shalt  }
0x3f: {  	_ =	shalt  }
0x40: {  	_ =	shalt  }
0x41: {  	_ =	shalt  }
0x42: {  	_ =	shalt  }
0x43: {  	_ =	shalt  }
0x44: {  	_ =	shalt  }
0x45: {  	_ =	shalt  }
0x46: {  	_ =	shalt  }
0x47: {  	_ =	shalt  }
0x48: {  	_ =	shalt  }
0x49: {  	_ =	shalt  }
0x4a: {  	_ =	shalt  }
0x4b: {  	_ =	shalt  }
0x4c: {  	_ =	shalt  }
0x4d: {  	_ =	shalt  }
0x4e: {  	_ =	shalt  }
0x4f: {  	_ =	shalt  }
0x50: {  	_ =	shalt  }
0x51: {  	_ =	shalt  }
0x52: {  	_ =	shalt  }
0x53: {  	_ =	shalt  }
0x54: {  	_ =	shalt  }
0x55: {  	_ =	shalt  }
0x56: {  	_ =	shalt  }
0x57: {  	_ =	shalt  }
0x58: {  	_ =	shalt  }
0x59: {  	_ =	shalt  }
0x5a: {  	_ =	shalt  }
0x5b: {  	_ =	shalt  }
0x5c: {  	_ =	shalt  }
0x5d: {  	_ =	shalt  }
0x5e: {  	_ =	shalt  }
0x5f: {  	_ =	shalt  }
0x60: {  	_ =	shalt  }
0x61: {  	_ =	shalt  }
0x62: {  	_ =	shalt  }
0x63: {  	_ =	shalt  }
0x64: {  	_ =	shalt  }
0x65: {  	_ =	shalt  }
0x66: {  	_ =	shalt  }
0x67: {  	_ =	shalt  }
0x68: {  	_ =	shalt  }
0x69: {  	_ =	shalt  }
0x6a: {  	_ =	shalt  }
0x6b: {  	_ =	shalt  }
0x6c: {  	_ =	shalt  }
0x6d: {  	_ =	shalt  }
0x6e: {  	_ =	shalt  }
0x6f: {  	_ =	shalt  }
0x70: {  	_ =	shalt  }
0x71: {  	_ =	shalt  }
0x72: {  	_ =	shalt  }
0x73: {  	_ =	shalt  }
0x74: {  	_ =	shalt  }
0x75: {  	_ =	shalt  }
0x76: {  	_ =	shalt  }
0x77: {  	_ =	shalt  }
0x78: {  	_ =	shalt  }
0x79: {  	_ =	shalt  }
0x7a: {  	_ =	shalt  }
0x7b: {  	_ =	shalt  }
0x7c: {  	_ =	shalt  }
0x7d: {  	_ =	shalt  }
0x7e: {  	_ =	shalt  }
0x7f: {  	_ =	shalt  }
0x80: {  	_ =	shalt  }
0x81: {  	_ =	shalt  }
0x82: {  	_ =	shalt  }
0x83: {  	_ =	shalt  }
0x84: {  	_ =	shalt  }
0x85: {  	_ =	shalt  }
0x86: {  	_ =	shalt  }
0x87: {  	_ =	shalt  }
.Lfunc_end0:
.L_simem_size_0:
called_computation_lowered:
.L_overlay_start_0:
0x88: {  	s2 =	sld [smem:$0x3FD9]  }
0x89: {  	s3 =	sld [smem:$0x3FFE];
	_ =	sdelay $0x1  }
0x8a: {  	s1 =	srdreg.scid  }
0x8b: {  	s0 =	sand.u32 $0x1, s1  }
0x8c: {  	s22 =	sshll.u32 s0, $0xA;
	s2 =	sadd.s32 s3, s2  }
0x8d: {  	s2 =	sadd.s32 s2, s22  }
0x8e: {  	[smem:$0x3FC6] =	sst s2  }
0x8f: {  	_ = 	snop  }
0x90: {  	s14 =	sld [smem:$0x3FD0];
	_ =	sdelay $0x3  }
0x91: {  	s16 =	simm.s32 $0xA;
	s15 =	simm.s32 $0x10;
	s23 =	sadd.s32 $0x1, s14  }
0x92: {  	[smem:s15], [sflag:s16] =	dma.local [hbm:s23], $0x1  }
0x93: {  	_ =	swait.eq [sflag:s16], $0x1  }
0x94: {  	s5 =	sld [smem:$0x14]  }
0x95: {  	s9 =	sld [smem:$0x15];
	[sflag:s16] =	ssyncset.done $0x0  }
0x96: {  	s2 =	sld [smem:$0x16];
	[sflag:s16] =	ssyncadd.s32 $0xFFFFFFFF  }
0x97: {  	s4 =	sadd.s32 $0x2, s14;
	s3 =	sld [smem:$0x17]  }
0x98: {  	[smem:s15], [sflag:s16] =	dma.local [hbm:s4], $0x1  }
0x99: {  	_ =	swait.eq [sflag:s16], $0x1  }
0x9a: {  	s4 =	sld [smem:$0x10]  }
0x9b: {  	s6 =	sld [smem:$0x11]  }
0x9c: {  	s7 =	sld [smem:$0x12]  }
0x9d: {  	s8 =	sld [smem:$0x13]  }
0x9e: {  	s10 =	sld [smem:$0x14]  }
0x9f: {  	s11 =	sld [smem:$0x15];
	[sflag:s16] =	ssyncset.done $0x0  }
0xa0: {  	s12 =	sld [smem:$0x16];
	[sflag:s16] =	ssyncadd.s32 $0xFFFFFFFF  }
0xa1: {  	s14 =	sadd.s32 $0x3, s14;
	s13 =	sld [smem:$0x17]  }
0xa2: {  	[smem:s15], [sflag:s16] =	dma.local [hbm:s14], $0x1  }
0xa3: {  	_ =	swait.eq [sflag:s16], $0x1  }
0xa4: {  	[sflag:s16] =	ssyncset.done $0x0  }
0xa5: {  	s15 =	sld [smem:$0x10];
	[sflag:s16] =	ssyncadd.s32 $0xFFFFFFFF  }
0xa6: {  	s16 =	sld [smem:$0x11];
	(tm) =	ssettm $0x1  }
0xa7: {  	s24 =	sld [smem:$0x3FFB];
	_ =	sdelay $0x3  }
0xa8: {  	_ =	strace s24  }
0xa9: {  	s14 =	sld [smem:$0x3FFC];
	_ =	sdelay $0x3  }
0xaa: {  	_ =	strace s14  }
0xab: {  	s14 =	sld [smem:$0x3FFD];
	_ =	sdelay $0x3  }
0xac: {  	_ =	strace s14  }
0xad: {  	_ =	strace $0x8FFFFFFF  }
0xae: {  	s25 =	sld [smem:$0x3FDB];
	_ =	sdelay $0x1  }
0xaf: {  	s17 =	simm.s32 $_scs_section_size  }
0xb0: {  	s18 =	simm.s32 $_size__tile_task_arg_handler_lowered;
	s19 =	simm.s32 $_tile_task_arg_handler_lowered  }
0xb1: {  	s29 =	simm.s32 $0x1BFF;
	s28 =	sshll.u32 s19, $0x1;
	s17 =	sadd.s32 s17, s25  }
0xb2: {  	s20 =	simm.s32 $0x60;
	s26 =	sshll.u32 s18, $0x1;
	s18 =	sadd.s32 s28, s17  }
0xb3: {  	[timem:s20], [sflag:s29] =	dma.local [hbm:s18], s26  }
0xb4: {  	_ =	swait.ge [sflag:s29], s26  }
0xb5: {  	s30 =	simm.s32 $_tile_overlayer_lowered;
	s14 =	ssub.s32 $0x0, s26;
	[sflag:s29] =	ssyncset.done $0x0  }
0xb6: {  	s31 =	simm.s32 $_size__tile_overlayer_lowered;
	s18 =	sshll.u32 s30, $0x1;
	[sflag:s29] =	ssyncadd.s32 s14  }
0xb7: {  	s21 =	simm.s32 $0x0;
	s18 =	sadd.s32 s18, s17;
	s14 =	sshll.u32 s31, $0x1  }
0xb8: {  	[timem:s21], [sflag:s29] =	dma.local [hbm:s18], s14  }
0xb9: {  	_ =	swait.ge [sflag:s29], s14  }
0xba: {  	s22 =	ssub.s32 $0x0, s14;
	[sflag:s29] =	ssyncset.done $0x0  }
0xbb: {  	[sflag:s29] =	ssyncadd.s32 s22;
	_ =	sdelay $0x1  }
0xbc: {  	s23 =	simm.s32 $0x1B8B  }
0xbd: {  	_ =	swait.ge [sflag:s23], $0x1  }
0xbe: {  	[sflag:s23] =	ssyncset.done $0x0  }
0xbf: {  	s25 =	simm.s32 $0x1B8E;
	s24 =	sld [smem:$0x3FFE];
	[sflag:s23] =	ssyncadd.s32 $0xFFFFFFFF  }
0xc0: {  	s26 =	simm.s32 $execute0_lowered;
	[smem:$0x3FD2] =	sst s25  }
0xc1: {  	s19 =	sshll.u32 s26, $0x1;
	_ =	strace $0x80000046;
	[dreg:$0x1] =	wrdreg $0xFFFFFFFF  }
0xc2: {  	s28 =	simm.s32 $_size_execute0_lowered;
	s17 =	sadd.s32 s17, s19;
	[dreg:$0x0] =	wrdreg $0x0  }
0xc3: {  	s19 =	sshll.u32 s28, $0x1;
	[dreg:$0x2] =	wrdreg s17  }
0xc4: {  	[dreg:$0x3] =	wrdreg s19  }
0xc5: {  	[dreg:$0x4] =	wrdreg $0xC0  }
0xc6: {  	_ =	task [dreg:s21], $0x5FFFF  }
0xc7: {  	[dreg:$0x1] =	wrdreg $0xFFFFFFFF  }
0xc8: {  	[dreg:$0x0] =	wrdreg $0x30  }
0xc9: {  	[dreg:$0x2] =	wrdreg $0x0  }
0xca: {  	[dreg:$0x3] =	wrdreg s9  }
0xcb: {  	[dreg:$0x4] =	wrdreg $0x9  }
0xcc: {  	_ =	task [dreg:s21], $0x5FFFF  }
0xcd: {  	[dreg:$0x1] =	wrdreg $0xFFFFFFFF  }
0xce: {  	[dreg:$0x0] =	wrdreg $0x60  }
0xcf: {  	[dreg:$0x2] =	wrdreg s24  }
0xd0: {  	[dreg:$0x3] =	wrdreg s5  }
0xd1: {  	[dreg:$0x4] =	wrdreg s16  }
0xd2: {  	[dreg:$0x5] =	wrdreg s15  }
0xd3: {  	[dreg:$0x6] =	wrdreg s13  }
0xd4: {  	[dreg:$0x7] =	wrdreg s12  }
0xd5: {  	[dreg:$0x8] =	wrdreg s11  }
0xd6: {  	[dreg:$0x9] =	wrdreg s10  }
0xd7: {  	[dreg:$0xa] =	wrdreg s8  }
0xd8: {  	[dreg:$0xb] =	wrdreg s7  }
0xd9: {  	[dreg:$0xc] =	wrdreg s6  }
0xda: {  	[dreg:$0xd] =	wrdreg s4  }
0xdb: {  	[dreg:$0xe] =	wrdreg s3  }
0xdc: {  	[dreg:$0xf] =	wrdreg s2  }
0xdd: {  	_ =	task.clear_ibuf [dreg:s21], $0x10FFFF;
	_ =	strace $0x90000046  }
0xde: {  	s29 =	simm.s32 $0x9;
	_ =	strace $0x80000048  }
0xdf: {  	_ =	swait.ge [sflag:s29], $0x1  }
0xe0: {  	[sflag:s29] =	ssyncadd.s32 $0xFFFFFFFF  }
0xe1: {  	_ =	strace $0x90000048  }
0xe2: {  	_ =	sfence  }
0xe3: {  	s30 =	sld [smem:$0x0];
	_ =	sdelay $0x2  }
0xe4: {  	s31 =	sshll.u32 s1, $0xD;
	s1 =	sshrl.u32 s1, $0x2  }
0xe5: {  	s3 =	sand.u32 $0x4000, s31;
	s1 =	sadd.s32 s1, s30  }
0xe6: {  	s0 =	sor.u32 s3, s0;
	s1 =	sshll.u32 s1, $0x11  }
0xe7: {  	s0 =	sor.u32 s1, s0  }
0xe8: {  	s0 =	sadd.s32 $0x8F2B, s0  }
0xe9: {  	[sflag:s0] =	ssyncadd.remote.s32 $0x1  }
0xea: {  	_ =	sfence.sel $0xFFFF  }
0xeb: {  	[dreg:$0x0] =	wrdreg $0xFFFFFFFF;
	(pc) =	sbr.abs _section_cstart, $3  }
0xec: {  	[dreg:$0x1] =	wrdreg $0xFFFFFFFF  }
0xed: {  	_ =	task.clear_ibuf [dreg:s21], $0x2FFFF;
	_ =	strace $0x9FFFFFFF  }
0xee: {  	(tm) =	ssettm $0x7FFFFFFF  }
0xef: {  	_ =	shalt  }
tec
_tile_task_arg_handler_lowered:
.L_overlay_start_1:
0x0: {  	(tag) =	ssettag $0x1  }
0x1: {  	s0 =	rddreg [dreg:$0x0]  }
0x2: {  	s1 =	rddreg [dreg:$0x1]  }
0x3: {  	s2 =	rddreg [dreg:$0x2]  }
0x4: {  	s3 =	rddreg [dreg:$0x3]  }
0x5: {  	s4 =	rddreg [dreg:$0x4]  }
0x6: {  	s5 =	rddreg [dreg:$0x5]  }
0x7: {  	s6 =	rddreg [dreg:$0x6]  }
0x8: {  	s7 =	rddreg [dreg:$0x7]  }
0x9: {  	s8 =	rddreg [dreg:$0x8]  }
0xa: {  	s9 =	rddreg [dreg:$0x9]  }
0xb: {  	s10 =	rddreg [dreg:$0xa]  }
0xc: {  	s11 =	rddreg [dreg:$0xb]  }
0xd: {  	s12 =	rddreg [dreg:$0xc]  }
0xe: {  	s13 =	rddreg [dreg:$0xd]  }
0xf: {  	[smem:s0] =	sst s1  }
0x10: {  	[smem:s0+$0x1] =	sst s2  }
0x11: {  	[smem:s0+$0x2] =	sst s3  }
0x12: {  	[smem:s0+$0x3] =	sst s4  }
0x13: {  	[smem:s0+$0x4] =	sst s5  }
0x14: {  	[smem:s0+$0x5] =	sst s6  }
0x15: {  	[smem:s0+$0x6] =	sst s7  }
0x16: {  	[smem:s0+$0x7] =	sst s8  }
0x17: {  	[smem:s0+$0x8] =	sst s9  }
0x18: {  	[smem:s0+$0x9] =	sst s10  }
0x19: {  	[smem:s0+$0xA] =	sst s11  }
0x1a: {  	[smem:s0+$0xB] =	sst s12  }
0x1b: {  	[smem:s0+$0xC] =	sst s13;
	_ =	shalt  }
.Lfunc_end2:
execute0_lowered:
.L_overlay_start_2:
0x1c: {  	(tag) =	ssettag $0x2  }
0x1d: {  	s4 =	rddreg [dreg:$0x0]  }
0x1e: {  	s0 =	rddreg [dreg:$0x1]  }
0x1f: {  	s13 =	rddreg [dreg:$0x2]  }
0x20: {  	s14 =	rddreg [dreg:$0x3]  }
0x21: {  	s15 =	rddreg [dreg:$0x4]  }
0x22: {  	s16 =	rddreg [dreg:$0x5]  }
0x23: {  	s17 =	rddreg [dreg:$0x6]  }
0x24: {  	s18 =	rddreg [dreg:$0x7]  }
0x25: {  	s12 =	rddreg [dreg:$0x8]  }
0x26: {  	s11 =	rddreg [dreg:$0x9]  }
0x27: {  	s10 =	rddreg [dreg:$0xa]  }
0x28: {  	s8 =	rddreg [dreg:$0xb]  }
0x29: {  	s7 =	rddreg [dreg:$0xc];
	s2 =	simm.s32 $0x0  }
0x2a: {  	s1 =	srdreg.scid;
	[smem:$0x7FF] =	sst s2  }
0x2b: {  	s3 =	stileid.u32;
	s20 =	sld [smem:$0x1]  }
0x2c: {  	s5 =	rddreg [dreg:$0xd];
	s1 =	sand.u32 $0x1, s1;
	s3 =	sshll.u32 s3, $0x1  }
0x2d: {  	s22 =	sadd.s32 $0x800, s0;
	s23 =	sadd.s32 $0x1800, s0;
	s6 =	sld [smem:$0x0]  }
0x2e: {  	s26 =	sadd.s32 $0x2000, s0;
	s9 =	sor.u32 s1, s3;
	[smem:$0x7D7] =	sst s20  }
0x2f: {  	s19 =	smul.u32 $0x186A0, s9;
	_ =	strace $0x80000047;
	[dreg:$0xe] =	wrdreg s22  }
0x30: {  	s20 =	smul.u32 $0x30D4, s9;
	s9 =	sshll.u32 s9, $0xB;
	[dreg:$0x14] =	wrdreg s23  }
0x31: {  	s13 =	sadd.s32 s13, s9;
	[dreg:$0x17] =	wrdreg s26  }
0x32: {  	s24 =	sadd.s32 s14, s9;
	[dreg:$0x12] =	wrdreg s13  }
0x33: {  	s3 =	sadd.s32 s15, s9;
	[dreg:$0x15] =	wrdreg s24  }
0x34: {  	s15 =	sadd.s32 $0x2800, s0;
	[dreg:$0x18] =	wrdreg s3  }
0x35: {  	s12 =	sadd.s32 s12, s9;
	[dreg:$0x1a] =	wrdreg s15  }
0x36: {  	s11 =	sadd.s32 s11, s9;
	[smem:$0x7DC] =	sst s12  }
0x37: {  	s10 =	sadd.s32 s10, s9;
	[smem:$0x7DF] =	sst s11  }
0x38: {  	s8 =	sadd.s32 s8, s9;
	[smem:$0x7E2] =	sst s10  }
0x39: {  	s21 =	sadd.s32 $0x3A00, s4;
	s7 =	sadd.s32 s7, s9;
	[smem:$0x7E5] =	sst s8  }
0x3a: {  	s19 =	sshrl.u32 s19, $0x3;
	s5 =	sadd.s32 s5, s9;
	[smem:$0x7E8] =	sst s7  }
0x3b: {  	s29 =	sadd.s32 s21, s19;
	s20 =	sadd.s32 s21, s20;
	[smem:$0x7EB] =	sst s5  }
0x3c: {  	[tilespmem:s2], [sflag:$0x1] =	stream.linear.gather [hbm4b:s0+s2], $0x4000, $0x38;
	[tilespmem:$0x10000] =	vst v63  }
0x3d: {  	s19 =	sadd.s32 $0x61A80, s29;
	[dreg:$0xf] =	wrdreg s20  }
0x3e: {  	s21 =	sadd.s32 $0x1000, s0;
	[dreg:$0x10] =	wrdreg s19  }
0x3f: {  	s22 =	sadd.s32 $0xC3500, s29;
	[dreg:$0x11] =	wrdreg s21  }
0x40: {  	s25 =	sadd.s32 $0x124F80, s29;
	[dreg:$0x13] =	wrdreg s22  }
0x41: {  	s14 =	sadd.s32 $0x186A00, s29;
	[dreg:$0x16] =	wrdreg s25  }
0x42: {  	s23 =	sadd.s32 $0x249F00, s29;
	[dreg:$0x19] =	wrdreg s14  }
0x43: {  	s24 =	sadd.s32 $0x3800, s0;
	[dreg:$0x1f] =	wrdreg s23  }
0x44: {  	s26 =	sadd.s32 $0x2AB980, s29;
	[smem:$0x7D8] =	sst s24  }
0x45: {  	s3 =	sadd.s32 $0x4000, s0;
	[smem:$0x7DA] =	sst s26  }
0x46: {  	s31 =	sadd.s32 s9, s4;
	s15 =	sadd.s32 $0x4800, s0;
	[smem:$0x7DB] =	sst s3  }
0x47: {  	s7 =	sadd.s32 $0x9EEC00, s31;
	[smem:$0x7DE] =	sst s15  }
0x48: {  	s8 =	sadd.s32 $0x5B8D80, s29;
	[smem:$0x7F1] =	sst s7  }
0x49: {  	s10 =	sadd.s32 $0x9FEC00, s31;
	[smem:$0x7F2] =	sst s8  }
0x4a: {  	s11 =	sadd.s32 $0x61A800, s29;
	[smem:$0x7F4] =	sst s10  }
0x4b: {  	s12 =	sadd.s32 $0x8800, s0;
	[smem:$0x7F5] =	sst s11  }
0x4c: {  	s13 =	sadd.s32 $0xA0EC00, s31;
	[smem:$0x7F6] =	sst s12  }
0x4d: {  	s19 =	sadd.s32 s16, s9;
	[smem:$0x7F7] =	sst s13  }
0x4e: {  	s20 =	sadd.s32 $0x1E8480, s29;
	[dreg:$0x1b] =	wrdreg s19  }
0x4f: {  	s21 =	sadd.s32 $0x3000, s0;
	[dreg:$0x1c] =	wrdreg s20  }
0x50: {  	s22 =	sadd.s32 s17, s9;
	[dreg:$0x1d] =	wrdreg s21  }
0x51: {  	s25 =	sadd.s32 s18, s9;
	[dreg:$0x1e] =	wrdreg s22  }
0x52: {  	s14 =	sadd.s32 $0x30D400, s29;
	[smem:$0x7D9] =	sst s25  }
0x53: {  	s16 =	sadd.s32 $0x36EE80, s29;
	[smem:$0x7DD] =	sst s14  }
0x54: {  	s17 =	sadd.s32 $0x5000, s0;
	[smem:$0x7E0] =	sst s16  }
0x55: {  	s18 =	sadd.s32 $0x3D0900, s29;
	[smem:$0x7E1] =	sst s17  }
0x56: {  	s23 =	sadd.s32 $0x6800, s0;
	[smem:$0x7E3] =	sst s18  }
0x57: {  	s24 =	sadd.s32 $0x4F5880, s29;
	[smem:$0x7EA] =	sst s23  }
0x58: {  	s26 =	sadd.s32 s6, s9;
	[smem:$0x7EC] =	sst s24  }
0x59: {  	s3 =	sadd.s32 $0x557300, s29;
	[smem:$0x7EE] =	sst s26  }
0x5a: {  	s6 =	sadd.s32 $0x7800, s0;
	[smem:$0x7EF] =	sst s3  }
0x5b: {  	s9 =	sadd.s32 $0x8000, s0;
	[smem:$0x7F0] =	sst s6  }
0x5c: {  	s15 =	sadd.s32 $0x9000, s0;
	[smem:$0x7F3] =	sst s9  }
0x5d: {  	s19 =	sadd.s32 $0x5800, s0;
	[smem:$0x7F9] =	sst s15  }
0x5e: {  	s20 =	sadd.s32 $0x432380, s29;
	[smem:$0x7E4] =	sst s19  }
0x5f: {  	s21 =	sadd.s32 $0x6000, s0;
	[smem:$0x7E6] =	sst s20  }
0x60: {  	s22 =	sadd.s32 $0x493E00, s29;
	[smem:$0x7E7] =	sst s21  }
0x61: {  	s25 =	sadd.s32 $0x7000, s0;
	[smem:$0x7E9] =	sst s22  }
0x62: {  	s14 =	sadd.s32 $0x67C280, s29;
	[smem:$0x7ED] =	sst s25  }
0x63: {  	s16 =	sadd.s32 $0xA1EC00, s31;
	[smem:$0x7F8] =	sst s14  }
0x64: {  	s17 =	sadd.s32 $0x6DDD00, s29;
	[smem:$0x7FA] =	sst s16  }
0x65: {  	s18 =	sadd.s32 $0x9800, s0;
	[smem:$0x7FB] =	sst s17  }
0x66: {  	[smem:$0x7FC] =	sst s18;
	s19 =	sadd.s32 $0xA2EC00, s31  }
0x67: {  	s4 =	simm.s32 $0x1;
	[smem:$0x7FD] =	sst s19  }
0x68: {  	_ =	swait.ge [sflag:s4], $0x4000  }
0x69: {  	[sflag:s4] =	ssyncset.done $0x0  }
0x6a: {  	s5 =	simm.s32 $0x4000;
	s20 =	rddreg [dreg:$0xe];
	[sflag:s4] =	ssyncadd.s32 $0xFFFFC000  }
0x6b: {  	[tilespmem:s5], [sflag:$0x1] =	stream.linear.gather [hbm4b:s20+s2], $0x4000, $0x38;
	[tilespmem:$0x10000] =	vst v63  }
0x6c: {  	s7 =	simm.s32 $0x2;
	s6 =	simm.s32 $0x8000;
	s21 =	rddreg [dreg:$0xf]  }
0x6d: {  	[tilespmem:s6], [sflag:$0x2] =	stream.indirect.gather [hbm4b:s21+s5], $0x1, s2, s5, $0xb8;
	[tilespmem:$0x10000] =	vst v63  }
0x6e: {  	_ =	swait.ge [sflag:s7], $0x4000  }
0x6f: {  	[sflag:s7] =	ssyncset.done $0x0  }
0x70: {  	[sflag:s7] =	ssyncadd.s32 $0xFFFFC000  }
0x71: {  	_ =	swait.ge [sflag:s4], $0x4000  }
0x72: {  	[sflag:s4] =	ssyncset.done $0x0  }
0x73: {  	s8 =	simm.s32 $0xC000;
	s22 =	rddreg [dreg:$0x10];
	[sflag:s4] =	ssyncadd.s32 $0xFFFFC000  }
0x74: {  	[tilespmem:s8], [sflag:$0x2] =	stream.indirect.gather [hbm4b:s22+s5], $0x1, s5, s5, $0xb8;
	[tilespmem:$0x10000] =	vst v63  }
0x75: {  	s23 =	rddreg [dreg:$0x11]  }
0x76: {  	[tilespmem:s2], [sflag:$0x1] =	stream.linear.gather [hbm4b:s23+s2], $0x4000, $0x38;
	[tilespmem:$0x10000] =	vst v63  }
0x77: {  	s24 =	rddreg [dreg:$0x12]  }
0x78: {  	[hbm4b:s24+s2] =	stream.linear.scatter [tilespmem:s6], [sflag:$0x3], $0x4000, $0x38;
	[tilespmem:$0x10000] =	vst v63  }
0x79: {  	_ =	swait.ge [sflag:s7], $0x4000  }
0x7a: {  	[sflag:s7] =	ssyncset.done $0x0  }
0x7b: {  	[sflag:s7] =	ssyncadd.s32 $0xFFFFC000  }
0x7c: {  	_ =	swait.ge [sflag:s4], $0x4000  }
0x7d: {  	[sflag:s4] =	ssyncset.done $0x0  }
0x7e: {  	s9 =	simm.s32 $0x3;
	[sflag:s4] =	ssyncadd.s32 $0xFFFFC000  }
0x7f: {  	_ =	swait.ge [sflag:s9], $0x4000  }
0x80: {  	[sflag:s9] =	ssyncset.done $0x0  }
0x81: {  	s25 =	rddreg [dreg:$0x13];
	[sflag:s9] =	ssyncadd.s32 $0xFFFFC000  }
0x82: {  	[tilespmem:s6], [sflag:$0x2] =	stream.indirect.gather [hbm4b:s25+s5], $0x1, s2, s5, $0xb8;
	[tilespmem:$0x10000] =	vst v63  }
0x83: {  	s26 =	rddreg [dreg:$0x14]  }
0x84: {  	[tilespmem:s5], [sflag:$0x1] =	stream.linear.gather [hbm4b:s26+s2], $0x4000, $0x38;
	[tilespmem:$0x10000] =	vst v63  }
0x85: {  	s3 =	rddreg [dreg:$0x15]  }
0x86: {  	[hbm4b:s3+s2] =	stream.linear.scatter [tilespmem:s8], [sflag:$0x3], $0x4000, $0x38;
	[tilespmem:$0x10000] =	vst v63  }
0x87: {  	_ =	swait.ge [sflag:s7], $0x4000  }
0x88: {  	[sflag:s7] =	ssyncset.done $0x0  }
0x89: {  	[sflag:s7] =	ssyncadd.s32 $0xFFFFC000  }
0x8a: {  	_ =	swait.ge [sflag:s4], $0x4000  }
0x8b: {  	[sflag:s4] =	ssyncset.done $0x0  }
0x8c: {  	[sflag:s4] =	ssyncadd.s32 $0xFFFFC000  }
0x8d: {  	_ =	swait.ge [sflag:s9], $0x4000  }
0x8e: {  	[sflag:s9] =	ssyncset.done $0x0  }
0x8f: {  	s11 =	rddreg [dreg:$0x16];
	[sflag:s9] =	ssyncadd.s32 $0xFFFFC000  }
0x90: {  	[tilespmem:s8], [sflag:$0x2] =	stream.indirect.gather [hbm4b:s11+s5], $0x1, s5, s5, $0xb8;
	[tilespmem:$0x10000] =	vst v63  }
0x91: {  	s12 =	rddreg [dreg:$0x17]  }
0x92: {  	[tilespmem:s2], [sflag:$0x1] =	stream.linear.gather [hbm4b:s12+s2], $0x4000, $0x38;
	[tilespmem:$0x10000] =	vst v63  }
0x93: {  	s13 =	rddreg [dreg:$0x18]  }
0x94: {  	[hbm4b:s13+s2] =	stream.linear.scatter [tilespmem:s6], [sflag:$0x3], $0x4000, $0x38;
	[tilespmem:$0x10000] =	vst v63  }
0x95: {  	_ =	swait.ge [sflag:s7], $0x4000  }
0x96: {  	[sflag:s7] =	ssyncset.done $0x0  }
0x97: {  	[sflag:s7] =	ssyncadd.s32 $0xFFFFC000  }
0x98: {  	_ =	swait.ge [sflag:s4], $0x4000  }
0x99: {  	[sflag:s4] =	ssyncset.done $0x0  }
0x9a: {  	[sflag:s4] =	ssyncadd.s32 $0xFFFFC000  }
0x9b: {  	_ =	swait.ge [sflag:s9], $0x4000  }
0x9c: {  	[sflag:s9] =	ssyncset.done $0x0  }
0x9d: {  	s14 =	rddreg [dreg:$0x19];
	[sflag:s9] =	ssyncadd.s32 $0xFFFFC000  }
0x9e: {  	[tilespmem:s6], [sflag:$0x2] =	stream.indirect.gather [hbm4b:s14+s5], $0x1, s2, s5, $0xb8;
	[tilespmem:$0x10000] =	vst v63  }
0x9f: {  	s15 =	rddreg [dreg:$0x1a]  }
0xa0: {  	[tilespmem:s5], [sflag:$0x1] =	stream.linear.gather [hbm4b:s15+s2], $0x4000, $0x38;
	[tilespmem:$0x10000] =	vst v63  }
0xa1: {  	s16 =	rddreg [dreg:$0x1b]  }
0xa2: {  	[hbm4b:s16+s2] =	stream.linear.scatter [tilespmem:s8], [sflag:$0x3], $0x4000, $0x38;
	[tilespmem:$0x10000] =	vst v63  }
0xa3: {  	_ =	swait.ge [sflag:s7], $0x4000  }
0xa4: {  	[sflag:s7] =	ssyncset.done $0x0  }
0xa5: {  	[sflag:s7] =	ssyncadd.s32 $0xFFFFC000  }
0xa6: {  	_ =	swait.ge [sflag:s4], $0x4000  }
0xa7: {  	[sflag:s4] =	ssyncset.done $0x0  }
0xa8: {  	[sflag:s4] =	ssyncadd.s32 $0xFFFFC000  }
0xa9: {  	_ =	swait.ge [sflag:s9], $0x4000  }
0xaa: {  	[sflag:s9] =	ssyncset.done $0x0  }
0xab: {  	s17 =	rddreg [dreg:$0x1c];
	[sflag:s9] =	ssyncadd.s32 $0xFFFFC000  }
0xac: {  	[tilespmem:s8], [sflag:$0x2] =	stream.indirect.gather [hbm4b:s17+s5], $0x1, s5, s5, $0xb8;
	[tilespmem:$0x10000] =	vst v63  }
0xad: {  	s18 =	rddreg [dreg:$0x1d]  }
0xae: {  	[tilespmem:s2], [sflag:$0x1] =	stream.linear.gather [hbm4b:s18+s2], $0x4000, $0x38;
	[tilespmem:$0x10000] =	vst v63  }
0xaf: {  	s19 =	rddreg [dreg:$0x1e]  }
0xb0: {  	[hbm4b:s19+s2] =	stream.linear.scatter [tilespmem:s6], [sflag:$0x3], $0x4000, $0x38;
	[tilespmem:$0x10000] =	vst v63  }
0xb1: {  	_ =	swait.ge [sflag:s7], $0x4000  }
0xb2: {  	[sflag:s7] =	ssyncset.done $0x0  }
0xb3: {  	[sflag:s7] =	ssyncadd.s32 $0xFFFFC000  }
0xb4: {  	_ =	swait.ge [sflag:s4], $0x4000  }
0xb5: {  	[sflag:s4] =	ssyncset.done $0x0  }
0xb6: {  	[sflag:s4] =	ssyncadd.s32 $0xFFFFC000  }
0xb7: {  	_ =	swait.ge [sflag:s9], $0x4000  }
0xb8: {  	s20 =	rddreg [dreg:$0x1f];
	[sflag:s9] =	ssyncset.done $0x0  }
0xb9: {  	s21 =	sld [smem:$0x7D8];
	[sflag:s9] =	ssyncadd.s32 $0xFFFFC000  }
0xba: {  	[tilespmem:s6], [sflag:$0x2] =	stream.indirect.gather [hbm4b:s20+s5], $0x1, s2, s5, $0xb8;
	[tilespmem:$0x10000] =	vst v63  }
0xbb: {  	s22 =	sld [smem:$0x7D9]  }
0xbc: {  	[tilespmem:s5], [sflag:$0x1] =	stream.linear.gather [hbm4b:s21+s2], $0x4000, $0x38;
	[tilespmem:$0x10000] =	vst v63  }
0xbd: {  	_ = 	snop  }
0xbe: {  	[hbm4b:s22+s2] =	stream.linear.scatter [tilespmem:s8], [sflag:$0x3], $0x4000, $0x38;
	[tilespmem:$0x10000] =	vst v63  }
0xbf: {  	_ =	swait.ge [sflag:s7], $0x4000  }
0xc0: {  	[sflag:s7] =	ssyncset.done $0x0  }
0xc1: {  	[sflag:s7] =	ssyncadd.s32 $0xFFFFC000  }
0xc2: {  	_ =	swait.ge [sflag:s4], $0x4000  }
0xc3: {  	[sflag:s4] =	ssyncset.done $0x0  }
0xc4: {  	[sflag:s4] =	ssyncadd.s32 $0xFFFFC000  }
0xc5: {  	_ =	swait.ge [sflag:s9], $0x4000  }
0xc6: {  	s23 =	sld [smem:$0x7DA]  }
0xc7: {  	[sflag:s9] =	ssyncset.done $0x0  }
0xc8: {  	s24 =	sld [smem:$0x7DB];
	[sflag:s9] =	ssyncadd.s32 $0xFFFFC000  }
0xc9: {  	[tilespmem:s8], [sflag:$0x2] =	stream.indirect.gather [hbm4b:s23+s5], $0x1, s5, s5, $0xb8;
	[tilespmem:$0x10000] =	vst v63  }
0xca: {  	s25 =	sld [smem:$0x7DC]  }
0xcb: {  	[tilespmem:s2], [sflag:$0x1] =	stream.linear.gather [hbm4b:s24+s2], $0x4000, $0x38;
	[tilespmem:$0x10000] =	vst v63  }
0xcc: {  	_ = 	snop  }
0xcd: {  	[hbm4b:s25+s2] =	stream.linear.scatter [tilespmem:s6], [sflag:$0x3], $0x4000, $0x38;
	[tilespmem:$0x10000] =	vst v63  }
0xce: {  	_ =	swait.ge [sflag:s7], $0x4000  }
0xcf: {  	[sflag:s7] =	ssyncset.done $0x0  }
0xd0: {  	[sflag:s7] =	ssyncadd.s32 $0xFFFFC000  }
0xd1: {  	_ =	swait.ge [sflag:s4], $0x4000  }
0xd2: {  	[sflag:s4] =	ssyncset.done $0x0  }
0xd3: {  	[sflag:s4] =	ssyncadd.s32 $0xFFFFC000  }
0xd4: {  	_ =	swait.ge [sflag:s9], $0x4000  }
0xd5: {  	s26 =	sld [smem:$0x7DD]  }
0xd6: {  	[sflag:s9] =	ssyncset.done $0x0  }
0xd7: {  	s3 =	sld [smem:$0x7DE];
	[sflag:s9] =	ssyncadd.s32 $0xFFFFC000  }
0xd8: {  	[tilespmem:s6], [sflag:$0x2] =	stream.indirect.gather [hbm4b:s26+s5], $0x1, s2, s5, $0xb8;
	[tilespmem:$0x10000] =	vst v63  }
0xd9: {  	s12 =	sld [smem:$0x7DF]  }
0xda: {  	[tilespmem:s5], [sflag:$0x1] =	stream.linear.gather [hbm4b:s3+s2], $0x4000, $0x38;
	[tilespmem:$0x10000] =	vst v63  }
0xdb: {  	_ = 	snop  }
0xdc: {  	[hbm4b:s12+s2] =	stream.linear.scatter [tilespmem:s8], [sflag:$0x3], $0x4000, $0x38;
	[tilespmem:$0x10000] =	vst v63  }
0xdd: {  	_ =	swait.ge [sflag:s7], $0x4000  }
0xde: {  	[sflag:s7] =	ssyncset.done $0x0  }
0xdf: {  	[sflag:s7] =	ssyncadd.s32 $0xFFFFC000  }
0xe0: {  	_ =	swait.ge [sflag:s4], $0x4000  }
0xe1: {  	[sflag:s4] =	ssyncset.done $0x0  }
0xe2: {  	[sflag:s4] =	ssyncadd.s32 $0xFFFFC000  }
0xe3: {  	_ =	swait.ge [sflag:s9], $0x4000  }
0xe4: {  	s13 =	sld [smem:$0x7E0]  }
0xe5: {  	[sflag:s9] =	ssyncset.done $0x0  }
0xe6: {  	s14 =	sld [smem:$0x7E1];
	[sflag:s9] =	ssyncadd.s32 $0xFFFFC000  }
0xe7: {  	[tilespmem:s8], [sflag:$0x2] =	stream.indirect.gather [hbm4b:s13+s5], $0x1, s5, s5, $0xb8;
	[tilespmem:$0x10000] =	vst v63  }
0xe8: {  	s15 =	sld [smem:$0x7E2]  }
0xe9: {  	[tilespmem:s2], [sflag:$0x1] =	stream.linear.gather [hbm4b:s14+s2], $0x4000, $0x38;
	[tilespmem:$0x10000] =	vst v63  }
0xea: {  	_ = 	snop  }
0xeb: {  	[hbm4b:s15+s2] =	stream.linear.scatter [tilespmem:s6], [sflag:$0x3], $0x4000, $0x38;
	[tilespmem:$0x10000] =	vst v63  }
0xec: {  	_ =	swait.ge [sflag:s7], $0x4000  }
0xed: {  	[sflag:s7] =	ssyncset.done $0x0  }
0xee: {  	[sflag:s7] =	ssyncadd.s32 $0xFFFFC000  }
0xef: {  	_ =	swait.ge [sflag:s4], $0x4000  }
0xf0: {  	[sflag:s4] =	ssyncset.done $0x0  }
0xf1: {  	[sflag:s4] =	ssyncadd.s32 $0xFFFFC000  }
0xf2: {  	_ =	swait.ge [sflag:s9], $0x4000  }
0xf3: {  	s16 =	sld [smem:$0x7E3]  }
0xf4: {  	[sflag:s9] =	ssyncset.done $0x0  }
0xf5: {  	s17 =	sld [smem:$0x7E4];
	[sflag:s9] =	ssyncadd.s32 $0xFFFFC000  }
0xf6: {  	[tilespmem:s6], [sflag:$0x2] =	stream.indirect.gather [hbm4b:s16+s5], $0x1, s2, s5, $0xb8;
	[tilespmem:$0x10000] =	vst v63  }
0xf7: {  	s18 =	sld [smem:$0x7E5]  }
0xf8: {  	[tilespmem:s5], [sflag:$0x1] =	stream.linear.gather [hbm4b:s17+s2], $0x4000, $0x38;
	[tilespmem:$0x10000] =	vst v63  }
0xf9: {  	_ = 	snop  }
0xfa: {  	[hbm4b:s18+s2] =	stream.linear.scatter [tilespmem:s8], [sflag:$0x3], $0x4000, $0x38;
	[tilespmem:$0x10000] =	vst v63  }
0xfb: {  	_ =	swait.ge [sflag:s7], $0x4000  }
0xfc: {  	[sflag:s7] =	ssyncset.done $0x0  }
0xfd: {  	[sflag:s7] =	ssyncadd.s32 $0xFFFFC000  }
0xfe: {  	_ =	swait.ge [sflag:s4], $0x4000  }
0xff: {  	[sflag:s4] =	ssyncset.done $0x0  }
0x100: {  	[sflag:s4] =	ssyncadd.s32 $0xFFFFC000  }
0x101: {  	_ =	swait.ge [sflag:s9], $0x4000  }
0x102: {  	s19 =	sld [smem:$0x7E6]  }
0x103: {  	[sflag:s9] =	ssyncset.done $0x0  }
0x104: {  	s20 =	sld [smem:$0x7E7];
	[sflag:s9] =	ssyncadd.s32 $0xFFFFC000  }
0x105: {  	[tilespmem:s8], [sflag:$0x2] =	stream.indirect.gather [hbm4b:s19+s5], $0x1, s5, s5, $0xb8;
	[tilespmem:$0x10000] =	vst v63  }
0x106: {  	s21 =	sld [smem:$0x7E8]  }
0x107: {  	[tilespmem:s2], [sflag:$0x1] =	stream.linear.gather [hbm4b:s20+s2], $0x4000, $0x38;
	[tilespmem:$0x10000] =	vst v63  }
0x108: {  	_ = 	snop  }
0x109: {  	[hbm4b:s21+s2] =	stream.linear.scatter [tilespmem:s6], [sflag:$0x3], $0x4000, $0x38;
	[tilespmem:$0x10000] =	vst v63  }
0x10a: {  	_ =	swait.ge [sflag:s7], $0x4000  }
0x10b: {  	[sflag:s7] =	ssyncset.done $0x0  }
0x10c: {  	[sflag:s7] =	ssyncadd.s32 $0xFFFFC000  }
0x10d: {  	_ =	swait.ge [sflag:s4], $0x4000  }
0x10e: {  	[sflag:s4] =	ssyncset.done $0x0  }
0x10f: {  	[sflag:s4] =	ssyncadd.s32 $0xFFFFC000  }
0x110: {  	_ =	swait.ge [sflag:s9], $0x4000  }
0x111: {  	s22 =	sld [smem:$0x7E9]  }
0x112: {  	[sflag:s9] =	ssyncset.done $0x0  }
0x113: {  	s23 =	sld [smem:$0x7EA];
	[sflag:s9] =	ssyncadd.s32 $0xFFFFC000  }
0x114: {  	[tilespmem:s6], [sflag:$0x2] =	stream.indirect.gather [hbm4b:s22+s5], $0x1, s2, s5, $0xb8;
	[tilespmem:$0x10000] =	vst v63  }
0x115: {  	s24 =	sld [smem:$0x7EB]  }
0x116: {  	[tilespmem:s5], [sflag:$0x1] =	stream.linear.gather [hbm4b:s23+s2], $0x4000, $0x38;
	[tilespmem:$0x10000] =	vst v63  }
0x117: {  	_ = 	snop  }
0x118: {  	[hbm4b:s24+s2] =	stream.linear.scatter [tilespmem:s8], [sflag:$0x3], $0x4000, $0x38;
	[tilespmem:$0x10000] =	vst v63  }
0x119: {  	_ =	swait.ge [sflag:s7], $0x4000  }
0x11a: {  	[sflag:s7] =	ssyncset.done $0x0  }
0x11b: {  	[sflag:s7] =	ssyncadd.s32 $0xFFFFC000  }
0x11c: {  	_ =	swait.ge [sflag:s4], $0x4000  }
0x11d: {  	[sflag:s4] =	ssyncset.done $0x0  }
0x11e: {  	[sflag:s4] =	ssyncadd.s32 $0xFFFFC000  }
0x11f: {  	_ =	swait.ge [sflag:s9], $0x4000  }
0x120: {  	s25 =	sld [smem:$0x7EC]  }
0x121: {  	[sflag:s9] =	ssyncset.done $0x0  }
0x122: {  	s26 =	sld [smem:$0x7ED];
	[sflag:s9] =	ssyncadd.s32 $0xFFFFC000  }
0x123: {  	[tilespmem:s8], [sflag:$0x2] =	stream.indirect.gather [hbm4b:s25+s5], $0x1, s5, s5, $0xb8;
	[tilespmem:$0x10000] =	vst v63  }
0x124: {  	s3 =	sld [smem:$0x7EE]  }
0x125: {  	[tilespmem:s2], [sflag:$0x1] =	stream.linear.gather [hbm4b:s26+s2], $0x4000, $0x38;
	[tilespmem:$0x10000] =	vst v63  }
0x126: {  	_ = 	snop  }
0x127: {  	[hbm4b:s3+s2] =	stream.linear.scatter [tilespmem:s6], [sflag:$0x3], $0x4000, $0x38;
	[tilespmem:$0x10000] =	vst v63  }
0x128: {  	_ =	swait.ge [sflag:s7], $0x4000  }
0x129: {  	[sflag:s7] =	ssyncset.done $0x0  }
0x12a: {  	[sflag:s7] =	ssyncadd.s32 $0xFFFFC000  }
0x12b: {  	_ =	swait.ge [sflag:s4], $0x4000  }
0x12c: {  	[sflag:s4] =	ssyncset.done $0x0  }
0x12d: {  	[sflag:s4] =	ssyncadd.s32 $0xFFFFC000  }
0x12e: {  	_ =	swait.ge [sflag:s9], $0x4000  }
0x12f: {  	s12 =	sld [smem:$0x7EF]  }
0x130: {  	[sflag:s9] =	ssyncset.done $0x0  }
0x131: {  	s13 =	sld [smem:$0x7F0];
	[sflag:s9] =	ssyncadd.s32 $0xFFFFC000  }
0x132: {  	[tilespmem:s6], [sflag:$0x2] =	stream.indirect.gather [hbm4b:s12+s5], $0x1, s2, s5, $0xb8;
	[tilespmem:$0x10000] =	vst v63  }
0x133: {  	s14 =	sld [smem:$0x7F1]  }
0x134: {  	[tilespmem:s5], [sflag:$0x1] =	stream.linear.gather [hbm4b:s13+s2], $0x4000, $0x38;
	[tilespmem:$0x10000] =	vst v63  }
0x135: {  	_ = 	snop  }
0x136: {  	[hbm4b:s14+s2] =	stream.linear.scatter [tilespmem:s8], [sflag:$0x3], $0x4000, $0x38;
	[tilespmem:$0x10000] =	vst v63  }
0x137: {  	_ =	swait.ge [sflag:s7], $0x4000  }
0x138: {  	[sflag:s7] =	ssyncset.done $0x0  }
0x139: {  	[sflag:s7] =	ssyncadd.s32 $0xFFFFC000  }
0x13a: {  	_ =	swait.ge [sflag:s4], $0x4000  }
0x13b: {  	[sflag:s4] =	ssyncset.done $0x0  }
0x13c: {  	[sflag:s4] =	ssyncadd.s32 $0xFFFFC000  }
0x13d: {  	_ =	swait.ge [sflag:s9], $0x4000  }
0x13e: {  	s15 =	sld [smem:$0x7F2]  }
0x13f: {  	[sflag:s9] =	ssyncset.done $0x0  }
0x140: {  	s16 =	sld [smem:$0x7F3];
	[sflag:s9] =	ssyncadd.s32 $0xFFFFC000  }
0x141: {  	[tilespmem:s8], [sflag:$0x2] =	stream.indirect.gather [hbm4b:s15+s5], $0x1, s5, s5, $0xb8;
	[tilespmem:$0x10000] =	vst v63  }
0x142: {  	s17 =	sld [smem:$0x7F4]  }
0x143: {  	[tilespmem:s2], [sflag:$0x1] =	stream.linear.gather [hbm4b:s16+s2], $0x4000, $0x38;
	[tilespmem:$0x10000] =	vst v63  }
0x144: {  	_ = 	snop  }
0x145: {  	[hbm4b:s17+s2] =	stream.linear.scatter [tilespmem:s6], [sflag:$0x3], $0x4000, $0x38;
	[tilespmem:$0x10000] =	vst v63  }
0x146: {  	_ =	swait.ge [sflag:s7], $0x4000  }
0x147: {  	[sflag:s7] =	ssyncset.done $0x0  }
0x148: {  	[sflag:s7] =	ssyncadd.s32 $0xFFFFC000  }
0x149: {  	_ =	swait.ge [sflag:s4], $0x4000  }
0x14a: {  	[sflag:s4] =	ssyncset.done $0x0  }
0x14b: {  	[sflag:s4] =	ssyncadd.s32 $0xFFFFC000  }
0x14c: {  	_ =	swait.ge [sflag:s9], $0x4000  }
0x14d: {  	s18 =	sld [smem:$0x7F5]  }
0x14e: {  	[sflag:s9] =	ssyncset.done $0x0  }
0x14f: {  	s19 =	sld [smem:$0x7F6];
	[sflag:s9] =	ssyncadd.s32 $0xFFFFC000  }
0x150: {  	[tilespmem:s6], [sflag:$0x2] =	stream.indirect.gather [hbm4b:s18+s5], $0x1, s2, s5, $0xb8;
	[tilespmem:$0x10000] =	vst v63  }
0x151: {  	s20 =	sld [smem:$0x7F7]  }
0x152: {  	[tilespmem:s5], [sflag:$0x1] =	stream.linear.gather [hbm4b:s19+s2], $0x4000, $0x38;
	[tilespmem:$0x10000] =	vst v63  }
0x153: {  	_ = 	snop  }
0x154: {  	[hbm4b:s20+s2] =	stream.linear.scatter [tilespmem:s8], [sflag:$0x3], $0x4000, $0x38;
	[tilespmem:$0x10000] =	vst v63  }
0x155: {  	_ =	swait.ge [sflag:s7], $0x4000  }
0x156: {  	[sflag:s7] =	ssyncset.done $0x0  }
0x157: {  	[sflag:s7] =	ssyncadd.s32 $0xFFFFC000  }
0x158: {  	_ =	swait.ge [sflag:s4], $0x4000  }
0x159: {  	[sflag:s4] =	ssyncset.done $0x0  }
0x15a: {  	[sflag:s4] =	ssyncadd.s32 $0xFFFFC000  }
0x15b: {  	_ =	swait.ge [sflag:s9], $0x4000  }
0x15c: {  	s21 =	sld [smem:$0x7F8]  }
0x15d: {  	[sflag:s9] =	ssyncset.done $0x0  }
0x15e: {  	s22 =	sld [smem:$0x7F9];
	[sflag:s9] =	ssyncadd.s32 $0xFFFFC000  }
0x15f: {  	[tilespmem:s8], [sflag:$0x2] =	stream.indirect.gather [hbm4b:s21+s5], $0x1, s5, s5, $0xb8;
	[tilespmem:$0x10000] =	vst v63  }
0x160: {  	s23 =	sld [smem:$0x7FA]  }
0x161: {  	[tilespmem:s2], [sflag:$0x1] =	stream.linear.gather [hbm4b:s22+s2], $0x4000, $0x38;
	[tilespmem:$0x10000] =	vst v63  }
0x162: {  	_ = 	snop  }
0x163: {  	[hbm4b:s23+s2] =	stream.linear.scatter [tilespmem:s6], [sflag:$0x3], $0x4000, $0x38;
	[tilespmem:$0x10000] =	vst v63  }
0x164: {  	_ =	swait.ge [sflag:s7], $0x4000  }
0x165: {  	[sflag:s7] =	ssyncset.done $0x0  }
0x166: {  	[sflag:s7] =	ssyncadd.s32 $0xFFFFC000  }
0x167: {  	_ =	swait.ge [sflag:s4], $0x4000  }
0x168: {  	[sflag:s4] =	ssyncset.done $0x0  }
0x169: {  	[sflag:s4] =	ssyncadd.s32 $0xFFFFC000  }
0x16a: {  	_ =	swait.ge [sflag:s9], $0x4000  }
0x16b: {  	s24 =	sld [smem:$0x7FB]  }
0x16c: {  	[sflag:s9] =	ssyncset.done $0x0  }
0x16d: {  	s25 =	sld [smem:$0x7FC];
	[sflag:s9] =	ssyncadd.s32 $0xFFFFC000  }
0x16e: {  	[tilespmem:s6], [sflag:$0x2] =	stream.indirect.gather [hbm4b:s24+s5], $0x1, s2, s5, $0xb8;
	[tilespmem:$0x10000] =	vst v63  }
0x16f: {  	s26 =	sld [smem:$0x7FD]  }
0x170: {  	[tilespmem:s5], [sflag:$0x1] =	stream.linear.gather [hbm4b:s25+s2], $0x4000, $0x38;
	[tilespmem:$0x10000] =	vst v63  }
0x171: {  	_ = 	snop  }
0x172: {  	[hbm4b:s26+s2] =	stream.linear.scatter [tilespmem:s8], [sflag:$0x3], $0x4000, $0x38;
	[tilespmem:$0x10000] =	vst v63  }
0x173: {  	_ =	swait.ge [sflag:s7], $0x4000  }
0x174: {  	[sflag:s7] =	ssyncset.done $0x0  }
0x175: {  	[sflag:s7] =	ssyncadd.s32 $0xFFFFC000  }
0x176: {  	_ =	swait.ge [sflag:s4], $0x4000  }
0x177: {  	[sflag:s4] =	ssyncset.done $0x0  }
0x178: {  	[sflag:s4] =	ssyncadd.s32 $0xFFFFC000  }
0x179: {  	_ =	swait.ge [sflag:s9], $0x4000  }
0x17a: {  	[sflag:s9] =	ssyncset.done $0x0  }
0x17b: {  	s10 =	sadd.s32 $0x73F780, s29;
	[sflag:s9] =	ssyncadd.s32 $0xFFFFC000  }
0x17c: {  	[tilespmem:s8], [sflag:$0x2] =	stream.indirect.gather [hbm4b:s10+s5], $0x1, s5, s5, $0xb8;
	[tilespmem:$0x10000] =	vst v63  }
0x17d: {  	s11 =	sadd.s32 $0xA000, s0  }
0x17e: {  	[tilespmem:s2], [sflag:$0x1] =	stream.linear.gather [hbm4b:s11+s2], $0x4000, $0x38;
	[tilespmem:$0x10000] =	vst v63  }
0x17f: {  	s12 =	sadd.s32 $0xA3EC00, s31  }
0x180: {  	[hbm4b:s12+s2] =	stream.linear.scatter [tilespmem:s6], [sflag:$0x3], $0x4000, $0x38;
	[tilespmem:$0x10000] =	vst v63  }
0x181: {  	_ =	swait.ge [sflag:s7], $0x4000  }
0x182: {  	[sflag:s7] =	ssyncset.done $0x0  }
0x183: {  	[sflag:s7] =	ssyncadd.s32 $0xFFFFC000  }
0x184: {  	_ =	swait.ge [sflag:s4], $0x4000  }
0x185: {  	[sflag:s4] =	ssyncset.done $0x0  }
0x186: {  	[sflag:s4] =	ssyncadd.s32 $0xFFFFC000  }
0x187: {  	_ =	swait.ge [sflag:s9], $0x4000  }
0x188: {  	[sflag:s9] =	ssyncset.done $0x0  }
0x189: {  	s13 =	sadd.s32 $0x7A1200, s29;
	[sflag:s9] =	ssyncadd.s32 $0xFFFFC000  }
0x18a: {  	[tilespmem:s6], [sflag:$0x2] =	stream.indirect.gather [hbm4b:s13+s5], $0x1, s2, s5, $0xb8;
	[tilespmem:$0x10000] =	vst v63  }
0x18b: {  	s14 =	sadd.s32 $0xA800, s0  }
0x18c: {  	[tilespmem:s5], [sflag:$0x1] =	stream.linear.gather [hbm4b:s14+s2], $0x4000, $0x38;
	[tilespmem:$0x10000] =	vst v63  }
0x18d: {  	s15 =	sadd.s32 $0xA4EC00, s31  }
0x18e: {  	[hbm4b:s15+s2] =	stream.linear.scatter [tilespmem:s8], [sflag:$0x3], $0x4000, $0x38;
	[tilespmem:$0x10000] =	vst v63  }
0x18f: {  	_ =	swait.ge [sflag:s7], $0x4000  }
0x190: {  	[sflag:s7] =	ssyncset.done $0x0  }
0x191: {  	[sflag:s7] =	ssyncadd.s32 $0xFFFFC000  }
0x192: {  	_ =	swait.ge [sflag:s4], $0x4000  }
0x193: {  	[sflag:s4] =	ssyncset.done $0x0  }
0x194: {  	[sflag:s4] =	ssyncadd.s32 $0xFFFFC000  }
0x195: {  	_ =	swait.ge [sflag:s9], $0x4000  }
0x196: {  	[sflag:s9] =	ssyncset.done $0x0  }
0x197: {  	s16 =	sadd.s32 $0x802C80, s29;
	[sflag:s9] =	ssyncadd.s32 $0xFFFFC000  }
0x198: {  	[tilespmem:s8], [sflag:$0x2] =	stream.indirect.gather [hbm4b:s16+s5], $0x1, s5, s5, $0xb8;
	[tilespmem:$0x10000] =	vst v63  }
0x199: {  	s17 =	sadd.s32 $0xB000, s0  }
0x19a: {  	[tilespmem:s2], [sflag:$0x1] =	stream.linear.gather [hbm4b:s17+s2], $0x4000, $0x38;
	[tilespmem:$0x10000] =	vst v63  }
0x19b: {  	s18 =	sadd.s32 $0xA5EC00, s31  }
0x19c: {  	[hbm4b:s18+s2] =	stream.linear.scatter [tilespmem:s6], [sflag:$0x3], $0x4000, $0x38;
	[tilespmem:$0x10000] =	vst v63  }
0x19d: {  	_ =	swait.ge [sflag:s7], $0x4000  }
0x19e: {  	[sflag:s7] =	ssyncset.done $0x0  }
0x19f: {  	[sflag:s7] =	ssyncadd.s32 $0xFFFFC000  }
0x1a0: {  	_ =	swait.ge [sflag:s4], $0x4000  }
0x1a1: {  	[sflag:s4] =	ssyncset.done $0x0  }
0x1a2: {  	[sflag:s4] =	ssyncadd.s32 $0xFFFFC000  }
0x1a3: {  	_ =	swait.ge [sflag:s9], $0x4000  }
0x1a4: {  	[sflag:s9] =	ssyncset.done $0x0  }
0x1a5: {  	s19 =	sadd.s32 $0x864700, s29;
	[sflag:s9] =	ssyncadd.s32 $0xFFFFC000  }
0x1a6: {  	[tilespmem:s6], [sflag:$0x2] =	stream.indirect.gather [hbm4b:s19+s5], $0x1, s2, s5, $0xb8;
	[tilespmem:$0x10000] =	vst v63  }
0x1a7: {  	s20 =	sadd.s32 $0xB800, s0  }
0x1a8: {  	[tilespmem:s5], [sflag:$0x1] =	stream.linear.gather [hbm4b:s20+s2], $0x4000, $0x38;
	[tilespmem:$0x10000] =	vst v63  }
0x1a9: {  	s21 =	sadd.s32 $0xA6EC00, s31  }
0x1aa: {  	[hbm4b:s21+s2] =	stream.linear.scatter [tilespmem:s8], [sflag:$0x3], $0x4000, $0x38;
	[tilespmem:$0x10000] =	vst v63  }
0x1ab: {  	_ =	swait.ge [sflag:s7], $0x4000  }
0x1ac: {  	[sflag:s7] =	ssyncset.done $0x0  }
0x1ad: {  	[sflag:s7] =	ssyncadd.s32 $0xFFFFC000  }
0x1ae: {  	_ =	swait.ge [sflag:s4], $0x4000  }
0x1af: {  	[sflag:s4] =	ssyncset.done $0x0  }
0x1b0: {  	[sflag:s4] =	ssyncadd.s32 $0xFFFFC000  }
0x1b1: {  	_ =	swait.ge [sflag:s9], $0x4000  }
0x1b2: {  	[sflag:s9] =	ssyncset.done $0x0  }
0x1b3: {  	s22 =	sadd.s32 $0x8C6180, s29;
	[sflag:s9] =	ssyncadd.s32 $0xFFFFC000  }
0x1b4: {  	[tilespmem:s8], [sflag:$0x2] =	stream.indirect.gather [hbm4b:s22+s5], $0x1, s5, s5, $0xb8;
	[tilespmem:$0x10000] =	vst v63  }
0x1b5: {  	s23 =	sadd.s32 $0xC000, s0  }
0x1b6: {  	[tilespmem:s2], [sflag:$0x1] =	stream.linear.gather [hbm4b:s23+s2], $0x4000, $0x38;
	[tilespmem:$0x10000] =	vst v63  }
0x1b7: {  	s24 =	sadd.s32 $0xA7EC00, s31  }
0x1b8: {  	[hbm4b:s24+s2] =	stream.linear.scatter [tilespmem:s6], [sflag:$0x3], $0x4000, $0x38;
	[tilespmem:$0x10000] =	vst v63  }
0x1b9: {  	_ =	swait.ge [sflag:s7], $0x4000  }
0x1ba: {  	[sflag:s7] =	ssyncset.done $0x0  }
0x1bb: {  	[sflag:s7] =	ssyncadd.s32 $0xFFFFC000  }
0x1bc: {  	_ =	swait.ge [sflag:s4], $0x4000  }
0x1bd: {  	[sflag:s4] =	ssyncset.done $0x0  }
0x1be: {  	[sflag:s4] =	ssyncadd.s32 $0xFFFFC000  }
0x1bf: {  	_ =	swait.ge [sflag:s9], $0x4000  }
0x1c0: {  	[sflag:s9] =	ssyncset.done $0x0  }
0x1c1: {  	s25 =	sadd.s32 $0x927C00, s29;
	[sflag:s9] =	ssyncadd.s32 $0xFFFFC000  }
0x1c2: {  	[tilespmem:s6], [sflag:$0x2] =	stream.indirect.gather [hbm4b:s25+s5], $0x1, s2, s5, $0xb8;
	[tilespmem:$0x10000] =	vst v63  }
0x1c3: {  	s26 =	sadd.s32 $0xC800, s0  }
0x1c4: {  	[tilespmem:s5], [sflag:$0x1] =	stream.linear.gather [hbm4b:s26+s2], $0x4000, $0x38;
	[tilespmem:$0x10000] =	vst v63  }
0x1c5: {  	s28 =	sadd.s32 $0xA8EC00, s31  }
0x1c6: {  	[hbm4b:s28+s2] =	stream.linear.scatter [tilespmem:s8], [sflag:$0x3], $0x4000, $0x38;
	[tilespmem:$0x10000] =	vst v63  }
0x1c7: {  	_ =	swait.ge [sflag:s7], $0x4000  }
0x1c8: {  	[sflag:s7] =	ssyncset.done $0x0  }
0x1c9: {  	[sflag:s7] =	ssyncadd.s32 $0xFFFFC000  }
0x1ca: {  	_ =	swait.ge [sflag:s4], $0x4000  }
0x1cb: {  	[sflag:s4] =	ssyncset.done $0x0  }
0x1cc: {  	[sflag:s4] =	ssyncadd.s32 $0xFFFFC000  }
0x1cd: {  	_ =	swait.ge [sflag:s9], $0x4000  }
0x1ce: {  	[sflag:s9] =	ssyncset.done $0x0  }
0x1cf: {  	s1 =	ssub.s32 $0x2, s1;
	s29 =	sadd.s32 $0x989680, s29;
	[sflag:s9] =	ssyncadd.s32 $0xFFFFC000  }
0x1d0: {  	[tilespmem:s8], [sflag:$0x2] =	stream.indirect.gather [hbm4b:s29+s5], $0x1, s5, s5, $0xb8;
	[tilespmem:$0x10000] =	vst v63  }
0x1d1: {  	s30 =	sadd.s32 $0xA9EC00, s31;
	s0 =	sshrl.u32 s1, $0x1  }
0x1d2: {  	[hbm4b:s30+s2] =	stream.linear.scatter [tilespmem:s6], [sflag:$0x3], $0x4000, $0x38;
	[tilespmem:$0x10000] =	vst v63  }
0x1d3: {  	s1 =	ssub.s32 s1, s0;
	_ =	swait.ge [sflag:s7], $0x4000  }
0x1d4: {  	s1 =	smax.u32 s1, $0x1;
	[sflag:s7] =	ssyncset.done $0x0  }
0x1d5: {  	s31 =	sadd.s32 $0xAAEC00, s31;
	p0 =	sne.s32 s1, $0x1;
	[sflag:s7] =	ssyncadd.s32 $0xFFFFC000  }
0x1d6: {  	[hbm4b:s31+s2] =	stream.linear.scatter [tilespmem:s8], [sflag:$0x3], $0x4000, $0x38;
	[tilespmem:$0x10000] =	vst v63  }
.Ltmp0:
0x1d7: {  	_ =	swait.ge [sflag:s9], $0x4000;
	(pc) =	sbr.rel @!p0 .LBB3_2-.Ltmp0, $4  }
0x1d8: {  	[sflag:s9] =	ssyncset.done $0x0  }
0x1d9: {  	[sflag:s9] =	ssyncadd.s32 $0xFFFFC000  }
0x1da: {  	_ =	swait.ge [sflag:s9], $0x4000  }
0x1db: {  	s1 =	sadd.s32 $0xFFFFFFFF, s1;
	[sflag:s9] =	ssyncset.done $0x0  }
.LBB3_1:
0x1dc: {  	[sflag:s9] =	ssyncadd.s32 $0xFFFFC000  }
0x1dd: {  	s0 =	rddreg [dreg:$0x1]  }
0x1de: {  	[tilespmem:s2], [sflag:$0x1] =	stream.linear.gather [hbm4b:s0+s2], $0x4000, $0x38;
	[tilespmem:$0x10000] =	vst v63  }
0x1df: {  	_ =	swait.ge [sflag:s4], $0x4000  }
0x1e0: {  	[sflag:s4] =	ssyncset.done $0x0  }
0x1e1: {  	s3 =	rddreg [dreg:$0xe];
	[sflag:s4] =	ssyncadd.s32 $0xFFFFC000  }
0x1e2: {  	[tilespmem:s5], [sflag:$0x1] =	stream.linear.gather [hbm4b:s3+s2], $0x4000, $0x38;
	[tilespmem:$0x10000] =	vst v63  }
0x1e3: {  	s0 =	rddreg [dreg:$0xf]  }
0x1e4: {  	[tilespmem:s6], [sflag:$0x2] =	stream.indirect.gather [hbm4b:s0+s5], $0x1, s2, s5, $0xb8;
	[tilespmem:$0x10000] =	vst v63  }
0x1e5: {  	_ =	swait.ge [sflag:s7], $0x4000  }
0x1e6: {  	[sflag:s7] =	ssyncset.done $0x0  }
0x1e7: {  	[sflag:s7] =	ssyncadd.s32 $0xFFFFC000  }
0x1e8: {  	_ =	swait.ge [sflag:s4], $0x4000  }
0x1e9: {  	[sflag:s4] =	ssyncset.done $0x0  }
0x1ea: {  	s0 =	rddreg [dreg:$0x10];
	[sflag:s4] =	ssyncadd.s32 $0xFFFFC000  }
0x1eb: {  	[tilespmem:s8], [sflag:$0x2] =	stream.indirect.gather [hbm4b:s0+s5], $0x1, s5, s5, $0xb8;
	[tilespmem:$0x10000] =	vst v63  }
0x1ec: {  	s3 =	rddreg [dreg:$0x11]  }
0x1ed: {  	[tilespmem:s2], [sflag:$0x1] =	stream.linear.gather [hbm4b:s3+s2], $0x4000, $0x38;
	[tilespmem:$0x10000] =	vst v63  }
0x1ee: {  	s0 =	rddreg [dreg:$0x12]  }
0x1ef: {  	[hbm4b:s0+s2] =	stream.linear.scatter [tilespmem:s6], [sflag:$0x3], $0x4000, $0x38;
	[tilespmem:$0x10000] =	vst v63  }
0x1f0: {  	_ =	swait.ge [sflag:s7], $0x4000  }
0x1f1: {  	[sflag:s7] =	ssyncset.done $0x0  }
0x1f2: {  	[sflag:s7] =	ssyncadd.s32 $0xFFFFC000  }
0x1f3: {  	_ =	swait.ge [sflag:s4], $0x4000  }
0x1f4: {  	[sflag:s4] =	ssyncset.done $0x0  }
0x1f5: {  	[sflag:s4] =	ssyncadd.s32 $0xFFFFC000  }
0x1f6: {  	_ =	swait.ge [sflag:s9], $0x4000  }
0x1f7: {  	[sflag:s9] =	ssyncset.done $0x0  }
0x1f8: {  	s0 =	rddreg [dreg:$0x13];
	[sflag:s9] =	ssyncadd.s32 $0xFFFFC000  }
0x1f9: {  	[tilespmem:s6], [sflag:$0x2] =	stream.indirect.gather [hbm4b:s0+s5], $0x1, s2, s5, $0xb8;
	[tilespmem:$0x10000] =	vst v63  }
0x1fa: {  	s3 =	rddreg [dreg:$0x14]  }
0x1fb: {  	[tilespmem:s5], [sflag:$0x1] =	stream.linear.gather [hbm4b:s3+s2], $0x4000, $0x38;
	[tilespmem:$0x10000] =	vst v63  }
0x1fc: {  	s0 =	rddreg [dreg:$0x15]  }
0x1fd: {  	[hbm4b:s0+s2] =	stream.linear.scatter [tilespmem:s8], [sflag:$0x3], $0x4000, $0x38;
	[tilespmem:$0x10000] =	vst v63  }
0x1fe: {  	_ =	swait.ge [sflag:s7], $0x4000  }
0x1ff: {  	[sflag:s7] =	ssyncset.done $0x0  }
0x200: {  	[sflag:s7] =	ssyncadd.s32 $0xFFFFC000  }
0x201: {  	_ =	swait.ge [sflag:s4], $0x4000  }
0x202: {  	[sflag:s4] =	ssyncset.done $0x0  }
0x203: {  	[sflag:s4] =	ssyncadd.s32 $0xFFFFC000  }
0x204: {  	_ =	swait.ge [sflag:s9], $0x4000  }
0x205: {  	[sflag:s9] =	ssyncset.done $0x0  }
0x206: {  	s0 =	rddreg [dreg:$0x16];
	[sflag:s9] =	ssyncadd.s32 $0xFFFFC000  }
0x207: {  	[tilespmem:s8], [sflag:$0x2] =	stream.indirect.gather [hbm4b:s0+s5], $0x1, s5, s5, $0xb8;
	[tilespmem:$0x10000] =	vst v63  }
0x208: {  	s3 =	rddreg [dreg:$0x17]  }
0x209: {  	[tilespmem:s2], [sflag:$0x1] =	stream.linear.gather [hbm4b:s3+s2], $0x4000, $0x38;
	[tilespmem:$0x10000] =	vst v63  }
0x20a: {  	s0 =	rddreg [dreg:$0x18]  }
0x20b: {  	[hbm4b:s0+s2] =	stream.linear.scatter [tilespmem:s6], [sflag:$0x3], $0x4000, $0x38;
	[tilespmem:$0x10000] =	vst v63  }
0x20c: {  	_ =	swait.ge [sflag:s7], $0x4000  }
0x20d: {  	[sflag:s7] =	ssyncset.done $0x0  }
0x20e: {  	[sflag:s7] =	ssyncadd.s32 $0xFFFFC000  }
0x20f: {  	_ =	swait.ge [sflag:s4], $0x4000  }
0x210: {  	[sflag:s4] =	ssyncset.done $0x0  }
0x211: {  	[sflag:s4] =	ssyncadd.s32 $0xFFFFC000  }
0x212: {  	_ =	swait.ge [sflag:s9], $0x4000  }
0x213: {  	[sflag:s9] =	ssyncset.done $0x0  }
0x214: {  	s0 =	rddreg [dreg:$0x19];
	[sflag:s9] =	ssyncadd.s32 $0xFFFFC000  }
0x215: {  	[tilespmem:s6], [sflag:$0x2] =	stream.indirect.gather [hbm4b:s0+s5], $0x1, s2, s5, $0xb8;
	[tilespmem:$0x10000] =	vst v63  }
0x216: {  	s3 =	rddreg [dreg:$0x1a]  }
0x217: {  	[tilespmem:s5], [sflag:$0x1] =	stream.linear.gather [hbm4b:s3+s2], $0x4000, $0x38;
	[tilespmem:$0x10000] =	vst v63  }
0x218: {  	s0 =	rddreg [dreg:$0x1b]  }
0x219: {  	[hbm4b:s0+s2] =	stream.linear.scatter [tilespmem:s8], [sflag:$0x3], $0x4000, $0x38;
	[tilespmem:$0x10000] =	vst v63  }
0x21a: {  	_ =	swait.ge [sflag:s7], $0x4000  }
0x21b: {  	[sflag:s7] =	ssyncset.done $0x0  }
0x21c: {  	[sflag:s7] =	ssyncadd.s32 $0xFFFFC000  }
0x21d: {  	_ =	swait.ge [sflag:s4], $0x4000  }
0x21e: {  	[sflag:s4] =	ssyncset.done $0x0  }
0x21f: {  	[sflag:s4] =	ssyncadd.s32 $0xFFFFC000  }
0x220: {  	_ =	swait.ge [sflag:s9], $0x4000  }
0x221: {  	[sflag:s9] =	ssyncset.done $0x0  }
0x222: {  	s0 =	rddreg [dreg:$0x1c];
	[sflag:s9] =	ssyncadd.s32 $0xFFFFC000  }
0x223: {  	[tilespmem:s8], [sflag:$0x2] =	stream.indirect.gather [hbm4b:s0+s5], $0x1, s5, s5, $0xb8;
	[tilespmem:$0x10000] =	vst v63  }
0x224: {  	s3 =	rddreg [dreg:$0x1d]  }
0x225: {  	[tilespmem:s2], [sflag:$0x1] =	stream.linear.gather [hbm4b:s3+s2], $0x4000, $0x38;
	[tilespmem:$0x10000] =	vst v63  }
0x226: {  	s0 =	rddreg [dreg:$0x1e]  }
0x227: {  	[hbm4b:s0+s2] =	stream.linear.scatter [tilespmem:s6], [sflag:$0x3], $0x4000, $0x38;
	[tilespmem:$0x10000] =	vst v63  }
0x228: {  	_ =	swait.ge [sflag:s7], $0x4000  }
0x229: {  	[sflag:s7] =	ssyncset.done $0x0  }
0x22a: {  	[sflag:s7] =	ssyncadd.s32 $0xFFFFC000  }
0x22b: {  	_ =	swait.ge [sflag:s4], $0x4000  }
0x22c: {  	[sflag:s4] =	ssyncset.done $0x0  }
0x22d: {  	[sflag:s4] =	ssyncadd.s32 $0xFFFFC000  }
0x22e: {  	_ =	swait.ge [sflag:s9], $0x4000  }
0x22f: {  	s0 =	rddreg [dreg:$0x1f];
	[sflag:s9] =	ssyncset.done $0x0  }
0x230: {  	s3 =	sld [smem:$0x7D8];
	[sflag:s9] =	ssyncadd.s32 $0xFFFFC000  }
0x231: {  	[tilespmem:s6], [sflag:$0x2] =	stream.indirect.gather [hbm4b:s0+s5], $0x1, s2, s5, $0xb8;
	[tilespmem:$0x10000] =	vst v63  }
0x232: {  	s0 =	sld [smem:$0x7D9]  }
0x233: {  	[tilespmem:s5], [sflag:$0x1] =	stream.linear.gather [hbm4b:s3+s2], $0x4000, $0x38;
	[tilespmem:$0x10000] =	vst v63  }
0x234: {  	_ = 	snop  }
0x235: {  	[hbm4b:s0+s2] =	stream.linear.scatter [tilespmem:s8], [sflag:$0x3], $0x4000, $0x38;
	[tilespmem:$0x10000] =	vst v63  }
0x236: {  	_ =	swait.ge [sflag:s7], $0x4000  }
0x237: {  	[sflag:s7] =	ssyncset.done $0x0  }
0x238: {  	[sflag:s7] =	ssyncadd.s32 $0xFFFFC000  }
0x239: {  	_ =	swait.ge [sflag:s4], $0x4000  }
0x23a: {  	[sflag:s4] =	ssyncset.done $0x0  }
0x23b: {  	[sflag:s4] =	ssyncadd.s32 $0xFFFFC000  }
0x23c: {  	_ =	swait.ge [sflag:s9], $0x4000  }
0x23d: {  	s0 =	sld [smem:$0x7DA]  }
0x23e: {  	[sflag:s9] =	ssyncset.done $0x0  }
0x23f: {  	s3 =	sld [smem:$0x7DB];
	[sflag:s9] =	ssyncadd.s32 $0xFFFFC000  }
0x240: {  	[tilespmem:s8], [sflag:$0x2] =	stream.indirect.gather [hbm4b:s0+s5], $0x1, s5, s5, $0xb8;
	[tilespmem:$0x10000] =	vst v63  }
0x241: {  	s0 =	sld [smem:$0x7DC]  }
0x242: {  	[tilespmem:s2], [sflag:$0x1] =	stream.linear.gather [hbm4b:s3+s2], $0x4000, $0x38;
	[tilespmem:$0x10000] =	vst v63  }
0x243: {  	_ = 	snop  }
0x244: {  	[hbm4b:s0+s2] =	stream.linear.scatter [tilespmem:s6], [sflag:$0x3], $0x4000, $0x38;
	[tilespmem:$0x10000] =	vst v63  }
0x245: {  	_ =	swait.ge [sflag:s7], $0x4000  }
0x246: {  	[sflag:s7] =	ssyncset.done $0x0  }
0x247: {  	[sflag:s7] =	ssyncadd.s32 $0xFFFFC000  }
0x248: {  	_ =	swait.ge [sflag:s4], $0x4000  }
0x249: {  	[sflag:s4] =	ssyncset.done $0x0  }
0x24a: {  	[sflag:s4] =	ssyncadd.s32 $0xFFFFC000  }
0x24b: {  	_ =	swait.ge [sflag:s9], $0x4000  }
0x24c: {  	s0 =	sld [smem:$0x7DD]  }
0x24d: {  	[sflag:s9] =	ssyncset.done $0x0  }
0x24e: {  	s3 =	sld [smem:$0x7DE];
	[sflag:s9] =	ssyncadd.s32 $0xFFFFC000  }
0x24f: {  	[tilespmem:s6], [sflag:$0x2] =	stream.indirect.gather [hbm4b:s0+s5], $0x1, s2, s5, $0xb8;
	[tilespmem:$0x10000] =	vst v63  }
0x250: {  	s0 =	sld [smem:$0x7DF]  }
0x251: {  	[tilespmem:s5], [sflag:$0x1] =	stream.linear.gather [hbm4b:s3+s2], $0x4000, $0x38;
	[tilespmem:$0x10000] =	vst v63  }
0x252: {  	_ = 	snop  }
0x253: {  	[hbm4b:s0+s2] =	stream.linear.scatter [tilespmem:s8], [sflag:$0x3], $0x4000, $0x38;
	[tilespmem:$0x10000] =	vst v63  }
0x254: {  	_ =	swait.ge [sflag:s7], $0x4000  }
0x255: {  	[sflag:s7] =	ssyncset.done $0x0  }
0x256: {  	[sflag:s7] =	ssyncadd.s32 $0xFFFFC000  }
0x257: {  	_ =	swait.ge [sflag:s4], $0x4000  }
0x258: {  	[sflag:s4] =	ssyncset.done $0x0  }
0x259: {  	[sflag:s4] =	ssyncadd.s32 $0xFFFFC000  }
0x25a: {  	_ =	swait.ge [sflag:s9], $0x4000  }
0x25b: {  	s0 =	sld [smem:$0x7E0]  }
0x25c: {  	[sflag:s9] =	ssyncset.done $0x0  }
0x25d: {  	s3 =	sld [smem:$0x7E1];
	[sflag:s9] =	ssyncadd.s32 $0xFFFFC000  }
0x25e: {  	[tilespmem:s8], [sflag:$0x2] =	stream.indirect.gather [hbm4b:s0+s5], $0x1, s5, s5, $0xb8;
	[tilespmem:$0x10000] =	vst v63  }
0x25f: {  	s0 =	sld [smem:$0x7E2]  }
0x260: {  	[tilespmem:s2], [sflag:$0x1] =	stream.linear.gather [hbm4b:s3+s2], $0x4000, $0x38;
	[tilespmem:$0x10000] =	vst v63  }
0x261: {  	_ = 	snop  }
0x262: {  	[hbm4b:s0+s2] =	stream.linear.scatter [tilespmem:s6], [sflag:$0x3], $0x4000, $0x38;
	[tilespmem:$0x10000] =	vst v63  }
0x263: {  	_ =	swait.ge [sflag:s7], $0x4000  }
0x264: {  	[sflag:s7] =	ssyncset.done $0x0  }
0x265: {  	[sflag:s7] =	ssyncadd.s32 $0xFFFFC000  }
0x266: {  	_ =	swait.ge [sflag:s4], $0x4000  }
0x267: {  	[sflag:s4] =	ssyncset.done $0x0  }
0x268: {  	[sflag:s4] =	ssyncadd.s32 $0xFFFFC000  }
0x269: {  	_ =	swait.ge [sflag:s9], $0x4000  }
0x26a: {  	s0 =	sld [smem:$0x7E3]  }
0x26b: {  	[sflag:s9] =	ssyncset.done $0x0  }
0x26c: {  	s3 =	sld [smem:$0x7E4];
	[sflag:s9] =	ssyncadd.s32 $0xFFFFC000  }
0x26d: {  	[tilespmem:s6], [sflag:$0x2] =	stream.indirect.gather [hbm4b:s0+s5], $0x1, s2, s5, $0xb8;
	[tilespmem:$0x10000] =	vst v63  }
0x26e: {  	s0 =	sld [smem:$0x7E5]  }
0x26f: {  	[tilespmem:s5], [sflag:$0x1] =	stream.linear.gather [hbm4b:s3+s2], $0x4000, $0x38;
	[tilespmem:$0x10000] =	vst v63  }
0x270: {  	_ = 	snop  }
0x271: {  	[hbm4b:s0+s2] =	stream.linear.scatter [tilespmem:s8], [sflag:$0x3], $0x4000, $0x38;
	[tilespmem:$0x10000] =	vst v63  }
0x272: {  	_ =	swait.ge [sflag:s7], $0x4000  }
0x273: {  	[sflag:s7] =	ssyncset.done $0x0  }
0x274: {  	[sflag:s7] =	ssyncadd.s32 $0xFFFFC000  }
0x275: {  	_ =	swait.ge [sflag:s4], $0x4000  }
0x276: {  	[sflag:s4] =	ssyncset.done $0x0  }
0x277: {  	[sflag:s4] =	ssyncadd.s32 $0xFFFFC000  }
0x278: {  	_ =	swait.ge [sflag:s9], $0x4000  }
0x279: {  	s0 =	sld [smem:$0x7E6]  }
0x27a: {  	[sflag:s9] =	ssyncset.done $0x0  }
0x27b: {  	s3 =	sld [smem:$0x7E7];
	[sflag:s9] =	ssyncadd.s32 $0xFFFFC000  }
0x27c: {  	[tilespmem:s8], [sflag:$0x2] =	stream.indirect.gather [hbm4b:s0+s5], $0x1, s5, s5, $0xb8;
	[tilespmem:$0x10000] =	vst v63  }
0x27d: {  	s0 =	sld [smem:$0x7E8]  }
0x27e: {  	[tilespmem:s2], [sflag:$0x1] =	stream.linear.gather [hbm4b:s3+s2], $0x4000, $0x38;
	[tilespmem:$0x10000] =	vst v63  }
0x27f: {  	_ = 	snop  }
0x280: {  	[hbm4b:s0+s2] =	stream.linear.scatter [tilespmem:s6], [sflag:$0x3], $0x4000, $0x38;
	[tilespmem:$0x10000] =	vst v63  }
0x281: {  	_ =	swait.ge [sflag:s7], $0x4000  }
0x282: {  	[sflag:s7] =	ssyncset.done $0x0  }
0x283: {  	[sflag:s7] =	ssyncadd.s32 $0xFFFFC000  }
0x284: {  	_ =	swait.ge [sflag:s4], $0x4000  }
0x285: {  	[sflag:s4] =	ssyncset.done $0x0  }
0x286: {  	[sflag:s4] =	ssyncadd.s32 $0xFFFFC000  }
0x287: {  	_ =	swait.ge [sflag:s9], $0x4000  }
0x288: {  	s0 =	sld [smem:$0x7E9]  }
0x289: {  	[sflag:s9] =	ssyncset.done $0x0  }
0x28a: {  	s3 =	sld [smem:$0x7EA];
	[sflag:s9] =	ssyncadd.s32 $0xFFFFC000  }
0x28b: {  	[tilespmem:s6], [sflag:$0x2] =	stream.indirect.gather [hbm4b:s0+s5], $0x1, s2, s5, $0xb8;
	[tilespmem:$0x10000] =	vst v63  }
0x28c: {  	s0 =	sld [smem:$0x7EB]  }
0x28d: {  	[tilespmem:s5], [sflag:$0x1] =	stream.linear.gather [hbm4b:s3+s2], $0x4000, $0x38;
	[tilespmem:$0x10000] =	vst v63  }
0x28e: {  	_ = 	snop  }
0x28f: {  	[hbm4b:s0+s2] =	stream.linear.scatter [tilespmem:s8], [sflag:$0x3], $0x4000, $0x38;
	[tilespmem:$0x10000] =	vst v63  }
0x290: {  	_ =	swait.ge [sflag:s7], $0x4000  }
0x291: {  	[sflag:s7] =	ssyncset.done $0x0  }
0x292: {  	[sflag:s7] =	ssyncadd.s32 $0xFFFFC000  }
0x293: {  	_ =	swait.ge [sflag:s4], $0x4000  }
0x294: {  	[sflag:s4] =	ssyncset.done $0x0  }
0x295: {  	[sflag:s4] =	ssyncadd.s32 $0xFFFFC000  }
0x296: {  	_ =	swait.ge [sflag:s9], $0x4000  }
0x297: {  	s0 =	sld [smem:$0x7EC]  }
0x298: {  	[sflag:s9] =	ssyncset.done $0x0  }
0x299: {  	s3 =	sld [smem:$0x7ED];
	[sflag:s9] =	ssyncadd.s32 $0xFFFFC000  }
0x29a: {  	[tilespmem:s8], [sflag:$0x2] =	stream.indirect.gather [hbm4b:s0+s5], $0x1, s5, s5, $0xb8;
	[tilespmem:$0x10000] =	vst v63  }
0x29b: {  	s0 =	sld [smem:$0x7EE]  }
0x29c: {  	[tilespmem:s2], [sflag:$0x1] =	stream.linear.gather [hbm4b:s3+s2], $0x4000, $0x38;
	[tilespmem:$0x10000] =	vst v63  }
0x29d: {  	_ = 	snop  }
0x29e: {  	[hbm4b:s0+s2] =	stream.linear.scatter [tilespmem:s6], [sflag:$0x3], $0x4000, $0x38;
	[tilespmem:$0x10000] =	vst v63  }
0x29f: {  	_ =	swait.ge [sflag:s7], $0x4000  }
0x2a0: {  	[sflag:s7] =	ssyncset.done $0x0  }
0x2a1: {  	[sflag:s7] =	ssyncadd.s32 $0xFFFFC000  }
0x2a2: {  	_ =	swait.ge [sflag:s4], $0x4000  }
0x2a3: {  	[sflag:s4] =	ssyncset.done $0x0  }
0x2a4: {  	[sflag:s4] =	ssyncadd.s32 $0xFFFFC000  }
0x2a5: {  	_ =	swait.ge [sflag:s9], $0x4000  }
0x2a6: {  	s0 =	sld [smem:$0x7EF]  }
0x2a7: {  	[sflag:s9] =	ssyncset.done $0x0  }
0x2a8: {  	s3 =	sld [smem:$0x7F0];
	[sflag:s9] =	ssyncadd.s32 $0xFFFFC000  }
0x2a9: {  	[tilespmem:s6], [sflag:$0x2] =	stream.indirect.gather [hbm4b:s0+s5], $0x1, s2, s5, $0xb8;
	[tilespmem:$0x10000] =	vst v63  }
0x2aa: {  	s0 =	sld [smem:$0x7F1]  }
0x2ab: {  	[tilespmem:s5], [sflag:$0x1] =	stream.linear.gather [hbm4b:s3+s2], $0x4000, $0x38;
	[tilespmem:$0x10000] =	vst v63  }
0x2ac: {  	_ = 	snop  }
0x2ad: {  	[hbm4b:s0+s2] =	stream.linear.scatter [tilespmem:s8], [sflag:$0x3], $0x4000, $0x38;
	[tilespmem:$0x10000] =	vst v63  }
0x2ae: {  	_ =	swait.ge [sflag:s7], $0x4000  }
0x2af: {  	[sflag:s7] =	ssyncset.done $0x0  }
0x2b0: {  	[sflag:s7] =	ssyncadd.s32 $0xFFFFC000  }
0x2b1: {  	_ =	swait.ge [sflag:s4], $0x4000  }
0x2b2: {  	[sflag:s4] =	ssyncset.done $0x0  }
0x2b3: {  	[sflag:s4] =	ssyncadd.s32 $0xFFFFC000  }
0x2b4: {  	_ =	swait.ge [sflag:s9], $0x4000  }
0x2b5: {  	s0 =	sld [smem:$0x7F2]  }
0x2b6: {  	[sflag:s9] =	ssyncset.done $0x0  }
0x2b7: {  	s3 =	sld [smem:$0x7F3];
	[sflag:s9] =	ssyncadd.s32 $0xFFFFC000  }
0x2b8: {  	[tilespmem:s8], [sflag:$0x2] =	stream.indirect.gather [hbm4b:s0+s5], $0x1, s5, s5, $0xb8;
	[tilespmem:$0x10000] =	vst v63  }
0x2b9: {  	s0 =	sld [smem:$0x7F4]  }
0x2ba: {  	[tilespmem:s2], [sflag:$0x1] =	stream.linear.gather [hbm4b:s3+s2], $0x4000, $0x38;
	[tilespmem:$0x10000] =	vst v63  }
0x2bb: {  	_ = 	snop  }
0x2bc: {  	[hbm4b:s0+s2] =	stream.linear.scatter [tilespmem:s6], [sflag:$0x3], $0x4000, $0x38;
	[tilespmem:$0x10000] =	vst v63  }
0x2bd: {  	_ =	swait.ge [sflag:s7], $0x4000  }
0x2be: {  	[sflag:s7] =	ssyncset.done $0x0  }
0x2bf: {  	[sflag:s7] =	ssyncadd.s32 $0xFFFFC000  }
0x2c0: {  	_ =	swait.ge [sflag:s4], $0x4000  }
0x2c1: {  	[sflag:s4] =	ssyncset.done $0x0  }
0x2c2: {  	[sflag:s4] =	ssyncadd.s32 $0xFFFFC000  }
0x2c3: {  	_ =	swait.ge [sflag:s9], $0x4000  }
0x2c4: {  	s0 =	sld [smem:$0x7F5]  }
0x2c5: {  	[sflag:s9] =	ssyncset.done $0x0  }
0x2c6: {  	s3 =	sld [smem:$0x7F6];
	[sflag:s9] =	ssyncadd.s32 $0xFFFFC000  }
0x2c7: {  	[tilespmem:s6], [sflag:$0x2] =	stream.indirect.gather [hbm4b:s0+s5], $0x1, s2, s5, $0xb8;
	[tilespmem:$0x10000] =	vst v63  }
0x2c8: {  	s0 =	sld [smem:$0x7F7]  }
0x2c9: {  	[tilespmem:s5], [sflag:$0x1] =	stream.linear.gather [hbm4b:s3+s2], $0x4000, $0x38;
	[tilespmem:$0x10000] =	vst v63  }
0x2ca: {  	_ = 	snop  }
0x2cb: {  	[hbm4b:s0+s2] =	stream.linear.scatter [tilespmem:s8], [sflag:$0x3], $0x4000, $0x38;
	[tilespmem:$0x10000] =	vst v63  }
0x2cc: {  	_ =	swait.ge [sflag:s7], $0x4000  }
0x2cd: {  	[sflag:s7] =	ssyncset.done $0x0  }
0x2ce: {  	[sflag:s7] =	ssyncadd.s32 $0xFFFFC000  }
0x2cf: {  	_ =	swait.ge [sflag:s4], $0x4000  }
0x2d0: {  	[sflag:s4] =	ssyncset.done $0x0  }
0x2d1: {  	[sflag:s4] =	ssyncadd.s32 $0xFFFFC000  }
0x2d2: {  	_ =	swait.ge [sflag:s9], $0x4000  }
0x2d3: {  	s0 =	sld [smem:$0x7F8]  }
0x2d4: {  	[sflag:s9] =	ssyncset.done $0x0  }
0x2d5: {  	s3 =	sld [smem:$0x7F9];
	[sflag:s9] =	ssyncadd.s32 $0xFFFFC000  }
0x2d6: {  	[tilespmem:s8], [sflag:$0x2] =	stream.indirect.gather [hbm4b:s0+s5], $0x1, s5, s5, $0xb8;
	[tilespmem:$0x10000] =	vst v63  }
0x2d7: {  	s0 =	sld [smem:$0x7FA]  }
0x2d8: {  	[tilespmem:s2], [sflag:$0x1] =	stream.linear.gather [hbm4b:s3+s2], $0x4000, $0x38;
	[tilespmem:$0x10000] =	vst v63  }
0x2d9: {  	_ = 	snop  }
0x2da: {  	[hbm4b:s0+s2] =	stream.linear.scatter [tilespmem:s6], [sflag:$0x3], $0x4000, $0x38;
	[tilespmem:$0x10000] =	vst v63  }
0x2db: {  	_ =	swait.ge [sflag:s7], $0x4000  }
0x2dc: {  	[sflag:s7] =	ssyncset.done $0x0  }
0x2dd: {  	[sflag:s7] =	ssyncadd.s32 $0xFFFFC000  }
0x2de: {  	_ =	swait.ge [sflag:s4], $0x4000  }
0x2df: {  	[sflag:s4] =	ssyncset.done $0x0  }
0x2e0: {  	[sflag:s4] =	ssyncadd.s32 $0xFFFFC000  }
0x2e1: {  	_ =	swait.ge [sflag:s9], $0x4000  }
0x2e2: {  	s0 =	sld [smem:$0x7FB]  }
0x2e3: {  	[sflag:s9] =	ssyncset.done $0x0  }
0x2e4: {  	s3 =	sld [smem:$0x7FC];
	[sflag:s9] =	ssyncadd.s32 $0xFFFFC000  }
0x2e5: {  	[tilespmem:s6], [sflag:$0x2] =	stream.indirect.gather [hbm4b:s0+s5], $0x1, s2, s5, $0xb8;
	[tilespmem:$0x10000] =	vst v63  }
0x2e6: {  	s0 =	sld [smem:$0x7FD]  }
0x2e7: {  	[tilespmem:s5], [sflag:$0x1] =	stream.linear.gather [hbm4b:s3+s2], $0x4000, $0x38;
	[tilespmem:$0x10000] =	vst v63  }
0x2e8: {  	_ = 	snop  }
0x2e9: {  	[hbm4b:s0+s2] =	stream.linear.scatter [tilespmem:s8], [sflag:$0x3], $0x4000, $0x38;
	[tilespmem:$0x10000] =	vst v63  }
0x2ea: {  	_ =	swait.ge [sflag:s7], $0x4000  }
0x2eb: {  	[sflag:s7] =	ssyncset.done $0x0  }
0x2ec: {  	[sflag:s7] =	ssyncadd.s32 $0xFFFFC000  }
0x2ed: {  	_ =	swait.ge [sflag:s4], $0x4000  }
0x2ee: {  	[sflag:s4] =	ssyncset.done $0x0  }
0x2ef: {  	[sflag:s4] =	ssyncadd.s32 $0xFFFFC000  }
0x2f0: {  	_ =	swait.ge [sflag:s9], $0x4000  }
0x2f1: {  	[sflag:s9] =	ssyncset.done $0x0  }
0x2f2: {  	[sflag:s9] =	ssyncadd.s32 $0xFFFFC000  }
0x2f3: {  	[tilespmem:s8], [sflag:$0x2] =	stream.indirect.gather [hbm4b:s10+s5], $0x1, s5, s5, $0xb8;
	[tilespmem:$0x10000] =	vst v63  }
0x2f4: {  	_ = 	snop  }
0x2f5: {  	[tilespmem:s2], [sflag:$0x1] =	stream.linear.gather [hbm4b:s11+s2], $0x4000, $0x38;
	[tilespmem:$0x10000] =	vst v63  }
0x2f6: {  	_ = 	snop  }
0x2f7: {  	[hbm4b:s12+s2] =	stream.linear.scatter [tilespmem:s6], [sflag:$0x3], $0x4000, $0x38;
	[tilespmem:$0x10000] =	vst v63  }
0x2f8: {  	_ =	swait.ge [sflag:s7], $0x4000  }
0x2f9: {  	[sflag:s7] =	ssyncset.done $0x0  }
0x2fa: {  	[sflag:s7] =	ssyncadd.s32 $0xFFFFC000  }
0x2fb: {  	_ =	swait.ge [sflag:s4], $0x4000  }
0x2fc: {  	[sflag:s4] =	ssyncset.done $0x0  }
0x2fd: {  	[sflag:s4] =	ssyncadd.s32 $0xFFFFC000  }
0x2fe: {  	_ =	swait.ge [sflag:s9], $0x4000  }
0x2ff: {  	[sflag:s9] =	ssyncset.done $0x0  }
0x300: {  	[sflag:s9] =	ssyncadd.s32 $0xFFFFC000  }
0x301: {  	[tilespmem:s6], [sflag:$0x2] =	stream.indirect.gather [hbm4b:s13+s5], $0x1, s2, s5, $0xb8;
	[tilespmem:$0x10000] =	vst v63  }
0x302: {  	_ = 	snop  }
0x303: {  	[tilespmem:s5], [sflag:$0x1] =	stream.linear.gather [hbm4b:s14+s2], $0x4000, $0x38;
	[tilespmem:$0x10000] =	vst v63  }
0x304: {  	_ = 	snop  }
0x305: {  	[hbm4b:s15+s2] =	stream.linear.scatter [tilespmem:s8], [sflag:$0x3], $0x4000, $0x38;
	[tilespmem:$0x10000] =	vst v63  }
0x306: {  	_ =	swait.ge [sflag:s7], $0x4000  }
0x307: {  	[sflag:s7] =	ssyncset.done $0x0  }
0x308: {  	[sflag:s7] =	ssyncadd.s32 $0xFFFFC000  }
0x309: {  	_ =	swait.ge [sflag:s4], $0x4000  }
0x30a: {  	[sflag:s4] =	ssyncset.done $0x0  }
0x30b: {  	[sflag:s4] =	ssyncadd.s32 $0xFFFFC000  }
0x30c: {  	_ =	swait.ge [sflag:s9], $0x4000  }
0x30d: {  	[sflag:s9] =	ssyncset.done $0x0  }
0x30e: {  	[sflag:s9] =	ssyncadd.s32 $0xFFFFC000  }
0x30f: {  	[tilespmem:s8], [sflag:$0x2] =	stream.indirect.gather [hbm4b:s16+s5], $0x1, s5, s5, $0xb8;
	[tilespmem:$0x10000] =	vst v63  }
0x310: {  	_ = 	snop  }
0x311: {  	[tilespmem:s2], [sflag:$0x1] =	stream.linear.gather [hbm4b:s17+s2], $0x4000, $0x38;
	[tilespmem:$0x10000] =	vst v63  }
0x312: {  	_ = 	snop  }
0x313: {  	[hbm4b:s18+s2] =	stream.linear.scatter [tilespmem:s6], [sflag:$0x3], $0x4000, $0x38;
	[tilespmem:$0x10000] =	vst v63  }
0x314: {  	_ =	swait.ge [sflag:s7], $0x4000  }
0x315: {  	[sflag:s7] =	ssyncset.done $0x0  }
0x316: {  	[sflag:s7] =	ssyncadd.s32 $0xFFFFC000  }
0x317: {  	_ =	swait.ge [sflag:s4], $0x4000  }
0x318: {  	[sflag:s4] =	ssyncset.done $0x0  }
0x319: {  	[sflag:s4] =	ssyncadd.s32 $0xFFFFC000  }
0x31a: {  	_ =	swait.ge [sflag:s9], $0x4000  }
0x31b: {  	[sflag:s9] =	ssyncset.done $0x0  }
0x31c: {  	[sflag:s9] =	ssyncadd.s32 $0xFFFFC000  }
0x31d: {  	[tilespmem:s6], [sflag:$0x2] =	stream.indirect.gather [hbm4b:s19+s5], $0x1, s2, s5, $0xb8;
	[tilespmem:$0x10000] =	vst v63  }
0x31e: {  	_ = 	snop  }
0x31f: {  	[tilespmem:s5], [sflag:$0x1] =	stream.linear.gather [hbm4b:s20+s2], $0x4000, $0x38;
	[tilespmem:$0x10000] =	vst v63  }
0x320: {  	_ = 	snop  }
0x321: {  	[hbm4b:s21+s2] =	stream.linear.scatter [tilespmem:s8], [sflag:$0x3], $0x4000, $0x38;
	[tilespmem:$0x10000] =	vst v63  }
0x322: {  	_ =	swait.ge [sflag:s7], $0x4000  }
0x323: {  	[sflag:s7] =	ssyncset.done $0x0  }
0x324: {  	[sflag:s7] =	ssyncadd.s32 $0xFFFFC000  }
0x325: {  	_ =	swait.ge [sflag:s4], $0x4000  }
0x326: {  	[sflag:s4] =	ssyncset.done $0x0  }
0x327: {  	[sflag:s4] =	ssyncadd.s32 $0xFFFFC000  }
0x328: {  	_ =	swait.ge [sflag:s9], $0x4000  }
0x329: {  	[sflag:s9] =	ssyncset.done $0x0  }
0x32a: {  	[sflag:s9] =	ssyncadd.s32 $0xFFFFC000  }
0x32b: {  	[tilespmem:s8], [sflag:$0x2] =	stream.indirect.gather [hbm4b:s22+s5], $0x1, s5, s5, $0xb8;
	[tilespmem:$0x10000] =	vst v63  }
0x32c: {  	_ = 	snop  }
0x32d: {  	[tilespmem:s2], [sflag:$0x1] =	stream.linear.gather [hbm4b:s23+s2], $0x4000, $0x38;
	[tilespmem:$0x10000] =	vst v63  }
0x32e: {  	_ = 	snop  }
0x32f: {  	[hbm4b:s24+s2] =	stream.linear.scatter [tilespmem:s6], [sflag:$0x3], $0x4000, $0x38;
	[tilespmem:$0x10000] =	vst v63  }
0x330: {  	_ =	swait.ge [sflag:s7], $0x4000  }
0x331: {  	[sflag:s7] =	ssyncset.done $0x0  }
0x332: {  	[sflag:s7] =	ssyncadd.s32 $0xFFFFC000  }
0x333: {  	_ =	swait.ge [sflag:s4], $0x4000  }
0x334: {  	[sflag:s4] =	ssyncset.done $0x0  }
0x335: {  	[sflag:s4] =	ssyncadd.s32 $0xFFFFC000  }
0x336: {  	_ =	swait.ge [sflag:s9], $0x4000  }
0x337: {  	[sflag:s9] =	ssyncset.done $0x0  }
0x338: {  	[sflag:s9] =	ssyncadd.s32 $0xFFFFC000  }
0x339: {  	[tilespmem:s6], [sflag:$0x2] =	stream.indirect.gather [hbm4b:s25+s5], $0x1, s2, s5, $0xb8;
	[tilespmem:$0x10000] =	vst v63  }
0x33a: {  	_ = 	snop  }
0x33b: {  	[tilespmem:s5], [sflag:$0x1] =	stream.linear.gather [hbm4b:s26+s2], $0x4000, $0x38;
	[tilespmem:$0x10000] =	vst v63  }
0x33c: {  	_ = 	snop  }
0x33d: {  	[hbm4b:s28+s2] =	stream.linear.scatter [tilespmem:s8], [sflag:$0x3], $0x4000, $0x38;
	[tilespmem:$0x10000] =	vst v63  }
0x33e: {  	_ =	swait.ge [sflag:s7], $0x4000  }
0x33f: {  	[sflag:s7] =	ssyncset.done $0x0  }
0x340: {  	[sflag:s7] =	ssyncadd.s32 $0xFFFFC000  }
0x341: {  	_ =	swait.ge [sflag:s4], $0x4000  }
0x342: {  	[sflag:s4] =	ssyncset.done $0x0  }
0x343: {  	[sflag:s4] =	ssyncadd.s32 $0xFFFFC000  }
0x344: {  	_ =	swait.ge [sflag:s9], $0x4000  }
0x345: {  	[sflag:s9] =	ssyncset.done $0x0  }
0x346: {  	[sflag:s9] =	ssyncadd.s32 $0xFFFFC000  }
0x347: {  	[tilespmem:s8], [sflag:$0x2] =	stream.indirect.gather [hbm4b:s29+s5], $0x1, s5, s5, $0xb8;
	[tilespmem:$0x10000] =	vst v63  }
0x348: {  	_ = 	snop  }
0x349: {  	[hbm4b:s30+s2] =	stream.linear.scatter [tilespmem:s6], [sflag:$0x3], $0x4000, $0x38;
	[tilespmem:$0x10000] =	vst v63  }
0x34a: {  	_ =	swait.ge [sflag:s7], $0x4000  }
0x34b: {  	[sflag:s7] =	ssyncset.done $0x0  }
0x34c: {  	p0 =	sne.s32 s1, $0x1;
	[sflag:s7] =	ssyncadd.s32 $0xFFFFC000  }
0x34d: {  	[hbm4b:s31+s2] =	stream.linear.scatter [tilespmem:s8], [sflag:$0x3], $0x4000, $0x38;
	[tilespmem:$0x10000] =	vst v63  }
.Ltmp1:
0x34e: {  	_ =	swait.ge [sflag:s9], $0x4000;
	(pc) =	sbr.rel @p0 .LBB3_1-.Ltmp1, $4  }
0x34f: {  	[sflag:s9] =	ssyncset.done $0x0  }
0x350: {  	[sflag:s9] =	ssyncadd.s32 $0xFFFFC000  }
0x351: {  	_ =	swait.ge [sflag:s9], $0x4000  }
0x352: {  	s1 =	sadd.s32 $0xFFFFFFFF, s1;
	[sflag:s9] =	ssyncset.done $0x0  }
.LBB3_2:
0x353: {  	[sflag:s9] =	ssyncadd.s32 $0xFFFFC000  }
0x354: {  	_ =	sfence.sel $0x180000  }
0x355: {  	[bflag:$0x0] =	sbarrier.arrive $0xFFFF  }
0x356: {  	_ =	strace $0x90000047  }
0x357: {  	s0 =	stileid.u32;
	[bflag:$0x2] =	sbarrier.arrive $0xFFFF  }
0x358: {  	p0 =	sne.s32 s0, $0x0;
	s0 =	sld [smem:$0x7D7];
	_ =	sdelay $0x2  }
0x359: {  	s0 =	sadd.s32 @!p0 $0x100000, s0  }
0x35a: {  	[sflag:s0] =	ssyncadd.tile.s32 @!p0 $0x1;
	_ =	shalt  }
.Lfunc_end3:
_tile_overlayer_lowered:
.L_overlay_start_3:
0x35b: {  	(tag) =	ssettag $0x3  }
0x35c: {  	s0 =	rddreg [dreg:$0x0];
	s2 =	stileid.u32  }
0x35d: {  	s1 =	rddreg [dreg:$0x1];
	p0 =	sne.s32 s2, $0x0  }
0x35e: {  	s3 =	rddreg [dreg:$0x2];
	[bflag:$0x3] =	sbarrier.arrive $0xFFFF;
	s2 =	simm.s32 @!p0 $0x1C04  }
0x35f: {  	[timem:s3], [sflag:s2] =	dma.local @!p0 [hbm:s0], s1  }
0x360: {  	s0 =	simm.s32 @!p0 $0x4  }
0x361: {  	_ =	swait.ge @!p0 [sflag:s0], s1  }
0x362: {  	s1 =	ssub.s32 @!p0 $0x0, s1;
	[sflag:s0] =	ssyncset.done @!p0 $0x0  }
0x363: {  	[sflag:s0] =	ssyncadd.s32 @!p0 s1  }
0x364: {  	[bflag:$0x3] =	sbarrier.arrive $0xFFFF  }
0x365: {  	_ =	shalt  }

</sc_bundles>
